<compile_context>
chip_gen: v7x
topology: tpu7x:2x2x1
jax: 0.10.2.dev20260603
libtpu: 0.0.44.dev20260713+nightly
codegen_flags: <defaults>
</compile_context>

<pallas_src>
import jax
import jax.numpy as jnp
from jax import lax
from jax.experimental import pallas as pl
from jax.experimental.pallas import tpu as pltpu
from jax.experimental.pallas import tpu_sc as plsc

N = 10000
E = 320000
IN_FEAT = 128
OUT_FEAT = 128
NUM_RELS = 32
NUM_BASES = 8

NC = 2
NS = 16
NW = NC * NS
CHUNK = 128
NBUF = 2
IBUF = 2 * NBUF
CPW = -(-E // (CHUNK * NW * IBUF)) * IBUF
EPW = CPW * CHUNK
LAST_CHUNKS = E // CHUNK - (NW - 1) * CPW
NPAD = 10240
ROWS_PER_TILE = NPAD // NS
BN = 1000
VL = 16


def _xw_body(w_comp_ref, weight_ref, x_ref, out_ref):
    r = pl.program_id(0)
    w = w_comp_ref[r, 0] * weight_ref[0]
    for b in range(1, NUM_BASES):
        w = w + w_comp_ref[r, b] * weight_ref[b]
    out_ref[0] = jnp.dot(x_ref[...], w, preferred_element_type=jnp.float32)


def _fetch_edges(ei_hbm, ety_hbm, e0, se, idd, sem):
    pltpu.async_copy(ei_hbm.at[0, pl.ds(e0, CHUNK)], se.at[0], sem)
    pltpu.async_copy(ety_hbm.at[pl.ds(e0, CHUNK)], se.at[1], sem)
    pltpu.async_copy(ei_hbm.at[1, pl.ds(e0, CHUNK)], idd.at[1], sem)


def _wait_edges(ei_hbm, ety_hbm, e0, se, idd, sem):
    pltpu.make_async_copy(ei_hbm.at[0, pl.ds(e0, CHUNK)], se.at[0], sem).wait()
    pltpu.make_async_copy(ety_hbm.at[pl.ds(e0, CHUNK)], se.at[1], sem).wait()
    pltpu.make_async_copy(ei_hbm.at[1, pl.ds(e0, CHUNK)], idd.at[1],
                          sem).wait()


def _build_idx(se, idd):
    for k in range(CHUNK // VL):
        sl = pl.ds(k * VL, VL)
        idd[0, sl] = se[1, sl] * N + se[0, sl]


def _sc_body(xw_hbm, ei_hbm, ety_hbm, zeros_hbm, out_hbm, *scratch):
    se = scratch[:IBUF]
    idd = scratch[IBUF:2 * IBUF]
    rows = scratch[2 * IBUF:2 * IBUF + NBUF]
    h_shared = scratch[2 * IBUF + NBUF]
    isem = scratch[2 * IBUF + NBUF + 1:2 * IBUF + NBUF + 1 + IBUF]
    gsem = scratch[2 * IBUF + NBUF + 1 + IBUF:]
    c = lax.axis_index("c")
    s = lax.axis_index("s")
    wid = s * NC + c
    base = wid * EPW
    nchunks = jnp.where(wid == NW - 1, LAST_CHUNKS, CPW)
    tile_base = s * ROWS_PER_TILE
    pltpu.sync_copy(zeros_hbm, h_shared.at[pl.ds(tile_base, ROWS_PER_TILE)])
    plsc.subcore_barrier()

    for j in range(IBUF):
        _fetch_edges(ei_hbm, ety_hbm, base + j * CHUNK, se[j], idd[j], isem[j])
    for j in range(NBUF):
        _wait_edges(ei_hbm, ety_hbm, base + j * CHUNK, se[j], idd[j], isem[j])
        _build_idx(se[j], idd[j])
        pltpu.async_copy(xw_hbm.at[idd[j].at[0]], rows[j], gsem[j])

    def step(j0, carry):
        for u in range(IBUF):
            j = j0 * IBUF + u
            ib, rb = u, u % NBUF
            pltpu.make_async_copy(xw_hbm.at[idd[ib].at[0]], rows[rb],
                                  gsem[rb]).wait()
            pltpu.sync_copy(rows[rb], h_shared.at[idd[ib].at[1]], add=True)

            @pl.when(j + IBUF < nchunks)
            def _():
                _fetch_edges(ei_hbm, ety_hbm, base + (j + IBUF) * CHUNK,
                             se[ib], idd[ib], isem[ib])

            @pl.when(j + NBUF < nchunks)
            def _():
                ib2 = (u + NBUF) % IBUF
                _wait_edges(ei_hbm, ety_hbm, base + (j + NBUF) * CHUNK,
                            se[ib2], idd[ib2], isem[ib2])
                _build_idx(se[ib2], idd[ib2])
                pltpu.async_copy(xw_hbm.at[idd[ib2].at[0]], rows[rb],
                                 gsem[rb])
        return carry

    lax.fori_loop(0, nchunks // IBUF, step, 0)
    plsc.subcore_barrier()
    pltpu.sync_copy(h_shared.at[pl.ds(tile_base, ROWS_PER_TILE)],
                    out_hbm.at[c, pl.ds(tile_base, ROWS_PER_TILE)])


def _selfloop_body(x_ref, lw_ref, bias_ref, out_ref):
    out_ref[...] = lax.dot_general(
        x_ref[...], lw_ref[...], (((1,), (1,)), ((), ())),
        preferred_element_type=jnp.float32) + bias_ref[0]


def _combine_body(h0_ref, parts_ref, out_ref):
    out_ref[...] = parts_ref[0] + parts_ref[1] + h0_ref[...]


def kernel(x, edge_index, etypes, weight, w_comp, h_bias, loop_weight):
    edge_index = edge_index.astype(jnp.int32)
    etypes = etypes.astype(jnp.int32)

    xw = pl.pallas_call(
        _xw_body,
        grid=(NUM_RELS,),
        in_specs=[
            pl.BlockSpec(memory_space=pltpu.SMEM),
            pl.BlockSpec((NUM_BASES, IN_FEAT, OUT_FEAT), lambda r: (0, 0, 0)),
            pl.BlockSpec((N, IN_FEAT), lambda r: (0, 0)),
        ],
        out_specs=pl.BlockSpec((1, N, OUT_FEAT), lambda r: (r, 0, 0)),
        out_shape=jax.ShapeDtypeStruct((NUM_RELS, N, OUT_FEAT), jnp.float32),
    )(w_comp, weight, x)
    xw_flat = xw.reshape(NUM_RELS * N, OUT_FEAT)

    zeros_rows = jnp.zeros((ROWS_PER_TILE, OUT_FEAT), jnp.float32)

    mesh = plsc.VectorSubcoreMesh(core_axis_name="c", subcore_axis_name="s",
                                  num_cores=NC, num_subcores=NS)
    parts = pl.kernel(
        _sc_body,
        out_type=jax.ShapeDtypeStruct((NC, NPAD, OUT_FEAT), jnp.float32),
        mesh=mesh,
        scratch_types=(
            [pltpu.VMEM((2, CHUNK), jnp.int32)] * (2 * IBUF)
            + [pltpu.VMEM((CHUNK, OUT_FEAT), jnp.float32)] * NBUF
            + [pltpu.VMEM_SHARED((NPAD, OUT_FEAT), jnp.float32)]
            + [pltpu.SemaphoreType.DMA] * (IBUF + NBUF)
        ),
    )(xw_flat, edge_index, etypes, zeros_rows)

    h0 = pl.pallas_call(
        _selfloop_body,
        grid=(N // BN,),
        in_specs=[
            pl.BlockSpec((BN, IN_FEAT), lambda nb: (nb, 0)),
            pl.BlockSpec((OUT_FEAT, IN_FEAT), lambda nb: (0, 0)),
            pl.BlockSpec((1, OUT_FEAT), lambda nb: (0, 0)),
        ],
        out_specs=pl.BlockSpec((BN, OUT_FEAT), lambda nb: (nb, 0)),
        out_shape=jax.ShapeDtypeStruct((N, OUT_FEAT), jnp.float32),
    )(x, loop_weight, h_bias.reshape(1, OUT_FEAT))

    h = pl.pallas_call(
        _combine_body,
        grid=(N // BN,),
        in_specs=[
            pl.BlockSpec((BN, OUT_FEAT), lambda nb: (nb, 0)),
            pl.BlockSpec((NC, BN, OUT_FEAT), lambda nb: (0, nb, 0)),
        ],
        out_specs=pl.BlockSpec((BN, OUT_FEAT), lambda nb: (nb, 0)),
        out_shape=jax.ShapeDtypeStruct((N, OUT_FEAT), jnp.float32),
    )(h0, parts)
    return h

# --- scband reference (transcript-rebuilt; emitter-appended) ---
"""Pipeline reference for scband-rel-graph-conv-20864951124317 (READ-ONLY COPY).

The authoritative reference and input builder live on the scoring server;
editing this copy changes nothing except your own understanding.
"""

import jax, jax.numpy as jnp
import numpy as np

N = 10000
E = 320000
IN_FEAT = 128
OUT_FEAT = 128
NUM_RELS = 32
NUM_BASES = 8


def setup_inputs(seed: int = 0) -> dict:
    key = jax.random.key(seed)
    k1, k2, k3, k4, k5, k6 = jax.random.split(key, 6)
    x = jax.random.normal(k1, (N, IN_FEAT), dtype=jnp.float32)
    edge_index = jax.random.randint(k2, (2, E), 0, N, dtype=jnp.int32)
    etypes = jax.random.randint(k3, (E,), 0, NUM_RELS, dtype=jnp.int32)
    # basis decomposition parameters (xavier-ish init)
    gain = float(np.sqrt(2.0))
    w_scale = gain * float(np.sqrt(2.0 / (IN_FEAT + OUT_FEAT)))
    weight = jax.random.normal(k4, (NUM_BASES, IN_FEAT, OUT_FEAT), dtype=jnp.float32) * w_scale
    c_scale = gain * float(np.sqrt(2.0 / (NUM_RELS + NUM_BASES)))
    w_comp = jax.random.normal(k5, (NUM_RELS, NUM_BASES), dtype=jnp.float32) * c_scale
    h_bias = jnp.zeros((OUT_FEAT,), dtype=jnp.float32)
    loop_weight = jax.random.normal(k6, (OUT_FEAT, IN_FEAT), dtype=jnp.float32) * w_scale
    return {
        "x": x,
        "edge_index": edge_index,
        "etypes": etypes,
        "weight": weight,
        "w_comp": w_comp,
        "h_bias": h_bias,
        "loop_weight": loop_weight,
    }


def reference(x, edge_index, etypes, weight, w_comp, h_bias, loop_weight):
    # W_r = sum_b a_{rb} V_b  (basis regularizer with num_bases < num_rels)
    W = jnp.matmul(w_comp, weight.reshape(NUM_BASES, IN_FEAT * OUT_FEAT))
    W = W.reshape(NUM_RELS, IN_FEAT, OUT_FEAT)
    src = edge_index[0]
    dst = edge_index[1]
    # per-edge message m_e = x[src_e] @ W[etype_e], summed over incoming edges.
    # Equivalent regrouping: aggregate x[src] per (relation, dst), then apply W_r.
    msg_src = jnp.take(x, src, axis=0)  # [E, IN]
    seg = etypes.astype(jnp.int32) * N + dst.astype(jnp.int32)
    agg = jax.ops.segment_sum(msg_src, seg, num_segments=NUM_RELS * N)
    agg = agg.reshape(NUM_RELS, N, IN_FEAT)
    h = jnp.einsum("rni,rio->no", agg, W)  # [N, OUT]
    # bias
    h = h + h_bias
    # self loop: nn.Linear(in_feat, out_feat, bias=False)
    h = h + jnp.matmul(x, loop_weight.T)
    # activation=None, dropout=0.0, layer_norm=False -> identity
    return h

if __name__ == "__main__":
    import jax
    _d = setup_inputs()
    print(jax.jit(kernel)(*tuple(_d.values())))

</pallas_src>

<mosaic_0001>
#map = affine_map<(d0, d1) -> (0, 0)>
#map1 = affine_map<(d0, d1) -> (0)>
#map2 = affine_map<(d0, d1) -> (0, 0, 0)>
module attributes {stable_mosaic.version = 14 : i64} {
  func.func @_sc_body(%arg0: i32, %arg1: i32, %arg2: memref<320000x128xf32, #tpu.memory_space<hbm>>, %arg3: memref<2x320000xi32, #tpu.memory_space<hbm>>, %arg4: memref<320000xi32, #tpu.memory_space<hbm>>, %arg5: memref<640x128xf32, #tpu.memory_space<hbm>>, %arg6: memref<2x10240x128xf32, #tpu.memory_space<hbm>>, %arg7: memref<2x128xi32, #tpu.memory_space<vmem>>, %arg8: memref<2x128xi32, #tpu.memory_space<vmem>>, %arg9: memref<2x128xi32, #tpu.memory_space<vmem>>, %arg10: memref<2x128xi32, #tpu.memory_space<vmem>>, %arg11: memref<2x128xi32, #tpu.memory_space<vmem>>, %arg12: memref<2x128xi32, #tpu.memory_space<vmem>>, %arg13: memref<2x128xi32, #tpu.memory_space<vmem>>, %arg14: memref<2x128xi32, #tpu.memory_space<vmem>>, %arg15: memref<128x128xf32, #tpu.memory_space<vmem>>, %arg16: memref<128x128xf32, #tpu.memory_space<vmem>>, %arg17: memref<10240x128xf32, #tpu.memory_space<vmem_shared>>, %arg18: memref<!tpu.dma_semaphore, #tpu.memory_space<semaphore_mem>>, %arg19: memref<!tpu.dma_semaphore, #tpu.memory_space<semaphore_mem>>, %arg20: memref<!tpu.dma_semaphore, #tpu.memory_space<semaphore_mem>>, %arg21: memref<!tpu.dma_semaphore, #tpu.memory_space<semaphore_mem>>, %arg22: memref<!tpu.dma_semaphore, #tpu.memory_space<semaphore_mem>>, %arg23: memref<!tpu.dma_semaphore, #tpu.memory_space<semaphore_mem>>) attributes {dimension_semantics = [#tpu.dimension_semantics<core_parallel>, #tpu.dimension_semantics<subcore_parallel>], iteration_bounds = array<i64: 2, 16>, scalar_prefetch = 0 : i64, scratch_operands = 17 : i64, tpu.core_type = #tpu.core_type<sc_vector_subcore>, window_params = [{transform_indices = #map}, {transform_indices = #map}, {transform_indices = #map1}, {transform_indices = #map}, {transform_indices = #map2}]} {
    %mul3A = arith.constant 2 : i32
    %mul3A_0 = arith.muli %arg1, %mul3A : i32
    %add3A = arith.addi %mul3A_0, %arg0 : i32
    %mul3A_1 = arith.constant 10240 : i32
    %mul3A_2 = arith.muli %add3A, %mul3A_1 : i32
    %eq3A = arith.constant 31 : i32
    %eq3A_3 = arith.cmpi eq, %add3A, %eq3A : i32
    %jit3A = arith.constant 20 : i32
    %jit3A_4 = arith.constant 80 : i32
    %select_n3A = arith.select %eq3A_3, %jit3A, %jit3A_4 : i32
    %mul3A_5 = arith.constant 640 : i32
    %mul3A_6 = arith.muli %arg1, %mul3A_5 : i32
    "tpu.region"() ({
      %run_scoped3A = tpu.sem_alloc : memref<!tpu.dma_semaphore, #tpu.memory_space<semaphore_mem>>
      %dma_start3A_575 = arith.constant 0 : i32
      %dma_start3A_576 = tpu.memref_slice %arg17[%mul3A_6, %dma_start3A_575] : memref<10240x128xf32, #tpu.memory_space<vmem_shared>> -> memref<640x128xf32, #tpu.memory_space<vmem_shared>>
      tpu.enqueue_dma source(%arg5 : memref<640x128xf32, #tpu.memory_space<hbm>>) target(%dma_start3A_576 : memref<640x128xf32, #tpu.memory_space<vmem_shared>>) target_semaphore(%run_scoped3A : memref<!tpu.dma_semaphore, #tpu.memory_space<semaphore_mem>>)
      %dma_wait3A_577 = arith.constant 0 : i32
      %dma_wait3A_578 = tpu.memref_slice %arg17[%mul3A_6, %dma_wait3A_577] : memref<10240x128xf32, #tpu.memory_space<vmem_shared>> -> memref<640x128xf32, #tpu.memory_space<vmem_shared>>
      tpu.wait_dma2 semaphore(%run_scoped3A : memref<!tpu.dma_semaphore, #tpu.memory_space<semaphore_mem>>) src(%arg5 : memref<640x128xf32, #tpu.memory_space<hbm>>) dst(%dma_wait3A_578 : memref<640x128xf32, #tpu.memory_space<vmem_shared>>)
      tpu.yield
    }) : () -> ()
    %barrier3A = arith.constant 0 : index
    tpu.barrier barrier_id(%barrier3A)
    %add3A_7 = arith.constant 0 : i32
    %add3A_8 = arith.addi %mul3A_2, %add3A_7 : i32
    %dma_start3A = arith.constant 0 : i32
    %dma_start3A_9 = arith.constant 0 : i32
    %dma_start3A_10 = arith.constant 0 : i32
    %dma_start3A_11 = tpu.memref_slice %arg7[%dma_start3A_9, %dma_start3A_10] : memref<2x128xi32, #tpu.memory_space<vmem>> -> memref<1x128xi32, #tpu.memory_space<vmem>>
    %dma_start3A_12 = tpu.memref_squeeze %dma_start3A_11 : memref<1x128xi32, #tpu.memory_space<vmem>> -> memref<128xi32, #tpu.memory_space<vmem>>
    %dma_start3A_13 = tpu.memref_slice %arg3[%dma_start3A, %add3A_8] : memref<2x320000xi32, #tpu.memory_space<hbm>> -> memref<1x128xi32, #tpu.memory_space<hbm>>
    %dma_start3A_14 = tpu.memref_squeeze %dma_start3A_13 : memref<1x128xi32, #tpu.memory_space<hbm>> -> memref<128xi32, #tpu.memory_space<hbm>>
    %dma_start3A_15 = arith.constant 0 : i32
    %dma_start3A_16 = tpu.memref_slice %arg7[%dma_start3A_9, %dma_start3A_15] : memref<2x128xi32, #tpu.memory_space<vmem>> -> memref<1x128xi32, #tpu.memory_space<vmem>>
    %dma_start3A_17 = tpu.memref_squeeze %dma_start3A_16 : memref<1x128xi32, #tpu.memory_space<vmem>> -> memref<128xi32, #tpu.memory_space<vmem>>
    %dma_start3A_18 = tpu.memref_slice %arg3[%dma_start3A, %add3A_8] : memref<2x320000xi32, #tpu.memory_space<hbm>> -> memref<1x128xi32, #tpu.memory_space<hbm>>
    %dma_start3A_19 = tpu.memref_squeeze %dma_start3A_18 : memref<1x128xi32, #tpu.memory_space<hbm>> -> memref<128xi32, #tpu.memory_space<hbm>>
    tpu.enqueue_dma source(%dma_start3A_19 : memref<128xi32, #tpu.memory_space<hbm>>) target(%dma_start3A_17 : memref<128xi32, #tpu.memory_space<vmem>>) target_semaphore(%arg18 : memref<!tpu.dma_semaphore, #tpu.memory_space<semaphore_mem>>)
    %dma_start3A_20 = arith.constant 1 : i32
    %dma_start3A_21 = arith.constant 0 : i32
    %dma_start3A_22 = tpu.memref_slice %arg7[%dma_start3A_20, %dma_start3A_21] : memref<2x128xi32, #tpu.memory_space<vmem>> -> memref<1x128xi32, #tpu.memory_space<vmem>>
    %dma_start3A_23 = tpu.memref_squeeze %dma_start3A_22 : memref<1x128xi32, #tpu.memory_space<vmem>> -> memref<128xi32, #tpu.memory_space<vmem>>
    %dma_start3A_24 = tpu.memref_slice %arg4[%add3A_8] : memref<320000xi32, #tpu.memory_space<hbm>> -> memref<128xi32, #tpu.memory_space<hbm>>
    %dma_start3A_25 = arith.constant 0 : i32
    %dma_start3A_26 = tpu.memref_slice %arg7[%dma_start3A_20, %dma_start3A_25] : memref<2x128xi32, #tpu.memory_space<vmem>> -> memref<1x128xi32, #tpu.memory_space<vmem>>
    %dma_start3A_27 = tpu.memref_squeeze %dma_start3A_26 : memref<1x128xi32, #tpu.memory_space<vmem>> -> memref<128xi32, #tpu.memory_space<vmem>>
    %dma_start3A_28 = tpu.memref_slice %arg4[%add3A_8] : memref<320000xi32, #tpu.memory_space<hbm>> -> memref<128xi32, #tpu.memory_space<hbm>>
    tpu.enqueue_dma source(%dma_start3A_28 : memref<128xi32, #tpu.memory_space<hbm>>) target(%dma_start3A_27 : memref<128xi32, #tpu.memory_space<vmem>>) target_semaphore(%arg18 : memref<!tpu.dma_semaphore, #tpu.memory_space<semaphore_mem>>)
    %dma_start3A_29 = arith.constant 1 : i32
    %dma_start3A_30 = arith.constant 1 : i32
    %dma_start3A_31 = arith.constant 0 : i32
    %dma_start3A_32 = tpu.memref_slice %arg11[%dma_start3A_30, %dma_start3A_31] : memref<2x128xi32, #tpu.memory_space<vmem>> -> memref<1x128xi32, #tpu.memory_space<vmem>>
    %dma_start3A_33 = tpu.memref_squeeze %dma_start3A_32 : memref<1x128xi32, #tpu.memory_space<vmem>> -> memref<128xi32, #tpu.memory_space<vmem>>
    %dma_start3A_34 = tpu.memref_slice %arg3[%dma_start3A_29, %add3A_8] : memref<2x320000xi32, #tpu.memory_space<hbm>> -> memref<1x128xi32, #tpu.memory_space<hbm>>
    %dma_start3A_35 = tpu.memref_squeeze %dma_start3A_34 : memref<1x128xi32, #tpu.memory_space<hbm>> -> memref<128xi32, #tpu.memory_space<hbm>>
    %dma_start3A_36 = arith.constant 0 : i32
    %dma_start3A_37 = tpu.memref_slice %arg11[%dma_start3A_30, %dma_start3A_36] : memref<2x128xi32, #tpu.memory_space<vmem>> -> memref<1x128xi32, #tpu.memory_space<vmem>>
    %dma_start3A_38 = tpu.memref_squeeze %dma_start3A_37 : memref<1x128xi32, #tpu.memory_space<vmem>> -> memref<128xi32, #tpu.memory_space<vmem>>
    %dma_start3A_39 = tpu.memref_slice %arg3[%dma_start3A_29, %add3A_8] : memref<2x320000xi32, #tpu.memory_space<hbm>> -> memref<1x128xi32, #tpu.memory_space<hbm>>
    %dma_start3A_40 = tpu.memref_squeeze %dma_start3A_39 : memref<1x128xi32, #tpu.memory_space<hbm>> -> memref<128xi32, #tpu.memory_space<hbm>>
    tpu.enqueue_dma source(%dma_start3A_40 : memref<128xi32, #tpu.memory_space<hbm>>) target(%dma_start3A_38 : memref<128xi32, #tpu.memory_space<vmem>>) target_semaphore(%arg18 : memref<!tpu.dma_semaphore, #tpu.memory_space<semaphore_mem>>)
    %add3A_41 = arith.constant 128 : i32
    %add3A_42 = arith.addi %mul3A_2, %add3A_41 : i32
    %dma_start3A_43 = arith.constant 0 : i32
    %dma_start3A_44 = arith.constant 0 : i32
    %dma_start3A_45 = arith.constant 0 : i32
    %dma_start3A_46 = tpu.memref_slice %arg8[%dma_start3A_44, %dma_start3A_45] : memref<2x128xi32, #tpu.memory_space<vmem>> -> memref<1x128xi32, #tpu.memory_space<vmem>>
    %dma_start3A_47 = tpu.memref_squeeze %dma_start3A_46 : memref<1x128xi32, #tpu.memory_space<vmem>> -> memref<128xi32, #tpu.memory_space<vmem>>
    %dma_start3A_48 = tpu.memref_slice %arg3[%dma_start3A_43, %add3A_42] : memref<2x320000xi32, #tpu.memory_space<hbm>> -> memref<1x128xi32, #tpu.memory_space<hbm>>
    %dma_start3A_49 = tpu.memref_squeeze %dma_start3A_48 : memref<1x128xi32, #tpu.memory_space<hbm>> -> memref<128xi32, #tpu.memory_space<hbm>>
    %dma_start3A_50 = arith.constant 0 : i32
    %dma_start3A_51 = tpu.memref_slice %arg8[%dma_start3A_44, %dma_start3A_50] : memref<2x128xi32, #tpu.memory_space<vmem>> -> memref<1x128xi32, #tpu.memory_space<vmem>>
    %dma_start3A_52 = tpu.memref_squeeze %dma_start3A_51 : memref<1x128xi32, #tpu.memory_space<vmem>> -> memref<128xi32, #tpu.memory_space<vmem>>
    %dma_start3A_53 = tpu.memref_slice %arg3[%dma_start3A_43, %add3A_42] : memref<2x320000xi32, #tpu.memory_space<hbm>> -> memref<1x128xi32, #tpu.memory_space<hbm>>
    %dma_start3A_54 = tpu.memref_squeeze %dma_start3A_53 : memref<1x128xi32, #tpu.memory_space<hbm>> -> memref<128xi32, #tpu.memory_space<hbm>>
    tpu.enqueue_dma source(%dma_start3A_54 : memref<128xi32, #tpu.memory_space<hbm>>) target(%dma_start3A_52 : memref<128xi32, #tpu.memory_space<vmem>>) target_semaphore(%arg19 : memref<!tpu.dma_semaphore, #tpu.memory_space<semaphore_mem>>)
    %dma_start3A_55 = arith.constant 1 : i32
    %dma_start3A_56 = arith.constant 0 : i32
    %dma_start3A_57 = tpu.memref_slice %arg8[%dma_start3A_55, %dma_start3A_56] : memref<2x128xi32, #tpu.memory_space<vmem>> -> memref<1x128xi32, #tpu.memory_space<vmem>>
    %dma_start3A_58 = tpu.memref_squeeze %dma_start3A_57 : memref<1x128xi32, #tpu.memory_space<vmem>> -> memref<128xi32, #tpu.memory_space<vmem>>
    %dma_start3A_59 = tpu.memref_slice %arg4[%add3A_42] : memref<320000xi32, #tpu.memory_space<hbm>> -> memref<128xi32, #tpu.memory_space<hbm>>
    %dma_start3A_60 = arith.constant 0 : i32
    %dma_start3A_61 = tpu.memref_slice %arg8[%dma_start3A_55, %dma_start3A_60] : memref<2x128xi32, #tpu.memory_space<vmem>> -> memref<1x128xi32, #tpu.memory_space<vmem>>
    %dma_start3A_62 = tpu.memref_squeeze %dma_start3A_61 : memref<1x128xi32, #tpu.memory_space<vmem>> -> memref<128xi32, #tpu.memory_space<vmem>>
    %dma_start3A_63 = tpu.memref_slice %arg4[%add3A_42] : memref<320000xi32, #tpu.memory_space<hbm>> -> memref<128xi32, #tpu.memory_space<hbm>>
    tpu.enqueue_dma source(%dma_start3A_63 : memref<128xi32, #tpu.memory_space<hbm>>) target(%dma_start3A_62 : memref<128xi32, #tpu.memory_space<vmem>>) target_semaphore(%arg19 : memref<!tpu.dma_semaphore, #tpu.memory_space<semaphore_mem>>)
    %dma_start3A_64 = arith.constant 1 : i32
    %dma_start3A_65 = arith.constant 1 : i32
    %dma_start3A_66 = arith.constant 0 : i32
    %dma_start3A_67 = tpu.memref_slice %arg12[%dma_start3A_65, %dma_start3A_66] : memref<2x128xi32, #tpu.memory_space<vmem>> -> memref<1x128xi32, #tpu.memory_space<vmem>>
    %dma_start3A_68 = tpu.memref_squeeze %dma_start3A_67 : memref<1x128xi32, #tpu.memory_space<vmem>> -> memref<128xi32, #tpu.memory_space<vmem>>
    %dma_start3A_69 = tpu.memref_slice %arg3[%dma_start3A_64, %add3A_42] : memref<2x320000xi32, #tpu.memory_space<hbm>> -> memref<1x128xi32, #tpu.memory_space<hbm>>
    %dma_start3A_70 = tpu.memref_squeeze %dma_start3A_69 : memref<1x128xi32, #tpu.memory_space<hbm>> -> memref<128xi32, #tpu.memory_space<hbm>>
    %dma_start3A_71 = arith.constant 0 : i32
    %dma_start3A_72 = tpu.memref_slice %arg12[%dma_start3A_65, %dma_start3A_71] : memref<2x128xi32, #tpu.memory_space<vmem>> -> memref<1x128xi32, #tpu.memory_space<vmem>>
    %dma_start3A_73 = tpu.memref_squeeze %dma_start3A_72 : memref<1x128xi32, #tpu.memory_space<vmem>> -> memref<128xi32, #tpu.memory_space<vmem>>
    %dma_start3A_74 = tpu.memref_slice %arg3[%dma_start3A_64, %add3A_42] : memref<2x320000xi32, #tpu.memory_space<hbm>> -> memref<1x128xi32, #tpu.memory_space<hbm>>
    %dma_start3A_75 = tpu.memref_squeeze %dma_start3A_74 : memref<1x128xi32, #tpu.memory_space<hbm>> -> memref<128xi32, #tpu.memory_space<hbm>>
    tpu.enqueue_dma source(%dma_start3A_75 : memref<128xi32, #tpu.memory_space<hbm>>) target(%dma_start3A_73 : memref<128xi32, #tpu.memory_space<vmem>>) target_semaphore(%arg19 : memref<!tpu.dma_semaphore, #tpu.memory_space<semaphore_mem>>)
    %add3A_76 = arith.constant 256 : i32
    %add3A_77 = arith.addi %mul3A_2, %add3A_76 : i32
    %dma_start3A_78 = arith.constant 0 : i32
    %dma_start3A_79 = arith.constant 0 : i32
    %dma_start3A_80 = arith.constant 0 : i32
    %dma_start3A_81 = tpu.memref_slice %arg9[%dma_start3A_79, %dma_start3A_80] : memref<2x128xi32, #tpu.memory_space<vmem>> -> memref<1x128xi32, #tpu.memory_space<vmem>>
    %dma_start3A_82 = tpu.memref_squeeze %dma_start3A_81 : memref<1x128xi32, #tpu.memory_space<vmem>> -> memref<128xi32, #tpu.memory_space<vmem>>
    %dma_start3A_83 = tpu.memref_slice %arg3[%dma_start3A_78, %add3A_77] : memref<2x320000xi32, #tpu.memory_space<hbm>> -> memref<1x128xi32, #tpu.memory_space<hbm>>
    %dma_start3A_84 = tpu.memref_squeeze %dma_start3A_83 : memref<1x128xi32, #tpu.memory_space<hbm>> -> memref<128xi32, #tpu.memory_space<hbm>>
    %dma_start3A_85 = arith.constant 0 : i32
    %dma_start3A_86 = tpu.memref_slice %arg9[%dma_start3A_79, %dma_start3A_85] : memref<2x128xi32, #tpu.memory_space<vmem>> -> memref<1x128xi32, #tpu.memory_space<vmem>>
    %dma_start3A_87 = tpu.memref_squeeze %dma_start3A_86 : memref<1x128xi32, #tpu.memory_space<vmem>> -> memref<128xi32, #tpu.memory_space<vmem>>
    %dma_start3A_88 = tpu.memref_slice %arg3[%dma_start3A_78, %add3A_77] : memref<2x320000xi32, #tpu.memory_space<hbm>> -> memref<1x128xi32, #tpu.memory_space<hbm>>
    %dma_start3A_89 = tpu.memref_squeeze %dma_start3A_88 : memref<1x128xi32, #tpu.memory_space<hbm>> -> memref<128xi32, #tpu.memory_space<hbm>>
    tpu.enqueue_dma source(%dma_start3A_89 : memref<128xi32, #tpu.memory_space<hbm>>) target(%dma_start3A_87 : memref<128xi32, #tpu.memory_space<vmem>>) target_semaphore(%arg20 : memref<!tpu.dma_semaphore, #tpu.memory_space<semaphore_mem>>)
    %dma_start3A_90 = arith.constant 1 : i32
    %dma_start3A_91 = arith.constant 0 : i32
    %dma_start3A_92 = tpu.memref_slice %arg9[%dma_start3A_90, %dma_start3A_91] : memref<2x128xi32, #tpu.memory_space<vmem>> -> memref<1x128xi32, #tpu.memory_space<vmem>>
    %dma_start3A_93 = tpu.memref_squeeze %dma_start3A_92 : memref<1x128xi32, #tpu.memory_space<vmem>> -> memref<128xi32, #tpu.memory_space<vmem>>
    %dma_start3A_94 = tpu.memref_slice %arg4[%add3A_77] : memref<320000xi32, #tpu.memory_space<hbm>> -> memref<128xi32, #tpu.memory_space<hbm>>
    %dma_start3A_95 = arith.constant 0 : i32
    %dma_start3A_96 = tpu.memref_slice %arg9[%dma_start3A_90, %dma_start3A_95] : memref<2x128xi32, #tpu.memory_space<vmem>> -> memref<1x128xi32, #tpu.memory_space<vmem>>
    %dma_start3A_97 = tpu.memref_squeeze %dma_start3A_96 : memref<1x128xi32, #tpu.memory_space<vmem>> -> memref<128xi32, #tpu.memory_space<vmem>>
    %dma_start3A_98 = tpu.memref_slice %arg4[%add3A_77] : memref<320000xi32, #tpu.memory_space<hbm>> -> memref<128xi32, #tpu.memory_space<hbm>>
    tpu.enqueue_dma source(%dma_start3A_98 : memref<128xi32, #tpu.memory_space<hbm>>) target(%dma_start3A_97 : memref<128xi32, #tpu.memory_space<vmem>>) target_semaphore(%arg20 : memref<!tpu.dma_semaphore, #tpu.memory_space<semaphore_mem>>)
    %dma_start3A_99 = arith.constant 1 : i32
    %dma_start3A_100 = arith.constant 1 : i32
    %dma_start3A_101 = arith.constant 0 : i32
    %dma_start3A_102 = tpu.memref_slice %arg13[%dma_start3A_100, %dma_start3A_101] : memref<2x128xi32, #tpu.memory_space<vmem>> -> memref<1x128xi32, #tpu.memory_space<vmem>>
    %dma_start3A_103 = tpu.memref_squeeze %dma_start3A_102 : memref<1x128xi32, #tpu.memory_space<vmem>> -> memref<128xi32, #tpu.memory_space<vmem>>
    %dma_start3A_104 = tpu.memref_slice %arg3[%dma_start3A_99, %add3A_77] : memref<2x320000xi32, #tpu.memory_space<hbm>> -> memref<1x128xi32, #tpu.memory_space<hbm>>
    %dma_start3A_105 = tpu.memref_squeeze %dma_start3A_104 : memref<1x128xi32, #tpu.memory_space<hbm>> -> memref<128xi32, #tpu.memory_space<hbm>>
    %dma_start3A_106 = arith.constant 0 : i32
    %dma_start3A_107 = tpu.memref_slice %arg13[%dma_start3A_100, %dma_start3A_106] : memref<2x128xi32, #tpu.memory_space<vmem>> -> memref<1x128xi32, #tpu.memory_space<vmem>>
    %dma_start3A_108 = tpu.memref_squeeze %dma_start3A_107 : memref<1x128xi32, #tpu.memory_space<vmem>> -> memref<128xi32, #tpu.memory_space<vmem>>
    %dma_start3A_109 = tpu.memref_slice %arg3[%dma_start3A_99, %add3A_77] : memref<2x320000xi32, #tpu.memory_space<hbm>> -> memref<1x128xi32, #tpu.memory_space<hbm>>
    %dma_start3A_110 = tpu.memref_squeeze %dma_start3A_109 : memref<1x128xi32, #tpu.memory_space<hbm>> -> memref<128xi32, #tpu.memory_space<hbm>>
    tpu.enqueue_dma source(%dma_start3A_110 : memref<128xi32, #tpu.memory_space<hbm>>) target(%dma_start3A_108 : memref<128xi32, #tpu.memory_space<vmem>>) target_semaphore(%arg20 : memref<!tpu.dma_semaphore, #tpu.memory_space<semaphore_mem>>)
    %add3A_111 = arith.constant 384 : i32
    %add3A_112 = arith.addi %mul3A_2, %add3A_111 : i32
    %dma_start3A_113 = arith.constant 0 : i32
    %dma_start3A_114 = arith.constant 0 : i32
    %dma_start3A_115 = arith.constant 0 : i32
    %dma_start3A_116 = tpu.memref_slice %arg10[%dma_start3A_114, %dma_start3A_115] : memref<2x128xi32, #tpu.memory_space<vmem>> -> memref<1x128xi32, #tpu.memory_space<vmem>>
    %dma_start3A_117 = tpu.memref_squeeze %dma_start3A_116 : memref<1x128xi32, #tpu.memory_space<vmem>> -> memref<128xi32, #tpu.memory_space<vmem>>
    %dma_start3A_118 = tpu.memref_slice %arg3[%dma_start3A_113, %add3A_112] : memref<2x320000xi32, #tpu.memory_space<hbm>> -> memref<1x128xi32, #tpu.memory_space<hbm>>
    %dma_start3A_119 = tpu.memref_squeeze %dma_start3A_118 : memref<1x128xi32, #tpu.memory_space<hbm>> -> memref<128xi32, #tpu.memory_space<hbm>>
    %dma_start3A_120 = arith.constant 0 : i32
    %dma_start3A_121 = tpu.memref_slice %arg10[%dma_start3A_114, %dma_start3A_120] : memref<2x128xi32, #tpu.memory_space<vmem>> -> memref<1x128xi32, #tpu.memory_space<vmem>>
    %dma_start3A_122 = tpu.memref_squeeze %dma_start3A_121 : memref<1x128xi32, #tpu.memory_space<vmem>> -> memref<128xi32, #tpu.memory_space<vmem>>
    %dma_start3A_123 = tpu.memref_slice %arg3[%dma_start3A_113, %add3A_112] : memref<2x320000xi32, #tpu.memory_space<hbm>> -> memref<1x128xi32, #tpu.memory_space<hbm>>
    %dma_start3A_124 = tpu.memref_squeeze %dma_start3A_123 : memref<1x128xi32, #tpu.memory_space<hbm>> -> memref<128xi32, #tpu.memory_space<hbm>>
    tpu.enqueue_dma source(%dma_start3A_124 : memref<128xi32, #tpu.memory_space<hbm>>) target(%dma_start3A_122 : memref<128xi32, #tpu.memory_space<vmem>>) target_semaphore(%arg21 : memref<!tpu.dma_semaphore, #tpu.memory_space<semaphore_mem>>)
    %dma_start3A_125 = arith.constant 1 : i32
    %dma_start3A_126 = arith.constant 0 : i32
    %dma_start3A_127 = tpu.memref_slice %arg10[%dma_start3A_125, %dma_start3A_126] : memref<2x128xi32, #tpu.memory_space<vmem>> -> memref<1x128xi32, #tpu.memory_space<vmem>>
    %dma_start3A_128 = tpu.memref_squeeze %dma_start3A_127 : memref<1x128xi32, #tpu.memory_space<vmem>> -> memref<128xi32, #tpu.memory_space<vmem>>
    %dma_start3A_129 = tpu.memref_slice %arg4[%add3A_112] : memref<320000xi32, #tpu.memory_space<hbm>> -> memref<128xi32, #tpu.memory_space<hbm>>
    %dma_start3A_130 = arith.constant 0 : i32
    %dma_start3A_131 = tpu.memref_slice %arg10[%dma_start3A_125, %dma_start3A_130] : memref<2x128xi32, #tpu.memory_space<vmem>> -> memref<1x128xi32, #tpu.memory_space<vmem>>
    %dma_start3A_132 = tpu.memref_squeeze %dma_start3A_131 : memref<1x128xi32, #tpu.memory_space<vmem>> -> memref<128xi32, #tpu.memory_space<vmem>>
    %dma_start3A_133 = tpu.memref_slice %arg4[%add3A_112] : memref<320000xi32, #tpu.memory_space<hbm>> -> memref<128xi32, #tpu.memory_space<hbm>>
    tpu.enqueue_dma source(%dma_start3A_133 : memref<128xi32, #tpu.memory_space<hbm>>) target(%dma_start3A_132 : memref<128xi32, #tpu.memory_space<vmem>>) target_semaphore(%arg21 : memref<!tpu.dma_semaphore, #tpu.memory_space<semaphore_mem>>)
    %dma_start3A_134 = arith.constant 1 : i32
    %dma_start3A_135 = arith.constant 1 : i32
    %dma_start3A_136 = arith.constant 0 : i32
    %dma_start3A_137 = tpu.memref_slice %arg14[%dma_start3A_135, %dma_start3A_136] : memref<2x128xi32, #tpu.memory_space<vmem>> -> memref<1x128xi32, #tpu.memory_space<vmem>>
    %dma_start3A_138 = tpu.memref_squeeze %dma_start3A_137 : memref<1x128xi32, #tpu.memory_space<vmem>> -> memref<128xi32, #tpu.memory_space<vmem>>
    %dma_start3A_139 = tpu.memref_slice %arg3[%dma_start3A_134, %add3A_112] : memref<2x320000xi32, #tpu.memory_space<hbm>> -> memref<1x128xi32, #tpu.memory_space<hbm>>
    %dma_start3A_140 = tpu.memref_squeeze %dma_start3A_139 : memref<1x128xi32, #tpu.memory_space<hbm>> -> memref<128xi32, #tpu.memory_space<hbm>>
    %dma_start3A_141 = arith.constant 0 : i32
    %dma_start3A_142 = tpu.memref_slice %arg14[%dma_start3A_135, %dma_start3A_141] : memref<2x128xi32, #tpu.memory_space<vmem>> -> memref<1x128xi32, #tpu.memory_space<vmem>>
    %dma_start3A_143 = tpu.memref_squeeze %dma_start3A_142 : memref<1x128xi32, #tpu.memory_space<vmem>> -> memref<128xi32, #tpu.memory_space<vmem>>
    %dma_start3A_144 = tpu.memref_slice %arg3[%dma_start3A_134, %add3A_112] : memref<2x320000xi32, #tpu.memory_space<hbm>> -> memref<1x128xi32, #tpu.memory_space<hbm>>
    %dma_start3A_145 = tpu.memref_squeeze %dma_start3A_144 : memref<1x128xi32, #tpu.memory_space<hbm>> -> memref<128xi32, #tpu.memory_space<hbm>>
    tpu.enqueue_dma source(%dma_start3A_145 : memref<128xi32, #tpu.memory_space<hbm>>) target(%dma_start3A_143 : memref<128xi32, #tpu.memory_space<vmem>>) target_semaphore(%arg21 : memref<!tpu.dma_semaphore, #tpu.memory_space<semaphore_mem>>)
    %add3A_146 = arith.constant 0 : i32
    %add3A_147 = arith.addi %mul3A_2, %add3A_146 : i32
    %dma_wait3A = arith.constant 0 : i32
    %dma_wait3A_148 = arith.constant 0 : i32
    %dma_wait3A_149 = arith.constant 0 : i32
    %dma_wait3A_150 = tpu.memref_slice %arg7[%dma_wait3A_148, %dma_wait3A_149] : memref<2x128xi32, #tpu.memory_space<vmem>> -> memref<1x128xi32, #tpu.memory_space<vmem>>
    %dma_wait3A_151 = tpu.memref_squeeze %dma_wait3A_150 : memref<1x128xi32, #tpu.memory_space<vmem>> -> memref<128xi32, #tpu.memory_space<vmem>>
    %dma_wait3A_152 = tpu.memref_slice %arg3[%dma_wait3A, %add3A_147] : memref<2x320000xi32, #tpu.memory_space<hbm>> -> memref<1x128xi32, #tpu.memory_space<hbm>>
    %dma_wait3A_153 = tpu.memref_squeeze %dma_wait3A_152 : memref<1x128xi32, #tpu.memory_space<hbm>> -> memref<128xi32, #tpu.memory_space<hbm>>
    %dma_wait3A_154 = arith.constant 0 : i32
    %dma_wait3A_155 = tpu.memref_slice %arg7[%dma_wait3A_148, %dma_wait3A_154] : memref<2x128xi32, #tpu.memory_space<vmem>> -> memref<1x128xi32, #tpu.memory_space<vmem>>
    %dma_wait3A_156 = tpu.memref_squeeze %dma_wait3A_155 : memref<1x128xi32, #tpu.memory_space<vmem>> -> memref<128xi32, #tpu.memory_space<vmem>>
    %dma_wait3A_157 = tpu.memref_slice %arg3[%dma_wait3A, %add3A_147] : memref<2x320000xi32, #tpu.memory_space<hbm>> -> memref<1x128xi32, #tpu.memory_space<hbm>>
    %dma_wait3A_158 = tpu.memref_squeeze %dma_wait3A_157 : memref<1x128xi32, #tpu.memory_space<hbm>> -> memref<128xi32, #tpu.memory_space<hbm>>
    tpu.wait_dma2 semaphore(%arg18 : memref<!tpu.dma_semaphore, #tpu.memory_space<semaphore_mem>>) src(%dma_wait3A_158 : memref<128xi32, #tpu.memory_space<hbm>>) dst(%dma_wait3A_156 : memref<128xi32, #tpu.memory_space<vmem>>)
    %dma_wait3A_159 = arith.constant 1 : i32
    %dma_wait3A_160 = arith.constant 0 : i32
    %dma_wait3A_161 = tpu.memref_slice %arg7[%dma_wait3A_159, %dma_wait3A_160] : memref<2x128xi32, #tpu.memory_space<vmem>> -> memref<1x128xi32, #tpu.memory_space<vmem>>
    %dma_wait3A_162 = tpu.memref_squeeze %dma_wait3A_161 : memref<1x128xi32, #tpu.memory_space<vmem>> -> memref<128xi32, #tpu.memory_space<vmem>>
    %dma_wait3A_163 = tpu.memref_slice %arg4[%add3A_147] : memref<320000xi32, #tpu.memory_space<hbm>> -> memref<128xi32, #tpu.memory_space<hbm>>
    %dma_wait3A_164 = arith.constant 0 : i32
    %dma_wait3A_165 = tpu.memref_slice %arg7[%dma_wait3A_159, %dma_wait3A_164] : memref<2x128xi32, #tpu.memory_space<vmem>> -> memref<1x128xi32, #tpu.memory_space<vmem>>
    %dma_wait3A_166 = tpu.memref_squeeze %dma_wait3A_165 : memref<1x128xi32, #tpu.memory_space<vmem>> -> memref<128xi32, #tpu.memory_space<vmem>>
    %dma_wait3A_167 = tpu.memref_slice %arg4[%add3A_147] : memref<320000xi32, #tpu.memory_space<hbm>> -> memref<128xi32, #tpu.memory_space<hbm>>
    tpu.wait_dma2 semaphore(%arg18 : memref<!tpu.dma_semaphore, #tpu.memory_space<semaphore_mem>>) src(%dma_wait3A_167 : memref<128xi32, #tpu.memory_space<hbm>>) dst(%dma_wait3A_166 : memref<128xi32, #tpu.memory_space<vmem>>)
    %dma_wait3A_168 = arith.constant 1 : i32
    %dma_wait3A_169 = arith.constant 1 : i32
    %dma_wait3A_170 = arith.constant 0 : i32
    %dma_wait3A_171 = tpu.memref_slice %arg11[%dma_wait3A_169, %dma_wait3A_170] : memref<2x128xi32, #tpu.memory_space<vmem>> -> memref<1x128xi32, #tpu.memory_space<vmem>>
    %dma_wait3A_172 = tpu.memref_squeeze %dma_wait3A_171 : memref<1x128xi32, #tpu.memory_space<vmem>> -> memref<128xi32, #tpu.memory_space<vmem>>
    %dma_wait3A_173 = tpu.memref_slice %arg3[%dma_wait3A_168, %add3A_147] : memref<2x320000xi32, #tpu.memory_space<hbm>> -> memref<1x128xi32, #tpu.memory_space<hbm>>
    %dma_wait3A_174 = tpu.memref_squeeze %dma_wait3A_173 : memref<1x128xi32, #tpu.memory_space<hbm>> -> memref<128xi32, #tpu.memory_space<hbm>>
    %dma_wait3A_175 = arith.constant 0 : i32
    %dma_wait3A_176 = tpu.memref_slice %arg11[%dma_wait3A_169, %dma_wait3A_175] : memref<2x128xi32, #tpu.memory_space<vmem>> -> memref<1x128xi32, #tpu.memory_space<vmem>>
    %dma_wait3A_177 = tpu.memref_squeeze %dma_wait3A_176 : memref<1x128xi32, #tpu.memory_space<vmem>> -> memref<128xi32, #tpu.memory_space<vmem>>
    %dma_wait3A_178 = tpu.memref_slice %arg3[%dma_wait3A_168, %add3A_147] : memref<2x320000xi32, #tpu.memory_space<hbm>> -> memref<1x128xi32, #tpu.memory_space<hbm>>
    %dma_wait3A_179 = tpu.memref_squeeze %dma_wait3A_178 : memref<1x128xi32, #tpu.memory_space<hbm>> -> memref<128xi32, #tpu.memory_space<hbm>>
    tpu.wait_dma2 semaphore(%arg18 : memref<!tpu.dma_semaphore, #tpu.memory_space<semaphore_mem>>) src(%dma_wait3A_179 : memref<128xi32, #tpu.memory_space<hbm>>) dst(%dma_wait3A_177 : memref<128xi32, #tpu.memory_space<vmem>>)
    %get3A = arith.constant 1 : i32
    %get3A_180 = arith.index_cast %get3A : i32 to index
    %get3A_181 = arith.constant 0 : index
    %get3A_182 = tpu.vector_load %arg7[%get3A_180, %get3A_181] {strides = array<i32>} : memref<2x128xi32, #tpu.memory_space<vmem>>, vector<1x16xi32>,
    %get3A_183 = vector.shape_cast %get3A_182 : vector<1x16xi32> to vector<16xi32>
    %mul3A_184 = arith.constant 10000 : i32
    %mul3A_185 = vector.broadcast %mul3A_184 : i32 to vector<16xi32>
    %mul3A_186 = arith.muli %get3A_183, %mul3A_185 : vector<16xi32>
    %get3A_187 = arith.constant 0 : i32
    %get3A_188 = arith.index_cast %get3A_187 : i32 to index
    %get3A_189 = arith.constant 0 : index
    %get3A_190 = tpu.vector_load %arg7[%get3A_188, %get3A_189] {strides = array<i32>} : memref<2x128xi32, #tpu.memory_space<vmem>>, vector<1x16xi32>,
    %get3A_191 = vector.shape_cast %get3A_190 : vector<1x16xi32> to vector<16xi32>
    %add3A_192 = arith.addi %mul3A_186, %get3A_191 : vector<16xi32>
    %swap3A = arith.constant 0 : i32
    %swap3A_193 = arith.index_cast %swap3A : i32 to index
    %swap3A_194 = arith.constant 0 : index
    %swap3A_195 = tpu.vector_load %arg11[%swap3A_193, %swap3A_194] {strides = array<i32>} : memref<2x128xi32, #tpu.memory_space<vmem>>, vector<1x16xi32>,
    %swap3A_196 = vector.shape_cast %swap3A_195 : vector<1x16xi32> to vector<16xi32>
    %swap3A_197 = vector.shape_cast %add3A_192 : vector<16xi32> to vector<1x16xi32>
    tpu.vector_store %arg11[%swap3A_193, %swap3A_194], %swap3A_197 {strides = array<i32>} : memref<2x128xi32, #tpu.memory_space<vmem>>, vector<1x16xi32>,
    %get3A_198 = arith.constant 1 : i32
    %get3A_199 = arith.index_cast %get3A_198 : i32 to index
    %get3A_200 = arith.constant 16 : index
    %get3A_201 = tpu.vector_load %arg7[%get3A_199, %get3A_200] {strides = array<i32>} : memref<2x128xi32, #tpu.memory_space<vmem>>, vector<1x16xi32>,
    %get3A_202 = vector.shape_cast %get3A_201 : vector<1x16xi32> to vector<16xi32>
    %mul3A_203 = arith.constant 10000 : i32
    %mul3A_204 = vector.broadcast %mul3A_203 : i32 to vector<16xi32>
    %mul3A_205 = arith.muli %get3A_202, %mul3A_204 : vector<16xi32>
    %get3A_206 = arith.constant 0 : i32
    %get3A_207 = arith.index_cast %get3A_206 : i32 to index
    %get3A_208 = arith.constant 16 : index
    %get3A_209 = tpu.vector_load %arg7[%get3A_207, %get3A_208] {strides = array<i32>} : memref<2x128xi32, #tpu.memory_space<vmem>>, vector<1x16xi32>,
    %get3A_210 = vector.shape_cast %get3A_209 : vector<1x16xi32> to vector<16xi32>
    %add3A_211 = arith.addi %mul3A_205, %get3A_210 : vector<16xi32>
    %swap3A_212 = arith.constant 0 : i32
    %swap3A_213 = arith.index_cast %swap3A_212 : i32 to index
    %swap3A_214 = arith.constant 16 : index
    %swap3A_215 = tpu.vector_load %arg11[%swap3A_213, %swap3A_214] {strides = array<i32>} : memref<2x128xi32, #tpu.memory_space<vmem>>, vector<1x16xi32>,
    %swap3A_216 = vector.shape_cast %swap3A_215 : vector<1x16xi32> to vector<16xi32>
    %swap3A_217 = vector.shape_cast %add3A_211 : vector<16xi32> to vector<1x16xi32>
    tpu.vector_store %arg11[%swap3A_213, %swap3A_214], %swap3A_217 {strides = array<i32>} : memref<2x128xi32, #tpu.memory_space<vmem>>, vector<1x16xi32>,
    %get3A_218 = arith.constant 1 : i32
    %get3A_219 = arith.index_cast %get3A_218 : i32 to index
    %get3A_220 = arith.constant 32 : index
    %get3A_221 = tpu.vector_load %arg7[%get3A_219, %get3A_220] {strides = array<i32>} : memref<2x128xi32, #tpu.memory_space<vmem>>, vector<1x16xi32>,
    %get3A_222 = vector.shape_cast %get3A_221 : vector<1x16xi32> to vector<16xi32>
    %mul3A_223 = arith.constant 10000 : i32
    %mul3A_224 = vector.broadcast %mul3A_223 : i32 to vector<16xi32>
    %mul3A_225 = arith.muli %get3A_222, %mul3A_224 : vector<16xi32>
    %get3A_226 = arith.constant 0 : i32
    %get3A_227 = arith.index_cast %get3A_226 : i32 to index
    %get3A_228 = arith.constant 32 : index
    %get3A_229 = tpu.vector_load %arg7[%get3A_227, %get3A_228] {strides = array<i32>} : memref<2x128xi32, #tpu.memory_space<vmem>>, vector<1x16xi32>,
    %get3A_230 = vector.shape_cast %get3A_229 : vector<1x16xi32> to vector<16xi32>
    %add3A_231 = arith.addi %mul3A_225, %get3A_230 : vector<16xi32>
    %swap3A_232 = arith.constant 0 : i32
    %swap3A_233 = arith.index_cast %swap3A_232 : i32 to index
    %swap3A_234 = arith.constant 32 : index
    %swap3A_235 = tpu.vector_load %arg11[%swap3A_233, %swap3A_234] {strides = array<i32>} : memref<2x128xi32, #tpu.memory_space<vmem>>, vector<1x16xi32>,
    %swap3A_236 = vector.shape_cast %swap3A_235 : vector<1x16xi32> to vector<16xi32>
    %swap3A_237 = vector.shape_cast %add3A_231 : vector<16xi32> to vector<1x16xi32>
    tpu.vector_store %arg11[%swap3A_233, %swap3A_234], %swap3A_237 {strides = array<i32>} : memref<2x128xi32, #tpu.memory_space<vmem>>, vector<1x16xi32>,
    %get3A_238 = arith.constant 1 : i32
    %get3A_239 = arith.index_cast %get3A_238 : i32 to index
    %get3A_240 = arith.constant 48 : index
    %get3A_241 = tpu.vector_load %arg7[%get3A_239, %get3A_240] {strides = array<i32>} : memref<2x128xi32, #tpu.memory_space<vmem>>, vector<1x16xi32>,
    %get3A_242 = vector.shape_cast %get3A_241 : vector<1x16xi32> to vector<16xi32>
    %mul3A_243 = arith.constant 10000 : i32
    %mul3A_244 = vector.broadcast %mul3A_243 : i32 to vector<16xi32>
    %mul3A_245 = arith.muli %get3A_242, %mul3A_244 : vector<16xi32>
    %get3A_246 = arith.constant 0 : i32
    %get3A_247 = arith.index_cast %get3A_246 : i32 to index
    %get3A_248 = arith.constant 48 : index
    %get3A_249 = tpu.vector_load %arg7[%get3A_247, %get3A_248] {strides = array<i32>} : memref<2x128xi32, #tpu.memory_space<vmem>>, vector<1x16xi32>,
    %get3A_250 = vector.shape_cast %get3A_249 : vector<1x16xi32> to vector<16xi32>
    %add3A_251 = arith.addi %mul3A_245, %get3A_250 : vector<16xi32>
    %swap3A_252 = arith.constant 0 : i32
    %swap3A_253 = arith.index_cast %swap3A_252 : i32 to index
    %swap3A_254 = arith.constant 48 : index
    %swap3A_255 = tpu.vector_load %arg11[%swap3A_253, %swap3A_254] {strides = array<i32>} : memref<2x128xi32, #tpu.memory_space<vmem>>, vector<1x16xi32>,
    %swap3A_256 = vector.shape_cast %swap3A_255 : vector<1x16xi32> to vector<16xi32>
    %swap3A_257 = vector.shape_cast %add3A_251 : vector<16xi32> to vector<1x16xi32>
    tpu.vector_store %arg11[%swap3A_253, %swap3A_254], %swap3A_257 {strides = array<i32>} : memref<2x128xi32, #tpu.memory_space<vmem>>, vector<1x16xi32>,
    %get3A_258 = arith.constant 1 : i32
    %get3A_259 = arith.index_cast %get3A_258 : i32 to index
    %get3A_260 = arith.constant 64 : index
    %get3A_261 = tpu.vector_load %arg7[%get3A_259, %get3A_260] {strides = array<i32>} : memref<2x128xi32, #tpu.memory_space<vmem>>, vector<1x16xi32>,
    %get3A_262 = vector.shape_cast %get3A_261 : vector<1x16xi32> to vector<16xi32>
    %mul3A_263 = arith.constant 10000 : i32
    %mul3A_264 = vector.broadcast %mul3A_263 : i32 to vector<16xi32>
    %mul3A_265 = arith.muli %get3A_262, %mul3A_264 : vector<16xi32>
    %get3A_266 = arith.constant 0 : i32
    %get3A_267 = arith.index_cast %get3A_266 : i32 to index
    %get3A_268 = arith.constant 64 : index
    %get3A_269 = tpu.vector_load %arg7[%get3A_267, %get3A_268] {strides = array<i32>} : memref<2x128xi32, #tpu.memory_space<vmem>>, vector<1x16xi32>,
    %get3A_270 = vector.shape_cast %get3A_269 : vector<1x16xi32> to vector<16xi32>
    %add3A_271 = arith.addi %mul3A_265, %get3A_270 : vector<16xi32>
    %swap3A_272 = arith.constant 0 : i32
    %swap3A_273 = arith.index_cast %swap3A_272 : i32 to index
    %swap3A_274 = arith.constant 64 : index
    %swap3A_275 = tpu.vector_load %arg11[%swap3A_273, %swap3A_274] {strides = array<i32>} : memref<2x128xi32, #tpu.memory_space<vmem>>, vector<1x16xi32>,
    %swap3A_276 = vector.shape_cast %swap3A_275 : vector<1x16xi32> to vector<16xi32>
    %swap3A_277 = vector.shape_cast %add3A_271 : vector<16xi32> to vector<1x16xi32>
    tpu.vector_store %arg11[%swap3A_273, %swap3A_274], %swap3A_277 {strides = array<i32>} : memref<2x128xi32, #tpu.memory_space<vmem>>, vector<1x16xi32>,
    %get3A_278 = arith.constant 1 : i32
    %get3A_279 = arith.index_cast %get3A_278 : i32 to index
    %get3A_280 = arith.constant 80 : index
    %get3A_281 = tpu.vector_load %arg7[%get3A_279, %get3A_280] {strides = array<i32>} : memref<2x128xi32, #tpu.memory_space<vmem>>, vector<1x16xi32>,
    %get3A_282 = vector.shape_cast %get3A_281 : vector<1x16xi32> to vector<16xi32>
    %mul3A_283 = arith.constant 10000 : i32
    %mul3A_284 = vector.broadcast %mul3A_283 : i32 to vector<16xi32>
    %mul3A_285 = arith.muli %get3A_282, %mul3A_284 : vector<16xi32>
    %get3A_286 = arith.constant 0 : i32
    %get3A_287 = arith.index_cast %get3A_286 : i32 to index
    %get3A_288 = arith.constant 80 : index
    %get3A_289 = tpu.vector_load %arg7[%get3A_287, %get3A_288] {strides = array<i32>} : memref<2x128xi32, #tpu.memory_space<vmem>>, vector<1x16xi32>,
    %get3A_290 = vector.shape_cast %get3A_289 : vector<1x16xi32> to vector<16xi32>
    %add3A_291 = arith.addi %mul3A_285, %get3A_290 : vector<16xi32>
    %swap3A_292 = arith.constant 0 : i32
    %swap3A_293 = arith.index_cast %swap3A_292 : i32 to index
    %swap3A_294 = arith.constant 80 : index
    %swap3A_295 = tpu.vector_load %arg11[%swap3A_293, %swap3A_294] {strides = array<i32>} : memref<2x128xi32, #tpu.memory_space<vmem>>, vector<1x16xi32>,
    %swap3A_296 = vector.shape_cast %swap3A_295 : vector<1x16xi32> to vector<16xi32>
    %swap3A_297 = vector.shape_cast %add3A_291 : vector<16xi32> to vector<1x16xi32>
    tpu.vector_store %arg11[%swap3A_293, %swap3A_294], %swap3A_297 {strides = array<i32>} : memref<2x128xi32, #tpu.memory_space<vmem>>, vector<1x16xi32>,
    %get3A_298 = arith.constant 1 : i32
    %get3A_299 = arith.index_cast %get3A_298 : i32 to index
    %get3A_300 = arith.constant 96 : index
    %get3A_301 = tpu.vector_load %arg7[%get3A_299, %get3A_300] {strides = array<i32>} : memref<2x128xi32, #tpu.memory_space<vmem>>, vector<1x16xi32>,
    %get3A_302 = vector.shape_cast %get3A_301 : vector<1x16xi32> to vector<16xi32>
    %mul3A_303 = arith.constant 10000 : i32
    %mul3A_304 = vector.broadcast %mul3A_303 : i32 to vector<16xi32>
    %mul3A_305 = arith.muli %get3A_302, %mul3A_304 : vector<16xi32>
    %get3A_306 = arith.constant 0 : i32
    %get3A_307 = arith.index_cast %get3A_306 : i32 to index
    %get3A_308 = arith.constant 96 : index
    %get3A_309 = tpu.vector_load %arg7[%get3A_307, %get3A_308] {strides = array<i32>} : memref<2x128xi32, #tpu.memory_space<vmem>>, vector<1x16xi32>,
    %get3A_310 = vector.shape_cast %get3A_309 : vector<1x16xi32> to vector<16xi32>
    %add3A_311 = arith.addi %mul3A_305, %get3A_310 : vector<16xi32>
    %swap3A_312 = arith.constant 0 : i32
    %swap3A_313 = arith.index_cast %swap3A_312 : i32 to index
    %swap3A_314 = arith.constant 96 : index
    %swap3A_315 = tpu.vector_load %arg11[%swap3A_313, %swap3A_314] {strides = array<i32>} : memref<2x128xi32, #tpu.memory_space<vmem>>, vector<1x16xi32>,
    %swap3A_316 = vector.shape_cast %swap3A_315 : vector<1x16xi32> to vector<16xi32>
    %swap3A_317 = vector.shape_cast %add3A_311 : vector<16xi32> to vector<1x16xi32>
    tpu.vector_store %arg11[%swap3A_313, %swap3A_314], %swap3A_317 {strides = array<i32>} : memref<2x128xi32, #tpu.memory_space<vmem>>, vector<1x16xi32>,
    %get3A_318 = arith.constant 1 : i32
    %get3A_319 = arith.index_cast %get3A_318 : i32 to index
    %get3A_320 = arith.constant 112 : index
    %get3A_321 = tpu.vector_load %arg7[%get3A_319, %get3A_320] {strides = array<i32>} : memref<2x128xi32, #tpu.memory_space<vmem>>, vector<1x16xi32>,
    %get3A_322 = vector.shape_cast %get3A_321 : vector<1x16xi32> to vector<16xi32>
    %mul3A_323 = arith.constant 10000 : i32
    %mul3A_324 = vector.broadcast %mul3A_323 : i32 to vector<16xi32>
    %mul3A_325 = arith.muli %get3A_322, %mul3A_324 : vector<16xi32>
    %get3A_326 = arith.constant 0 : i32
    %get3A_327 = arith.index_cast %get3A_326 : i32 to index
    %get3A_328 = arith.constant 112 : index
    %get3A_329 = tpu.vector_load %arg7[%get3A_327, %get3A_328] {strides = array<i32>} : memref<2x128xi32, #tpu.memory_space<vmem>>, vector<1x16xi32>,
    %get3A_330 = vector.shape_cast %get3A_329 : vector<1x16xi32> to vector<16xi32>
    %add3A_331 = arith.addi %mul3A_325, %get3A_330 : vector<16xi32>
    %swap3A_332 = arith.constant 0 : i32
    %swap3A_333 = arith.index_cast %swap3A_332 : i32 to index
    %swap3A_334 = arith.constant 112 : index
    %swap3A_335 = tpu.vector_load %arg11[%swap3A_333, %swap3A_334] {strides = array<i32>} : memref<2x128xi32, #tpu.memory_space<vmem>>, vector<1x16xi32>,
    %swap3A_336 = vector.shape_cast %swap3A_335 : vector<1x16xi32> to vector<16xi32>
    %swap3A_337 = vector.shape_cast %add3A_331 : vector<16xi32> to vector<1x16xi32>
    tpu.vector_store %arg11[%swap3A_333, %swap3A_334], %swap3A_337 {strides = array<i32>} : memref<2x128xi32, #tpu.memory_space<vmem>>, vector<1x16xi32>,
    %dma_start3A_338 = arith.constant 0 : i32
    %dma_start3A_339 = arith.constant 0 : i32
    %dma_start3A_340 = tpu.memref_slice %arg11[%dma_start3A_338, %dma_start3A_339] : memref<2x128xi32, #tpu.memory_space<vmem>> -> memref<1x128xi32, #tpu.memory_space<vmem>>
    %dma_start3A_341 = tpu.memref_squeeze %dma_start3A_340 : memref<1x128xi32, #tpu.memory_space<vmem>> -> memref<128xi32, #tpu.memory_space<vmem>>
    %dma_start3A_342 = arith.constant 0 : i32
    %dma_start3A_343 = arith.constant 0 : i32
    %dma_start3A_344 = tpu.memref_slice %arg2[%dma_start3A_342, %dma_start3A_343] : memref<320000x128xf32, #tpu.memory_space<hbm>> -> memref<320000x128xf32, #tpu.memory_space<hbm>>
    tpu.enqueue_indirect_dma source(%dma_start3A_344 : memref<320000x128xf32, #tpu.memory_space<hbm>>) target(%arg15 : memref<128x128xf32, #tpu.memory_space<vmem>>) offsets(%dma_start3A_341 : memref<128xi32, #tpu.memory_space<vmem>>) semaphore(%arg22 : memref<!tpu.dma_semaphore, #tpu.memory_space<semaphore_mem>>)
    %add3A_345 = arith.constant 128 : i32
    %add3A_346 = arith.addi %mul3A_2, %add3A_345 : i32
    %dma_wait3A_347 = arith.constant 0 : i32
    %dma_wait3A_348 = arith.constant 0 : i32
    %dma_wait3A_349 = arith.constant 0 : i32
    %dma_wait3A_350 = tpu.memref_slice %arg8[%dma_wait3A_348, %dma_wait3A_349] : memref<2x128xi32, #tpu.memory_space<vmem>> -> memref<1x128xi32, #tpu.memory_space<vmem>>
    %dma_wait3A_351 = tpu.memref_squeeze %dma_wait3A_350 : memref<1x128xi32, #tpu.memory_space<vmem>> -> memref<128xi32, #tpu.memory_space<vmem>>
    %dma_wait3A_352 = tpu.memref_slice %arg3[%dma_wait3A_347, %add3A_346] : memref<2x320000xi32, #tpu.memory_space<hbm>> -> memref<1x128xi32, #tpu.memory_space<hbm>>
    %dma_wait3A_353 = tpu.memref_squeeze %dma_wait3A_352 : memref<1x128xi32, #tpu.memory_space<hbm>> -> memref<128xi32, #tpu.memory_space<hbm>>
    %dma_wait3A_354 = arith.constant 0 : i32
    %dma_wait3A_355 = tpu.memref_slice %arg8[%dma_wait3A_348, %dma_wait3A_354] : memref<2x128xi32, #tpu.memory_space<vmem>> -> memref<1x128xi32, #tpu.memory_space<vmem>>
    %dma_wait3A_356 = tpu.memref_squeeze %dma_wait3A_355 : memref<1x128xi32, #tpu.memory_space<vmem>> -> memref<128xi32, #tpu.memory_space<vmem>>
    %dma_wait3A_357 = tpu.memref_slice %arg3[%dma_wait3A_347, %add3A_346] : memref<2x320000xi32, #tpu.memory_space<hbm>> -> memref<1x128xi32, #tpu.memory_space<hbm>>
    %dma_wait3A_358 = tpu.memref_squeeze %dma_wait3A_357 : memref<1x128xi32, #tpu.memory_space<hbm>> -> memref<128xi32, #tpu.memory_space<hbm>>
    tpu.wait_dma2 semaphore(%arg19 : memref<!tpu.dma_semaphore, #tpu.memory_space<semaphore_mem>>) src(%dma_wait3A_358 : memref<128xi32, #tpu.memory_space<hbm>>) dst(%dma_wait3A_356 : memref<128xi32, #tpu.memory_space<vmem>>)
    %dma_wait3A_359 = arith.constant 1 : i32
    %dma_wait3A_360 = arith.constant 0 : i32
    %dma_wait3A_361 = tpu.memref_slice %arg8[%dma_wait3A_359, %dma_wait3A_360] : memref<2x128xi32, #tpu.memory_space<vmem>> -> memref<1x128xi32, #tpu.memory_space<vmem>>
    %dma_wait3A_362 = tpu.memref_squeeze %dma_wait3A_361 : memref<1x128xi32, #tpu.memory_space<vmem>> -> memref<128xi32, #tpu.memory_space<vmem>>
    %dma_wait3A_363 = tpu.memref_slice %arg4[%add3A_346] : memref<320000xi32, #tpu.memory_space<hbm>> -> memref<128xi32, #tpu.memory_space<hbm>>
    %dma_wait3A_364 = arith.constant 0 : i32
    %dma_wait3A_365 = tpu.memref_slice %arg8[%dma_wait3A_359, %dma_wait3A_364] : memref<2x128xi32, #tpu.memory_space<vmem>> -> memref<1x128xi32, #tpu.memory_space<vmem>>
    %dma_wait3A_366 = tpu.memref_squeeze %dma_wait3A_365 : memref<1x128xi32, #tpu.memory_space<vmem>> -> memref<128xi32, #tpu.memory_space<vmem>>
    %dma_wait3A_367 = tpu.memref_slice %arg4[%add3A_346] : memref<320000xi32, #tpu.memory_space<hbm>> -> memref<128xi32, #tpu.memory_space<hbm>>
    tpu.wait_dma2 semaphore(%arg19 : memref<!tpu.dma_semaphore, #tpu.memory_space<semaphore_mem>>) src(%dma_wait3A_367 : memref<128xi32, #tpu.memory_space<hbm>>) dst(%dma_wait3A_366 : memref<128xi32, #tpu.memory_space<vmem>>)
    %dma_wait3A_368 = arith.constant 1 : i32
    %dma_wait3A_369 = arith.constant 1 : i32
    %dma_wait3A_370 = arith.constant 0 : i32
    %dma_wait3A_371 = tpu.memref_slice %arg12[%dma_wait3A_369, %dma_wait3A_370] : memref<2x128xi32, #tpu.memory_space<vmem>> -> memref<1x128xi32, #tpu.memory_space<vmem>>
    %dma_wait3A_372 = tpu.memref_squeeze %dma_wait3A_371 : memref<1x128xi32, #tpu.memory_space<vmem>> -> memref<128xi32, #tpu.memory_space<vmem>>
    %dma_wait3A_373 = tpu.memref_slice %arg3[%dma_wait3A_368, %add3A_346] : memref<2x320000xi32, #tpu.memory_space<hbm>> -> memref<1x128xi32, #tpu.memory_space<hbm>>
    %dma_wait3A_374 = tpu.memref_squeeze %dma_wait3A_373 : memref<1x128xi32, #tpu.memory_space<hbm>> -> memref<128xi32, #tpu.memory_space<hbm>>
    %dma_wait3A_375 = arith.constant 0 : i32
    %dma_wait3A_376 = tpu.memref_slice %arg12[%dma_wait3A_369, %dma_wait3A_375] : memref<2x128xi32, #tpu.memory_space<vmem>> -> memref<1x128xi32, #tpu.memory_space<vmem>>
    %dma_wait3A_377 = tpu.memref_squeeze %dma_wait3A_376 : memref<1x128xi32, #tpu.memory_space<vmem>> -> memref<128xi32, #tpu.memory_space<vmem>>
    %dma_wait3A_378 = tpu.memref_slice %arg3[%dma_wait3A_368, %add3A_346] : memref<2x320000xi32, #tpu.memory_space<hbm>> -> memref<1x128xi32, #tpu.memory_space<hbm>>
    %dma_wait3A_379 = tpu.memref_squeeze %dma_wait3A_378 : memref<1x128xi32, #tpu.memory_space<hbm>> -> memref<128xi32, #tpu.memory_space<hbm>>
    tpu.wait_dma2 semaphore(%arg19 : memref<!tpu.dma_semaphore, #tpu.memory_space<semaphore_mem>>) src(%dma_wait3A_379 : memref<128xi32, #tpu.memory_space<hbm>>) dst(%dma_wait3A_377 : memref<128xi32, #tpu.memory_space<vmem>>)
    %get3A_380 = arith.constant 1 : i32
    %get3A_381 = arith.index_cast %get3A_380 : i32 to index
    %get3A_382 = arith.constant 0 : index
    %get3A_383 = tpu.vector_load %arg8[%get3A_381, %get3A_382] {strides = array<i32>} : memref<2x128xi32, #tpu.memory_space<vmem>>, vector<1x16xi32>,
    %get3A_384 = vector.shape_cast %get3A_383 : vector<1x16xi32> to vector<16xi32>
    %mul3A_385 = arith.constant 10000 : i32
    %mul3A_386 = vector.broadcast %mul3A_385 : i32 to vector<16xi32>
    %mul3A_387 = arith.muli %get3A_384, %mul3A_386 : vector<16xi32>
    %get3A_388 = arith.constant 0 : i32
    %get3A_389 = arith.index_cast %get3A_388 : i32 to index
    %get3A_390 = arith.constant 0 : index
    %get3A_391 = tpu.vector_load %arg8[%get3A_389, %get3A_390] {strides = array<i32>} : memref<2x128xi32, #tpu.memory_space<vmem>>, vector<1x16xi32>,
    %get3A_392 = vector.shape_cast %get3A_391 : vector<1x16xi32> to vector<16xi32>
    %add3A_393 = arith.addi %mul3A_387, %get3A_392 : vector<16xi32>
    %swap3A_394 = arith.constant 0 : i32
    %swap3A_395 = arith.index_cast %swap3A_394 : i32 to index
    %swap3A_396 = arith.constant 0 : index
    %swap3A_397 = tpu.vector_load %arg12[%swap3A_395, %swap3A_396] {strides = array<i32>} : memref<2x128xi32, #tpu.memory_space<vmem>>, vector<1x16xi32>,
    %swap3A_398 = vector.shape_cast %swap3A_397 : vector<1x16xi32> to vector<16xi32>
    %swap3A_399 = vector.shape_cast %add3A_393 : vector<16xi32> to vector<1x16xi32>
    tpu.vector_store %arg12[%swap3A_395, %swap3A_396], %swap3A_399 {strides = array<i32>} : memref<2x128xi32, #tpu.memory_space<vmem>>, vector<1x16xi32>,
    %get3A_400 = arith.constant 1 : i32
    %get3A_401 = arith.index_cast %get3A_400 : i32 to index
    %get3A_402 = arith.constant 16 : index
    %get3A_403 = tpu.vector_load %arg8[%get3A_401, %get3A_402] {strides = array<i32>} : memref<2x128xi32, #tpu.memory_space<vmem>>, vector<1x16xi32>,
    %get3A_404 = vector.shape_cast %get3A_403 : vector<1x16xi32> to vector<16xi32>
    %mul3A_405 = arith.constant 10000 : i32
    %mul3A_406 = vector.broadcast %mul3A_405 : i32 to vector<16xi32>
    %mul3A_407 = arith.muli %get3A_404, %mul3A_406 : vector<16xi32>
    %get3A_408 = arith.constant 0 : i32
    %get3A_409 = arith.index_cast %get3A_408 : i32 to index
    %get3A_410 = arith.constant 16 : index
    %get3A_411 = tpu.vector_load %arg8[%get3A_409, %get3A_410] {strides = array<i32>} : memref<2x128xi32, #tpu.memory_space<vmem>>, vector<1x16xi32>,
    %get3A_412 = vector.shape_cast %get3A_411 : vector<1x16xi32> to vector<16xi32>
    %add3A_413 = arith.addi %mul3A_407, %get3A_412 : vector<16xi32>
    %swap3A_414 = arith.constant 0 : i32
    %swap3A_415 = arith.index_cast %swap3A_414 : i32 to index
    %swap3A_416 = arith.constant 16 : index
    %swap3A_417 = tpu.vector_load %arg12[%swap3A_415, %swap3A_416] {strides = array<i32>} : memref<2x128xi32, #tpu.memory_space<vmem>>, vector<1x16xi32>,
    %swap3A_418 = vector.shape_cast %swap3A_417 : vector<1x16xi32> to vector<16xi32>
    %swap3A_419 = vector.shape_cast %add3A_413 : vector<16xi32> to vector<1x16xi32>
    tpu.vector_store %arg12[%swap3A_415, %swap3A_416], %swap3A_419 {strides = array<i32>} : memref<2x128xi32, #tpu.memory_space<vmem>>, vector<1x16xi32>,
    %get3A_420 = arith.constant 1 : i32
    %get3A_421 = arith.index_cast %get3A_420 : i32 to index
    %get3A_422 = arith.constant 32 : index
    %get3A_423 = tpu.vector_load %arg8[%get3A_421, %get3A_422] {strides = array<i32>} : memref<2x128xi32, #tpu.memory_space<vmem>>, vector<1x16xi32>,
    %get3A_424 = vector.shape_cast %get3A_423 : vector<1x16xi32> to vector<16xi32>
    %mul3A_425 = arith.constant 10000 : i32
    %mul3A_426 = vector.broadcast %mul3A_425 : i32 to vector<16xi32>
    %mul3A_427 = arith.muli %get3A_424, %mul3A_426 : vector<16xi32>
    %get3A_428 = arith.constant 0 : i32
    %get3A_429 = arith.index_cast %get3A_428 : i32 to index
    %get3A_430 = arith.constant 32 : index
    %get3A_431 = tpu.vector_load %arg8[%get3A_429, %get3A_430] {strides = array<i32>} : memref<2x128xi32, #tpu.memory_space<vmem>>, vector<1x16xi32>,
    %get3A_432 = vector.shape_cast %get3A_431 : vector<1x16xi32> to vector<16xi32>
    %add3A_433 = arith.addi %mul3A_427, %get3A_432 : vector<16xi32>
    %swap3A_434 = arith.constant 0 : i32
    %swap3A_435 = arith.index_cast %swap3A_434 : i32 to index
    %swap3A_436 = arith.constant 32 : index
    %swap3A_437 = tpu.vector_load %arg12[%swap3A_435, %swap3A_436] {strides = array<i32>} : memref<2x128xi32, #tpu.memory_space<vmem>>, vector<1x16xi32>,
    %swap3A_438 = vector.shape_cast %swap3A_437 : vector<1x16xi32> to vector<16xi32>
    %swap3A_439 = vector.shape_cast %add3A_433 : vector<16xi32> to vector<1x16xi32>
    tpu.vector_store %arg12[%swap3A_435, %swap3A_436], %swap3A_439 {strides = array<i32>} : memref<2x128xi32, #tpu.memory_space<vmem>>, vector<1x16xi32>,
    %get3A_440 = arith.constant 1 : i32
    %get3A_441 = arith.index_cast %get3A_440 : i32 to index
    %get3A_442 = arith.constant 48 : index
    %get3A_443 = tpu.vector_load %arg8[%get3A_441, %get3A_442] {strides = array<i32>} : memref<2x128xi32, #tpu.memory_space<vmem>>, vector<1x16xi32>,
    %get3A_444 = vector.shape_cast %get3A_443 : vector<1x16xi32> to vector<16xi32>
    %mul3A_445 = arith.constant 10000 : i32
    %mul3A_446 = vector.broadcast %mul3A_445 : i32 to vector<16xi32>
    %mul3A_447 = arith.muli %get3A_444, %mul3A_446 : vector<16xi32>
    %get3A_448 = arith.constant 0 : i32
    %get3A_449 = arith.index_cast %get3A_448 : i32 to index
    %get3A_450 = arith.constant 48 : index
    %get3A_451 = tpu.vector_load %arg8[%get3A_449, %get3A_450] {strides = array<i32>} : memref<2x128xi32, #tpu.memory_space<vmem>>, vector<1x16xi32>,
    %get3A_452 = vector.shape_cast %get3A_451 : vector<1x16xi32> to vector<16xi32>
    %add3A_453 = arith.addi %mul3A_447, %get3A_452 : vector<16xi32>
    %swap3A_454 = arith.constant 0 : i32
    %swap3A_455 = arith.index_cast %swap3A_454 : i32 to index
    %swap3A_456 = arith.constant 48 : index
    %swap3A_457 = tpu.vector_load %arg12[%swap3A_455, %swap3A_456] {strides = array<i32>} : memref<2x128xi32, #tpu.memory_space<vmem>>, vector<1x16xi32>,
    %swap3A_458 = vector.shape_cast %swap3A_457 : vector<1x16xi32> to vector<16xi32>
    %swap3A_459 = vector.shape_cast %add3A_453 : vector<16xi32> to vector<1x16xi32>
    tpu.vector_store %arg12[%swap3A_455, %swap3A_456], %swap3A_459 {strides = array<i32>} : memref<2x128xi32, #tpu.memory_space<vmem>>, vector<1x16xi32>,
    %get3A_460 = arith.constant 1 : i32
    %get3A_461 = arith.index_cast %get3A_460 : i32 to index
    %get3A_462 = arith.constant 64 : index
    %get3A_463 = tpu.vector_load %arg8[%get3A_461, %get3A_462] {strides = array<i32>} : memref<2x128xi32, #tpu.memory_space<vmem>>, vector<1x16xi32>,
    %get3A_464 = vector.shape_cast %get3A_463 : vector<1x16xi32> to vector<16xi32>
    %mul3A_465 = arith.constant 10000 : i32
    %mul3A_466 = vector.broadcast %mul3A_465 : i32 to vector<16xi32>
    %mul3A_467 = arith.muli %get3A_464, %mul3A_466 : vector<16xi32>
    %get3A_468 = arith.constant 0 : i32
    %get3A_469 = arith.index_cast %get3A_468 : i32 to index
    %get3A_470 = arith.constant 64 : index
    %get3A_471 = tpu.vector_load %arg8[%get3A_469, %get3A_470] {strides = array<i32>} : memref<2x128xi32, #tpu.memory_space<vmem>>, vector<1x16xi32>,
    %get3A_472 = vector.shape_cast %get3A_471 : vector<1x16xi32> to vector<16xi32>
    %add3A_473 = arith.addi %mul3A_467, %get3A_472 : vector<16xi32>
    %swap3A_474 = arith.constant 0 : i32
    %swap3A_475 = arith.index_cast %swap3A_474 : i32 to index
    %swap3A_476 = arith.constant 64 : index
    %swap3A_477 = tpu.vector_load %arg12[%swap3A_475, %swap3A_476] {strides = array<i32>} : memref<2x128xi32, #tpu.memory_space<vmem>>, vector<1x16xi32>,
    %swap3A_478 = vector.shape_cast %swap3A_477 : vector<1x16xi32> to vector<16xi32>
    %swap3A_479 = vector.shape_cast %add3A_473 : vector<16xi32> to vector<1x16xi32>
    tpu.vector_store %arg12[%swap3A_475, %swap3A_476], %swap3A_479 {strides = array<i32>} : memref<2x128xi32, #tpu.memory_space<vmem>>, vector<1x16xi32>,
    %get3A_480 = arith.constant 1 : i32
    %get3A_481 = arith.index_cast %get3A_480 : i32 to index
    %get3A_482 = arith.constant 80 : index
    %get3A_483 = tpu.vector_load %arg8[%get3A_481, %get3A_482] {strides = array<i32>} : memref<2x128xi32, #tpu.memory_space<vmem>>, vector<1x16xi32>,
    %get3A_484 = vector.shape_cast %get3A_483 : vector<1x16xi32> to vector<16xi32>
    %mul3A_485 = arith.constant 10000 : i32
    %mul3A_486 = vector.broadcast %mul3A_485 : i32 to vector<16xi32>
    %mul3A_487 = arith.muli %get3A_484, %mul3A_486 : vector<16xi32>
    %get3A_488 = arith.constant 0 : i32
    %get3A_489 = arith.index_cast %get3A_488 : i32 to index
    %get3A_490 = arith.constant 80 : index
    %get3A_491 = tpu.vector_load %arg8[%get3A_489, %get3A_490] {strides = array<i32>} : memref<2x128xi32, #tpu.memory_space<vmem>>, vector<1x16xi32>,
    %get3A_492 = vector.shape_cast %get3A_491 : vector<1x16xi32> to vector<16xi32>
    %add3A_493 = arith.addi %mul3A_487, %get3A_492 : vector<16xi32>
    %swap3A_494 = arith.constant 0 : i32
    %swap3A_495 = arith.index_cast %swap3A_494 : i32 to index
    %swap3A_496 = arith.constant 80 : index
    %swap3A_497 = tpu.vector_load %arg12[%swap3A_495, %swap3A_496] {strides = array<i32>} : memref<2x128xi32, #tpu.memory_space<vmem>>, vector<1x16xi32>,
    %swap3A_498 = vector.shape_cast %swap3A_497 : vector<1x16xi32> to vector<16xi32>
    %swap3A_499 = vector.shape_cast %add3A_493 : vector<16xi32> to vector<1x16xi32>
    tpu.vector_store %arg12[%swap3A_495, %swap3A_496], %swap3A_499 {strides = array<i32>} : memref<2x128xi32, #tpu.memory_space<vmem>>, vector<1x16xi32>,
    %get3A_500 = arith.constant 1 : i32
    %get3A_501 = arith.index_cast %get3A_500 : i32 to index
    %get3A_502 = arith.constant 96 : index
    %get3A_503 = tpu.vector_load %arg8[%get3A_501, %get3A_502] {strides = array<i32>} : memref<2x128xi32, #tpu.memory_space<vmem>>, vector<1x16xi32>,
    %get3A_504 = vector.shape_cast %get3A_503 : vector<1x16xi32> to vector<16xi32>
    %mul3A_505 = arith.constant 10000 : i32
    %mul3A_506 = vector.broadcast %mul3A_505 : i32 to vector<16xi32>
    %mul3A_507 = arith.muli %get3A_504, %mul3A_506 : vector<16xi32>
    %get3A_508 = arith.constant 0 : i32
    %get3A_509 = arith.index_cast %get3A_508 : i32 to index
    %get3A_510 = arith.constant 96 : index
    %get3A_511 = tpu.vector_load %arg8[%get3A_509, %get3A_510] {strides = array<i32>} : memref<2x128xi32, #tpu.memory_space<vmem>>, vector<1x16xi32>,
    %get3A_512 = vector.shape_cast %get3A_511 : vector<1x16xi32> to vector<16xi32>
    %add3A_513 = arith.addi %mul3A_507, %get3A_512 : vector<16xi32>
    %swap3A_514 = arith.constant 0 : i32
    %swap3A_515 = arith.index_cast %swap3A_514 : i32 to index
    %swap3A_516 = arith.constant 96 : index
    %swap3A_517 = tpu.vector_load %arg12[%swap3A_515, %swap3A_516] {strides = array<i32>} : memref<2x128xi32, #tpu.memory_space<vmem>>, vector<1x16xi32>,
    %swap3A_518 = vector.shape_cast %swap3A_517 : vector<1x16xi32> to vector<16xi32>
    %swap3A_519 = vector.shape_cast %add3A_513 : vector<16xi32> to vector<1x16xi32>
    tpu.vector_store %arg12[%swap3A_515, %swap3A_516], %swap3A_519 {strides = array<i32>} : memref<2x128xi32, #tpu.memory_space<vmem>>, vector<1x16xi32>,
    %get3A_520 = arith.constant 1 : i32
    %get3A_521 = arith.index_cast %get3A_520 : i32 to index
    %get3A_522 = arith.constant 112 : index
    %get3A_523 = tpu.vector_load %arg8[%get3A_521, %get3A_522] {strides = array<i32>} : memref<2x128xi32, #tpu.memory_space<vmem>>, vector<1x16xi32>,
    %get3A_524 = vector.shape_cast %get3A_523 : vector<1x16xi32> to vector<16xi32>
    %mul3A_525 = arith.constant 10000 : i32
    %mul3A_526 = vector.broadcast %mul3A_525 : i32 to vector<16xi32>
    %mul3A_527 = arith.muli %get3A_524, %mul3A_526 : vector<16xi32>
    %get3A_528 = arith.constant 0 : i32
    %get3A_529 = arith.index_cast %get3A_528 : i32 to index
    %get3A_530 = arith.constant 112 : index
    %get3A_531 = tpu.vector_load %arg8[%get3A_529, %get3A_530] {strides = array<i32>} : memref<2x128xi32, #tpu.memory_space<vmem>>, vector<1x16xi32>,
    %get3A_532 = vector.shape_cast %get3A_531 : vector<1x16xi32> to vector<16xi32>
    %add3A_533 = arith.addi %mul3A_527, %get3A_532 : vector<16xi32>
    %swap3A_534 = arith.constant 0 : i32
    %swap3A_535 = arith.index_cast %swap3A_534 : i32 to index
    %swap3A_536 = arith.constant 112 : index
    %swap3A_537 = tpu.vector_load %arg12[%swap3A_535, %swap3A_536] {strides = array<i32>} : memref<2x128xi32, #tpu.memory_space<vmem>>, vector<1x16xi32>,
    %swap3A_538 = vector.shape_cast %swap3A_537 : vector<1x16xi32> to vector<16xi32>
    %swap3A_539 = vector.shape_cast %add3A_533 : vector<16xi32> to vector<1x16xi32>
    tpu.vector_store %arg12[%swap3A_535, %swap3A_536], %swap3A_539 {strides = array<i32>} : memref<2x128xi32, #tpu.memory_space<vmem>>, vector<1x16xi32>,
    %dma_start3A_540 = arith.constant 0 : i32
    %dma_start3A_541 = arith.constant 0 : i32
    %dma_start3A_542 = tpu.memref_slice %arg12[%dma_start3A_540, %dma_start3A_541] : memref<2x128xi32, #tpu.memory_space<vmem>> -> memref<1x128xi32, #tpu.memory_space<vmem>>
    %dma_start3A_543 = tpu.memref_squeeze %dma_start3A_542 : memref<1x128xi32, #tpu.memory_space<vmem>> -> memref<128xi32, #tpu.memory_space<vmem>>
    %dma_start3A_544 = arith.constant 0 : i32
    %dma_start3A_545 = arith.constant 0 : i32
    %dma_start3A_546 = tpu.memref_slice %arg2[%dma_start3A_544, %dma_start3A_545] : memref<320000x128xf32, #tpu.memory_space<hbm>> -> memref<320000x128xf32, #tpu.memory_space<hbm>>
    tpu.enqueue_indirect_dma source(%dma_start3A_546 : memref<320000x128xf32, #tpu.memory_space<hbm>>) target(%arg16 : memref<128x128xf32, #tpu.memory_space<vmem>>) offsets(%dma_start3A_543 : memref<128xi32, #tpu.memory_space<vmem>>) semaphore(%arg23 : memref<!tpu.dma_semaphore, #tpu.memory_space<semaphore_mem>>)
    %jit3A_547 = arith.constant 4 : i32
    %div3A = arith.divsi %select_n3A, %jit3A_547 : i32
    %sign3A = arith.constant 0 : i32
    %sign3A_548 = arith.cmpi sgt, %select_n3A, %sign3A : i32
    %sign3A_549 = arith.extui %sign3A_548 : i1 to i32
    %sign3A_550 = arith.constant 0 : i32
    %sign3A_551 = arith.cmpi slt, %select_n3A, %sign3A_550 : i32
    %sign3A_552 = arith.extui %sign3A_551 : i1 to i32
    %sign3A_553 = arith.subi %sign3A_549, %sign3A_552 : i32
    %sign3A_554 = arith.constant 0 : i32
    %sign3A_555 = arith.cmpi sgt, %jit3A_547, %sign3A_554 : i32
    %sign3A_556 = arith.extui %sign3A_555 : i1 to i32
    %sign3A_557 = arith.constant 0 : i32
    %sign3A_558 = arith.cmpi slt, %jit3A_547, %sign3A_557 : i32
    %sign3A_559 = arith.extui %sign3A_558 : i1 to i32
    %sign3A_560 = arith.subi %sign3A_556, %sign3A_559 : i32
    %ne3A = arith.cmpi ne, %sign3A_553, %sign3A_560 : i32
    %rem3A = arith.remsi %select_n3A, %jit3A_547 : i32
    %ne3A_561 = arith.constant 0 : i32
    %ne3A_562 = arith.cmpi ne, %rem3A, %ne3A_561 : i32
    %and3A = arith.andi %ne3A, %ne3A_562 : i1
    %sub3A = arith.constant 1 : i32
    %sub3A_563 = arith.subi %div3A, %sub3A : i32
    %select_n3A_564 = arith.select %and3A, %sub3A_563, %div3A : i32
    %while3A = arith.constant 0 : i32
    %while3A_565 = arith.constant 0 : i32
    %while3A_566 = arith.subi %select_n3A_564, %while3A_565 : i32
    %while3A_567 = arith.addi %while3A_565, %while3A_566 : i32
    %while3A_568 = arith.constant 1 : i32
    %while3A_569 = arith.divsi %while3A_566, %while3A_568 : i32
    %while3A_570 = arith.muli %while3A_569, %while3A_568 : i32
    %while3A_571 = arith.addi %while3A_565, %while3A_570 : i32
    %while3A_572 = arith.constant 1 : i32
    scf.for %while3A_575 = %while3A_565 to %while3A_571 step %while3A_572  : i32 {
      %mul3A_576 = arith.constant 4 : i32
      %mul3A_577 = arith.muli %while3A_575, %mul3A_576 : i32
      %add3A_578 = arith.constant 0 : i32
      %add3A_579 = arith.addi %mul3A_577, %add3A_578 : i32
      %dma_wait3A_580 = arith.constant 0 : i32
      %dma_wait3A_581 = arith.constant 0 : i32
      %dma_wait3A_582 = tpu.memref_slice %arg11[%dma_wait3A_580, %dma_wait3A_581] : memref<2x128xi32, #tpu.memory_space<vmem>> -> memref<1x128xi32, #tpu.memory_space<vmem>>
      %dma_wait3A_583 = tpu.memref_squeeze %dma_wait3A_582 : memref<1x128xi32, #tpu.memory_space<vmem>> -> memref<128xi32, #tpu.memory_space<vmem>>
      %dma_wait3A_584 = arith.constant 0 : i32
      %dma_wait3A_585 = arith.constant 0 : i32
      %dma_wait3A_586 = tpu.memref_slice %arg2[%dma_wait3A_584, %dma_wait3A_585] : memref<320000x128xf32, #tpu.memory_space<hbm>> -> memref<320000x128xf32, #tpu.memory_space<hbm>>
      tpu.wait_indirect_dma semaphore(%arg22 : memref<!tpu.dma_semaphore, #tpu.memory_space<semaphore_mem>>) src(%dma_wait3A_586 : memref<320000x128xf32, #tpu.memory_space<hbm>>) dst(%arg15 : memref<128x128xf32, #tpu.memory_space<vmem>>)
      %run_scoped3A = arith.constant 1 : i32
      "tpu.region"() ({
        %run_scoped3A_668 = tpu.sem_alloc : memref<!tpu.dma_semaphore, #tpu.memory_space<semaphore_mem>>
        %dma_start3A_669 = arith.constant 0 : i32
        %dma_start3A_670 = tpu.memref_slice %arg11[%run_scoped3A, %dma_start3A_669] : memref<2x128xi32, #tpu.memory_space<vmem>> -> memref<1x128xi32, #tpu.memory_space<vmem>>
        %dma_start3A_671 = tpu.memref_squeeze %dma_start3A_670 : memref<1x128xi32, #tpu.memory_space<vmem>> -> memref<128xi32, #tpu.memory_space<vmem>>
        %dma_start3A_672 = arith.constant 0 : i32
        %dma_start3A_673 = arith.constant 0 : i32
        %dma_start3A_674 = tpu.memref_slice %arg17[%dma_start3A_672, %dma_start3A_673] : memref<10240x128xf32, #tpu.memory_space<vmem_shared>> -> memref<10240x128xf32, #tpu.memory_space<vmem_shared>>
        tpu.enqueue_indirect_dma source(%arg15 : memref<128x128xf32, #tpu.memory_space<vmem>>) target(%dma_start3A_674 : memref<10240x128xf32, #tpu.memory_space<vmem_shared>>) offsets(%dma_start3A_671 : memref<128xi32, #tpu.memory_space<vmem>>) semaphore(%run_scoped3A_668 : memref<!tpu.dma_semaphore, #tpu.memory_space<semaphore_mem>>) {add = true}
        %dma_wait3A_675 = arith.constant 0 : i32
        %dma_wait3A_676 = tpu.memref_slice %arg11[%run_scoped3A, %dma_wait3A_675] : memref<2x128xi32, #tpu.memory_space<vmem>> -> memref<1x128xi32, #tpu.memory_space<vmem>>
        %dma_wait3A_677 = tpu.memref_squeeze %dma_wait3A_676 : memref<1x128xi32, #tpu.memory_space<vmem>> -> memref<128xi32, #tpu.memory_space<vmem>>
        %dma_wait3A_678 = arith.constant 0 : i32
        %dma_wait3A_679 = arith.constant 0 : i32
        %dma_wait3A_680 = tpu.memref_slice %arg17[%dma_wait3A_678, %dma_wait3A_679] : memref<10240x128xf32, #tpu.memory_space<vmem_shared>> -> memref<10240x128xf32, #tpu.memory_space<vmem_shared>>
        tpu.wait_indirect_dma semaphore(%run_scoped3A_668 : memref<!tpu.dma_semaphore, #tpu.memory_space<semaphore_mem>>) src(%arg15 : memref<128x128xf32, #tpu.memory_space<vmem>>) dst(%dma_wait3A_680 : memref<10240x128xf32, #tpu.memory_space<vmem_shared>>)
        tpu.yield
      }) : () -> ()
      %add3A_587 = arith.constant 4 : i32
      %add3A_588 = arith.addi %add3A_579, %add3A_587 : i32
      %lt3A = arith.cmpi slt, %add3A_588, %select_n3A : i32
      %convert_element_type3A = arith.extui %lt3A : i1 to i32
      %cond3A = arith.constant 0 : i32
      %cond3A_589 = arith.cmpi ne, %convert_element_type3A, %cond3A : i32
      scf.if %cond3A_589 {
        %add3A_668 = arith.constant 4 : i32
        %add3A_669 = arith.addi %add3A_579, %add3A_668 : i32
        %mul3A_670 = arith.constant 128 : i32
        %mul3A_671 = arith.muli %add3A_669, %mul3A_670 : i32
        %add3A_672 = arith.addi %mul3A_2, %mul3A_671 : i32
        %dma_start3A_673 = arith.constant 0 : i32
        %dma_start3A_674 = arith.constant 0 : i32
        %dma_start3A_675 = arith.constant 0 : i32
        %dma_start3A_676 = tpu.memref_slice %arg7[%dma_start3A_674, %dma_start3A_675] : memref<2x128xi32, #tpu.memory_space<vmem>> -> memref<1x128xi32, #tpu.memory_space<vmem>>
        %dma_start3A_677 = tpu.memref_squeeze %dma_start3A_676 : memref<1x128xi32, #tpu.memory_space<vmem>> -> memref<128xi32, #tpu.memory_space<vmem>>
        %dma_start3A_678 = tpu.memref_slice %arg3[%dma_start3A_673, %add3A_672] : memref<2x320000xi32, #tpu.memory_space<hbm>> -> memref<1x128xi32, #tpu.memory_space<hbm>>
        %dma_start3A_679 = tpu.memref_squeeze %dma_start3A_678 : memref<1x128xi32, #tpu.memory_space<hbm>> -> memref<128xi32, #tpu.memory_space<hbm>>
        %dma_start3A_680 = arith.constant 0 : i32
        %dma_start3A_681 = tpu.memref_slice %arg7[%dma_start3A_674, %dma_start3A_680] : memref<2x128xi32, #tpu.memory_space<vmem>> -> memref<1x128xi32, #tpu.memory_space<vmem>>
        %dma_start3A_682 = tpu.memref_squeeze %dma_start3A_681 : memref<1x128xi32, #tpu.memory_space<vmem>> -> memref<128xi32, #tpu.memory_space<vmem>>
        %dma_start3A_683 = tpu.memref_slice %arg3[%dma_start3A_673, %add3A_672] : memref<2x320000xi32, #tpu.memory_space<hbm>> -> memref<1x128xi32, #tpu.memory_space<hbm>>
        %dma_start3A_684 = tpu.memref_squeeze %dma_start3A_683 : memref<1x128xi32, #tpu.memory_space<hbm>> -> memref<128xi32, #tpu.memory_space<hbm>>
        tpu.enqueue_dma source(%dma_start3A_684 : memref<128xi32, #tpu.memory_space<hbm>>) target(%dma_start3A_682 : memref<128xi32, #tpu.memory_space<vmem>>) target_semaphore(%arg18 : memref<!tpu.dma_semaphore, #tpu.memory_space<semaphore_mem>>)
        %dma_start3A_685 = arith.constant 1 : i32
        %dma_start3A_686 = arith.constant 0 : i32
        %dma_start3A_687 = tpu.memref_slice %arg7[%dma_start3A_685, %dma_start3A_686] : memref<2x128xi32, #tpu.memory_space<vmem>> -> memref<1x128xi32, #tpu.memory_space<vmem>>
        %dma_start3A_688 = tpu.memref_squeeze %dma_start3A_687 : memref<1x128xi32, #tpu.memory_space<vmem>> -> memref<128xi32, #tpu.memory_space<vmem>>
        %dma_start3A_689 = tpu.memref_slice %arg4[%add3A_672] : memref<320000xi32, #tpu.memory_space<hbm>> -> memref<128xi32, #tpu.memory_space<hbm>>
        %dma_start3A_690 = arith.constant 0 : i32
        %dma_start3A_691 = tpu.memref_slice %arg7[%dma_start3A_685, %dma_start3A_690] : memref<2x128xi32, #tpu.memory_space<vmem>> -> memref<1x128xi32, #tpu.memory_space<vmem>>
        %dma_start3A_692 = tpu.memref_squeeze %dma_start3A_691 : memref<1x128xi32, #tpu.memory_space<vmem>> -> memref<128xi32, #tpu.memory_space<vmem>>
        %dma_start3A_693 = tpu.memref_slice %arg4[%add3A_672] : memref<320000xi32, #tpu.memory_space<hbm>> -> memref<128xi32, #tpu.memory_space<hbm>>
        tpu.enqueue_dma source(%dma_start3A_693 : memref<128xi32, #tpu.memory_space<hbm>>) target(%dma_start3A_692 : memref<128xi32, #tpu.memory_space<vmem>>) target_semaphore(%arg18 : memref<!tpu.dma_semaphore, #tpu.memory_space<semaphore_mem>>)
        %dma_start3A_694 = arith.constant 1 : i32
        %dma_start3A_695 = arith.constant 1 : i32
        %dma_start3A_696 = arith.constant 0 : i32
        %dma_start3A_697 = tpu.memref_slice %arg11[%dma_start3A_695, %dma_start3A_696] : memref<2x128xi32, #tpu.memory_space<vmem>> -> memref<1x128xi32, #tpu.memory_space<vmem>>
        %dma_start3A_698 = tpu.memref_squeeze %dma_start3A_697 : memref<1x128xi32, #tpu.memory_space<vmem>> -> memref<128xi32, #tpu.memory_space<vmem>>
        %dma_start3A_699 = tpu.memref_slice %arg3[%dma_start3A_694, %add3A_672] : memref<2x320000xi32, #tpu.memory_space<hbm>> -> memref<1x128xi32, #tpu.memory_space<hbm>>
        %dma_start3A_700 = tpu.memref_squeeze %dma_start3A_699 : memref<1x128xi32, #tpu.memory_space<hbm>> -> memref<128xi32, #tpu.memory_space<hbm>>
        %dma_start3A_701 = arith.constant 0 : i32
        %dma_start3A_702 = tpu.memref_slice %arg11[%dma_start3A_695, %dma_start3A_701] : memref<2x128xi32, #tpu.memory_space<vmem>> -> memref<1x128xi32, #tpu.memory_space<vmem>>
        %dma_start3A_703 = tpu.memref_squeeze %dma_start3A_702 : memref<1x128xi32, #tpu.memory_space<vmem>> -> memref<128xi32, #tpu.memory_space<vmem>>
        %dma_start3A_704 = tpu.memref_slice %arg3[%dma_start3A_694, %add3A_672] : memref<2x320000xi32, #tpu.memory_space<hbm>> -> memref<1x128xi32, #tpu.memory_space<hbm>>
        %dma_start3A_705 = tpu.memref_squeeze %dma_start3A_704 : memref<1x128xi32, #tpu.memory_space<hbm>> -> memref<128xi32, #tpu.memory_space<hbm>>
        tpu.enqueue_dma source(%dma_start3A_705 : memref<128xi32, #tpu.memory_space<hbm>>) target(%dma_start3A_703 : memref<128xi32, #tpu.memory_space<vmem>>) target_semaphore(%arg18 : memref<!tpu.dma_semaphore, #tpu.memory_space<semaphore_mem>>)
      } else {
      }
      %add3A_590 = arith.constant 2 : i32
      %add3A_591 = arith.addi %add3A_579, %add3A_590 : i32
      %lt3A_592 = arith.cmpi slt, %add3A_591, %select_n3A : i32
      %convert_element_type3A_593 = arith.extui %lt3A_592 : i1 to i32
      %cond3A_594 = arith.constant 0 : i32
      %cond3A_595 = arith.cmpi ne, %convert_element_type3A_593, %cond3A_594 : i32
      scf.if %cond3A_595 {
        %add3A_668 = arith.constant 2 : i32
        %add3A_669 = arith.addi %add3A_579, %add3A_668 : i32
        %mul3A_670 = arith.constant 128 : i32
        %mul3A_671 = arith.muli %add3A_669, %mul3A_670 : i32
        %add3A_672 = arith.addi %mul3A_2, %mul3A_671 : i32
        %dma_wait3A_673 = arith.constant 0 : i32
        %dma_wait3A_674 = arith.constant 0 : i32
        %dma_wait3A_675 = arith.constant 0 : i32
        %dma_wait3A_676 = tpu.memref_slice %arg9[%dma_wait3A_674, %dma_wait3A_675] : memref<2x128xi32, #tpu.memory_space<vmem>> -> memref<1x128xi32, #tpu.memory_space<vmem>>
        %dma_wait3A_677 = tpu.memref_squeeze %dma_wait3A_676 : memref<1x128xi32, #tpu.memory_space<vmem>> -> memref<128xi32, #tpu.memory_space<vmem>>
        %dma_wait3A_678 = tpu.memref_slice %arg3[%dma_wait3A_673, %add3A_672] : memref<2x320000xi32, #tpu.memory_space<hbm>> -> memref<1x128xi32, #tpu.memory_space<hbm>>
        %dma_wait3A_679 = tpu.memref_squeeze %dma_wait3A_678 : memref<1x128xi32, #tpu.memory_space<hbm>> -> memref<128xi32, #tpu.memory_space<hbm>>
        %dma_wait3A_680 = arith.constant 0 : i32
        %dma_wait3A_681 = tpu.memref_slice %arg9[%dma_wait3A_674, %dma_wait3A_680] : memref<2x128xi32, #tpu.memory_space<vmem>> -> memref<1x128xi32, #tpu.memory_space<vmem>>
        %dma_wait3A_682 = tpu.memref_squeeze %dma_wait3A_681 : memref<1x128xi32, #tpu.memory_space<vmem>> -> memref<128xi32, #tpu.memory_space<vmem>>
        %dma_wait3A_683 = tpu.memref_slice %arg3[%dma_wait3A_673, %add3A_672] : memref<2x320000xi32, #tpu.memory_space<hbm>> -> memref<1x128xi32, #tpu.memory_space<hbm>>
        %dma_wait3A_684 = tpu.memref_squeeze %dma_wait3A_683 : memref<1x128xi32, #tpu.memory_space<hbm>> -> memref<128xi32, #tpu.memory_space<hbm>>
        tpu.wait_dma2 semaphore(%arg20 : memref<!tpu.dma_semaphore, #tpu.memory_space<semaphore_mem>>) src(%dma_wait3A_684 : memref<128xi32, #tpu.memory_space<hbm>>) dst(%dma_wait3A_682 : memref<128xi32, #tpu.memory_space<vmem>>)
        %dma_wait3A_685 = arith.constant 1 : i32
        %dma_wait3A_686 = arith.constant 0 : i32
        %dma_wait3A_687 = tpu.memref_slice %arg9[%dma_wait3A_685, %dma_wait3A_686] : memref<2x128xi32, #tpu.memory_space<vmem>> -> memref<1x128xi32, #tpu.memory_space<vmem>>
        %dma_wait3A_688 = tpu.memref_squeeze %dma_wait3A_687 : memref<1x128xi32, #tpu.memory_space<vmem>> -> memref<128xi32, #tpu.memory_space<vmem>>
        %dma_wait3A_689 = tpu.memref_slice %arg4[%add3A_672] : memref<320000xi32, #tpu.memory_space<hbm>> -> memref<128xi32, #tpu.memory_space<hbm>>
        %dma_wait3A_690 = arith.constant 0 : i32
        %dma_wait3A_691 = tpu.memref_slice %arg9[%dma_wait3A_685, %dma_wait3A_690] : memref<2x128xi32, #tpu.memory_space<vmem>> -> memref<1x128xi32, #tpu.memory_space<vmem>>
        %dma_wait3A_692 = tpu.memref_squeeze %dma_wait3A_691 : memref<1x128xi32, #tpu.memory_space<vmem>> -> memref<128xi32, #tpu.memory_space<vmem>>
        %dma_wait3A_693 = tpu.memref_slice %arg4[%add3A_672] : memref<320000xi32, #tpu.memory_space<hbm>> -> memref<128xi32, #tpu.memory_space<hbm>>
        tpu.wait_dma2 semaphore(%arg20 : memref<!tpu.dma_semaphore, #tpu.memory_space<semaphore_mem>>) src(%dma_wait3A_693 : memref<128xi32, #tpu.memory_space<hbm>>) dst(%dma_wait3A_692 : memref<128xi32, #tpu.memory_space<vmem>>)
        %dma_wait3A_694 = arith.constant 1 : i32
        %dma_wait3A_695 = arith.constant 1 : i32
        %dma_wait3A_696 = arith.constant 0 : i32
        %dma_wait3A_697 = tpu.memref_slice %arg13[%dma_wait3A_695, %dma_wait3A_696] : memref<2x128xi32, #tpu.memory_space<vmem>> -> memref<1x128xi32, #tpu.memory_space<vmem>>
        %dma_wait3A_698 = tpu.memref_squeeze %dma_wait3A_697 : memref<1x128xi32, #tpu.memory_space<vmem>> -> memref<128xi32, #tpu.memory_space<vmem>>
        %dma_wait3A_699 = tpu.memref_slice %arg3[%dma_wait3A_694, %add3A_672] : memref<2x320000xi32, #tpu.memory_space<hbm>> -> memref<1x128xi32, #tpu.memory_space<hbm>>
        %dma_wait3A_700 = tpu.memref_squeeze %dma_wait3A_699 : memref<1x128xi32, #tpu.memory_space<hbm>> -> memref<128xi32, #tpu.memory_space<hbm>>
        %dma_wait3A_701 = arith.constant 0 : i32
        %dma_wait3A_702 = tpu.memref_slice %arg13[%dma_wait3A_695, %dma_wait3A_701] : memref<2x128xi32, #tpu.memory_space<vmem>> -> memref<1x128xi32, #tpu.memory_space<vmem>>
        %dma_wait3A_703 = tpu.memref_squeeze %dma_wait3A_702 : memref<1x128xi32, #tpu.memory_space<vmem>> -> memref<128xi32, #tpu.memory_space<vmem>>
        %dma_wait3A_704 = tpu.memref_slice %arg3[%dma_wait3A_694, %add3A_672] : memref<2x320000xi32, #tpu.memory_space<hbm>> -> memref<1x128xi32, #tpu.memory_space<hbm>>
        %dma_wait3A_705 = tpu.memref_squeeze %dma_wait3A_704 : memref<1x128xi32, #tpu.memory_space<hbm>> -> memref<128xi32, #tpu.memory_space<hbm>>
        tpu.wait_dma2 semaphore(%arg20 : memref<!tpu.dma_semaphore, #tpu.memory_space<semaphore_mem>>) src(%dma_wait3A_705 : memref<128xi32, #tpu.memory_space<hbm>>) dst(%dma_wait3A_703 : memref<128xi32, #tpu.memory_space<vmem>>)
        %get3A_706 = arith.constant 1 : i32
        %get3A_707 = arith.index_cast %get3A_706 : i32 to index
        %get3A_708 = arith.constant 0 : index
        %get3A_709 = tpu.vector_load %arg9[%get3A_707, %get3A_708] {strides = array<i32>} : memref<2x128xi32, #tpu.memory_space<vmem>>, vector<1x16xi32>,
        %get3A_710 = vector.shape_cast %get3A_709 : vector<1x16xi32> to vector<16xi32>
        %mul3A_711 = arith.constant 10000 : i32
        %mul3A_712 = vector.broadcast %mul3A_711 : i32 to vector<16xi32>
        %mul3A_713 = arith.muli %get3A_710, %mul3A_712 : vector<16xi32>
        %get3A_714 = arith.constant 0 : i32
        %get3A_715 = arith.index_cast %get3A_714 : i32 to index
        %get3A_716 = arith.constant 0 : index
        %get3A_717 = tpu.vector_load %arg9[%get3A_715, %get3A_716] {strides = array<i32>} : memref<2x128xi32, #tpu.memory_space<vmem>>, vector<1x16xi32>,
        %get3A_718 = vector.shape_cast %get3A_717 : vector<1x16xi32> to vector<16xi32>
        %add3A_719 = arith.addi %mul3A_713, %get3A_718 : vector<16xi32>
        %swap3A_720 = arith.constant 0 : i32
        %swap3A_721 = arith.index_cast %swap3A_720 : i32 to index
        %swap3A_722 = arith.constant 0 : index
        %swap3A_723 = tpu.vector_load %arg13[%swap3A_721, %swap3A_722] {strides = array<i32>} : memref<2x128xi32, #tpu.memory_space<vmem>>, vector<1x16xi32>,
        %swap3A_724 = vector.shape_cast %swap3A_723 : vector<1x16xi32> to vector<16xi32>
        %swap3A_725 = vector.shape_cast %add3A_719 : vector<16xi32> to vector<1x16xi32>
        tpu.vector_store %arg13[%swap3A_721, %swap3A_722], %swap3A_725 {strides = array<i32>} : memref<2x128xi32, #tpu.memory_space<vmem>>, vector<1x16xi32>,
        %get3A_726 = arith.constant 1 : i32
        %get3A_727 = arith.index_cast %get3A_726 : i32 to index
        %get3A_728 = arith.constant 16 : index
        %get3A_729 = tpu.vector_load %arg9[%get3A_727, %get3A_728] {strides = array<i32>} : memref<2x128xi32, #tpu.memory_space<vmem>>, vector<1x16xi32>,
        %get3A_730 = vector.shape_cast %get3A_729 : vector<1x16xi32> to vector<16xi32>
        %mul3A_731 = arith.constant 10000 : i32
        %mul3A_732 = vector.broadcast %mul3A_731 : i32 to vector<16xi32>
        %mul3A_733 = arith.muli %get3A_730, %mul3A_732 : vector<16xi32>
        %get3A_734 = arith.constant 0 : i32
        %get3A_735 = arith.index_cast %get3A_734 : i32 to index
        %get3A_736 = arith.constant 16 : index
        %get3A_737 = tpu.vector_load %arg9[%get3A_735, %get3A_736] {strides = array<i32>} : memref<2x128xi32, #tpu.memory_space<vmem>>, vector<1x16xi32>,
        %get3A_738 = vector.shape_cast %get3A_737 : vector<1x16xi32> to vector<16xi32>
        %add3A_739 = arith.addi %mul3A_733, %get3A_738 : vector<16xi32>
        %swap3A_740 = arith.constant 0 : i32
        %swap3A_741 = arith.index_cast %swap3A_740 : i32 to index
        %swap3A_742 = arith.constant 16 : index
        %swap3A_743 = tpu.vector_load %arg13[%swap3A_741, %swap3A_742] {strides = array<i32>} : memref<2x128xi32, #tpu.memory_space<vmem>>, vector<1x16xi32>,
        %swap3A_744 = vector.shape_cast %swap3A_743 : vector<1x16xi32> to vector<16xi32>
        %swap3A_745 = vector.shape_cast %add3A_739 : vector<16xi32> to vector<1x16xi32>
        tpu.vector_store %arg13[%swap3A_741, %swap3A_742], %swap3A_745 {strides = array<i32>} : memref<2x128xi32, #tpu.memory_space<vmem>>, vector<1x16xi32>,
        %get3A_746 = arith.constant 1 : i32
        %get3A_747 = arith.index_cast %get3A_746 : i32 to index
        %get3A_748 = arith.constant 32 : index
        %get3A_749 = tpu.vector_load %arg9[%get3A_747, %get3A_748] {strides = array<i32>} : memref<2x128xi32, #tpu.memory_space<vmem>>, vector<1x16xi32>,
        %get3A_750 = vector.shape_cast %get3A_749 : vector<1x16xi32> to vector<16xi32>
        %mul3A_751 = arith.constant 10000 : i32
        %mul3A_752 = vector.broadcast %mul3A_751 : i32 to vector<16xi32>
        %mul3A_753 = arith.muli %get3A_750, %mul3A_752 : vector<16xi32>
        %get3A_754 = arith.constant 0 : i32
        %get3A_755 = arith.index_cast %get3A_754 : i32 to index
        %get3A_756 = arith.constant 32 : index
        %get3A_757 = tpu.vector_load %arg9[%get3A_755, %get3A_756] {strides = array<i32>} : memref<2x128xi32, #tpu.memory_space<vmem>>, vector<1x16xi32>,
        %get3A_758 = vector.shape_cast %get3A_757 : vector<1x16xi32> to vector<16xi32>
        %add3A_759 = arith.addi %mul3A_753, %get3A_758 : vector<16xi32>
        %swap3A_760 = arith.constant 0 : i32
        %swap3A_761 = arith.index_cast %swap3A_760 : i32 to index
        %swap3A_762 = arith.constant 32 : index
        %swap3A_763 = tpu.vector_load %arg13[%swap3A_761, %swap3A_762] {strides = array<i32>} : memref<2x128xi32, #tpu.memory_space<vmem>>, vector<1x16xi32>,
        %swap3A_764 = vector.shape_cast %swap3A_763 : vector<1x16xi32> to vector<16xi32>
        %swap3A_765 = vector.shape_cast %add3A_759 : vector<16xi32> to vector<1x16xi32>
        tpu.vector_store %arg13[%swap3A_761, %swap3A_762], %swap3A_765 {strides = array<i32>} : memref<2x128xi32, #tpu.memory_space<vmem>>, vector<1x16xi32>,
        %get3A_766 = arith.constant 1 : i32
        %get3A_767 = arith.index_cast %get3A_766 : i32 to index
        %get3A_768 = arith.constant 48 : index
        %get3A_769 = tpu.vector_load %arg9[%get3A_767, %get3A_768] {strides = array<i32>} : memref<2x128xi32, #tpu.memory_space<vmem>>, vector<1x16xi32>,
        %get3A_770 = vector.shape_cast %get3A_769 : vector<1x16xi32> to vector<16xi32>
        %mul3A_771 = arith.constant 10000 : i32
        %mul3A_772 = vector.broadcast %mul3A_771 : i32 to vector<16xi32>
        %mul3A_773 = arith.muli %get3A_770, %mul3A_772 : vector<16xi32>
        %get3A_774 = arith.constant 0 : i32
        %get3A_775 = arith.index_cast %get3A_774 : i32 to index
        %get3A_776 = arith.constant 48 : index
        %get3A_777 = tpu.vector_load %arg9[%get3A_775, %get3A_776] {strides = array<i32>} : memref<2x128xi32, #tpu.memory_space<vmem>>, vector<1x16xi32>,
        %get3A_778 = vector.shape_cast %get3A_777 : vector<1x16xi32> to vector<16xi32>
        %add3A_779 = arith.addi %mul3A_773, %get3A_778 : vector<16xi32>
        %swap3A_780 = arith.constant 0 : i32
        %swap3A_781 = arith.index_cast %swap3A_780 : i32 to index
        %swap3A_782 = arith.constant 48 : index
        %swap3A_783 = tpu.vector_load %arg13[%swap3A_781, %swap3A_782] {strides = array<i32>} : memref<2x128xi32, #tpu.memory_space<vmem>>, vector<1x16xi32>,
        %swap3A_784 = vector.shape_cast %swap3A_783 : vector<1x16xi32> to vector<16xi32>
        %swap3A_785 = vector.shape_cast %add3A_779 : vector<16xi32> to vector<1x16xi32>
        tpu.vector_store %arg13[%swap3A_781, %swap3A_782], %swap3A_785 {strides = array<i32>} : memref<2x128xi32, #tpu.memory_space<vmem>>, vector<1x16xi32>,
        %get3A_786 = arith.constant 1 : i32
        %get3A_787 = arith.index_cast %get3A_786 : i32 to index
        %get3A_788 = arith.constant 64 : index
        %get3A_789 = tpu.vector_load %arg9[%get3A_787, %get3A_788] {strides = array<i32>} : memref<2x128xi32, #tpu.memory_space<vmem>>, vector<1x16xi32>,
        %get3A_790 = vector.shape_cast %get3A_789 : vector<1x16xi32> to vector<16xi32>
        %mul3A_791 = arith.constant 10000 : i32
        %mul3A_792 = vector.broadcast %mul3A_791 : i32 to vector<16xi32>
        %mul3A_793 = arith.muli %get3A_790, %mul3A_792 : vector<16xi32>
        %get3A_794 = arith.constant 0 : i32
        %get3A_795 = arith.index_cast %get3A_794 : i32 to index
        %get3A_796 = arith.constant 64 : index
        %get3A_797 = tpu.vector_load %arg9[%get3A_795, %get3A_796] {strides = array<i32>} : memref<2x128xi32, #tpu.memory_space<vmem>>, vector<1x16xi32>,
        %get3A_798 = vector.shape_cast %get3A_797 : vector<1x16xi32> to vector<16xi32>
        %add3A_799 = arith.addi %mul3A_793, %get3A_798 : vector<16xi32>
        %swap3A_800 = arith.constant 0 : i32
        %swap3A_801 = arith.index_cast %swap3A_800 : i32 to index
        %swap3A_802 = arith.constant 64 : index
        %swap3A_803 = tpu.vector_load %arg13[%swap3A_801, %swap3A_802] {strides = array<i32>} : memref<2x128xi32, #tpu.memory_space<vmem>>, vector<1x16xi32>,
        %swap3A_804 = vector.shape_cast %swap3A_803 : vector<1x16xi32> to vector<16xi32>
        %swap3A_805 = vector.shape_cast %add3A_799 : vector<16xi32> to vector<1x16xi32>
        tpu.vector_store %arg13[%swap3A_801, %swap3A_802], %swap3A_805 {strides = array<i32>} : memref<2x128xi32, #tpu.memory_space<vmem>>, vector<1x16xi32>,
        %get3A_806 = arith.constant 1 : i32
        %get3A_807 = arith.index_cast %get3A_806 : i32 to index
        %get3A_808 = arith.constant 80 : index
        %get3A_809 = tpu.vector_load %arg9[%get3A_807, %get3A_808] {strides = array<i32>} : memref<2x128xi32, #tpu.memory_space<vmem>>, vector<1x16xi32>,
        %get3A_810 = vector.shape_cast %get3A_809 : vector<1x16xi32> to vector<16xi32>
        %mul3A_811 = arith.constant 10000 : i32
        %mul3A_812 = vector.broadcast %mul3A_811 : i32 to vector<16xi32>
        %mul3A_813 = arith.muli %get3A_810, %mul3A_812 : vector<16xi32>
        %get3A_814 = arith.constant 0 : i32
        %get3A_815 = arith.index_cast %get3A_814 : i32 to index
        %get3A_816 = arith.constant 80 : index
        %get3A_817 = tpu.vector_load %arg9[%get3A_815, %get3A_816] {strides = array<i32>} : memref<2x128xi32, #tpu.memory_space<vmem>>, vector<1x16xi32>,
        %get3A_818 = vector.shape_cast %get3A_817 : vector<1x16xi32> to vector<16xi32>
        %add3A_819 = arith.addi %mul3A_813, %get3A_818 : vector<16xi32>
        %swap3A_820 = arith.constant 0 : i32
        %swap3A_821 = arith.index_cast %swap3A_820 : i32 to index
        %swap3A_822 = arith.constant 80 : index
        %swap3A_823 = tpu.vector_load %arg13[%swap3A_821, %swap3A_822] {strides = array<i32>} : memref<2x128xi32, #tpu.memory_space<vmem>>, vector<1x16xi32>,
        %swap3A_824 = vector.shape_cast %swap3A_823 : vector<1x16xi32> to vector<16xi32>
        %swap3A_825 = vector.shape_cast %add3A_819 : vector<16xi32> to vector<1x16xi32>
        tpu.vector_store %arg13[%swap3A_821, %swap3A_822], %swap3A_825 {strides = array<i32>} : memref<2x128xi32, #tpu.memory_space<vmem>>, vector<1x16xi32>,
        %get3A_826 = arith.constant 1 : i32
        %get3A_827 = arith.index_cast %get3A_826 : i32 to index
        %get3A_828 = arith.constant 96 : index
        %get3A_829 = tpu.vector_load %arg9[%get3A_827, %get3A_828] {strides = array<i32>} : memref<2x128xi32, #tpu.memory_space<vmem>>, vector<1x16xi32>,
        %get3A_830 = vector.shape_cast %get3A_829 : vector<1x16xi32> to vector<16xi32>
        %mul3A_831 = arith.constant 10000 : i32
        %mul3A_832 = vector.broadcast %mul3A_831 : i32 to vector<16xi32>
        %mul3A_833 = arith.muli %get3A_830, %mul3A_832 : vector<16xi32>
        %get3A_834 = arith.constant 0 : i32
        %get3A_835 = arith.index_cast %get3A_834 : i32 to index
        %get3A_836 = arith.constant 96 : index
        %get3A_837 = tpu.vector_load %arg9[%get3A_835, %get3A_836] {strides = array<i32>} : memref<2x128xi32, #tpu.memory_space<vmem>>, vector<1x16xi32>,
        %get3A_838 = vector.shape_cast %get3A_837 : vector<1x16xi32> to vector<16xi32>
        %add3A_839 = arith.addi %mul3A_833, %get3A_838 : vector<16xi32>
        %swap3A_840 = arith.constant 0 : i32
        %swap3A_841 = arith.index_cast %swap3A_840 : i32 to index
        %swap3A_842 = arith.constant 96 : index
        %swap3A_843 = tpu.vector_load %arg13[%swap3A_841, %swap3A_842] {strides = array<i32>} : memref<2x128xi32, #tpu.memory_space<vmem>>, vector<1x16xi32>,
        %swap3A_844 = vector.shape_cast %swap3A_843 : vector<1x16xi32> to vector<16xi32>
        %swap3A_845 = vector.shape_cast %add3A_839 : vector<16xi32> to vector<1x16xi32>
        tpu.vector_store %arg13[%swap3A_841, %swap3A_842], %swap3A_845 {strides = array<i32>} : memref<2x128xi32, #tpu.memory_space<vmem>>, vector<1x16xi32>,
        %get3A_846 = arith.constant 1 : i32
        %get3A_847 = arith.index_cast %get3A_846 : i32 to index
        %get3A_848 = arith.constant 112 : index
        %get3A_849 = tpu.vector_load %arg9[%get3A_847, %get3A_848] {strides = array<i32>} : memref<2x128xi32, #tpu.memory_space<vmem>>, vector<1x16xi32>,
        %get3A_850 = vector.shape_cast %get3A_849 : vector<1x16xi32> to vector<16xi32>
        %mul3A_851 = arith.constant 10000 : i32
        %mul3A_852 = vector.broadcast %mul3A_851 : i32 to vector<16xi32>
        %mul3A_853 = arith.muli %get3A_850, %mul3A_852 : vector<16xi32>
        %get3A_854 = arith.constant 0 : i32
        %get3A_855 = arith.index_cast %get3A_854 : i32 to index
        %get3A_856 = arith.constant 112 : index
        %get3A_857 = tpu.vector_load %arg9[%get3A_855, %get3A_856] {strides = array<i32>} : memref<2x128xi32, #tpu.memory_space<vmem>>, vector<1x16xi32>,
        %get3A_858 = vector.shape_cast %get3A_857 : vector<1x16xi32> to vector<16xi32>
        %add3A_859 = arith.addi %mul3A_853, %get3A_858 : vector<16xi32>
        %swap3A_860 = arith.constant 0 : i32
        %swap3A_861 = arith.index_cast %swap3A_860 : i32 to index
        %swap3A_862 = arith.constant 112 : index
        %swap3A_863 = tpu.vector_load %arg13[%swap3A_861, %swap3A_862] {strides = array<i32>} : memref<2x128xi32, #tpu.memory_space<vmem>>, vector<1x16xi32>,
        %swap3A_864 = vector.shape_cast %swap3A_863 : vector<1x16xi32> to vector<16xi32>
        %swap3A_865 = vector.shape_cast %add3A_859 : vector<16xi32> to vector<1x16xi32>
        tpu.vector_store %arg13[%swap3A_861, %swap3A_862], %swap3A_865 {strides = array<i32>} : memref<2x128xi32, #tpu.memory_space<vmem>>, vector<1x16xi32>,
        %dma_start3A_866 = arith.constant 0 : i32
        %dma_start3A_867 = arith.constant 0 : i32
        %dma_start3A_868 = tpu.memref_slice %arg13[%dma_start3A_866, %dma_start3A_867] : memref<2x128xi32, #tpu.memory_space<vmem>> -> memref<1x128xi32, #tpu.memory_space<vmem>>
        %dma_start3A_869 = tpu.memref_squeeze %dma_start3A_868 : memref<1x128xi32, #tpu.memory_space<vmem>> -> memref<128xi32, #tpu.memory_space<vmem>>
        %dma_start3A_870 = arith.constant 0 : i32
        %dma_start3A_871 = arith.constant 0 : i32
        %dma_start3A_872 = tpu.memref_slice %arg2[%dma_start3A_870, %dma_start3A_871] : memref<320000x128xf32, #tpu.memory_space<hbm>> -> memref<320000x128xf32, #tpu.memory_space<hbm>>
        tpu.enqueue_indirect_dma source(%dma_start3A_872 : memref<320000x128xf32, #tpu.memory_space<hbm>>) target(%arg15 : memref<128x128xf32, #tpu.memory_space<vmem>>) offsets(%dma_start3A_869 : memref<128xi32, #tpu.memory_space<vmem>>) semaphore(%arg22 : memref<!tpu.dma_semaphore, #tpu.memory_space<semaphore_mem>>)
      } else {
      }
      %mul3A_596 = arith.constant 4 : i32
      %mul3A_597 = arith.muli %while3A_575, %mul3A_596 : i32
      %add3A_598 = arith.constant 1 : i32
      %add3A_599 = arith.addi %mul3A_597, %add3A_598 : i32
      %dma_wait3A_600 = arith.constant 0 : i32
      %dma_wait3A_601 = arith.constant 0 : i32
      %dma_wait3A_602 = tpu.memref_slice %arg12[%dma_wait3A_600, %dma_wait3A_601] : memref<2x128xi32, #tpu.memory_space<vmem>> -> memref<1x128xi32, #tpu.memory_space<vmem>>
      %dma_wait3A_603 = tpu.memref_squeeze %dma_wait3A_602 : memref<1x128xi32, #tpu.memory_space<vmem>> -> memref<128xi32, #tpu.memory_space<vmem>>
      %dma_wait3A_604 = arith.constant 0 : i32
      %dma_wait3A_605 = arith.constant 0 : i32
      %dma_wait3A_606 = tpu.memref_slice %arg2[%dma_wait3A_604, %dma_wait3A_605] : memref<320000x128xf32, #tpu.memory_space<hbm>> -> memref<320000x128xf32, #tpu.memory_space<hbm>>
      tpu.wait_indirect_dma semaphore(%arg23 : memref<!tpu.dma_semaphore, #tpu.memory_space<semaphore_mem>>) src(%dma_wait3A_606 : memref<320000x128xf32, #tpu.memory_space<hbm>>) dst(%arg16 : memref<128x128xf32, #tpu.memory_space<vmem>>)
      %run_scoped3A_607 = arith.constant 1 : i32
      "tpu.region"() ({
        %run_scoped3A_668 = tpu.sem_alloc : memref<!tpu.dma_semaphore, #tpu.memory_space<semaphore_mem>>
        %dma_start3A_669 = arith.constant 0 : i32
        %dma_start3A_670 = tpu.memref_slice %arg12[%run_scoped3A_607, %dma_start3A_669] : memref<2x128xi32, #tpu.memory_space<vmem>> -> memref<1x128xi32, #tpu.memory_space<vmem>>
        %dma_start3A_671 = tpu.memref_squeeze %dma_start3A_670 : memref<1x128xi32, #tpu.memory_space<vmem>> -> memref<128xi32, #tpu.memory_space<vmem>>
        %dma_start3A_672 = arith.constant 0 : i32
        %dma_start3A_673 = arith.constant 0 : i32
        %dma_start3A_674 = tpu.memref_slice %arg17[%dma_start3A_672, %dma_start3A_673] : memref<10240x128xf32, #tpu.memory_space<vmem_shared>> -> memref<10240x128xf32, #tpu.memory_space<vmem_shared>>
        tpu.enqueue_indirect_dma source(%arg16 : memref<128x128xf32, #tpu.memory_space<vmem>>) target(%dma_start3A_674 : memref<10240x128xf32, #tpu.memory_space<vmem_shared>>) offsets(%dma_start3A_671 : memref<128xi32, #tpu.memory_space<vmem>>) semaphore(%run_scoped3A_668 : memref<!tpu.dma_semaphore, #tpu.memory_space<semaphore_mem>>) {add = true}
        %dma_wait3A_675 = arith.constant 0 : i32
        %dma_wait3A_676 = tpu.memref_slice %arg12[%run_scoped3A_607, %dma_wait3A_675] : memref<2x128xi32, #tpu.memory_space<vmem>> -> memref<1x128xi32, #tpu.memory_space<vmem>>
        %dma_wait3A_677 = tpu.memref_squeeze %dma_wait3A_676 : memref<1x128xi32, #tpu.memory_space<vmem>> -> memref<128xi32, #tpu.memory_space<vmem>>
        %dma_wait3A_678 = arith.constant 0 : i32
        %dma_wait3A_679 = arith.constant 0 : i32
        %dma_wait3A_680 = tpu.memref_slice %arg17[%dma_wait3A_678, %dma_wait3A_679] : memref<10240x128xf32, #tpu.memory_space<vmem_shared>> -> memref<10240x128xf32, #tpu.memory_space<vmem_shared>>
        tpu.wait_indirect_dma semaphore(%run_scoped3A_668 : memref<!tpu.dma_semaphore, #tpu.memory_space<semaphore_mem>>) src(%arg16 : memref<128x128xf32, #tpu.memory_space<vmem>>) dst(%dma_wait3A_680 : memref<10240x128xf32, #tpu.memory_space<vmem_shared>>)
        tpu.yield
      }) : () -> ()
      %add3A_608 = arith.constant 4 : i32
      %add3A_609 = arith.addi %add3A_599, %add3A_608 : i32
      %lt3A_610 = arith.cmpi slt, %add3A_609, %select_n3A : i32
      %convert_element_type3A_611 = arith.extui %lt3A_610 : i1 to i32
      %cond3A_612 = arith.constant 0 : i32
      %cond3A_613 = arith.cmpi ne, %convert_element_type3A_611, %cond3A_612 : i32
      scf.if %cond3A_613 {
        %add3A_668 = arith.constant 4 : i32
        %add3A_669 = arith.addi %add3A_599, %add3A_668 : i32
        %mul3A_670 = arith.constant 128 : i32
        %mul3A_671 = arith.muli %add3A_669, %mul3A_670 : i32
        %add3A_672 = arith.addi %mul3A_2, %mul3A_671 : i32
        %dma_start3A_673 = arith.constant 0 : i32
        %dma_start3A_674 = arith.constant 0 : i32
        %dma_start3A_675 = arith.constant 0 : i32
        %dma_start3A_676 = tpu.memref_slice %arg8[%dma_start3A_674, %dma_start3A_675] : memref<2x128xi32, #tpu.memory_space<vmem>> -> memref<1x128xi32, #tpu.memory_space<vmem>>
        %dma_start3A_677 = tpu.memref_squeeze %dma_start3A_676 : memref<1x128xi32, #tpu.memory_space<vmem>> -> memref<128xi32, #tpu.memory_space<vmem>>
        %dma_start3A_678 = tpu.memref_slice %arg3[%dma_start3A_673, %add3A_672] : memref<2x320000xi32, #tpu.memory_space<hbm>> -> memref<1x128xi32, #tpu.memory_space<hbm>>
        %dma_start3A_679 = tpu.memref_squeeze %dma_start3A_678 : memref<1x128xi32, #tpu.memory_space<hbm>> -> memref<128xi32, #tpu.memory_space<hbm>>
        %dma_start3A_680 = arith.constant 0 : i32
        %dma_start3A_681 = tpu.memref_slice %arg8[%dma_start3A_674, %dma_start3A_680] : memref<2x128xi32, #tpu.memory_space<vmem>> -> memref<1x128xi32, #tpu.memory_space<vmem>>
        %dma_start3A_682 = tpu.memref_squeeze %dma_start3A_681 : memref<1x128xi32, #tpu.memory_space<vmem>> -> memref<128xi32, #tpu.memory_space<vmem>>
        %dma_start3A_683 = tpu.memref_slice %arg3[%dma_start3A_673, %add3A_672] : memref<2x320000xi32, #tpu.memory_space<hbm>> -> memref<1x128xi32, #tpu.memory_space<hbm>>
        %dma_start3A_684 = tpu.memref_squeeze %dma_start3A_683 : memref<1x128xi32, #tpu.memory_space<hbm>> -> memref<128xi32, #tpu.memory_space<hbm>>
        tpu.enqueue_dma source(%dma_start3A_684 : memref<128xi32, #tpu.memory_space<hbm>>) target(%dma_start3A_682 : memref<128xi32, #tpu.memory_space<vmem>>) target_semaphore(%arg19 : memref<!tpu.dma_semaphore, #tpu.memory_space<semaphore_mem>>)
        %dma_start3A_685 = arith.constant 1 : i32
        %dma_start3A_686 = arith.constant 0 : i32
        %dma_start3A_687 = tpu.memref_slice %arg8[%dma_start3A_685, %dma_start3A_686] : memref<2x128xi32, #tpu.memory_space<vmem>> -> memref<1x128xi32, #tpu.memory_space<vmem>>
        %dma_start3A_688 = tpu.memref_squeeze %dma_start3A_687 : memref<1x128xi32, #tpu.memory_space<vmem>> -> memref<128xi32, #tpu.memory_space<vmem>>
        %dma_start3A_689 = tpu.memref_slice %arg4[%add3A_672] : memref<320000xi32, #tpu.memory_space<hbm>> -> memref<128xi32, #tpu.memory_space<hbm>>
        %dma_start3A_690 = arith.constant 0 : i32
        %dma_start3A_691 = tpu.memref_slice %arg8[%dma_start3A_685, %dma_start3A_690] : memref<2x128xi32, #tpu.memory_space<vmem>> -> memref<1x128xi32, #tpu.memory_space<vmem>>
        %dma_start3A_692 = tpu.memref_squeeze %dma_start3A_691 : memref<1x128xi32, #tpu.memory_space<vmem>> -> memref<128xi32, #tpu.memory_space<vmem>>
        %dma_start3A_693 = tpu.memref_slice %arg4[%add3A_672] : memref<320000xi32, #tpu.memory_space<hbm>> -> memref<128xi32, #tpu.memory_space<hbm>>
        tpu.enqueue_dma source(%dma_start3A_693 : memref<128xi32, #tpu.memory_space<hbm>>) target(%dma_start3A_692 : memref<128xi32, #tpu.memory_space<vmem>>) target_semaphore(%arg19 : memref<!tpu.dma_semaphore, #tpu.memory_space<semaphore_mem>>)
        %dma_start3A_694 = arith.constant 1 : i32
        %dma_start3A_695 = arith.constant 1 : i32
        %dma_start3A_696 = arith.constant 0 : i32
        %dma_start3A_697 = tpu.memref_slice %arg12[%dma_start3A_695, %dma_start3A_696] : memref<2x128xi32, #tpu.memory_space<vmem>> -> memref<1x128xi32, #tpu.memory_space<vmem>>
        %dma_start3A_698 = tpu.memref_squeeze %dma_start3A_697 : memref<1x128xi32, #tpu.memory_space<vmem>> -> memref<128xi32, #tpu.memory_space<vmem>>
        %dma_start3A_699 = tpu.memref_slice %arg3[%dma_start3A_694, %add3A_672] : memref<2x320000xi32, #tpu.memory_space<hbm>> -> memref<1x128xi32, #tpu.memory_space<hbm>>
        %dma_start3A_700 = tpu.memref_squeeze %dma_start3A_699 : memref<1x128xi32, #tpu.memory_space<hbm>> -> memref<128xi32, #tpu.memory_space<hbm>>
        %dma_start3A_701 = arith.constant 0 : i32
        %dma_start3A_702 = tpu.memref_slice %arg12[%dma_start3A_695, %dma_start3A_701] : memref<2x128xi32, #tpu.memory_space<vmem>> -> memref<1x128xi32, #tpu.memory_space<vmem>>
        %dma_start3A_703 = tpu.memref_squeeze %dma_start3A_702 : memref<1x128xi32, #tpu.memory_space<vmem>> -> memref<128xi32, #tpu.memory_space<vmem>>
        %dma_start3A_704 = tpu.memref_slice %arg3[%dma_start3A_694, %add3A_672] : memref<2x320000xi32, #tpu.memory_space<hbm>> -> memref<1x128xi32, #tpu.memory_space<hbm>>
        %dma_start3A_705 = tpu.memref_squeeze %dma_start3A_704 : memref<1x128xi32, #tpu.memory_space<hbm>> -> memref<128xi32, #tpu.memory_space<hbm>>
        tpu.enqueue_dma source(%dma_start3A_705 : memref<128xi32, #tpu.memory_space<hbm>>) target(%dma_start3A_703 : memref<128xi32, #tpu.memory_space<vmem>>) target_semaphore(%arg19 : memref<!tpu.dma_semaphore, #tpu.memory_space<semaphore_mem>>)
      } else {
      }
      %add3A_614 = arith.constant 2 : i32
      %add3A_615 = arith.addi %add3A_599, %add3A_614 : i32
      %lt3A_616 = arith.cmpi slt, %add3A_615, %select_n3A : i32
      %convert_element_type3A_617 = arith.extui %lt3A_616 : i1 to i32
      %cond3A_618 = arith.constant 0 : i32
      %cond3A_619 = arith.cmpi ne, %convert_element_type3A_617, %cond3A_618 : i32
      scf.if %cond3A_619 {
        %add3A_668 = arith.constant 2 : i32
        %add3A_669 = arith.addi %add3A_599, %add3A_668 : i32
        %mul3A_670 = arith.constant 128 : i32
        %mul3A_671 = arith.muli %add3A_669, %mul3A_670 : i32
        %add3A_672 = arith.addi %mul3A_2, %mul3A_671 : i32
        %dma_wait3A_673 = arith.constant 0 : i32
        %dma_wait3A_674 = arith.constant 0 : i32
        %dma_wait3A_675 = arith.constant 0 : i32
        %dma_wait3A_676 = tpu.memref_slice %arg10[%dma_wait3A_674, %dma_wait3A_675] : memref<2x128xi32, #tpu.memory_space<vmem>> -> memref<1x128xi32, #tpu.memory_space<vmem>>
        %dma_wait3A_677 = tpu.memref_squeeze %dma_wait3A_676 : memref<1x128xi32, #tpu.memory_space<vmem>> -> memref<128xi32, #tpu.memory_space<vmem>>
        %dma_wait3A_678 = tpu.memref_slice %arg3[%dma_wait3A_673, %add3A_672] : memref<2x320000xi32, #tpu.memory_space<hbm>> -> memref<1x128xi32, #tpu.memory_space<hbm>>
        %dma_wait3A_679 = tpu.memref_squeeze %dma_wait3A_678 : memref<1x128xi32, #tpu.memory_space<hbm>> -> memref<128xi32, #tpu.memory_space<hbm>>
        %dma_wait3A_680 = arith.constant 0 : i32
        %dma_wait3A_681 = tpu.memref_slice %arg10[%dma_wait3A_674, %dma_wait3A_680] : memref<2x128xi32, #tpu.memory_space<vmem>> -> memref<1x128xi32, #tpu.memory_space<vmem>>
        %dma_wait3A_682 = tpu.memref_squeeze %dma_wait3A_681 : memref<1x128xi32, #tpu.memory_space<vmem>> -> memref<128xi32, #tpu.memory_space<vmem>>
        %dma_wait3A_683 = tpu.memref_slice %arg3[%dma_wait3A_673, %add3A_672] : memref<2x320000xi32, #tpu.memory_space<hbm>> -> memref<1x128xi32, #tpu.memory_space<hbm>>
        %dma_wait3A_684 = tpu.memref_squeeze %dma_wait3A_683 : memref<1x128xi32, #tpu.memory_space<hbm>> -> memref<128xi32, #tpu.memory_space<hbm>>
        tpu.wait_dma2 semaphore(%arg21 : memref<!tpu.dma_semaphore, #tpu.memory_space<semaphore_mem>>) src(%dma_wait3A_684 : memref<128xi32, #tpu.memory_space<hbm>>) dst(%dma_wait3A_682 : memref<128xi32, #tpu.memory_space<vmem>>)
        %dma_wait3A_685 = arith.constant 1 : i32
        %dma_wait3A_686 = arith.constant 0 : i32
        %dma_wait3A_687 = tpu.memref_slice %arg10[%dma_wait3A_685, %dma_wait3A_686] : memref<2x128xi32, #tpu.memory_space<vmem>> -> memref<1x128xi32, #tpu.memory_space<vmem>>
        %dma_wait3A_688 = tpu.memref_squeeze %dma_wait3A_687 : memref<1x128xi32, #tpu.memory_space<vmem>> -> memref<128xi32, #tpu.memory_space<vmem>>
        %dma_wait3A_689 = tpu.memref_slice %arg4[%add3A_672] : memref<320000xi32, #tpu.memory_space<hbm>> -> memref<128xi32, #tpu.memory_space<hbm>>
        %dma_wait3A_690 = arith.constant 0 : i32
        %dma_wait3A_691 = tpu.memref_slice %arg10[%dma_wait3A_685, %dma_wait3A_690] : memref<2x128xi32, #tpu.memory_space<vmem>> -> memref<1x128xi32, #tpu.memory_space<vmem>>
        %dma_wait3A_692 = tpu.memref_squeeze %dma_wait3A_691 : memref<1x128xi32, #tpu.memory_space<vmem>> -> memref<128xi32, #tpu.memory_space<vmem>>
        %dma_wait3A_693 = tpu.memref_slice %arg4[%add3A_672] : memref<320000xi32, #tpu.memory_space<hbm>> -> memref<128xi32, #tpu.memory_space<hbm>>
        tpu.wait_dma2 semaphore(%arg21 : memref<!tpu.dma_semaphore, #tpu.memory_space<semaphore_mem>>) src(%dma_wait3A_693 : memref<128xi32, #tpu.memory_space<hbm>>) dst(%dma_wait3A_692 : memref<128xi32, #tpu.memory_space<vmem>>)
        %dma_wait3A_694 = arith.constant 1 : i32
        %dma_wait3A_695 = arith.constant 1 : i32
        %dma_wait3A_696 = arith.constant 0 : i32
        %dma_wait3A_697 = tpu.memref_slice %arg14[%dma_wait3A_695, %dma_wait3A_696] : memref<2x128xi32, #tpu.memory_space<vmem>> -> memref<1x128xi32, #tpu.memory_space<vmem>>
        %dma_wait3A_698 = tpu.memref_squeeze %dma_wait3A_697 : memref<1x128xi32, #tpu.memory_space<vmem>> -> memref<128xi32, #tpu.memory_space<vmem>>
        %dma_wait3A_699 = tpu.memref_slice %arg3[%dma_wait3A_694, %add3A_672] : memref<2x320000xi32, #tpu.memory_space<hbm>> -> memref<1x128xi32, #tpu.memory_space<hbm>>
        %dma_wait3A_700 = tpu.memref_squeeze %dma_wait3A_699 : memref<1x128xi32, #tpu.memory_space<hbm>> -> memref<128xi32, #tpu.memory_space<hbm>>
        %dma_wait3A_701 = arith.constant 0 : i32
        %dma_wait3A_702 = tpu.memref_slice %arg14[%dma_wait3A_695, %dma_wait3A_701] : memref<2x128xi32, #tpu.memory_space<vmem>> -> memref<1x128xi32, #tpu.memory_space<vmem>>
        %dma_wait3A_703 = tpu.memref_squeeze %dma_wait3A_702 : memref<1x128xi32, #tpu.memory_space<vmem>> -> memref<128xi32, #tpu.memory_space<vmem>>
        %dma_wait3A_704 = tpu.memref_slice %arg3[%dma_wait3A_694, %add3A_672] : memref<2x320000xi32, #tpu.memory_space<hbm>> -> memref<1x128xi32, #tpu.memory_space<hbm>>
        %dma_wait3A_705 = tpu.memref_squeeze %dma_wait3A_704 : memref<1x128xi32, #tpu.memory_space<hbm>> -> memref<128xi32, #tpu.memory_space<hbm>>
        tpu.wait_dma2 semaphore(%arg21 : memref<!tpu.dma_semaphore, #tpu.memory_space<semaphore_mem>>) src(%dma_wait3A_705 : memref<128xi32, #tpu.memory_space<hbm>>) dst(%dma_wait3A_703 : memref<128xi32, #tpu.memory_space<vmem>>)
        %get3A_706 = arith.constant 1 : i32
        %get3A_707 = arith.index_cast %get3A_706 : i32 to index
        %get3A_708 = arith.constant 0 : index
        %get3A_709 = tpu.vector_load %arg10[%get3A_707, %get3A_708] {strides = array<i32>} : memref<2x128xi32, #tpu.memory_space<vmem>>, vector<1x16xi32>,
        %get3A_710 = vector.shape_cast %get3A_709 : vector<1x16xi32> to vector<16xi32>
        %mul3A_711 = arith.constant 10000 : i32
        %mul3A_712 = vector.broadcast %mul3A_711 : i32 to vector<16xi32>
        %mul3A_713 = arith.muli %get3A_710, %mul3A_712 : vector<16xi32>
        %get3A_714 = arith.constant 0 : i32
        %get3A_715 = arith.index_cast %get3A_714 : i32 to index
        %get3A_716 = arith.constant 0 : index
        %get3A_717 = tpu.vector_load %arg10[%get3A_715, %get3A_716] {strides = array<i32>} : memref<2x128xi32, #tpu.memory_space<vmem>>, vector<1x16xi32>,
        %get3A_718 = vector.shape_cast %get3A_717 : vector<1x16xi32> to vector<16xi32>
        %add3A_719 = arith.addi %mul3A_713, %get3A_718 : vector<16xi32>
        %swap3A_720 = arith.constant 0 : i32
        %swap3A_721 = arith.index_cast %swap3A_720 : i32 to index
        %swap3A_722 = arith.constant 0 : index
        %swap3A_723 = tpu.vector_load %arg14[%swap3A_721, %swap3A_722] {strides = array<i32>} : memref<2x128xi32, #tpu.memory_space<vmem>>, vector<1x16xi32>,
        %swap3A_724 = vector.shape_cast %swap3A_723 : vector<1x16xi32> to vector<16xi32>
        %swap3A_725 = vector.shape_cast %add3A_719 : vector<16xi32> to vector<1x16xi32>
        tpu.vector_store %arg14[%swap3A_721, %swap3A_722], %swap3A_725 {strides = array<i32>} : memref<2x128xi32, #tpu.memory_space<vmem>>, vector<1x16xi32>,
        %get3A_726 = arith.constant 1 : i32
        %get3A_727 = arith.index_cast %get3A_726 : i32 to index
        %get3A_728 = arith.constant 16 : index
        %get3A_729 = tpu.vector_load %arg10[%get3A_727, %get3A_728] {strides = array<i32>} : memref<2x128xi32, #tpu.memory_space<vmem>>, vector<1x16xi32>,
        %get3A_730 = vector.shape_cast %get3A_729 : vector<1x16xi32> to vector<16xi32>
        %mul3A_731 = arith.constant 10000 : i32
        %mul3A_732 = vector.broadcast %mul3A_731 : i32 to vector<16xi32>
        %mul3A_733 = arith.muli %get3A_730, %mul3A_732 : vector<16xi32>
        %get3A_734 = arith.constant 0 : i32
        %get3A_735 = arith.index_cast %get3A_734 : i32 to index
        %get3A_736 = arith.constant 16 : index
        %get3A_737 = tpu.vector_load %arg10[%get3A_735, %get3A_736] {strides = array<i32>} : memref<2x128xi32, #tpu.memory_space<vmem>>, vector<1x16xi32>,
        %get3A_738 = vector.shape_cast %get3A_737 : vector<1x16xi32> to vector<16xi32>
        %add3A_739 = arith.addi %mul3A_733, %get3A_738 : vector<16xi32>
        %swap3A_740 = arith.constant 0 : i32
        %swap3A_741 = arith.index_cast %swap3A_740 : i32 to index
        %swap3A_742 = arith.constant 16 : index
        %swap3A_743 = tpu.vector_load %arg14[%swap3A_741, %swap3A_742] {strides = array<i32>} : memref<2x128xi32, #tpu.memory_space<vmem>>, vector<1x16xi32>,
        %swap3A_744 = vector.shape_cast %swap3A_743 : vector<1x16xi32> to vector<16xi32>
        %swap3A_745 = vector.shape_cast %add3A_739 : vector<16xi32> to vector<1x16xi32>
        tpu.vector_store %arg14[%swap3A_741, %swap3A_742], %swap3A_745 {strides = array<i32>} : memref<2x128xi32, #tpu.memory_space<vmem>>, vector<1x16xi32>,
        %get3A_746 = arith.constant 1 : i32
        %get3A_747 = arith.index_cast %get3A_746 : i32 to index
        %get3A_748 = arith.constant 32 : index
        %get3A_749 = tpu.vector_load %arg10[%get3A_747, %get3A_748] {strides = array<i32>} : memref<2x128xi32, #tpu.memory_space<vmem>>, vector<1x16xi32>,
        %get3A_750 = vector.shape_cast %get3A_749 : vector<1x16xi32> to vector<16xi32>
        %mul3A_751 = arith.constant 10000 : i32
        %mul3A_752 = vector.broadcast %mul3A_751 : i32 to vector<16xi32>
        %mul3A_753 = arith.muli %get3A_750, %mul3A_752 : vector<16xi32>
        %get3A_754 = arith.constant 0 : i32
        %get3A_755 = arith.index_cast %get3A_754 : i32 to index
        %get3A_756 = arith.constant 32 : index
        %get3A_757 = tpu.vector_load %arg10[%get3A_755, %get3A_756] {strides = array<i32>} : memref<2x128xi32, #tpu.memory_space<vmem>>, vector<1x16xi32>,
        %get3A_758 = vector.shape_cast %get3A_757 : vector<1x16xi32> to vector<16xi32>
        %add3A_759 = arith.addi %mul3A_753, %get3A_758 : vector<16xi32>
        %swap3A_760 = arith.constant 0 : i32
        %swap3A_761 = arith.index_cast %swap3A_760 : i32 to index
        %swap3A_762 = arith.constant 32 : index
        %swap3A_763 = tpu.vector_load %arg14[%swap3A_761, %swap3A_762] {strides = array<i32>} : memref<2x128xi32, #tpu.memory_space<vmem>>, vector<1x16xi32>,
        %swap3A_764 = vector.shape_cast %swap3A_763 : vector<1x16xi32> to vector<16xi32>
        %swap3A_765 = vector.shape_cast %add3A_759 : vector<16xi32> to vector<1x16xi32>
        tpu.vector_store %arg14[%swap3A_761, %swap3A_762], %swap3A_765 {strides = array<i32>} : memref<2x128xi32, #tpu.memory_space<vmem>>, vector<1x16xi32>,
        %get3A_766 = arith.constant 1 : i32
        %get3A_767 = arith.index_cast %get3A_766 : i32 to index
        %get3A_768 = arith.constant 48 : index
        %get3A_769 = tpu.vector_load %arg10[%get3A_767, %get3A_768] {strides = array<i32>} : memref<2x128xi32, #tpu.memory_space<vmem>>, vector<1x16xi32>,
        %get3A_770 = vector.shape_cast %get3A_769 : vector<1x16xi32> to vector<16xi32>
        %mul3A_771 = arith.constant 10000 : i32
        %mul3A_772 = vector.broadcast %mul3A_771 : i32 to vector<16xi32>
        %mul3A_773 = arith.muli %get3A_770, %mul3A_772 : vector<16xi32>
        %get3A_774 = arith.constant 0 : i32
        %get3A_775 = arith.index_cast %get3A_774 : i32 to index
        %get3A_776 = arith.constant 48 : index
        %get3A_777 = tpu.vector_load %arg10[%get3A_775, %get3A_776] {strides = array<i32>} : memref<2x128xi32, #tpu.memory_space<vmem>>, vector<1x16xi32>,
        %get3A_778 = vector.shape_cast %get3A_777 : vector<1x16xi32> to vector<16xi32>
        %add3A_779 = arith.addi %mul3A_773, %get3A_778 : vector<16xi32>
        %swap3A_780 = arith.constant 0 : i32
        %swap3A_781 = arith.index_cast %swap3A_780 : i32 to index
        %swap3A_782 = arith.constant 48 : index
        %swap3A_783 = tpu.vector_load %arg14[%swap3A_781, %swap3A_782] {strides = array<i32>} : memref<2x128xi32, #tpu.memory_space<vmem>>, vector<1x16xi32>,
        %swap3A_784 = vector.shape_cast %swap3A_783 : vector<1x16xi32> to vector<16xi32>
        %swap3A_785 = vector.shape_cast %add3A_779 : vector<16xi32> to vector<1x16xi32>
        tpu.vector_store %arg14[%swap3A_781, %swap3A_782], %swap3A_785 {strides = array<i32>} : memref<2x128xi32, #tpu.memory_space<vmem>>, vector<1x16xi32>,
        %get3A_786 = arith.constant 1 : i32
        %get3A_787 = arith.index_cast %get3A_786 : i32 to index
        %get3A_788 = arith.constant 64 : index
        %get3A_789 = tpu.vector_load %arg10[%get3A_787, %get3A_788] {strides = array<i32>} : memref<2x128xi32, #tpu.memory_space<vmem>>, vector<1x16xi32>,
        %get3A_790 = vector.shape_cast %get3A_789 : vector<1x16xi32> to vector<16xi32>
        %mul3A_791 = arith.constant 10000 : i32
        %mul3A_792 = vector.broadcast %mul3A_791 : i32 to vector<16xi32>
        %mul3A_793 = arith.muli %get3A_790, %mul3A_792 : vector<16xi32>
        %get3A_794 = arith.constant 0 : i32
        %get3A_795 = arith.index_cast %get3A_794 : i32 to index
        %get3A_796 = arith.constant 64 : index
        %get3A_797 = tpu.vector_load %arg10[%get3A_795, %get3A_796] {strides = array<i32>} : memref<2x128xi32, #tpu.memory_space<vmem>>, vector<1x16xi32>,
        %get3A_798 = vector.shape_cast %get3A_797 : vector<1x16xi32> to vector<16xi32>
        %add3A_799 = arith.addi %mul3A_793, %get3A_798 : vector<16xi32>
        %swap3A_800 = arith.constant 0 : i32
        %swap3A_801 = arith.index_cast %swap3A_800 : i32 to index
        %swap3A_802 = arith.constant 64 : index
        %swap3A_803 = tpu.vector_load %arg14[%swap3A_801, %swap3A_802] {strides = array<i32>} : memref<2x128xi32, #tpu.memory_space<vmem>>, vector<1x16xi32>,
        %swap3A_804 = vector.shape_cast %swap3A_803 : vector<1x16xi32> to vector<16xi32>
        %swap3A_805 = vector.shape_cast %add3A_799 : vector<16xi32> to vector<1x16xi32>
        tpu.vector_store %arg14[%swap3A_801, %swap3A_802], %swap3A_805 {strides = array<i32>} : memref<2x128xi32, #tpu.memory_space<vmem>>, vector<1x16xi32>,
        %get3A_806 = arith.constant 1 : i32
        %get3A_807 = arith.index_cast %get3A_806 : i32 to index
        %get3A_808 = arith.constant 80 : index
        %get3A_809 = tpu.vector_load %arg10[%get3A_807, %get3A_808] {strides = array<i32>} : memref<2x128xi32, #tpu.memory_space<vmem>>, vector<1x16xi32>,
        %get3A_810 = vector.shape_cast %get3A_809 : vector<1x16xi32> to vector<16xi32>
        %mul3A_811 = arith.constant 10000 : i32
        %mul3A_812 = vector.broadcast %mul3A_811 : i32 to vector<16xi32>
        %mul3A_813 = arith.muli %get3A_810, %mul3A_812 : vector<16xi32>
        %get3A_814 = arith.constant 0 : i32
        %get3A_815 = arith.index_cast %get3A_814 : i32 to index
        %get3A_816 = arith.constant 80 : index
        %get3A_817 = tpu.vector_load %arg10[%get3A_815, %get3A_816] {strides = array<i32>} : memref<2x128xi32, #tpu.memory_space<vmem>>, vector<1x16xi32>,
        %get3A_818 = vector.shape_cast %get3A_817 : vector<1x16xi32> to vector<16xi32>
        %add3A_819 = arith.addi %mul3A_813, %get3A_818 : vector<16xi32>
        %swap3A_820 = arith.constant 0 : i32
        %swap3A_821 = arith.index_cast %swap3A_820 : i32 to index
        %swap3A_822 = arith.constant 80 : index
        %swap3A_823 = tpu.vector_load %arg14[%swap3A_821, %swap3A_822] {strides = array<i32>} : memref<2x128xi32, #tpu.memory_space<vmem>>, vector<1x16xi32>,
        %swap3A_824 = vector.shape_cast %swap3A_823 : vector<1x16xi32> to vector<16xi32>
        %swap3A_825 = vector.shape_cast %add3A_819 : vector<16xi32> to vector<1x16xi32>
        tpu.vector_store %arg14[%swap3A_821, %swap3A_822], %swap3A_825 {strides = array<i32>} : memref<2x128xi32, #tpu.memory_space<vmem>>, vector<1x16xi32>,
        %get3A_826 = arith.constant 1 : i32
        %get3A_827 = arith.index_cast %get3A_826 : i32 to index
        %get3A_828 = arith.constant 96 : index
        %get3A_829 = tpu.vector_load %arg10[%get3A_827, %get3A_828] {strides = array<i32>} : memref<2x128xi32, #tpu.memory_space<vmem>>, vector<1x16xi32>,
        %get3A_830 = vector.shape_cast %get3A_829 : vector<1x16xi32> to vector<16xi32>
        %mul3A_831 = arith.constant 10000 : i32
        %mul3A_832 = vector.broadcast %mul3A_831 : i32 to vector<16xi32>
        %mul3A_833 = arith.muli %get3A_830, %mul3A_832 : vector<16xi32>
        %get3A_834 = arith.constant 0 : i32
        %get3A_835 = arith.index_cast %get3A_834 : i32 to index
        %get3A_836 = arith.constant 96 : index
        %get3A_837 = tpu.vector_load %arg10[%get3A_835, %get3A_836] {strides = array<i32>} : memref<2x128xi32, #tpu.memory_space<vmem>>, vector<1x16xi32>,
        %get3A_838 = vector.shape_cast %get3A_837 : vector<1x16xi32> to vector<16xi32>
        %add3A_839 = arith.addi %mul3A_833, %get3A_838 : vector<16xi32>
        %swap3A_840 = arith.constant 0 : i32
        %swap3A_841 = arith.index_cast %swap3A_840 : i32 to index
        %swap3A_842 = arith.constant 96 : index
        %swap3A_843 = tpu.vector_load %arg14[%swap3A_841, %swap3A_842] {strides = array<i32>} : memref<2x128xi32, #tpu.memory_space<vmem>>, vector<1x16xi32>,
        %swap3A_844 = vector.shape_cast %swap3A_843 : vector<1x16xi32> to vector<16xi32>
        %swap3A_845 = vector.shape_cast %add3A_839 : vector<16xi32> to vector<1x16xi32>
        tpu.vector_store %arg14[%swap3A_841, %swap3A_842], %swap3A_845 {strides = array<i32>} : memref<2x128xi32, #tpu.memory_space<vmem>>, vector<1x16xi32>,
        %get3A_846 = arith.constant 1 : i32
        %get3A_847 = arith.index_cast %get3A_846 : i32 to index
        %get3A_848 = arith.constant 112 : index
        %get3A_849 = tpu.vector_load %arg10[%get3A_847, %get3A_848] {strides = array<i32>} : memref<2x128xi32, #tpu.memory_space<vmem>>, vector<1x16xi32>,
        %get3A_850 = vector.shape_cast %get3A_849 : vector<1x16xi32> to vector<16xi32>
        %mul3A_851 = arith.constant 10000 : i32
        %mul3A_852 = vector.broadcast %mul3A_851 : i32 to vector<16xi32>
        %mul3A_853 = arith.muli %get3A_850, %mul3A_852 : vector<16xi32>
        %get3A_854 = arith.constant 0 : i32
        %get3A_855 = arith.index_cast %get3A_854 : i32 to index
        %get3A_856 = arith.constant 112 : index
        %get3A_857 = tpu.vector_load %arg10[%get3A_855, %get3A_856] {strides = array<i32>} : memref<2x128xi32, #tpu.memory_space<vmem>>, vector<1x16xi32>,
        %get3A_858 = vector.shape_cast %get3A_857 : vector<1x16xi32> to vector<16xi32>
        %add3A_859 = arith.addi %mul3A_853, %get3A_858 : vector<16xi32>
        %swap3A_860 = arith.constant 0 : i32
        %swap3A_861 = arith.index_cast %swap3A_860 : i32 to index
        %swap3A_862 = arith.constant 112 : index
        %swap3A_863 = tpu.vector_load %arg14[%swap3A_861, %swap3A_862] {strides = array<i32>} : memref<2x128xi32, #tpu.memory_space<vmem>>, vector<1x16xi32>,
        %swap3A_864 = vector.shape_cast %swap3A_863 : vector<1x16xi32> to vector<16xi32>
        %swap3A_865 = vector.shape_cast %add3A_859 : vector<16xi32> to vector<1x16xi32>
        tpu.vector_store %arg14[%swap3A_861, %swap3A_862], %swap3A_865 {strides = array<i32>} : memref<2x128xi32, #tpu.memory_space<vmem>>, vector<1x16xi32>,
        %dma_start3A_866 = arith.constant 0 : i32
        %dma_start3A_867 = arith.constant 0 : i32
        %dma_start3A_868 = tpu.memref_slice %arg14[%dma_start3A_866, %dma_start3A_867] : memref<2x128xi32, #tpu.memory_space<vmem>> -> memref<1x128xi32, #tpu.memory_space<vmem>>
        %dma_start3A_869 = tpu.memref_squeeze %dma_start3A_868 : memref<1x128xi32, #tpu.memory_space<vmem>> -> memref<128xi32, #tpu.memory_space<vmem>>
        %dma_start3A_870 = arith.constant 0 : i32
        %dma_start3A_871 = arith.constant 0 : i32
        %dma_start3A_872 = tpu.memref_slice %arg2[%dma_start3A_870, %dma_start3A_871] : memref<320000x128xf32, #tpu.memory_space<hbm>> -> memref<320000x128xf32, #tpu.memory_space<hbm>>
        tpu.enqueue_indirect_dma source(%dma_start3A_872 : memref<320000x128xf32, #tpu.memory_space<hbm>>) target(%arg16 : memref<128x128xf32, #tpu.memory_space<vmem>>) offsets(%dma_start3A_869 : memref<128xi32, #tpu.memory_space<vmem>>) semaphore(%arg23 : memref<!tpu.dma_semaphore, #tpu.memory_space<semaphore_mem>>)
      } else {
      }
      %mul3A_620 = arith.constant 4 : i32
      %mul3A_621 = arith.muli %while3A_575, %mul3A_620 : i32
      %add3A_622 = arith.constant 2 : i32
      %add3A_623 = arith.addi %mul3A_621, %add3A_622 : i32
      %dma_wait3A_624 = arith.constant 0 : i32
      %dma_wait3A_625 = arith.constant 0 : i32
      %dma_wait3A_626 = tpu.memref_slice %arg13[%dma_wait3A_624, %dma_wait3A_625] : memref<2x128xi32, #tpu.memory_space<vmem>> -> memref<1x128xi32, #tpu.memory_space<vmem>>
      %dma_wait3A_627 = tpu.memref_squeeze %dma_wait3A_626 : memref<1x128xi32, #tpu.memory_space<vmem>> -> memref<128xi32, #tpu.memory_space<vmem>>
      %dma_wait3A_628 = arith.constant 0 : i32
      %dma_wait3A_629 = arith.constant 0 : i32
      %dma_wait3A_630 = tpu.memref_slice %arg2[%dma_wait3A_628, %dma_wait3A_629] : memref<320000x128xf32, #tpu.memory_space<hbm>> -> memref<320000x128xf32, #tpu.memory_space<hbm>>
      tpu.wait_indirect_dma semaphore(%arg22 : memref<!tpu.dma_semaphore, #tpu.memory_space<semaphore_mem>>) src(%dma_wait3A_630 : memref<320000x128xf32, #tpu.memory_space<hbm>>) dst(%arg15 : memref<128x128xf32, #tpu.memory_space<vmem>>)
      %run_scoped3A_631 = arith.constant 1 : i32
      "tpu.region"() ({
        %run_scoped3A_668 = tpu.sem_alloc : memref<!tpu.dma_semaphore, #tpu.memory_space<semaphore_mem>>
        %dma_start3A_669 = arith.constant 0 : i32
        %dma_start3A_670 = tpu.memref_slice %arg13[%run_scoped3A_631, %dma_start3A_669] : memref<2x128xi32, #tpu.memory_space<vmem>> -> memref<1x128xi32, #tpu.memory_space<vmem>>
        %dma_start3A_671 = tpu.memref_squeeze %dma_start3A_670 : memref<1x128xi32, #tpu.memory_space<vmem>> -> memref<128xi32, #tpu.memory_space<vmem>>
        %dma_start3A_672 = arith.constant 0 : i32
        %dma_start3A_673 = arith.constant 0 : i32
        %dma_start3A_674 = tpu.memref_slice %arg17[%dma_start3A_672, %dma_start3A_673] : memref<10240x128xf32, #tpu.memory_space<vmem_shared>> -> memref<10240x128xf32, #tpu.memory_space<vmem_shared>>
        tpu.enqueue_indirect_dma source(%arg15 : memref<128x128xf32, #tpu.memory_space<vmem>>) target(%dma_start3A_674 : memref<10240x128xf32, #tpu.memory_space<vmem_shared>>) offsets(%dma_start3A_671 : memref<128xi32, #tpu.memory_space<vmem>>) semaphore(%run_scoped3A_668 : memref<!tpu.dma_semaphore, #tpu.memory_space<semaphore_mem>>) {add = true}
        %dma_wait3A_675 = arith.constant 0 : i32
        %dma_wait3A_676 = tpu.memref_slice %arg13[%run_scoped3A_631, %dma_wait3A_675] : memref<2x128xi32, #tpu.memory_space<vmem>> -> memref<1x128xi32, #tpu.memory_space<vmem>>
        %dma_wait3A_677 = tpu.memref_squeeze %dma_wait3A_676 : memref<1x128xi32, #tpu.memory_space<vmem>> -> memref<128xi32, #tpu.memory_space<vmem>>
        %dma_wait3A_678 = arith.constant 0 : i32
        %dma_wait3A_679 = arith.constant 0 : i32
        %dma_wait3A_680 = tpu.memref_slice %arg17[%dma_wait3A_678, %dma_wait3A_679] : memref<10240x128xf32, #tpu.memory_space<vmem_shared>> -> memref<10240x128xf32, #tpu.memory_space<vmem_shared>>
        tpu.wait_indirect_dma semaphore(%run_scoped3A_668 : memref<!tpu.dma_semaphore, #tpu.memory_space<semaphore_mem>>) src(%arg15 : memref<128x128xf32, #tpu.memory_space<vmem>>) dst(%dma_wait3A_680 : memref<10240x128xf32, #tpu.memory_space<vmem_shared>>)
        tpu.yield
      }) : () -> ()
      %add3A_632 = arith.constant 4 : i32
      %add3A_633 = arith.addi %add3A_623, %add3A_632 : i32
      %lt3A_634 = arith.cmpi slt, %add3A_633, %select_n3A : i32
      %convert_element_type3A_635 = arith.extui %lt3A_634 : i1 to i32
      %cond3A_636 = arith.constant 0 : i32
      %cond3A_637 = arith.cmpi ne, %convert_element_type3A_635, %cond3A_636 : i32
      scf.if %cond3A_637 {
        %add3A_668 = arith.constant 4 : i32
        %add3A_669 = arith.addi %add3A_623, %add3A_668 : i32
        %mul3A_670 = arith.constant 128 : i32
        %mul3A_671 = arith.muli %add3A_669, %mul3A_670 : i32
        %add3A_672 = arith.addi %mul3A_2, %mul3A_671 : i32
        %dma_start3A_673 = arith.constant 0 : i32
        %dma_start3A_674 = arith.constant 0 : i32
        %dma_start3A_675 = arith.constant 0 : i32
        %dma_start3A_676 = tpu.memref_slice %arg9[%dma_start3A_674, %dma_start3A_675] : memref<2x128xi32, #tpu.memory_space<vmem>> -> memref<1x128xi32, #tpu.memory_space<vmem>>
        %dma_start3A_677 = tpu.memref_squeeze %dma_start3A_676 : memref<1x128xi32, #tpu.memory_space<vmem>> -> memref<128xi32, #tpu.memory_space<vmem>>
        %dma_start3A_678 = tpu.memref_slice %arg3[%dma_start3A_673, %add3A_672] : memref<2x320000xi32, #tpu.memory_space<hbm>> -> memref<1x128xi32, #tpu.memory_space<hbm>>
        %dma_start3A_679 = tpu.memref_squeeze %dma_start3A_678 : memref<1x128xi32, #tpu.memory_space<hbm>> -> memref<128xi32, #tpu.memory_space<hbm>>
        %dma_start3A_680 = arith.constant 0 : i32
        %dma_start3A_681 = tpu.memref_slice %arg9[%dma_start3A_674, %dma_start3A_680] : memref<2x128xi32, #tpu.memory_space<vmem>> -> memref<1x128xi32, #tpu.memory_space<vmem>>
        %dma_start3A_682 = tpu.memref_squeeze %dma_start3A_681 : memref<1x128xi32, #tpu.memory_space<vmem>> -> memref<128xi32, #tpu.memory_space<vmem>>
        %dma_start3A_683 = tpu.memref_slice %arg3[%dma_start3A_673, %add3A_672] : memref<2x320000xi32, #tpu.memory_space<hbm>> -> memref<1x128xi32, #tpu.memory_space<hbm>>
        %dma_start3A_684 = tpu.memref_squeeze %dma_start3A_683 : memref<1x128xi32, #tpu.memory_space<hbm>> -> memref<128xi32, #tpu.memory_space<hbm>>
        tpu.enqueue_dma source(%dma_start3A_684 : memref<128xi32, #tpu.memory_space<hbm>>) target(%dma_start3A_682 : memref<128xi32, #tpu.memory_space<vmem>>) target_semaphore(%arg20 : memref<!tpu.dma_semaphore, #tpu.memory_space<semaphore_mem>>)
        %dma_start3A_685 = arith.constant 1 : i32
        %dma_start3A_686 = arith.constant 0 : i32
        %dma_start3A_687 = tpu.memref_slice %arg9[%dma_start3A_685, %dma_start3A_686] : memref<2x128xi32, #tpu.memory_space<vmem>> -> memref<1x128xi32, #tpu.memory_space<vmem>>
        %dma_start3A_688 = tpu.memref_squeeze %dma_start3A_687 : memref<1x128xi32, #tpu.memory_space<vmem>> -> memref<128xi32, #tpu.memory_space<vmem>>
        %dma_start3A_689 = tpu.memref_slice %arg4[%add3A_672] : memref<320000xi32, #tpu.memory_space<hbm>> -> memref<128xi32, #tpu.memory_space<hbm>>
        %dma_start3A_690 = arith.constant 0 : i32
        %dma_start3A_691 = tpu.memref_slice %arg9[%dma_start3A_685, %dma_start3A_690] : memref<2x128xi32, #tpu.memory_space<vmem>> -> memref<1x128xi32, #tpu.memory_space<vmem>>
        %dma_start3A_692 = tpu.memref_squeeze %dma_start3A_691 : memref<1x128xi32, #tpu.memory_space<vmem>> -> memref<128xi32, #tpu.memory_space<vmem>>
        %dma_start3A_693 = tpu.memref_slice %arg4[%add3A_672] : memref<320000xi32, #tpu.memory_space<hbm>> -> memref<128xi32, #tpu.memory_space<hbm>>
        tpu.enqueue_dma source(%dma_start3A_693 : memref<128xi32, #tpu.memory_space<hbm>>) target(%dma_start3A_692 : memref<128xi32, #tpu.memory_space<vmem>>) target_semaphore(%arg20 : memref<!tpu.dma_semaphore, #tpu.memory_space<semaphore_mem>>)
        %dma_start3A_694 = arith.constant 1 : i32
        %dma_start3A_695 = arith.constant 1 : i32
        %dma_start3A_696 = arith.constant 0 : i32
        %dma_start3A_697 = tpu.memref_slice %arg13[%dma_start3A_695, %dma_start3A_696] : memref<2x128xi32, #tpu.memory_space<vmem>> -> memref<1x128xi32, #tpu.memory_space<vmem>>
        %dma_start3A_698 = tpu.memref_squeeze %dma_start3A_697 : memref<1x128xi32, #tpu.memory_space<vmem>> -> memref<128xi32, #tpu.memory_space<vmem>>
        %dma_start3A_699 = tpu.memref_slice %arg3[%dma_start3A_694, %add3A_672] : memref<2x320000xi32, #tpu.memory_space<hbm>> -> memref<1x128xi32, #tpu.memory_space<hbm>>
        %dma_start3A_700 = tpu.memref_squeeze %dma_start3A_699 : memref<1x128xi32, #tpu.memory_space<hbm>> -> memref<128xi32, #tpu.memory_space<hbm>>
        %dma_start3A_701 = arith.constant 0 : i32
        %dma_start3A_702 = tpu.memref_slice %arg13[%dma_start3A_695, %dma_start3A_701] : memref<2x128xi32, #tpu.memory_space<vmem>> -> memref<1x128xi32, #tpu.memory_space<vmem>>
        %dma_start3A_703 = tpu.memref_squeeze %dma_start3A_702 : memref<1x128xi32, #tpu.memory_space<vmem>> -> memref<128xi32, #tpu.memory_space<vmem>>
        %dma_start3A_704 = tpu.memref_slice %arg3[%dma_start3A_694, %add3A_672] : memref<2x320000xi32, #tpu.memory_space<hbm>> -> memref<1x128xi32, #tpu.memory_space<hbm>>
        %dma_start3A_705 = tpu.memref_squeeze %dma_start3A_704 : memref<1x128xi32, #tpu.memory_space<hbm>> -> memref<128xi32, #tpu.memory_space<hbm>>
        tpu.enqueue_dma source(%dma_start3A_705 : memref<128xi32, #tpu.memory_space<hbm>>) target(%dma_start3A_703 : memref<128xi32, #tpu.memory_space<vmem>>) target_semaphore(%arg20 : memref<!tpu.dma_semaphore, #tpu.memory_space<semaphore_mem>>)
      } else {
      }
      %add3A_638 = arith.constant 2 : i32
      %add3A_639 = arith.addi %add3A_623, %add3A_638 : i32
      %lt3A_640 = arith.cmpi slt, %add3A_639, %select_n3A : i32
      %convert_element_type3A_641 = arith.extui %lt3A_640 : i1 to i32
      %cond3A_642 = arith.constant 0 : i32
      %cond3A_643 = arith.cmpi ne, %convert_element_type3A_641, %cond3A_642 : i32
      scf.if %cond3A_643 {
        %add3A_668 = arith.constant 2 : i32
        %add3A_669 = arith.addi %add3A_623, %add3A_668 : i32
        %mul3A_670 = arith.constant 128 : i32
        %mul3A_671 = arith.muli %add3A_669, %mul3A_670 : i32
        %add3A_672 = arith.addi %mul3A_2, %mul3A_671 : i32
        %dma_wait3A_673 = arith.constant 0 : i32
        %dma_wait3A_674 = arith.constant 0 : i32
        %dma_wait3A_675 = arith.constant 0 : i32
        %dma_wait3A_676 = tpu.memref_slice %arg7[%dma_wait3A_674, %dma_wait3A_675] : memref<2x128xi32, #tpu.memory_space<vmem>> -> memref<1x128xi32, #tpu.memory_space<vmem>>
        %dma_wait3A_677 = tpu.memref_squeeze %dma_wait3A_676 : memref<1x128xi32, #tpu.memory_space<vmem>> -> memref<128xi32, #tpu.memory_space<vmem>>
        %dma_wait3A_678 = tpu.memref_slice %arg3[%dma_wait3A_673, %add3A_672] : memref<2x320000xi32, #tpu.memory_space<hbm>> -> memref<1x128xi32, #tpu.memory_space<hbm>>
        %dma_wait3A_679 = tpu.memref_squeeze %dma_wait3A_678 : memref<1x128xi32, #tpu.memory_space<hbm>> -> memref<128xi32, #tpu.memory_space<hbm>>
        %dma_wait3A_680 = arith.constant 0 : i32
        %dma_wait3A_681 = tpu.memref_slice %arg7[%dma_wait3A_674, %dma_wait3A_680] : memref<2x128xi32, #tpu.memory_space<vmem>> -> memref<1x128xi32, #tpu.memory_space<vmem>>
        %dma_wait3A_682 = tpu.memref_squeeze %dma_wait3A_681 : memref<1x128xi32, #tpu.memory_space<vmem>> -> memref<128xi32, #tpu.memory_space<vmem>>
        %dma_wait3A_683 = tpu.memref_slice %arg3[%dma_wait3A_673, %add3A_672] : memref<2x320000xi32, #tpu.memory_space<hbm>> -> memref<1x128xi32, #tpu.memory_space<hbm>>
        %dma_wait3A_684 = tpu.memref_squeeze %dma_wait3A_683 : memref<1x128xi32, #tpu.memory_space<hbm>> -> memref<128xi32, #tpu.memory_space<hbm>>
        tpu.wait_dma2 semaphore(%arg18 : memref<!tpu.dma_semaphore, #tpu.memory_space<semaphore_mem>>) src(%dma_wait3A_684 : memref<128xi32, #tpu.memory_space<hbm>>) dst(%dma_wait3A_682 : memref<128xi32, #tpu.memory_space<vmem>>)
        %dma_wait3A_685 = arith.constant 1 : i32
        %dma_wait3A_686 = arith.constant 0 : i32
        %dma_wait3A_687 = tpu.memref_slice %arg7[%dma_wait3A_685, %dma_wait3A_686] : memref<2x128xi32, #tpu.memory_space<vmem>> -> memref<1x128xi32, #tpu.memory_space<vmem>>
        %dma_wait3A_688 = tpu.memref_squeeze %dma_wait3A_687 : memref<1x128xi32, #tpu.memory_space<vmem>> -> memref<128xi32, #tpu.memory_space<vmem>>
        %dma_wait3A_689 = tpu.memref_slice %arg4[%add3A_672] : memref<320000xi32, #tpu.memory_space<hbm>> -> memref<128xi32, #tpu.memory_space<hbm>>
        %dma_wait3A_690 = arith.constant 0 : i32
        %dma_wait3A_691 = tpu.memref_slice %arg7[%dma_wait3A_685, %dma_wait3A_690] : memref<2x128xi32, #tpu.memory_space<vmem>> -> memref<1x128xi32, #tpu.memory_space<vmem>>
        %dma_wait3A_692 = tpu.memref_squeeze %dma_wait3A_691 : memref<1x128xi32, #tpu.memory_space<vmem>> -> memref<128xi32, #tpu.memory_space<vmem>>
        %dma_wait3A_693 = tpu.memref_slice %arg4[%add3A_672] : memref<320000xi32, #tpu.memory_space<hbm>> -> memref<128xi32, #tpu.memory_space<hbm>>
        tpu.wait_dma2 semaphore(%arg18 : memref<!tpu.dma_semaphore, #tpu.memory_space<semaphore_mem>>) src(%dma_wait3A_693 : memref<128xi32, #tpu.memory_space<hbm>>) dst(%dma_wait3A_692 : memref<128xi32, #tpu.memory_space<vmem>>)
        %dma_wait3A_694 = arith.constant 1 : i32
        %dma_wait3A_695 = arith.constant 1 : i32
        %dma_wait3A_696 = arith.constant 0 : i32
        %dma_wait3A_697 = tpu.memref_slice %arg11[%dma_wait3A_695, %dma_wait3A_696] : memref<2x128xi32, #tpu.memory_space<vmem>> -> memref<1x128xi32, #tpu.memory_space<vmem>>
        %dma_wait3A_698 = tpu.memref_squeeze %dma_wait3A_697 : memref<1x128xi32, #tpu.memory_space<vmem>> -> memref<128xi32, #tpu.memory_space<vmem>>
        %dma_wait3A_699 = tpu.memref_slice %arg3[%dma_wait3A_694, %add3A_672] : memref<2x320000xi32, #tpu.memory_space<hbm>> -> memref<1x128xi32, #tpu.memory_space<hbm>>
        %dma_wait3A_700 = tpu.memref_squeeze %dma_wait3A_699 : memref<1x128xi32, #tpu.memory_space<hbm>> -> memref<128xi32, #tpu.memory_space<hbm>>
        %dma_wait3A_701 = arith.constant 0 : i32
        %dma_wait3A_702 = tpu.memref_slice %arg11[%dma_wait3A_695, %dma_wait3A_701] : memref<2x128xi32, #tpu.memory_space<vmem>> -> memref<1x128xi32, #tpu.memory_space<vmem>>
        %dma_wait3A_703 = tpu.memref_squeeze %dma_wait3A_702 : memref<1x128xi32, #tpu.memory_space<vmem>> -> memref<128xi32, #tpu.memory_space<vmem>>
        %dma_wait3A_704 = tpu.memref_slice %arg3[%dma_wait3A_694, %add3A_672] : memref<2x320000xi32, #tpu.memory_space<hbm>> -> memref<1x128xi32, #tpu.memory_space<hbm>>
        %dma_wait3A_705 = tpu.memref_squeeze %dma_wait3A_704 : memref<1x128xi32, #tpu.memory_space<hbm>> -> memref<128xi32, #tpu.memory_space<hbm>>
        tpu.wait_dma2 semaphore(%arg18 : memref<!tpu.dma_semaphore, #tpu.memory_space<semaphore_mem>>) src(%dma_wait3A_705 : memref<128xi32, #tpu.memory_space<hbm>>) dst(%dma_wait3A_703 : memref<128xi32, #tpu.memory_space<vmem>>)
        %get3A_706 = arith.constant 1 : i32
        %get3A_707 = arith.index_cast %get3A_706 : i32 to index
        %get3A_708 = arith.constant 0 : index
        %get3A_709 = tpu.vector_load %arg7[%get3A_707, %get3A_708] {strides = array<i32>} : memref<2x128xi32, #tpu.memory_space<vmem>>, vector<1x16xi32>,
        %get3A_710 = vector.shape_cast %get3A_709 : vector<1x16xi32> to vector<16xi32>
        %mul3A_711 = arith.constant 10000 : i32
        %mul3A_712 = vector.broadcast %mul3A_711 : i32 to vector<16xi32>
        %mul3A_713 = arith.muli %get3A_710, %mul3A_712 : vector<16xi32>
        %get3A_714 = arith.constant 0 : i32
        %get3A_715 = arith.index_cast %get3A_714 : i32 to index
        %get3A_716 = arith.constant 0 : index
        %get3A_717 = tpu.vector_load %arg7[%get3A_715, %get3A_716] {strides = array<i32>} : memref<2x128xi32, #tpu.memory_space<vmem>>, vector<1x16xi32>,
        %get3A_718 = vector.shape_cast %get3A_717 : vector<1x16xi32> to vector<16xi32>
        %add3A_719 = arith.addi %mul3A_713, %get3A_718 : vector<16xi32>
        %swap3A_720 = arith.constant 0 : i32
        %swap3A_721 = arith.index_cast %swap3A_720 : i32 to index
        %swap3A_722 = arith.constant 0 : index
        %swap3A_723 = tpu.vector_load %arg11[%swap3A_721, %swap3A_722] {strides = array<i32>} : memref<2x128xi32, #tpu.memory_space<vmem>>, vector<1x16xi32>,
        %swap3A_724 = vector.shape_cast %swap3A_723 : vector<1x16xi32> to vector<16xi32>
        %swap3A_725 = vector.shape_cast %add3A_719 : vector<16xi32> to vector<1x16xi32>
        tpu.vector_store %arg11[%swap3A_721, %swap3A_722], %swap3A_725 {strides = array<i32>} : memref<2x128xi32, #tpu.memory_space<vmem>>, vector<1x16xi32>,
        %get3A_726 = arith.constant 1 : i32
        %get3A_727 = arith.index_cast %get3A_726 : i32 to index
        %get3A_728 = arith.constant 16 : index
        %get3A_729 = tpu.vector_load %arg7[%get3A_727, %get3A_728] {strides = array<i32>} : memref<2x128xi32, #tpu.memory_space<vmem>>, vector<1x16xi32>,
        %get3A_730 = vector.shape_cast %get3A_729 : vector<1x16xi32> to vector<16xi32>
        %mul3A_731 = arith.constant 10000 : i32
        %mul3A_732 = vector.broadcast %mul3A_731 : i32 to vector<16xi32>
        %mul3A_733 = arith.muli %get3A_730, %mul3A_732 : vector<16xi32>
        %get3A_734 = arith.constant 0 : i32
        %get3A_735 = arith.index_cast %get3A_734 : i32 to index
        %get3A_736 = arith.constant 16 : index
        %get3A_737 = tpu.vector_load %arg7[%get3A_735, %get3A_736] {strides = array<i32>} : memref<2x128xi32, #tpu.memory_space<vmem>>, vector<1x16xi32>,
        %get3A_738 = vector.shape_cast %get3A_737 : vector<1x16xi32> to vector<16xi32>
        %add3A_739 = arith.addi %mul3A_733, %get3A_738 : vector<16xi32>
        %swap3A_740 = arith.constant 0 : i32
        %swap3A_741 = arith.index_cast %swap3A_740 : i32 to index
        %swap3A_742 = arith.constant 16 : index
        %swap3A_743 = tpu.vector_load %arg11[%swap3A_741, %swap3A_742] {strides = array<i32>} : memref<2x128xi32, #tpu.memory_space<vmem>>, vector<1x16xi32>,
        %swap3A_744 = vector.shape_cast %swap3A_743 : vector<1x16xi32> to vector<16xi32>
        %swap3A_745 = vector.shape_cast %add3A_739 : vector<16xi32> to vector<1x16xi32>
        tpu.vector_store %arg11[%swap3A_741, %swap3A_742], %swap3A_745 {strides = array<i32>} : memref<2x128xi32, #tpu.memory_space<vmem>>, vector<1x16xi32>,
        %get3A_746 = arith.constant 1 : i32
        %get3A_747 = arith.index_cast %get3A_746 : i32 to index
        %get3A_748 = arith.constant 32 : index
        %get3A_749 = tpu.vector_load %arg7[%get3A_747, %get3A_748] {strides = array<i32>} : memref<2x128xi32, #tpu.memory_space<vmem>>, vector<1x16xi32>,
        %get3A_750 = vector.shape_cast %get3A_749 : vector<1x16xi32> to vector<16xi32>
        %mul3A_751 = arith.constant 10000 : i32
        %mul3A_752 = vector.broadcast %mul3A_751 : i32 to vector<16xi32>
        %mul3A_753 = arith.muli %get3A_750, %mul3A_752 : vector<16xi32>
        %get3A_754 = arith.constant 0 : i32
        %get3A_755 = arith.index_cast %get3A_754 : i32 to index
        %get3A_756 = arith.constant 32 : index
        %get3A_757 = tpu.vector_load %arg7[%get3A_755, %get3A_756] {strides = array<i32>} : memref<2x128xi32, #tpu.memory_space<vmem>>, vector<1x16xi32>,
        %get3A_758 = vector.shape_cast %get3A_757 : vector<1x16xi32> to vector<16xi32>
        %add3A_759 = arith.addi %mul3A_753, %get3A_758 : vector<16xi32>
        %swap3A_760 = arith.constant 0 : i32
        %swap3A_761 = arith.index_cast %swap3A_760 : i32 to index
        %swap3A_762 = arith.constant 32 : index
        %swap3A_763 = tpu.vector_load %arg11[%swap3A_761, %swap3A_762] {strides = array<i32>} : memref<2x128xi32, #tpu.memory_space<vmem>>, vector<1x16xi32>,
        %swap3A_764 = vector.shape_cast %swap3A_763 : vector<1x16xi32> to vector<16xi32>
        %swap3A_765 = vector.shape_cast %add3A_759 : vector<16xi32> to vector<1x16xi32>
        tpu.vector_store %arg11[%swap3A_761, %swap3A_762], %swap3A_765 {strides = array<i32>} : memref<2x128xi32, #tpu.memory_space<vmem>>, vector<1x16xi32>,
        %get3A_766 = arith.constant 1 : i32
        %get3A_767 = arith.index_cast %get3A_766 : i32 to index
        %get3A_768 = arith.constant 48 : index
        %get3A_769 = tpu.vector_load %arg7[%get3A_767, %get3A_768] {strides = array<i32>} : memref<2x128xi32, #tpu.memory_space<vmem>>, vector<1x16xi32>,
        %get3A_770 = vector.shape_cast %get3A_769 : vector<1x16xi32> to vector<16xi32>
        %mul3A_771 = arith.constant 10000 : i32
        %mul3A_772 = vector.broadcast %mul3A_771 : i32 to vector<16xi32>
        %mul3A_773 = arith.muli %get3A_770, %mul3A_772 : vector<16xi32>
        %get3A_774 = arith.constant 0 : i32
        %get3A_775 = arith.index_cast %get3A_774 : i32 to index
        %get3A_776 = arith.constant 48 : index
        %get3A_777 = tpu.vector_load %arg7[%get3A_775, %get3A_776] {strides = array<i32>} : memref<2x128xi32, #tpu.memory_space<vmem>>, vector<1x16xi32>,
        %get3A_778 = vector.shape_cast %get3A_777 : vector<1x16xi32> to vector<16xi32>
        %add3A_779 = arith.addi %mul3A_773, %get3A_778 : vector<16xi32>
        %swap3A_780 = arith.constant 0 : i32
        %swap3A_781 = arith.index_cast %swap3A_780 : i32 to index
        %swap3A_782 = arith.constant 48 : index
        %swap3A_783 = tpu.vector_load %arg11[%swap3A_781, %swap3A_782] {strides = array<i32>} : memref<2x128xi32, #tpu.memory_space<vmem>>, vector<1x16xi32>,
        %swap3A_784 = vector.shape_cast %swap3A_783 : vector<1x16xi32> to vector<16xi32>
        %swap3A_785 = vector.shape_cast %add3A_779 : vector<16xi32> to vector<1x16xi32>
        tpu.vector_store %arg11[%swap3A_781, %swap3A_782], %swap3A_785 {strides = array<i32>} : memref<2x128xi32, #tpu.memory_space<vmem>>, vector<1x16xi32>,
        %get3A_786 = arith.constant 1 : i32
        %get3A_787 = arith.index_cast %get3A_786 : i32 to index
        %get3A_788 = arith.constant 64 : index
        %get3A_789 = tpu.vector_load %arg7[%get3A_787, %get3A_788] {strides = array<i32>} : memref<2x128xi32, #tpu.memory_space<vmem>>, vector<1x16xi32>,
        %get3A_790 = vector.shape_cast %get3A_789 : vector<1x16xi32> to vector<16xi32>
        %mul3A_791 = arith.constant 10000 : i32
        %mul3A_792 = vector.broadcast %mul3A_791 : i32 to vector<16xi32>
        %mul3A_793 = arith.muli %get3A_790, %mul3A_792 : vector<16xi32>
        %get3A_794 = arith.constant 0 : i32
        %get3A_795 = arith.index_cast %get3A_794 : i32 to index
        %get3A_796 = arith.constant 64 : index
        %get3A_797 = tpu.vector_load %arg7[%get3A_795, %get3A_796] {strides = array<i32>} : memref<2x128xi32, #tpu.memory_space<vmem>>, vector<1x16xi32>,
        %get3A_798 = vector.shape_cast %get3A_797 : vector<1x16xi32> to vector<16xi32>
        %add3A_799 = arith.addi %mul3A_793, %get3A_798 : vector<16xi32>
        %swap3A_800 = arith.constant 0 : i32
        %swap3A_801 = arith.index_cast %swap3A_800 : i32 to index
        %swap3A_802 = arith.constant 64 : index
        %swap3A_803 = tpu.vector_load %arg11[%swap3A_801, %swap3A_802] {strides = array<i32>} : memref<2x128xi32, #tpu.memory_space<vmem>>, vector<1x16xi32>,
        %swap3A_804 = vector.shape_cast %swap3A_803 : vector<1x16xi32> to vector<16xi32>
        %swap3A_805 = vector.shape_cast %add3A_799 : vector<16xi32> to vector<1x16xi32>
        tpu.vector_store %arg11[%swap3A_801, %swap3A_802], %swap3A_805 {strides = array<i32>} : memref<2x128xi32, #tpu.memory_space<vmem>>, vector<1x16xi32>,
        %get3A_806 = arith.constant 1 : i32
        %get3A_807 = arith.index_cast %get3A_806 : i32 to index
        %get3A_808 = arith.constant 80 : index
        %get3A_809 = tpu.vector_load %arg7[%get3A_807, %get3A_808] {strides = array<i32>} : memref<2x128xi32, #tpu.memory_space<vmem>>, vector<1x16xi32>,
        %get3A_810 = vector.shape_cast %get3A_809 : vector<1x16xi32> to vector<16xi32>
        %mul3A_811 = arith.constant 10000 : i32
        %mul3A_812 = vector.broadcast %mul3A_811 : i32 to vector<16xi32>
        %mul3A_813 = arith.muli %get3A_810, %mul3A_812 : vector<16xi32>
        %get3A_814 = arith.constant 0 : i32
        %get3A_815 = arith.index_cast %get3A_814 : i32 to index
        %get3A_816 = arith.constant 80 : index
        %get3A_817 = tpu.vector_load %arg7[%get3A_815, %get3A_816] {strides = array<i32>} : memref<2x128xi32, #tpu.memory_space<vmem>>, vector<1x16xi32>,
        %get3A_818 = vector.shape_cast %get3A_817 : vector<1x16xi32> to vector<16xi32>
        %add3A_819 = arith.addi %mul3A_813, %get3A_818 : vector<16xi32>
        %swap3A_820 = arith.constant 0 : i32
        %swap3A_821 = arith.index_cast %swap3A_820 : i32 to index
        %swap3A_822 = arith.constant 80 : index
        %swap3A_823 = tpu.vector_load %arg11[%swap3A_821, %swap3A_822] {strides = array<i32>} : memref<2x128xi32, #tpu.memory_space<vmem>>, vector<1x16xi32>,
        %swap3A_824 = vector.shape_cast %swap3A_823 : vector<1x16xi32> to vector<16xi32>
        %swap3A_825 = vector.shape_cast %add3A_819 : vector<16xi32> to vector<1x16xi32>
        tpu.vector_store %arg11[%swap3A_821, %swap3A_822], %swap3A_825 {strides = array<i32>} : memref<2x128xi32, #tpu.memory_space<vmem>>, vector<1x16xi32>,
        %get3A_826 = arith.constant 1 : i32
        %get3A_827 = arith.index_cast %get3A_826 : i32 to index
        %get3A_828 = arith.constant 96 : index
        %get3A_829 = tpu.vector_load %arg7[%get3A_827, %get3A_828] {strides = array<i32>} : memref<2x128xi32, #tpu.memory_space<vmem>>, vector<1x16xi32>,
        %get3A_830 = vector.shape_cast %get3A_829 : vector<1x16xi32> to vector<16xi32>
        %mul3A_831 = arith.constant 10000 : i32
        %mul3A_832 = vector.broadcast %mul3A_831 : i32 to vector<16xi32>
        %mul3A_833 = arith.muli %get3A_830, %mul3A_832 : vector<16xi32>
        %get3A_834 = arith.constant 0 : i32
        %get3A_835 = arith.index_cast %get3A_834 : i32 to index
        %get3A_836 = arith.constant 96 : index
        %get3A_837 = tpu.vector_load %arg7[%get3A_835, %get3A_836] {strides = array<i32>} : memref<2x128xi32, #tpu.memory_space<vmem>>, vector<1x16xi32>,
        %get3A_838 = vector.shape_cast %get3A_837 : vector<1x16xi32> to vector<16xi32>
        %add3A_839 = arith.addi %mul3A_833, %get3A_838 : vector<16xi32>
        %swap3A_840 = arith.constant 0 : i32
        %swap3A_841 = arith.index_cast %swap3A_840 : i32 to index
        %swap3A_842 = arith.constant 96 : index
        %swap3A_843 = tpu.vector_load %arg11[%swap3A_841, %swap3A_842] {strides = array<i32>} : memref<2x128xi32, #tpu.memory_space<vmem>>, vector<1x16xi32>,
        %swap3A_844 = vector.shape_cast %swap3A_843 : vector<1x16xi32> to vector<16xi32>
        %swap3A_845 = vector.shape_cast %add3A_839 : vector<16xi32> to vector<1x16xi32>
        tpu.vector_store %arg11[%swap3A_841, %swap3A_842], %swap3A_845 {strides = array<i32>} : memref<2x128xi32, #tpu.memory_space<vmem>>, vector<1x16xi32>,
        %get3A_846 = arith.constant 1 : i32
        %get3A_847 = arith.index_cast %get3A_846 : i32 to index
        %get3A_848 = arith.constant 112 : index
        %get3A_849 = tpu.vector_load %arg7[%get3A_847, %get3A_848] {strides = array<i32>} : memref<2x128xi32, #tpu.memory_space<vmem>>, vector<1x16xi32>,
        %get3A_850 = vector.shape_cast %get3A_849 : vector<1x16xi32> to vector<16xi32>
        %mul3A_851 = arith.constant 10000 : i32
        %mul3A_852 = vector.broadcast %mul3A_851 : i32 to vector<16xi32>
        %mul3A_853 = arith.muli %get3A_850, %mul3A_852 : vector<16xi32>
        %get3A_854 = arith.constant 0 : i32
        %get3A_855 = arith.index_cast %get3A_854 : i32 to index
        %get3A_856 = arith.constant 112 : index
        %get3A_857 = tpu.vector_load %arg7[%get3A_855, %get3A_856] {strides = array<i32>} : memref<2x128xi32, #tpu.memory_space<vmem>>, vector<1x16xi32>,
        %get3A_858 = vector.shape_cast %get3A_857 : vector<1x16xi32> to vector<16xi32>
        %add3A_859 = arith.addi %mul3A_853, %get3A_858 : vector<16xi32>
        %swap3A_860 = arith.constant 0 : i32
        %swap3A_861 = arith.index_cast %swap3A_860 : i32 to index
        %swap3A_862 = arith.constant 112 : index
        %swap3A_863 = tpu.vector_load %arg11[%swap3A_861, %swap3A_862] {strides = array<i32>} : memref<2x128xi32, #tpu.memory_space<vmem>>, vector<1x16xi32>,
        %swap3A_864 = vector.shape_cast %swap3A_863 : vector<1x16xi32> to vector<16xi32>
        %swap3A_865 = vector.shape_cast %add3A_859 : vector<16xi32> to vector<1x16xi32>
        tpu.vector_store %arg11[%swap3A_861, %swap3A_862], %swap3A_865 {strides = array<i32>} : memref<2x128xi32, #tpu.memory_space<vmem>>, vector<1x16xi32>,
        %dma_start3A_866 = arith.constant 0 : i32
        %dma_start3A_867 = arith.constant 0 : i32
        %dma_start3A_868 = tpu.memref_slice %arg11[%dma_start3A_866, %dma_start3A_867] : memref<2x128xi32, #tpu.memory_space<vmem>> -> memref<1x128xi32, #tpu.memory_space<vmem>>
        %dma_start3A_869 = tpu.memref_squeeze %dma_start3A_868 : memref<1x128xi32, #tpu.memory_space<vmem>> -> memref<128xi32, #tpu.memory_space<vmem>>
        %dma_start3A_870 = arith.constant 0 : i32
        %dma_start3A_871 = arith.constant 0 : i32
        %dma_start3A_872 = tpu.memref_slice %arg2[%dma_start3A_870, %dma_start3A_871] : memref<320000x128xf32, #tpu.memory_space<hbm>> -> memref<320000x128xf32, #tpu.memory_space<hbm>>
        tpu.enqueue_indirect_dma source(%dma_start3A_872 : memref<320000x128xf32, #tpu.memory_space<hbm>>) target(%arg15 : memref<128x128xf32, #tpu.memory_space<vmem>>) offsets(%dma_start3A_869 : memref<128xi32, #tpu.memory_space<vmem>>) semaphore(%arg22 : memref<!tpu.dma_semaphore, #tpu.memory_space<semaphore_mem>>)
      } else {
      }
      %mul3A_644 = arith.constant 4 : i32
      %mul3A_645 = arith.muli %while3A_575, %mul3A_644 : i32
      %add3A_646 = arith.constant 3 : i32
      %add3A_647 = arith.addi %mul3A_645, %add3A_646 : i32
      %dma_wait3A_648 = arith.constant 0 : i32
      %dma_wait3A_649 = arith.constant 0 : i32
      %dma_wait3A_650 = tpu.memref_slice %arg14[%dma_wait3A_648, %dma_wait3A_649] : memref<2x128xi32, #tpu.memory_space<vmem>> -> memref<1x128xi32, #tpu.memory_space<vmem>>
      %dma_wait3A_651 = tpu.memref_squeeze %dma_wait3A_650 : memref<1x128xi32, #tpu.memory_space<vmem>> -> memref<128xi32, #tpu.memory_space<vmem>>
      %dma_wait3A_652 = arith.constant 0 : i32
      %dma_wait3A_653 = arith.constant 0 : i32
      %dma_wait3A_654 = tpu.memref_slice %arg2[%dma_wait3A_652, %dma_wait3A_653] : memref<320000x128xf32, #tpu.memory_space<hbm>> -> memref<320000x128xf32, #tpu.memory_space<hbm>>
      tpu.wait_indirect_dma semaphore(%arg23 : memref<!tpu.dma_semaphore, #tpu.memory_space<semaphore_mem>>) src(%dma_wait3A_654 : memref<320000x128xf32, #tpu.memory_space<hbm>>) dst(%arg16 : memref<128x128xf32, #tpu.memory_space<vmem>>)
      %run_scoped3A_655 = arith.constant 1 : i32
      "tpu.region"() ({
        %run_scoped3A_668 = tpu.sem_alloc : memref<!tpu.dma_semaphore, #tpu.memory_space<semaphore_mem>>
        %dma_start3A_669 = arith.constant 0 : i32
        %dma_start3A_670 = tpu.memref_slice %arg14[%run_scoped3A_655, %dma_start3A_669] : memref<2x128xi32, #tpu.memory_space<vmem>> -> memref<1x128xi32, #tpu.memory_space<vmem>>
        %dma_start3A_671 = tpu.memref_squeeze %dma_start3A_670 : memref<1x128xi32, #tpu.memory_space<vmem>> -> memref<128xi32, #tpu.memory_space<vmem>>
        %dma_start3A_672 = arith.constant 0 : i32
        %dma_start3A_673 = arith.constant 0 : i32
        %dma_start3A_674 = tpu.memref_slice %arg17[%dma_start3A_672, %dma_start3A_673] : memref<10240x128xf32, #tpu.memory_space<vmem_shared>> -> memref<10240x128xf32, #tpu.memory_space<vmem_shared>>
        tpu.enqueue_indirect_dma source(%arg16 : memref<128x128xf32, #tpu.memory_space<vmem>>) target(%dma_start3A_674 : memref<10240x128xf32, #tpu.memory_space<vmem_shared>>) offsets(%dma_start3A_671 : memref<128xi32, #tpu.memory_space<vmem>>) semaphore(%run_scoped3A_668 : memref<!tpu.dma_semaphore, #tpu.memory_space<semaphore_mem>>) {add = true}
        %dma_wait3A_675 = arith.constant 0 : i32
        %dma_wait3A_676 = tpu.memref_slice %arg14[%run_scoped3A_655, %dma_wait3A_675] : memref<2x128xi32, #tpu.memory_space<vmem>> -> memref<1x128xi32, #tpu.memory_space<vmem>>
        %dma_wait3A_677 = tpu.memref_squeeze %dma_wait3A_676 : memref<1x128xi32, #tpu.memory_space<vmem>> -> memref<128xi32, #tpu.memory_space<vmem>>
        %dma_wait3A_678 = arith.constant 0 : i32
        %dma_wait3A_679 = arith.constant 0 : i32
        %dma_wait3A_680 = tpu.memref_slice %arg17[%dma_wait3A_678, %dma_wait3A_679] : memref<10240x128xf32, #tpu.memory_space<vmem_shared>> -> memref<10240x128xf32, #tpu.memory_space<vmem_shared>>
        tpu.wait_indirect_dma semaphore(%run_scoped3A_668 : memref<!tpu.dma_semaphore, #tpu.memory_space<semaphore_mem>>) src(%arg16 : memref<128x128xf32, #tpu.memory_space<vmem>>) dst(%dma_wait3A_680 : memref<10240x128xf32, #tpu.memory_space<vmem_shared>>)
        tpu.yield
      }) : () -> ()
      %add3A_656 = arith.constant 4 : i32
      %add3A_657 = arith.addi %add3A_647, %add3A_656 : i32
      %lt3A_658 = arith.cmpi slt, %add3A_657, %select_n3A : i32
      %convert_element_type3A_659 = arith.extui %lt3A_658 : i1 to i32
      %cond3A_660 = arith.constant 0 : i32
      %cond3A_661 = arith.cmpi ne, %convert_element_type3A_659, %cond3A_660 : i32
      scf.if %cond3A_661 {
        %add3A_668 = arith.constant 4 : i32
        %add3A_669 = arith.addi %add3A_647, %add3A_668 : i32
        %mul3A_670 = arith.constant 128 : i32
        %mul3A_671 = arith.muli %add3A_669, %mul3A_670 : i32
        %add3A_672 = arith.addi %mul3A_2, %mul3A_671 : i32
        %dma_start3A_673 = arith.constant 0 : i32
        %dma_start3A_674 = arith.constant 0 : i32
        %dma_start3A_675 = arith.constant 0 : i32
        %dma_start3A_676 = tpu.memref_slice %arg10[%dma_start3A_674, %dma_start3A_675] : memref<2x128xi32, #tpu.memory_space<vmem>> -> memref<1x128xi32, #tpu.memory_space<vmem>>
        %dma_start3A_677 = tpu.memref_squeeze %dma_start3A_676 : memref<1x128xi32, #tpu.memory_space<vmem>> -> memref<128xi32, #tpu.memory_space<vmem>>
        %dma_start3A_678 = tpu.memref_slice %arg3[%dma_start3A_673, %add3A_672] : memref<2x320000xi32, #tpu.memory_space<hbm>> -> memref<1x128xi32, #tpu.memory_space<hbm>>
        %dma_start3A_679 = tpu.memref_squeeze %dma_start3A_678 : memref<1x128xi32, #tpu.memory_space<hbm>> -> memref<128xi32, #tpu.memory_space<hbm>>
        %dma_start3A_680 = arith.constant 0 : i32
        %dma_start3A_681 = tpu.memref_slice %arg10[%dma_start3A_674, %dma_start3A_680] : memref<2x128xi32, #tpu.memory_space<vmem>> -> memref<1x128xi32, #tpu.memory_space<vmem>>
        %dma_start3A_682 = tpu.memref_squeeze %dma_start3A_681 : memref<1x128xi32, #tpu.memory_space<vmem>> -> memref<128xi32, #tpu.memory_space<vmem>>
        %dma_start3A_683 = tpu.memref_slice %arg3[%dma_start3A_673, %add3A_672] : memref<2x320000xi32, #tpu.memory_space<hbm>> -> memref<1x128xi32, #tpu.memory_space<hbm>>
        %dma_start3A_684 = tpu.memref_squeeze %dma_start3A_683 : memref<1x128xi32, #tpu.memory_space<hbm>> -> memref<128xi32, #tpu.memory_space<hbm>>
        tpu.enqueue_dma source(%dma_start3A_684 : memref<128xi32, #tpu.memory_space<hbm>>) target(%dma_start3A_682 : memref<128xi32, #tpu.memory_space<vmem>>) target_semaphore(%arg21 : memref<!tpu.dma_semaphore, #tpu.memory_space<semaphore_mem>>)
        %dma_start3A_685 = arith.constant 1 : i32
        %dma_start3A_686 = arith.constant 0 : i32
        %dma_start3A_687 = tpu.memref_slice %arg10[%dma_start3A_685, %dma_start3A_686] : memref<2x128xi32, #tpu.memory_space<vmem>> -> memref<1x128xi32, #tpu.memory_space<vmem>>
        %dma_start3A_688 = tpu.memref_squeeze %dma_start3A_687 : memref<1x128xi32, #tpu.memory_space<vmem>> -> memref<128xi32, #tpu.memory_space<vmem>>
        %dma_start3A_689 = tpu.memref_slice %arg4[%add3A_672] : memref<320000xi32, #tpu.memory_space<hbm>> -> memref<128xi32, #tpu.memory_space<hbm>>
        %dma_start3A_690 = arith.constant 0 : i32
        %dma_start3A_691 = tpu.memref_slice %arg10[%dma_start3A_685, %dma_start3A_690] : memref<2x128xi32, #tpu.memory_space<vmem>> -> memref<1x128xi32, #tpu.memory_space<vmem>>
        %dma_start3A_692 = tpu.memref_squeeze %dma_start3A_691 : memref<1x128xi32, #tpu.memory_space<vmem>> -> memref<128xi32, #tpu.memory_space<vmem>>
        %dma_start3A_693 = tpu.memref_slice %arg4[%add3A_672] : memref<320000xi32, #tpu.memory_space<hbm>> -> memref<128xi32, #tpu.memory_space<hbm>>
        tpu.enqueue_dma source(%dma_start3A_693 : memref<128xi32, #tpu.memory_space<hbm>>) target(%dma_start3A_692 : memref<128xi32, #tpu.memory_space<vmem>>) target_semaphore(%arg21 : memref<!tpu.dma_semaphore, #tpu.memory_space<semaphore_mem>>)
        %dma_start3A_694 = arith.constant 1 : i32
        %dma_start3A_695 = arith.constant 1 : i32
        %dma_start3A_696 = arith.constant 0 : i32
        %dma_start3A_697 = tpu.memref_slice %arg14[%dma_start3A_695, %dma_start3A_696] : memref<2x128xi32, #tpu.memory_space<vmem>> -> memref<1x128xi32, #tpu.memory_space<vmem>>
        %dma_start3A_698 = tpu.memref_squeeze %dma_start3A_697 : memref<1x128xi32, #tpu.memory_space<vmem>> -> memref<128xi32, #tpu.memory_space<vmem>>
        %dma_start3A_699 = tpu.memref_slice %arg3[%dma_start3A_694, %add3A_672] : memref<2x320000xi32, #tpu.memory_space<hbm>> -> memref<1x128xi32, #tpu.memory_space<hbm>>
        %dma_start3A_700 = tpu.memref_squeeze %dma_start3A_699 : memref<1x128xi32, #tpu.memory_space<hbm>> -> memref<128xi32, #tpu.memory_space<hbm>>
        %dma_start3A_701 = arith.constant 0 : i32
        %dma_start3A_702 = tpu.memref_slice %arg14[%dma_start3A_695, %dma_start3A_701] : memref<2x128xi32, #tpu.memory_space<vmem>> -> memref<1x128xi32, #tpu.memory_space<vmem>>
        %dma_start3A_703 = tpu.memref_squeeze %dma_start3A_702 : memref<1x128xi32, #tpu.memory_space<vmem>> -> memref<128xi32, #tpu.memory_space<vmem>>
        %dma_start3A_704 = tpu.memref_slice %arg3[%dma_start3A_694, %add3A_672] : memref<2x320000xi32, #tpu.memory_space<hbm>> -> memref<1x128xi32, #tpu.memory_space<hbm>>
        %dma_start3A_705 = tpu.memref_squeeze %dma_start3A_704 : memref<1x128xi32, #tpu.memory_space<hbm>> -> memref<128xi32, #tpu.memory_space<hbm>>
        tpu.enqueue_dma source(%dma_start3A_705 : memref<128xi32, #tpu.memory_space<hbm>>) target(%dma_start3A_703 : memref<128xi32, #tpu.memory_space<vmem>>) target_semaphore(%arg21 : memref<!tpu.dma_semaphore, #tpu.memory_space<semaphore_mem>>)
      } else {
      }
      %add3A_662 = arith.constant 2 : i32
      %add3A_663 = arith.addi %add3A_647, %add3A_662 : i32
      %lt3A_664 = arith.cmpi slt, %add3A_663, %select_n3A : i32
      %convert_element_type3A_665 = arith.extui %lt3A_664 : i1 to i32
      %cond3A_666 = arith.constant 0 : i32
      %cond3A_667 = arith.cmpi ne, %convert_element_type3A_665, %cond3A_666 : i32
      scf.if %cond3A_667 {
        %add3A_668 = arith.constant 2 : i32
        %add3A_669 = arith.addi %add3A_647, %add3A_668 : i32
        %mul3A_670 = arith.constant 128 : i32
        %mul3A_671 = arith.muli %add3A_669, %mul3A_670 : i32
        %add3A_672 = arith.addi %mul3A_2, %mul3A_671 : i32
        %dma_wait3A_673 = arith.constant 0 : i32
        %dma_wait3A_674 = arith.constant 0 : i32
        %dma_wait3A_675 = arith.constant 0 : i32
        %dma_wait3A_676 = tpu.memref_slice %arg8[%dma_wait3A_674, %dma_wait3A_675] : memref<2x128xi32, #tpu.memory_space<vmem>> -> memref<1x128xi32, #tpu.memory_space<vmem>>
        %dma_wait3A_677 = tpu.memref_squeeze %dma_wait3A_676 : memref<1x128xi32, #tpu.memory_space<vmem>> -> memref<128xi32, #tpu.memory_space<vmem>>
        %dma_wait3A_678 = tpu.memref_slice %arg3[%dma_wait3A_673, %add3A_672] : memref<2x320000xi32, #tpu.memory_space<hbm>> -> memref<1x128xi32, #tpu.memory_space<hbm>>
        %dma_wait3A_679 = tpu.memref_squeeze %dma_wait3A_678 : memref<1x128xi32, #tpu.memory_space<hbm>> -> memref<128xi32, #tpu.memory_space<hbm>>
        %dma_wait3A_680 = arith.constant 0 : i32
        %dma_wait3A_681 = tpu.memref_slice %arg8[%dma_wait3A_674, %dma_wait3A_680] : memref<2x128xi32, #tpu.memory_space<vmem>> -> memref<1x128xi32, #tpu.memory_space<vmem>>
        %dma_wait3A_682 = tpu.memref_squeeze %dma_wait3A_681 : memref<1x128xi32, #tpu.memory_space<vmem>> -> memref<128xi32, #tpu.memory_space<vmem>>
        %dma_wait3A_683 = tpu.memref_slice %arg3[%dma_wait3A_673, %add3A_672] : memref<2x320000xi32, #tpu.memory_space<hbm>> -> memref<1x128xi32, #tpu.memory_space<hbm>>
        %dma_wait3A_684 = tpu.memref_squeeze %dma_wait3A_683 : memref<1x128xi32, #tpu.memory_space<hbm>> -> memref<128xi32, #tpu.memory_space<hbm>>
        tpu.wait_dma2 semaphore(%arg19 : memref<!tpu.dma_semaphore, #tpu.memory_space<semaphore_mem>>) src(%dma_wait3A_684 : memref<128xi32, #tpu.memory_space<hbm>>) dst(%dma_wait3A_682 : memref<128xi32, #tpu.memory_space<vmem>>)
        %dma_wait3A_685 = arith.constant 1 : i32
        %dma_wait3A_686 = arith.constant 0 : i32
        %dma_wait3A_687 = tpu.memref_slice %arg8[%dma_wait3A_685, %dma_wait3A_686] : memref<2x128xi32, #tpu.memory_space<vmem>> -> memref<1x128xi32, #tpu.memory_space<vmem>>
        %dma_wait3A_688 = tpu.memref_squeeze %dma_wait3A_687 : memref<1x128xi32, #tpu.memory_space<vmem>> -> memref<128xi32, #tpu.memory_space<vmem>>
        %dma_wait3A_689 = tpu.memref_slice %arg4[%add3A_672] : memref<320000xi32, #tpu.memory_space<hbm>> -> memref<128xi32, #tpu.memory_space<hbm>>
        %dma_wait3A_690 = arith.constant 0 : i32
        %dma_wait3A_691 = tpu.memref_slice %arg8[%dma_wait3A_685, %dma_wait3A_690] : memref<2x128xi32, #tpu.memory_space<vmem>> -> memref<1x128xi32, #tpu.memory_space<vmem>>
        %dma_wait3A_692 = tpu.memref_squeeze %dma_wait3A_691 : memref<1x128xi32, #tpu.memory_space<vmem>> -> memref<128xi32, #tpu.memory_space<vmem>>
        %dma_wait3A_693 = tpu.memref_slice %arg4[%add3A_672] : memref<320000xi32, #tpu.memory_space<hbm>> -> memref<128xi32, #tpu.memory_space<hbm>>
        tpu.wait_dma2 semaphore(%arg19 : memref<!tpu.dma_semaphore, #tpu.memory_space<semaphore_mem>>) src(%dma_wait3A_693 : memref<128xi32, #tpu.memory_space<hbm>>) dst(%dma_wait3A_692 : memref<128xi32, #tpu.memory_space<vmem>>)
        %dma_wait3A_694 = arith.constant 1 : i32
        %dma_wait3A_695 = arith.constant 1 : i32
        %dma_wait3A_696 = arith.constant 0 : i32
        %dma_wait3A_697 = tpu.memref_slice %arg12[%dma_wait3A_695, %dma_wait3A_696] : memref<2x128xi32, #tpu.memory_space<vmem>> -> memref<1x128xi32, #tpu.memory_space<vmem>>
        %dma_wait3A_698 = tpu.memref_squeeze %dma_wait3A_697 : memref<1x128xi32, #tpu.memory_space<vmem>> -> memref<128xi32, #tpu.memory_space<vmem>>
        %dma_wait3A_699 = tpu.memref_slice %arg3[%dma_wait3A_694, %add3A_672] : memref<2x320000xi32, #tpu.memory_space<hbm>> -> memref<1x128xi32, #tpu.memory_space<hbm>>
        %dma_wait3A_700 = tpu.memref_squeeze %dma_wait3A_699 : memref<1x128xi32, #tpu.memory_space<hbm>> -> memref<128xi32, #tpu.memory_space<hbm>>
        %dma_wait3A_701 = arith.constant 0 : i32
        %dma_wait3A_702 = tpu.memref_slice %arg12[%dma_wait3A_695, %dma_wait3A_701] : memref<2x128xi32, #tpu.memory_space<vmem>> -> memref<1x128xi32, #tpu.memory_space<vmem>>
        %dma_wait3A_703 = tpu.memref_squeeze %dma_wait3A_702 : memref<1x128xi32, #tpu.memory_space<vmem>> -> memref<128xi32, #tpu.memory_space<vmem>>
        %dma_wait3A_704 = tpu.memref_slice %arg3[%dma_wait3A_694, %add3A_672] : memref<2x320000xi32, #tpu.memory_space<hbm>> -> memref<1x128xi32, #tpu.memory_space<hbm>>
        %dma_wait3A_705 = tpu.memref_squeeze %dma_wait3A_704 : memref<1x128xi32, #tpu.memory_space<hbm>> -> memref<128xi32, #tpu.memory_space<hbm>>
        tpu.wait_dma2 semaphore(%arg19 : memref<!tpu.dma_semaphore, #tpu.memory_space<semaphore_mem>>) src(%dma_wait3A_705 : memref<128xi32, #tpu.memory_space<hbm>>) dst(%dma_wait3A_703 : memref<128xi32, #tpu.memory_space<vmem>>)
        %get3A_706 = arith.constant 1 : i32
        %get3A_707 = arith.index_cast %get3A_706 : i32 to index
        %get3A_708 = arith.constant 0 : index
        %get3A_709 = tpu.vector_load %arg8[%get3A_707, %get3A_708] {strides = array<i32>} : memref<2x128xi32, #tpu.memory_space<vmem>>, vector<1x16xi32>,
        %get3A_710 = vector.shape_cast %get3A_709 : vector<1x16xi32> to vector<16xi32>
        %mul3A_711 = arith.constant 10000 : i32
        %mul3A_712 = vector.broadcast %mul3A_711 : i32 to vector<16xi32>
        %mul3A_713 = arith.muli %get3A_710, %mul3A_712 : vector<16xi32>
        %get3A_714 = arith.constant 0 : i32
        %get3A_715 = arith.index_cast %get3A_714 : i32 to index
        %get3A_716 = arith.constant 0 : index
        %get3A_717 = tpu.vector_load %arg8[%get3A_715, %get3A_716] {strides = array<i32>} : memref<2x128xi32, #tpu.memory_space<vmem>>, vector<1x16xi32>,
        %get3A_718 = vector.shape_cast %get3A_717 : vector<1x16xi32> to vector<16xi32>
        %add3A_719 = arith.addi %mul3A_713, %get3A_718 : vector<16xi32>
        %swap3A_720 = arith.constant 0 : i32
        %swap3A_721 = arith.index_cast %swap3A_720 : i32 to index
        %swap3A_722 = arith.constant 0 : index
        %swap3A_723 = tpu.vector_load %arg12[%swap3A_721, %swap3A_722] {strides = array<i32>} : memref<2x128xi32, #tpu.memory_space<vmem>>, vector<1x16xi32>,
        %swap3A_724 = vector.shape_cast %swap3A_723 : vector<1x16xi32> to vector<16xi32>
        %swap3A_725 = vector.shape_cast %add3A_719 : vector<16xi32> to vector<1x16xi32>
        tpu.vector_store %arg12[%swap3A_721, %swap3A_722], %swap3A_725 {strides = array<i32>} : memref<2x128xi32, #tpu.memory_space<vmem>>, vector<1x16xi32>,
        %get3A_726 = arith.constant 1 : i32
        %get3A_727 = arith.index_cast %get3A_726 : i32 to index
        %get3A_728 = arith.constant 16 : index
        %get3A_729 = tpu.vector_load %arg8[%get3A_727, %get3A_728] {strides = array<i32>} : memref<2x128xi32, #tpu.memory_space<vmem>>, vector<1x16xi32>,
        %get3A_730 = vector.shape_cast %get3A_729 : vector<1x16xi32> to vector<16xi32>
        %mul3A_731 = arith.constant 10000 : i32
        %mul3A_732 = vector.broadcast %mul3A_731 : i32 to vector<16xi32>
        %mul3A_733 = arith.muli %get3A_730, %mul3A_732 : vector<16xi32>
        %get3A_734 = arith.constant 0 : i32
        %get3A_735 = arith.index_cast %get3A_734 : i32 to index
        %get3A_736 = arith.constant 16 : index
        %get3A_737 = tpu.vector_load %arg8[%get3A_735, %get3A_736] {strides = array<i32>} : memref<2x128xi32, #tpu.memory_space<vmem>>, vector<1x16xi32>,
        %get3A_738 = vector.shape_cast %get3A_737 : vector<1x16xi32> to vector<16xi32>
        %add3A_739 = arith.addi %mul3A_733, %get3A_738 : vector<16xi32>
        %swap3A_740 = arith.constant 0 : i32
        %swap3A_741 = arith.index_cast %swap3A_740 : i32 to index
        %swap3A_742 = arith.constant 16 : index
        %swap3A_743 = tpu.vector_load %arg12[%swap3A_741, %swap3A_742] {strides = array<i32>} : memref<2x128xi32, #tpu.memory_space<vmem>>, vector<1x16xi32>,
        %swap3A_744 = vector.shape_cast %swap3A_743 : vector<1x16xi32> to vector<16xi32>
        %swap3A_745 = vector.shape_cast %add3A_739 : vector<16xi32> to vector<1x16xi32>
        tpu.vector_store %arg12[%swap3A_741, %swap3A_742], %swap3A_745 {strides = array<i32>} : memref<2x128xi32, #tpu.memory_space<vmem>>, vector<1x16xi32>,
        %get3A_746 = arith.constant 1 : i32
        %get3A_747 = arith.index_cast %get3A_746 : i32 to index
        %get3A_748 = arith.constant 32 : index
        %get3A_749 = tpu.vector_load %arg8[%get3A_747, %get3A_748] {strides = array<i32>} : memref<2x128xi32, #tpu.memory_space<vmem>>, vector<1x16xi32>,
        %get3A_750 = vector.shape_cast %get3A_749 : vector<1x16xi32> to vector<16xi32>
        %mul3A_751 = arith.constant 10000 : i32
        %mul3A_752 = vector.broadcast %mul3A_751 : i32 to vector<16xi32>
        %mul3A_753 = arith.muli %get3A_750, %mul3A_752 : vector<16xi32>
        %get3A_754 = arith.constant 0 : i32
        %get3A_755 = arith.index_cast %get3A_754 : i32 to index
        %get3A_756 = arith.constant 32 : index
        %get3A_757 = tpu.vector_load %arg8[%get3A_755, %get3A_756] {strides = array<i32>} : memref<2x128xi32, #tpu.memory_space<vmem>>, vector<1x16xi32>,
        %get3A_758 = vector.shape_cast %get3A_757 : vector<1x16xi32> to vector<16xi32>
        %add3A_759 = arith.addi %mul3A_753, %get3A_758 : vector<16xi32>
        %swap3A_760 = arith.constant 0 : i32
        %swap3A_761 = arith.index_cast %swap3A_760 : i32 to index
        %swap3A_762 = arith.constant 32 : index
        %swap3A_763 = tpu.vector_load %arg12[%swap3A_761, %swap3A_762] {strides = array<i32>} : memref<2x128xi32, #tpu.memory_space<vmem>>, vector<1x16xi32>,
        %swap3A_764 = vector.shape_cast %swap3A_763 : vector<1x16xi32> to vector<16xi32>
        %swap3A_765 = vector.shape_cast %add3A_759 : vector<16xi32> to vector<1x16xi32>
        tpu.vector_store %arg12[%swap3A_761, %swap3A_762], %swap3A_765 {strides = array<i32>} : memref<2x128xi32, #tpu.memory_space<vmem>>, vector<1x16xi32>,
        %get3A_766 = arith.constant 1 : i32
        %get3A_767 = arith.index_cast %get3A_766 : i32 to index
        %get3A_768 = arith.constant 48 : index
        %get3A_769 = tpu.vector_load %arg8[%get3A_767, %get3A_768] {strides = array<i32>} : memref<2x128xi32, #tpu.memory_space<vmem>>, vector<1x16xi32>,
        %get3A_770 = vector.shape_cast %get3A_769 : vector<1x16xi32> to vector<16xi32>
        %mul3A_771 = arith.constant 10000 : i32
        %mul3A_772 = vector.broadcast %mul3A_771 : i32 to vector<16xi32>
        %mul3A_773 = arith.muli %get3A_770, %mul3A_772 : vector<16xi32>
        %get3A_774 = arith.constant 0 : i32
        %get3A_775 = arith.index_cast %get3A_774 : i32 to index
        %get3A_776 = arith.constant 48 : index
        %get3A_777 = tpu.vector_load %arg8[%get3A_775, %get3A_776] {strides = array<i32>} : memref<2x128xi32, #tpu.memory_space<vmem>>, vector<1x16xi32>,
        %get3A_778 = vector.shape_cast %get3A_777 : vector<1x16xi32> to vector<16xi32>
        %add3A_779 = arith.addi %mul3A_773, %get3A_778 : vector<16xi32>
        %swap3A_780 = arith.constant 0 : i32
        %swap3A_781 = arith.index_cast %swap3A_780 : i32 to index
        %swap3A_782 = arith.constant 48 : index
        %swap3A_783 = tpu.vector_load %arg12[%swap3A_781, %swap3A_782] {strides = array<i32>} : memref<2x128xi32, #tpu.memory_space<vmem>>, vector<1x16xi32>,
        %swap3A_784 = vector.shape_cast %swap3A_783 : vector<1x16xi32> to vector<16xi32>
        %swap3A_785 = vector.shape_cast %add3A_779 : vector<16xi32> to vector<1x16xi32>
        tpu.vector_store %arg12[%swap3A_781, %swap3A_782], %swap3A_785 {strides = array<i32>} : memref<2x128xi32, #tpu.memory_space<vmem>>, vector<1x16xi32>,
        %get3A_786 = arith.constant 1 : i32
        %get3A_787 = arith.index_cast %get3A_786 : i32 to index
        %get3A_788 = arith.constant 64 : index
        %get3A_789 = tpu.vector_load %arg8[%get3A_787, %get3A_788] {strides = array<i32>} : memref<2x128xi32, #tpu.memory_space<vmem>>, vector<1x16xi32>,
        %get3A_790 = vector.shape_cast %get3A_789 : vector<1x16xi32> to vector<16xi32>
        %mul3A_791 = arith.constant 10000 : i32
        %mul3A_792 = vector.broadcast %mul3A_791 : i32 to vector<16xi32>
        %mul3A_793 = arith.muli %get3A_790, %mul3A_792 : vector<16xi32>
        %get3A_794 = arith.constant 0 : i32
        %get3A_795 = arith.index_cast %get3A_794 : i32 to index
        %get3A_796 = arith.constant 64 : index
        %get3A_797 = tpu.vector_load %arg8[%get3A_795, %get3A_796] {strides = array<i32>} : memref<2x128xi32, #tpu.memory_space<vmem>>, vector<1x16xi32>,
        %get3A_798 = vector.shape_cast %get3A_797 : vector<1x16xi32> to vector<16xi32>
        %add3A_799 = arith.addi %mul3A_793, %get3A_798 : vector<16xi32>
        %swap3A_800 = arith.constant 0 : i32
        %swap3A_801 = arith.index_cast %swap3A_800 : i32 to index
        %swap3A_802 = arith.constant 64 : index
        %swap3A_803 = tpu.vector_load %arg12[%swap3A_801, %swap3A_802] {strides = array<i32>} : memref<2x128xi32, #tpu.memory_space<vmem>>, vector<1x16xi32>,
        %swap3A_804 = vector.shape_cast %swap3A_803 : vector<1x16xi32> to vector<16xi32>
        %swap3A_805 = vector.shape_cast %add3A_799 : vector<16xi32> to vector<1x16xi32>
        tpu.vector_store %arg12[%swap3A_801, %swap3A_802], %swap3A_805 {strides = array<i32>} : memref<2x128xi32, #tpu.memory_space<vmem>>, vector<1x16xi32>,
        %get3A_806 = arith.constant 1 : i32
        %get3A_807 = arith.index_cast %get3A_806 : i32 to index
        %get3A_808 = arith.constant 80 : index
        %get3A_809 = tpu.vector_load %arg8[%get3A_807, %get3A_808] {strides = array<i32>} : memref<2x128xi32, #tpu.memory_space<vmem>>, vector<1x16xi32>,
        %get3A_810 = vector.shape_cast %get3A_809 : vector<1x16xi32> to vector<16xi32>
        %mul3A_811 = arith.constant 10000 : i32
        %mul3A_812 = vector.broadcast %mul3A_811 : i32 to vector<16xi32>
        %mul3A_813 = arith.muli %get3A_810, %mul3A_812 : vector<16xi32>
        %get3A_814 = arith.constant 0 : i32
        %get3A_815 = arith.index_cast %get3A_814 : i32 to index
        %get3A_816 = arith.constant 80 : index
        %get3A_817 = tpu.vector_load %arg8[%get3A_815, %get3A_816] {strides = array<i32>} : memref<2x128xi32, #tpu.memory_space<vmem>>, vector<1x16xi32>,
        %get3A_818 = vector.shape_cast %get3A_817 : vector<1x16xi32> to vector<16xi32>
        %add3A_819 = arith.addi %mul3A_813, %get3A_818 : vector<16xi32>
        %swap3A_820 = arith.constant 0 : i32
        %swap3A_821 = arith.index_cast %swap3A_820 : i32 to index
        %swap3A_822 = arith.constant 80 : index
        %swap3A_823 = tpu.vector_load %arg12[%swap3A_821, %swap3A_822] {strides = array<i32>} : memref<2x128xi32, #tpu.memory_space<vmem>>, vector<1x16xi32>,
        %swap3A_824 = vector.shape_cast %swap3A_823 : vector<1x16xi32> to vector<16xi32>
        %swap3A_825 = vector.shape_cast %add3A_819 : vector<16xi32> to vector<1x16xi32>
        tpu.vector_store %arg12[%swap3A_821, %swap3A_822], %swap3A_825 {strides = array<i32>} : memref<2x128xi32, #tpu.memory_space<vmem>>, vector<1x16xi32>,
        %get3A_826 = arith.constant 1 : i32
        %get3A_827 = arith.index_cast %get3A_826 : i32 to index
        %get3A_828 = arith.constant 96 : index
        %get3A_829 = tpu.vector_load %arg8[%get3A_827, %get3A_828] {strides = array<i32>} : memref<2x128xi32, #tpu.memory_space<vmem>>, vector<1x16xi32>,
        %get3A_830 = vector.shape_cast %get3A_829 : vector<1x16xi32> to vector<16xi32>
        %mul3A_831 = arith.constant 10000 : i32
        %mul3A_832 = vector.broadcast %mul3A_831 : i32 to vector<16xi32>
        %mul3A_833 = arith.muli %get3A_830, %mul3A_832 : vector<16xi32>
        %get3A_834 = arith.constant 0 : i32
        %get3A_835 = arith.index_cast %get3A_834 : i32 to index
        %get3A_836 = arith.constant 96 : index
        %get3A_837 = tpu.vector_load %arg8[%get3A_835, %get3A_836] {strides = array<i32>} : memref<2x128xi32, #tpu.memory_space<vmem>>, vector<1x16xi32>,
        %get3A_838 = vector.shape_cast %get3A_837 : vector<1x16xi32> to vector<16xi32>
        %add3A_839 = arith.addi %mul3A_833, %get3A_838 : vector<16xi32>
        %swap3A_840 = arith.constant 0 : i32
        %swap3A_841 = arith.index_cast %swap3A_840 : i32 to index
        %swap3A_842 = arith.constant 96 : index
        %swap3A_843 = tpu.vector_load %arg12[%swap3A_841, %swap3A_842] {strides = array<i32>} : memref<2x128xi32, #tpu.memory_space<vmem>>, vector<1x16xi32>,
        %swap3A_844 = vector.shape_cast %swap3A_843 : vector<1x16xi32> to vector<16xi32>
        %swap3A_845 = vector.shape_cast %add3A_839 : vector<16xi32> to vector<1x16xi32>
        tpu.vector_store %arg12[%swap3A_841, %swap3A_842], %swap3A_845 {strides = array<i32>} : memref<2x128xi32, #tpu.memory_space<vmem>>, vector<1x16xi32>,
        %get3A_846 = arith.constant 1 : i32
        %get3A_847 = arith.index_cast %get3A_846 : i32 to index
        %get3A_848 = arith.constant 112 : index
        %get3A_849 = tpu.vector_load %arg8[%get3A_847, %get3A_848] {strides = array<i32>} : memref<2x128xi32, #tpu.memory_space<vmem>>, vector<1x16xi32>,
        %get3A_850 = vector.shape_cast %get3A_849 : vector<1x16xi32> to vector<16xi32>
        %mul3A_851 = arith.constant 10000 : i32
        %mul3A_852 = vector.broadcast %mul3A_851 : i32 to vector<16xi32>
        %mul3A_853 = arith.muli %get3A_850, %mul3A_852 : vector<16xi32>
        %get3A_854 = arith.constant 0 : i32
        %get3A_855 = arith.index_cast %get3A_854 : i32 to index
        %get3A_856 = arith.constant 112 : index
        %get3A_857 = tpu.vector_load %arg8[%get3A_855, %get3A_856] {strides = array<i32>} : memref<2x128xi32, #tpu.memory_space<vmem>>, vector<1x16xi32>,
        %get3A_858 = vector.shape_cast %get3A_857 : vector<1x16xi32> to vector<16xi32>
        %add3A_859 = arith.addi %mul3A_853, %get3A_858 : vector<16xi32>
        %swap3A_860 = arith.constant 0 : i32
        %swap3A_861 = arith.index_cast %swap3A_860 : i32 to index
        %swap3A_862 = arith.constant 112 : index
        %swap3A_863 = tpu.vector_load %arg12[%swap3A_861, %swap3A_862] {strides = array<i32>} : memref<2x128xi32, #tpu.memory_space<vmem>>, vector<1x16xi32>,
        %swap3A_864 = vector.shape_cast %swap3A_863 : vector<1x16xi32> to vector<16xi32>
        %swap3A_865 = vector.shape_cast %add3A_859 : vector<16xi32> to vector<1x16xi32>
        tpu.vector_store %arg12[%swap3A_861, %swap3A_862], %swap3A_865 {strides = array<i32>} : memref<2x128xi32, #tpu.memory_space<vmem>>, vector<1x16xi32>,
        %dma_start3A_866 = arith.constant 0 : i32
        %dma_start3A_867 = arith.constant 0 : i32
        %dma_start3A_868 = tpu.memref_slice %arg12[%dma_start3A_866, %dma_start3A_867] : memref<2x128xi32, #tpu.memory_space<vmem>> -> memref<1x128xi32, #tpu.memory_space<vmem>>
        %dma_start3A_869 = tpu.memref_squeeze %dma_start3A_868 : memref<1x128xi32, #tpu.memory_space<vmem>> -> memref<128xi32, #tpu.memory_space<vmem>>
        %dma_start3A_870 = arith.constant 0 : i32
        %dma_start3A_871 = arith.constant 0 : i32
        %dma_start3A_872 = tpu.memref_slice %arg2[%dma_start3A_870, %dma_start3A_871] : memref<320000x128xf32, #tpu.memory_space<hbm>> -> memref<320000x128xf32, #tpu.memory_space<hbm>>
        tpu.enqueue_indirect_dma source(%dma_start3A_872 : memref<320000x128xf32, #tpu.memory_space<hbm>>) target(%arg16 : memref<128x128xf32, #tpu.memory_space<vmem>>) offsets(%dma_start3A_869 : memref<128xi32, #tpu.memory_space<vmem>>) semaphore(%arg23 : memref<!tpu.dma_semaphore, #tpu.memory_space<semaphore_mem>>)
      } else {
      }
    }
    %while3A_573 = arith.constant 1 : i32
    scf.for %while3A_575 = %while3A_571 to %while3A_567 step %while3A_573  : i32 {
      %mul3A_576 = arith.constant 4 : i32
      %mul3A_577 = arith.muli %while3A_575, %mul3A_576 : i32
      %add3A_578 = arith.constant 0 : i32
      %add3A_579 = arith.addi %mul3A_577, %add3A_578 : i32
      %dma_wait3A_580 = arith.constant 0 : i32
      %dma_wait3A_581 = arith.constant 0 : i32
      %dma_wait3A_582 = tpu.memref_slice %arg11[%dma_wait3A_580, %dma_wait3A_581] : memref<2x128xi32, #tpu.memory_space<vmem>> -> memref<1x128xi32, #tpu.memory_space<vmem>>
      %dma_wait3A_583 = tpu.memref_squeeze %dma_wait3A_582 : memref<1x128xi32, #tpu.memory_space<vmem>> -> memref<128xi32, #tpu.memory_space<vmem>>
      %dma_wait3A_584 = arith.constant 0 : i32
      %dma_wait3A_585 = arith.constant 0 : i32
      %dma_wait3A_586 = tpu.memref_slice %arg2[%dma_wait3A_584, %dma_wait3A_585] : memref<320000x128xf32, #tpu.memory_space<hbm>> -> memref<320000x128xf32, #tpu.memory_space<hbm>>
      tpu.wait_indirect_dma semaphore(%arg22 : memref<!tpu.dma_semaphore, #tpu.memory_space<semaphore_mem>>) src(%dma_wait3A_586 : memref<320000x128xf32, #tpu.memory_space<hbm>>) dst(%arg15 : memref<128x128xf32, #tpu.memory_space<vmem>>)
      %run_scoped3A = arith.constant 1 : i32
      "tpu.region"() ({
        %run_scoped3A_668 = tpu.sem_alloc : memref<!tpu.dma_semaphore, #tpu.memory_space<semaphore_mem>>
        %dma_start3A_669 = arith.constant 0 : i32
        %dma_start3A_670 = tpu.memref_slice %arg11[%run_scoped3A, %dma_start3A_669] : memref<2x128xi32, #tpu.memory_space<vmem>> -> memref<1x128xi32, #tpu.memory_space<vmem>>
        %dma_start3A_671 = tpu.memref_squeeze %dma_start3A_670 : memref<1x128xi32, #tpu.memory_space<vmem>> -> memref<128xi32, #tpu.memory_space<vmem>>
        %dma_start3A_672 = arith.constant 0 : i32
        %dma_start3A_673 = arith.constant 0 : i32
        %dma_start3A_674 = tpu.memref_slice %arg17[%dma_start3A_672, %dma_start3A_673] : memref<10240x128xf32, #tpu.memory_space<vmem_shared>> -> memref<10240x128xf32, #tpu.memory_space<vmem_shared>>
        tpu.enqueue_indirect_dma source(%arg15 : memref<128x128xf32, #tpu.memory_space<vmem>>) target(%dma_start3A_674 : memref<10240x128xf32, #tpu.memory_space<vmem_shared>>) offsets(%dma_start3A_671 : memref<128xi32, #tpu.memory_space<vmem>>) semaphore(%run_scoped3A_668 : memref<!tpu.dma_semaphore, #tpu.memory_space<semaphore_mem>>) {add = true}
        %dma_wait3A_675 = arith.constant 0 : i32
        %dma_wait3A_676 = tpu.memref_slice %arg11[%run_scoped3A, %dma_wait3A_675] : memref<2x128xi32, #tpu.memory_space<vmem>> -> memref<1x128xi32, #tpu.memory_space<vmem>>
        %dma_wait3A_677 = tpu.memref_squeeze %dma_wait3A_676 : memref<1x128xi32, #tpu.memory_space<vmem>> -> memref<128xi32, #tpu.memory_space<vmem>>
        %dma_wait3A_678 = arith.constant 0 : i32
        %dma_wait3A_679 = arith.constant 0 : i32
        %dma_wait3A_680 = tpu.memref_slice %arg17[%dma_wait3A_678, %dma_wait3A_679] : memref<10240x128xf32, #tpu.memory_space<vmem_shared>> -> memref<10240x128xf32, #tpu.memory_space<vmem_shared>>
        tpu.wait_indirect_dma semaphore(%run_scoped3A_668 : memref<!tpu.dma_semaphore, #tpu.memory_space<semaphore_mem>>) src(%arg15 : memref<128x128xf32, #tpu.memory_space<vmem>>) dst(%dma_wait3A_680 : memref<10240x128xf32, #tpu.memory_space<vmem_shared>>)
        tpu.yield
      }) : () -> ()
      %add3A_587 = arith.constant 4 : i32
      %add3A_588 = arith.addi %add3A_579, %add3A_587 : i32
      %lt3A = arith.cmpi slt, %add3A_588, %select_n3A : i32
      %convert_element_type3A = arith.extui %lt3A : i1 to i32
      %cond3A = arith.constant 0 : i32
      %cond3A_589 = arith.cmpi ne, %convert_element_type3A, %cond3A : i32
      scf.if %cond3A_589 {
        %add3A_668 = arith.constant 4 : i32
        %add3A_669 = arith.addi %add3A_579, %add3A_668 : i32
        %mul3A_670 = arith.constant 128 : i32
        %mul3A_671 = arith.muli %add3A_669, %mul3A_670 : i32
        %add3A_672 = arith.addi %mul3A_2, %mul3A_671 : i32
        %dma_start3A_673 = arith.constant 0 : i32
        %dma_start3A_674 = arith.constant 0 : i32
        %dma_start3A_675 = arith.constant 0 : i32
        %dma_start3A_676 = tpu.memref_slice %arg7[%dma_start3A_674, %dma_start3A_675] : memref<2x128xi32, #tpu.memory_space<vmem>> -> memref<1x128xi32, #tpu.memory_space<vmem>>
        %dma_start3A_677 = tpu.memref_squeeze %dma_start3A_676 : memref<1x128xi32, #tpu.memory_space<vmem>> -> memref<128xi32, #tpu.memory_space<vmem>>
        %dma_start3A_678 = tpu.memref_slice %arg3[%dma_start3A_673, %add3A_672] : memref<2x320000xi32, #tpu.memory_space<hbm>> -> memref<1x128xi32, #tpu.memory_space<hbm>>
        %dma_start3A_679 = tpu.memref_squeeze %dma_start3A_678 : memref<1x128xi32, #tpu.memory_space<hbm>> -> memref<128xi32, #tpu.memory_space<hbm>>
        %dma_start3A_680 = arith.constant 0 : i32
        %dma_start3A_681 = tpu.memref_slice %arg7[%dma_start3A_674, %dma_start3A_680] : memref<2x128xi32, #tpu.memory_space<vmem>> -> memref<1x128xi32, #tpu.memory_space<vmem>>
        %dma_start3A_682 = tpu.memref_squeeze %dma_start3A_681 : memref<1x128xi32, #tpu.memory_space<vmem>> -> memref<128xi32, #tpu.memory_space<vmem>>
        %dma_start3A_683 = tpu.memref_slice %arg3[%dma_start3A_673, %add3A_672] : memref<2x320000xi32, #tpu.memory_space<hbm>> -> memref<1x128xi32, #tpu.memory_space<hbm>>
        %dma_start3A_684 = tpu.memref_squeeze %dma_start3A_683 : memref<1x128xi32, #tpu.memory_space<hbm>> -> memref<128xi32, #tpu.memory_space<hbm>>
        tpu.enqueue_dma source(%dma_start3A_684 : memref<128xi32, #tpu.memory_space<hbm>>) target(%dma_start3A_682 : memref<128xi32, #tpu.memory_space<vmem>>) target_semaphore(%arg18 : memref<!tpu.dma_semaphore, #tpu.memory_space<semaphore_mem>>)
        %dma_start3A_685 = arith.constant 1 : i32
        %dma_start3A_686 = arith.constant 0 : i32
        %dma_start3A_687 = tpu.memref_slice %arg7[%dma_start3A_685, %dma_start3A_686] : memref<2x128xi32, #tpu.memory_space<vmem>> -> memref<1x128xi32, #tpu.memory_space<vmem>>
        %dma_start3A_688 = tpu.memref_squeeze %dma_start3A_687 : memref<1x128xi32, #tpu.memory_space<vmem>> -> memref<128xi32, #tpu.memory_space<vmem>>
        %dma_start3A_689 = tpu.memref_slice %arg4[%add3A_672] : memref<320000xi32, #tpu.memory_space<hbm>> -> memref<128xi32, #tpu.memory_space<hbm>>
        %dma_start3A_690 = arith.constant 0 : i32
        %dma_start3A_691 = tpu.memref_slice %arg7[%dma_start3A_685, %dma_start3A_690] : memref<2x128xi32, #tpu.memory_space<vmem>> -> memref<1x128xi32, #tpu.memory_space<vmem>>
        %dma_start3A_692 = tpu.memref_squeeze %dma_start3A_691 : memref<1x128xi32, #tpu.memory_space<vmem>> -> memref<128xi32, #tpu.memory_space<vmem>>
        %dma_start3A_693 = tpu.memref_slice %arg4[%add3A_672] : memref<320000xi32, #tpu.memory_space<hbm>> -> memref<128xi32, #tpu.memory_space<hbm>>
        tpu.enqueue_dma source(%dma_start3A_693 : memref<128xi32, #tpu.memory_space<hbm>>) target(%dma_start3A_692 : memref<128xi32, #tpu.memory_space<vmem>>) target_semaphore(%arg18 : memref<!tpu.dma_semaphore, #tpu.memory_space<semaphore_mem>>)
        %dma_start3A_694 = arith.constant 1 : i32
        %dma_start3A_695 = arith.constant 1 : i32
        %dma_start3A_696 = arith.constant 0 : i32
        %dma_start3A_697 = tpu.memref_slice %arg11[%dma_start3A_695, %dma_start3A_696] : memref<2x128xi32, #tpu.memory_space<vmem>> -> memref<1x128xi32, #tpu.memory_space<vmem>>
        %dma_start3A_698 = tpu.memref_squeeze %dma_start3A_697 : memref<1x128xi32, #tpu.memory_space<vmem>> -> memref<128xi32, #tpu.memory_space<vmem>>
        %dma_start3A_699 = tpu.memref_slice %arg3[%dma_start3A_694, %add3A_672] : memref<2x320000xi32, #tpu.memory_space<hbm>> -> memref<1x128xi32, #tpu.memory_space<hbm>>
        %dma_start3A_700 = tpu.memref_squeeze %dma_start3A_699 : memref<1x128xi32, #tpu.memory_space<hbm>> -> memref<128xi32, #tpu.memory_space<hbm>>
        %dma_start3A_701 = arith.constant 0 : i32
        %dma_start3A_702 = tpu.memref_slice %arg11[%dma_start3A_695, %dma_start3A_701] : memref<2x128xi32, #tpu.memory_space<vmem>> -> memref<1x128xi32, #tpu.memory_space<vmem>>
        %dma_start3A_703 = tpu.memref_squeeze %dma_start3A_702 : memref<1x128xi32, #tpu.memory_space<vmem>> -> memref<128xi32, #tpu.memory_space<vmem>>
        %dma_start3A_704 = tpu.memref_slice %arg3[%dma_start3A_694, %add3A_672] : memref<2x320000xi32, #tpu.memory_space<hbm>> -> memref<1x128xi32, #tpu.memory_space<hbm>>
        %dma_start3A_705 = tpu.memref_squeeze %dma_start3A_704 : memref<1x128xi32, #tpu.memory_space<hbm>> -> memref<128xi32, #tpu.memory_space<hbm>>
        tpu.enqueue_dma source(%dma_start3A_705 : memref<128xi32, #tpu.memory_space<hbm>>) target(%dma_start3A_703 : memref<128xi32, #tpu.memory_space<vmem>>) target_semaphore(%arg18 : memref<!tpu.dma_semaphore, #tpu.memory_space<semaphore_mem>>)
      } else {
      }
      %add3A_590 = arith.constant 2 : i32
      %add3A_591 = arith.addi %add3A_579, %add3A_590 : i32
      %lt3A_592 = arith.cmpi slt, %add3A_591, %select_n3A : i32
      %convert_element_type3A_593 = arith.extui %lt3A_592 : i1 to i32
      %cond3A_594 = arith.constant 0 : i32
      %cond3A_595 = arith.cmpi ne, %convert_element_type3A_593, %cond3A_594 : i32
      scf.if %cond3A_595 {
        %add3A_668 = arith.constant 2 : i32
        %add3A_669 = arith.addi %add3A_579, %add3A_668 : i32
        %mul3A_670 = arith.constant 128 : i32
        %mul3A_671 = arith.muli %add3A_669, %mul3A_670 : i32
        %add3A_672 = arith.addi %mul3A_2, %mul3A_671 : i32
        %dma_wait3A_673 = arith.constant 0 : i32
        %dma_wait3A_674 = arith.constant 0 : i32
        %dma_wait3A_675 = arith.constant 0 : i32
        %dma_wait3A_676 = tpu.memref_slice %arg9[%dma_wait3A_674, %dma_wait3A_675] : memref<2x128xi32, #tpu.memory_space<vmem>> -> memref<1x128xi32, #tpu.memory_space<vmem>>
        %dma_wait3A_677 = tpu.memref_squeeze %dma_wait3A_676 : memref<1x128xi32, #tpu.memory_space<vmem>> -> memref<128xi32, #tpu.memory_space<vmem>>
        %dma_wait3A_678 = tpu.memref_slice %arg3[%dma_wait3A_673, %add3A_672] : memref<2x320000xi32, #tpu.memory_space<hbm>> -> memref<1x128xi32, #tpu.memory_space<hbm>>
        %dma_wait3A_679 = tpu.memref_squeeze %dma_wait3A_678 : memref<1x128xi32, #tpu.memory_space<hbm>> -> memref<128xi32, #tpu.memory_space<hbm>>
        %dma_wait3A_680 = arith.constant 0 : i32
        %dma_wait3A_681 = tpu.memref_slice %arg9[%dma_wait3A_674, %dma_wait3A_680] : memref<2x128xi32, #tpu.memory_space<vmem>> -> memref<1x128xi32, #tpu.memory_space<vmem>>
        %dma_wait3A_682 = tpu.memref_squeeze %dma_wait3A_681 : memref<1x128xi32, #tpu.memory_space<vmem>> -> memref<128xi32, #tpu.memory_space<vmem>>
        %dma_wait3A_683 = tpu.memref_slice %arg3[%dma_wait3A_673, %add3A_672] : memref<2x320000xi32, #tpu.memory_space<hbm>> -> memref<1x128xi32, #tpu.memory_space<hbm>>
        %dma_wait3A_684 = tpu.memref_squeeze %dma_wait3A_683 : memref<1x128xi32, #tpu.memory_space<hbm>> -> memref<128xi32, #tpu.memory_space<hbm>>
        tpu.wait_dma2 semaphore(%arg20 : memref<!tpu.dma_semaphore, #tpu.memory_space<semaphore_mem>>) src(%dma_wait3A_684 : memref<128xi32, #tpu.memory_space<hbm>>) dst(%dma_wait3A_682 : memref<128xi32, #tpu.memory_space<vmem>>)
        %dma_wait3A_685 = arith.constant 1 : i32
        %dma_wait3A_686 = arith.constant 0 : i32
        %dma_wait3A_687 = tpu.memref_slice %arg9[%dma_wait3A_685, %dma_wait3A_686] : memref<2x128xi32, #tpu.memory_space<vmem>> -> memref<1x128xi32, #tpu.memory_space<vmem>>
        %dma_wait3A_688 = tpu.memref_squeeze %dma_wait3A_687 : memref<1x128xi32, #tpu.memory_space<vmem>> -> memref<128xi32, #tpu.memory_space<vmem>>
        %dma_wait3A_689 = tpu.memref_slice %arg4[%add3A_672] : memref<320000xi32, #tpu.memory_space<hbm>> -> memref<128xi32, #tpu.memory_space<hbm>>
        %dma_wait3A_690 = arith.constant 0 : i32
        %dma_wait3A_691 = tpu.memref_slice %arg9[%dma_wait3A_685, %dma_wait3A_690] : memref<2x128xi32, #tpu.memory_space<vmem>> -> memref<1x128xi32, #tpu.memory_space<vmem>>
        %dma_wait3A_692 = tpu.memref_squeeze %dma_wait3A_691 : memref<1x128xi32, #tpu.memory_space<vmem>> -> memref<128xi32, #tpu.memory_space<vmem>>
        %dma_wait3A_693 = tpu.memref_slice %arg4[%add3A_672] : memref<320000xi32, #tpu.memory_space<hbm>> -> memref<128xi32, #tpu.memory_space<hbm>>
        tpu.wait_dma2 semaphore(%arg20 : memref<!tpu.dma_semaphore, #tpu.memory_space<semaphore_mem>>) src(%dma_wait3A_693 : memref<128xi32, #tpu.memory_space<hbm>>) dst(%dma_wait3A_692 : memref<128xi32, #tpu.memory_space<vmem>>)
        %dma_wait3A_694 = arith.constant 1 : i32
        %dma_wait3A_695 = arith.constant 1 : i32
        %dma_wait3A_696 = arith.constant 0 : i32
        %dma_wait3A_697 = tpu.memref_slice %arg13[%dma_wait3A_695, %dma_wait3A_696] : memref<2x128xi32, #tpu.memory_space<vmem>> -> memref<1x128xi32, #tpu.memory_space<vmem>>
        %dma_wait3A_698 = tpu.memref_squeeze %dma_wait3A_697 : memref<1x128xi32, #tpu.memory_space<vmem>> -> memref<128xi32, #tpu.memory_space<vmem>>
        %dma_wait3A_699 = tpu.memref_slice %arg3[%dma_wait3A_694, %add3A_672] : memref<2x320000xi32, #tpu.memory_space<hbm>> -> memref<1x128xi32, #tpu.memory_space<hbm>>
        %dma_wait3A_700 = tpu.memref_squeeze %dma_wait3A_699 : memref<1x128xi32, #tpu.memory_space<hbm>> -> memref<128xi32, #tpu.memory_space<hbm>>
        %dma_wait3A_701 = arith.constant 0 : i32
        %dma_wait3A_702 = tpu.memref_slice %arg13[%dma_wait3A_695, %dma_wait3A_701] : memref<2x128xi32, #tpu.memory_space<vmem>> -> memref<1x128xi32, #tpu.memory_space<vmem>>
        %dma_wait3A_703 = tpu.memref_squeeze %dma_wait3A_702 : memref<1x128xi32, #tpu.memory_space<vmem>> -> memref<128xi32, #tpu.memory_space<vmem>>
        %dma_wait3A_704 = tpu.memref_slice %arg3[%dma_wait3A_694, %add3A_672] : memref<2x320000xi32, #tpu.memory_space<hbm>> -> memref<1x128xi32, #tpu.memory_space<hbm>>
        %dma_wait3A_705 = tpu.memref_squeeze %dma_wait3A_704 : memref<1x128xi32, #tpu.memory_space<hbm>> -> memref<128xi32, #tpu.memory_space<hbm>>
        tpu.wait_dma2 semaphore(%arg20 : memref<!tpu.dma_semaphore, #tpu.memory_space<semaphore_mem>>) src(%dma_wait3A_705 : memref<128xi32, #tpu.memory_space<hbm>>) dst(%dma_wait3A_703 : memref<128xi32, #tpu.memory_space<vmem>>)
        %get3A_706 = arith.constant 1 : i32
        %get3A_707 = arith.index_cast %get3A_706 : i32 to index
        %get3A_708 = arith.constant 0 : index
        %get3A_709 = tpu.vector_load %arg9[%get3A_707, %get3A_708] {strides = array<i32>} : memref<2x128xi32, #tpu.memory_space<vmem>>, vector<1x16xi32>,
        %get3A_710 = vector.shape_cast %get3A_709 : vector<1x16xi32> to vector<16xi32>
        %mul3A_711 = arith.constant 10000 : i32
        %mul3A_712 = vector.broadcast %mul3A_711 : i32 to vector<16xi32>
        %mul3A_713 = arith.muli %get3A_710, %mul3A_712 : vector<16xi32>
        %get3A_714 = arith.constant 0 : i32
        %get3A_715 = arith.index_cast %get3A_714 : i32 to index
        %get3A_716 = arith.constant 0 : index
        %get3A_717 = tpu.vector_load %arg9[%get3A_715, %get3A_716] {strides = array<i32>} : memref<2x128xi32, #tpu.memory_space<vmem>>, vector<1x16xi32>,
        %get3A_718 = vector.shape_cast %get3A_717 : vector<1x16xi32> to vector<16xi32>
        %add3A_719 = arith.addi %mul3A_713, %get3A_718 : vector<16xi32>
        %swap3A_720 = arith.constant 0 : i32
        %swap3A_721 = arith.index_cast %swap3A_720 : i32 to index
        %swap3A_722 = arith.constant 0 : index
        %swap3A_723 = tpu.vector_load %arg13[%swap3A_721, %swap3A_722] {strides = array<i32>} : memref<2x128xi32, #tpu.memory_space<vmem>>, vector<1x16xi32>,
        %swap3A_724 = vector.shape_cast %swap3A_723 : vector<1x16xi32> to vector<16xi32>
        %swap3A_725 = vector.shape_cast %add3A_719 : vector<16xi32> to vector<1x16xi32>
        tpu.vector_store %arg13[%swap3A_721, %swap3A_722], %swap3A_725 {strides = array<i32>} : memref<2x128xi32, #tpu.memory_space<vmem>>, vector<1x16xi32>,
        %get3A_726 = arith.constant 1 : i32
        %get3A_727 = arith.index_cast %get3A_726 : i32 to index
        %get3A_728 = arith.constant 16 : index
        %get3A_729 = tpu.vector_load %arg9[%get3A_727, %get3A_728] {strides = array<i32>} : memref<2x128xi32, #tpu.memory_space<vmem>>, vector<1x16xi32>,
        %get3A_730 = vector.shape_cast %get3A_729 : vector<1x16xi32> to vector<16xi32>
        %mul3A_731 = arith.constant 10000 : i32
        %mul3A_732 = vector.broadcast %mul3A_731 : i32 to vector<16xi32>
        %mul3A_733 = arith.muli %get3A_730, %mul3A_732 : vector<16xi32>
        %get3A_734 = arith.constant 0 : i32
        %get3A_735 = arith.index_cast %get3A_734 : i32 to index
        %get3A_736 = arith.constant 16 : index
        %get3A_737 = tpu.vector_load %arg9[%get3A_735, %get3A_736] {strides = array<i32>} : memref<2x128xi32, #tpu.memory_space<vmem>>, vector<1x16xi32>,
        %get3A_738 = vector.shape_cast %get3A_737 : vector<1x16xi32> to vector<16xi32>
        %add3A_739 = arith.addi %mul3A_733, %get3A_738 : vector<16xi32>
        %swap3A_740 = arith.constant 0 : i32
        %swap3A_741 = arith.index_cast %swap3A_740 : i32 to index
        %swap3A_742 = arith.constant 16 : index
        %swap3A_743 = tpu.vector_load %arg13[%swap3A_741, %swap3A_742] {strides = array<i32>} : memref<2x128xi32, #tpu.memory_space<vmem>>, vector<1x16xi32>,
        %swap3A_744 = vector.shape_cast %swap3A_743 : vector<1x16xi32> to vector<16xi32>
        %swap3A_745 = vector.shape_cast %add3A_739 : vector<16xi32> to vector<1x16xi32>
        tpu.vector_store %arg13[%swap3A_741, %swap3A_742], %swap3A_745 {strides = array<i32>} : memref<2x128xi32, #tpu.memory_space<vmem>>, vector<1x16xi32>,
        %get3A_746 = arith.constant 1 : i32
        %get3A_747 = arith.index_cast %get3A_746 : i32 to index
        %get3A_748 = arith.constant 32 : index
        %get3A_749 = tpu.vector_load %arg9[%get3A_747, %get3A_748] {strides = array<i32>} : memref<2x128xi32, #tpu.memory_space<vmem>>, vector<1x16xi32>,
        %get3A_750 = vector.shape_cast %get3A_749 : vector<1x16xi32> to vector<16xi32>
        %mul3A_751 = arith.constant 10000 : i32
        %mul3A_752 = vector.broadcast %mul3A_751 : i32 to vector<16xi32>
        %mul3A_753 = arith.muli %get3A_750, %mul3A_752 : vector<16xi32>
        %get3A_754 = arith.constant 0 : i32
        %get3A_755 = arith.index_cast %get3A_754 : i32 to index
        %get3A_756 = arith.constant 32 : index
        %get3A_757 = tpu.vector_load %arg9[%get3A_755, %get3A_756] {strides = array<i32>} : memref<2x128xi32, #tpu.memory_space<vmem>>, vector<1x16xi32>,
        %get3A_758 = vector.shape_cast %get3A_757 : vector<1x16xi32> to vector<16xi32>
        %add3A_759 = arith.addi %mul3A_753, %get3A_758 : vector<16xi32>
        %swap3A_760 = arith.constant 0 : i32
        %swap3A_761 = arith.index_cast %swap3A_760 : i32 to index
        %swap3A_762 = arith.constant 32 : index
        %swap3A_763 = tpu.vector_load %arg13[%swap3A_761, %swap3A_762] {strides = array<i32>} : memref<2x128xi32, #tpu.memory_space<vmem>>, vector<1x16xi32>,
        %swap3A_764 = vector.shape_cast %swap3A_763 : vector<1x16xi32> to vector<16xi32>
        %swap3A_765 = vector.shape_cast %add3A_759 : vector<16xi32> to vector<1x16xi32>
        tpu.vector_store %arg13[%swap3A_761, %swap3A_762], %swap3A_765 {strides = array<i32>} : memref<2x128xi32, #tpu.memory_space<vmem>>, vector<1x16xi32>,
        %get3A_766 = arith.constant 1 : i32
        %get3A_767 = arith.index_cast %get3A_766 : i32 to index
        %get3A_768 = arith.constant 48 : index
        %get3A_769 = tpu.vector_load %arg9[%get3A_767, %get3A_768] {strides = array<i32>} : memref<2x128xi32, #tpu.memory_space<vmem>>, vector<1x16xi32>,
        %get3A_770 = vector.shape_cast %get3A_769 : vector<1x16xi32> to vector<16xi32>
        %mul3A_771 = arith.constant 10000 : i32
        %mul3A_772 = vector.broadcast %mul3A_771 : i32 to vector<16xi32>
        %mul3A_773 = arith.muli %get3A_770, %mul3A_772 : vector<16xi32>
        %get3A_774 = arith.constant 0 : i32
        %get3A_775 = arith.index_cast %get3A_774 : i32 to index
        %get3A_776 = arith.constant 48 : index
        %get3A_777 = tpu.vector_load %arg9[%get3A_775, %get3A_776] {strides = array<i32>} : memref<2x128xi32, #tpu.memory_space<vmem>>, vector<1x16xi32>,
        %get3A_778 = vector.shape_cast %get3A_777 : vector<1x16xi32> to vector<16xi32>
        %add3A_779 = arith.addi %mul3A_773, %get3A_778 : vector<16xi32>
        %swap3A_780 = arith.constant 0 : i32
        %swap3A_781 = arith.index_cast %swap3A_780 : i32 to index
        %swap3A_782 = arith.constant 48 : index
        %swap3A_783 = tpu.vector_load %arg13[%swap3A_781, %swap3A_782] {strides = array<i32>} : memref<2x128xi32, #tpu.memory_space<vmem>>, vector<1x16xi32>,
        %swap3A_784 = vector.shape_cast %swap3A_783 : vector<1x16xi32> to vector<16xi32>
        %swap3A_785 = vector.shape_cast %add3A_779 : vector<16xi32> to vector<1x16xi32>
        tpu.vector_store %arg13[%swap3A_781, %swap3A_782], %swap3A_785 {strides = array<i32>} : memref<2x128xi32, #tpu.memory_space<vmem>>, vector<1x16xi32>,
        %get3A_786 = arith.constant 1 : i32
        %get3A_787 = arith.index_cast %get3A_786 : i32 to index
        %get3A_788 = arith.constant 64 : index
        %get3A_789 = tpu.vector_load %arg9[%get3A_787, %get3A_788] {strides = array<i32>} : memref<2x128xi32, #tpu.memory_space<vmem>>, vector<1x16xi32>,
        %get3A_790 = vector.shape_cast %get3A_789 : vector<1x16xi32> to vector<16xi32>
        %mul3A_791 = arith.constant 10000 : i32
        %mul3A_792 = vector.broadcast %mul3A_791 : i32 to vector<16xi32>
        %mul3A_793 = arith.muli %get3A_790, %mul3A_792 : vector<16xi32>
        %get3A_794 = arith.constant 0 : i32
        %get3A_795 = arith.index_cast %get3A_794 : i32 to index
        %get3A_796 = arith.constant 64 : index
        %get3A_797 = tpu.vector_load %arg9[%get3A_795, %get3A_796] {strides = array<i32>} : memref<2x128xi32, #tpu.memory_space<vmem>>, vector<1x16xi32>,
        %get3A_798 = vector.shape_cast %get3A_797 : vector<1x16xi32> to vector<16xi32>
        %add3A_799 = arith.addi %mul3A_793, %get3A_798 : vector<16xi32>
        %swap3A_800 = arith.constant 0 : i32
        %swap3A_801 = arith.index_cast %swap3A_800 : i32 to index
        %swap3A_802 = arith.constant 64 : index
        %swap3A_803 = tpu.vector_load %arg13[%swap3A_801, %swap3A_802] {strides = array<i32>} : memref<2x128xi32, #tpu.memory_space<vmem>>, vector<1x16xi32>,
        %swap3A_804 = vector.shape_cast %swap3A_803 : vector<1x16xi32> to vector<16xi32>
        %swap3A_805 = vector.shape_cast %add3A_799 : vector<16xi32> to vector<1x16xi32>
        tpu.vector_store %arg13[%swap3A_801, %swap3A_802], %swap3A_805 {strides = array<i32>} : memref<2x128xi32, #tpu.memory_space<vmem>>, vector<1x16xi32>,
        %get3A_806 = arith.constant 1 : i32
        %get3A_807 = arith.index_cast %get3A_806 : i32 to index
        %get3A_808 = arith.constant 80 : index
        %get3A_809 = tpu.vector_load %arg9[%get3A_807, %get3A_808] {strides = array<i32>} : memref<2x128xi32, #tpu.memory_space<vmem>>, vector<1x16xi32>,
        %get3A_810 = vector.shape_cast %get3A_809 : vector<1x16xi32> to vector<16xi32>
        %mul3A_811 = arith.constant 10000 : i32
        %mul3A_812 = vector.broadcast %mul3A_811 : i32 to vector<16xi32>
        %mul3A_813 = arith.muli %get3A_810, %mul3A_812 : vector<16xi32>
        %get3A_814 = arith.constant 0 : i32
        %get3A_815 = arith.index_cast %get3A_814 : i32 to index
        %get3A_816 = arith.constant 80 : index
        %get3A_817 = tpu.vector_load %arg9[%get3A_815, %get3A_816] {strides = array<i32>} : memref<2x128xi32, #tpu.memory_space<vmem>>, vector<1x16xi32>,
        %get3A_818 = vector.shape_cast %get3A_817 : vector<1x16xi32> to vector<16xi32>
        %add3A_819 = arith.addi %mul3A_813, %get3A_818 : vector<16xi32>
        %swap3A_820 = arith.constant 0 : i32
        %swap3A_821 = arith.index_cast %swap3A_820 : i32 to index
        %swap3A_822 = arith.constant 80 : index
        %swap3A_823 = tpu.vector_load %arg13[%swap3A_821, %swap3A_822] {strides = array<i32>} : memref<2x128xi32, #tpu.memory_space<vmem>>, vector<1x16xi32>,
        %swap3A_824 = vector.shape_cast %swap3A_823 : vector<1x16xi32> to vector<16xi32>
        %swap3A_825 = vector.shape_cast %add3A_819 : vector<16xi32> to vector<1x16xi32>
        tpu.vector_store %arg13[%swap3A_821, %swap3A_822], %swap3A_825 {strides = array<i32>} : memref<2x128xi32, #tpu.memory_space<vmem>>, vector<1x16xi32>,
        %get3A_826 = arith.constant 1 : i32
        %get3A_827 = arith.index_cast %get3A_826 : i32 to index
        %get3A_828 = arith.constant 96 : index
        %get3A_829 = tpu.vector_load %arg9[%get3A_827, %get3A_828] {strides = array<i32>} : memref<2x128xi32, #tpu.memory_space<vmem>>, vector<1x16xi32>,
        %get3A_830 = vector.shape_cast %get3A_829 : vector<1x16xi32> to vector<16xi32>
        %mul3A_831 = arith.constant 10000 : i32
        %mul3A_832 = vector.broadcast %mul3A_831 : i32 to vector<16xi32>
        %mul3A_833 = arith.muli %get3A_830, %mul3A_832 : vector<16xi32>
        %get3A_834 = arith.constant 0 : i32
        %get3A_835 = arith.index_cast %get3A_834 : i32 to index
        %get3A_836 = arith.constant 96 : index
        %get3A_837 = tpu.vector_load %arg9[%get3A_835, %get3A_836] {strides = array<i32>} : memref<2x128xi32, #tpu.memory_space<vmem>>, vector<1x16xi32>,
        %get3A_838 = vector.shape_cast %get3A_837 : vector<1x16xi32> to vector<16xi32>
        %add3A_839 = arith.addi %mul3A_833, %get3A_838 : vector<16xi32>
        %swap3A_840 = arith.constant 0 : i32
        %swap3A_841 = arith.index_cast %swap3A_840 : i32 to index
        %swap3A_842 = arith.constant 96 : index
        %swap3A_843 = tpu.vector_load %arg13[%swap3A_841, %swap3A_842] {strides = array<i32>} : memref<2x128xi32, #tpu.memory_space<vmem>>, vector<1x16xi32>,
        %swap3A_844 = vector.shape_cast %swap3A_843 : vector<1x16xi32> to vector<16xi32>
        %swap3A_845 = vector.shape_cast %add3A_839 : vector<16xi32> to vector<1x16xi32>
        tpu.vector_store %arg13[%swap3A_841, %swap3A_842], %swap3A_845 {strides = array<i32>} : memref<2x128xi32, #tpu.memory_space<vmem>>, vector<1x16xi32>,
        %get3A_846 = arith.constant 1 : i32
        %get3A_847 = arith.index_cast %get3A_846 : i32 to index
        %get3A_848 = arith.constant 112 : index
        %get3A_849 = tpu.vector_load %arg9[%get3A_847, %get3A_848] {strides = array<i32>} : memref<2x128xi32, #tpu.memory_space<vmem>>, vector<1x16xi32>,
        %get3A_850 = vector.shape_cast %get3A_849 : vector<1x16xi32> to vector<16xi32>
        %mul3A_851 = arith.constant 10000 : i32
        %mul3A_852 = vector.broadcast %mul3A_851 : i32 to vector<16xi32>
        %mul3A_853 = arith.muli %get3A_850, %mul3A_852 : vector<16xi32>
        %get3A_854 = arith.constant 0 : i32
        %get3A_855 = arith.index_cast %get3A_854 : i32 to index
        %get3A_856 = arith.constant 112 : index
        %get3A_857 = tpu.vector_load %arg9[%get3A_855, %get3A_856] {strides = array<i32>} : memref<2x128xi32, #tpu.memory_space<vmem>>, vector<1x16xi32>,
        %get3A_858 = vector.shape_cast %get3A_857 : vector<1x16xi32> to vector<16xi32>
        %add3A_859 = arith.addi %mul3A_853, %get3A_858 : vector<16xi32>
        %swap3A_860 = arith.constant 0 : i32
        %swap3A_861 = arith.index_cast %swap3A_860 : i32 to index
        %swap3A_862 = arith.constant 112 : index
        %swap3A_863 = tpu.vector_load %arg13[%swap3A_861, %swap3A_862] {strides = array<i32>} : memref<2x128xi32, #tpu.memory_space<vmem>>, vector<1x16xi32>,
        %swap3A_864 = vector.shape_cast %swap3A_863 : vector<1x16xi32> to vector<16xi32>
        %swap3A_865 = vector.shape_cast %add3A_859 : vector<16xi32> to vector<1x16xi32>
        tpu.vector_store %arg13[%swap3A_861, %swap3A_862], %swap3A_865 {strides = array<i32>} : memref<2x128xi32, #tpu.memory_space<vmem>>, vector<1x16xi32>,
        %dma_start3A_866 = arith.constant 0 : i32
        %dma_start3A_867 = arith.constant 0 : i32
        %dma_start3A_868 = tpu.memref_slice %arg13[%dma_start3A_866, %dma_start3A_867] : memref<2x128xi32, #tpu.memory_space<vmem>> -> memref<1x128xi32, #tpu.memory_space<vmem>>
        %dma_start3A_869 = tpu.memref_squeeze %dma_start3A_868 : memref<1x128xi32, #tpu.memory_space<vmem>> -> memref<128xi32, #tpu.memory_space<vmem>>
        %dma_start3A_870 = arith.constant 0 : i32
        %dma_start3A_871 = arith.constant 0 : i32
        %dma_start3A_872 = tpu.memref_slice %arg2[%dma_start3A_870, %dma_start3A_871] : memref<320000x128xf32, #tpu.memory_space<hbm>> -> memref<320000x128xf32, #tpu.memory_space<hbm>>
        tpu.enqueue_indirect_dma source(%dma_start3A_872 : memref<320000x128xf32, #tpu.memory_space<hbm>>) target(%arg15 : memref<128x128xf32, #tpu.memory_space<vmem>>) offsets(%dma_start3A_869 : memref<128xi32, #tpu.memory_space<vmem>>) semaphore(%arg22 : memref<!tpu.dma_semaphore, #tpu.memory_space<semaphore_mem>>)
      } else {
      }
      %mul3A_596 = arith.constant 4 : i32
      %mul3A_597 = arith.muli %while3A_575, %mul3A_596 : i32
      %add3A_598 = arith.constant 1 : i32
      %add3A_599 = arith.addi %mul3A_597, %add3A_598 : i32
      %dma_wait3A_600 = arith.constant 0 : i32
      %dma_wait3A_601 = arith.constant 0 : i32
      %dma_wait3A_602 = tpu.memref_slice %arg12[%dma_wait3A_600, %dma_wait3A_601] : memref<2x128xi32, #tpu.memory_space<vmem>> -> memref<1x128xi32, #tpu.memory_space<vmem>>
      %dma_wait3A_603 = tpu.memref_squeeze %dma_wait3A_602 : memref<1x128xi32, #tpu.memory_space<vmem>> -> memref<128xi32, #tpu.memory_space<vmem>>
      %dma_wait3A_604 = arith.constant 0 : i32
      %dma_wait3A_605 = arith.constant 0 : i32
      %dma_wait3A_606 = tpu.memref_slice %arg2[%dma_wait3A_604, %dma_wait3A_605] : memref<320000x128xf32, #tpu.memory_space<hbm>> -> memref<320000x128xf32, #tpu.memory_space<hbm>>
      tpu.wait_indirect_dma semaphore(%arg23 : memref<!tpu.dma_semaphore, #tpu.memory_space<semaphore_mem>>) src(%dma_wait3A_606 : memref<320000x128xf32, #tpu.memory_space<hbm>>) dst(%arg16 : memref<128x128xf32, #tpu.memory_space<vmem>>)
      %run_scoped3A_607 = arith.constant 1 : i32
      "tpu.region"() ({
        %run_scoped3A_668 = tpu.sem_alloc : memref<!tpu.dma_semaphore, #tpu.memory_space<semaphore_mem>>
        %dma_start3A_669 = arith.constant 0 : i32
        %dma_start3A_670 = tpu.memref_slice %arg12[%run_scoped3A_607, %dma_start3A_669] : memref<2x128xi32, #tpu.memory_space<vmem>> -> memref<1x128xi32, #tpu.memory_space<vmem>>
        %dma_start3A_671 = tpu.memref_squeeze %dma_start3A_670 : memref<1x128xi32, #tpu.memory_space<vmem>> -> memref<128xi32, #tpu.memory_space<vmem>>
        %dma_start3A_672 = arith.constant 0 : i32
        %dma_start3A_673 = arith.constant 0 : i32
        %dma_start3A_674 = tpu.memref_slice %arg17[%dma_start3A_672, %dma_start3A_673] : memref<10240x128xf32, #tpu.memory_space<vmem_shared>> -> memref<10240x128xf32, #tpu.memory_space<vmem_shared>>
        tpu.enqueue_indirect_dma source(%arg16 : memref<128x128xf32, #tpu.memory_space<vmem>>) target(%dma_start3A_674 : memref<10240x128xf32, #tpu.memory_space<vmem_shared>>) offsets(%dma_start3A_671 : memref<128xi32, #tpu.memory_space<vmem>>) semaphore(%run_scoped3A_668 : memref<!tpu.dma_semaphore, #tpu.memory_space<semaphore_mem>>) {add = true}
        %dma_wait3A_675 = arith.constant 0 : i32
        %dma_wait3A_676 = tpu.memref_slice %arg12[%run_scoped3A_607, %dma_wait3A_675] : memref<2x128xi32, #tpu.memory_space<vmem>> -> memref<1x128xi32, #tpu.memory_space<vmem>>
        %dma_wait3A_677 = tpu.memref_squeeze %dma_wait3A_676 : memref<1x128xi32, #tpu.memory_space<vmem>> -> memref<128xi32, #tpu.memory_space<vmem>>
        %dma_wait3A_678 = arith.constant 0 : i32
        %dma_wait3A_679 = arith.constant 0 : i32
        %dma_wait3A_680 = tpu.memref_slice %arg17[%dma_wait3A_678, %dma_wait3A_679] : memref<10240x128xf32, #tpu.memory_space<vmem_shared>> -> memref<10240x128xf32, #tpu.memory_space<vmem_shared>>
        tpu.wait_indirect_dma semaphore(%run_scoped3A_668 : memref<!tpu.dma_semaphore, #tpu.memory_space<semaphore_mem>>) src(%arg16 : memref<128x128xf32, #tpu.memory_space<vmem>>) dst(%dma_wait3A_680 : memref<10240x128xf32, #tpu.memory_space<vmem_shared>>)
        tpu.yield
      }) : () -> ()
      %add3A_608 = arith.constant 4 : i32
      %add3A_609 = arith.addi %add3A_599, %add3A_608 : i32
      %lt3A_610 = arith.cmpi slt, %add3A_609, %select_n3A : i32
      %convert_element_type3A_611 = arith.extui %lt3A_610 : i1 to i32
      %cond3A_612 = arith.constant 0 : i32
      %cond3A_613 = arith.cmpi ne, %convert_element_type3A_611, %cond3A_612 : i32
      scf.if %cond3A_613 {
        %add3A_668 = arith.constant 4 : i32
        %add3A_669 = arith.addi %add3A_599, %add3A_668 : i32
        %mul3A_670 = arith.constant 128 : i32
        %mul3A_671 = arith.muli %add3A_669, %mul3A_670 : i32
        %add3A_672 = arith.addi %mul3A_2, %mul3A_671 : i32
        %dma_start3A_673 = arith.constant 0 : i32
        %dma_start3A_674 = arith.constant 0 : i32
        %dma_start3A_675 = arith.constant 0 : i32
        %dma_start3A_676 = tpu.memref_slice %arg8[%dma_start3A_674, %dma_start3A_675] : memref<2x128xi32, #tpu.memory_space<vmem>> -> memref<1x128xi32, #tpu.memory_space<vmem>>
        %dma_start3A_677 = tpu.memref_squeeze %dma_start3A_676 : memref<1x128xi32, #tpu.memory_space<vmem>> -> memref<128xi32, #tpu.memory_space<vmem>>
        %dma_start3A_678 = tpu.memref_slice %arg3[%dma_start3A_673, %add3A_672] : memref<2x320000xi32, #tpu.memory_space<hbm>> -> memref<1x128xi32, #tpu.memory_space<hbm>>
        %dma_start3A_679 = tpu.memref_squeeze %dma_start3A_678 : memref<1x128xi32, #tpu.memory_space<hbm>> -> memref<128xi32, #tpu.memory_space<hbm>>
        %dma_start3A_680 = arith.constant 0 : i32
        %dma_start3A_681 = tpu.memref_slice %arg8[%dma_start3A_674, %dma_start3A_680] : memref<2x128xi32, #tpu.memory_space<vmem>> -> memref<1x128xi32, #tpu.memory_space<vmem>>
        %dma_start3A_682 = tpu.memref_squeeze %dma_start3A_681 : memref<1x128xi32, #tpu.memory_space<vmem>> -> memref<128xi32, #tpu.memory_space<vmem>>
        %dma_start3A_683 = tpu.memref_slice %arg3[%dma_start3A_673, %add3A_672] : memref<2x320000xi32, #tpu.memory_space<hbm>> -> memref<1x128xi32, #tpu.memory_space<hbm>>
        %dma_start3A_684 = tpu.memref_squeeze %dma_start3A_683 : memref<1x128xi32, #tpu.memory_space<hbm>> -> memref<128xi32, #tpu.memory_space<hbm>>
        tpu.enqueue_dma source(%dma_start3A_684 : memref<128xi32, #tpu.memory_space<hbm>>) target(%dma_start3A_682 : memref<128xi32, #tpu.memory_space<vmem>>) target_semaphore(%arg19 : memref<!tpu.dma_semaphore, #tpu.memory_space<semaphore_mem>>)
        %dma_start3A_685 = arith.constant 1 : i32
        %dma_start3A_686 = arith.constant 0 : i32
        %dma_start3A_687 = tpu.memref_slice %arg8[%dma_start3A_685, %dma_start3A_686] : memref<2x128xi32, #tpu.memory_space<vmem>> -> memref<1x128xi32, #tpu.memory_space<vmem>>
        %dma_start3A_688 = tpu.memref_squeeze %dma_start3A_687 : memref<1x128xi32, #tpu.memory_space<vmem>> -> memref<128xi32, #tpu.memory_space<vmem>>
        %dma_start3A_689 = tpu.memref_slice %arg4[%add3A_672] : memref<320000xi32, #tpu.memory_space<hbm>> -> memref<128xi32, #tpu.memory_space<hbm>>
        %dma_start3A_690 = arith.constant 0 : i32
        %dma_start3A_691 = tpu.memref_slice %arg8[%dma_start3A_685, %dma_start3A_690] : memref<2x128xi32, #tpu.memory_space<vmem>> -> memref<1x128xi32, #tpu.memory_space<vmem>>
        %dma_start3A_692 = tpu.memref_squeeze %dma_start3A_691 : memref<1x128xi32, #tpu.memory_space<vmem>> -> memref<128xi32, #tpu.memory_space<vmem>>
        %dma_start3A_693 = tpu.memref_slice %arg4[%add3A_672] : memref<320000xi32, #tpu.memory_space<hbm>> -> memref<128xi32, #tpu.memory_space<hbm>>
        tpu.enqueue_dma source(%dma_start3A_693 : memref<128xi32, #tpu.memory_space<hbm>>) target(%dma_start3A_692 : memref<128xi32, #tpu.memory_space<vmem>>) target_semaphore(%arg19 : memref<!tpu.dma_semaphore, #tpu.memory_space<semaphore_mem>>)
        %dma_start3A_694 = arith.constant 1 : i32
        %dma_start3A_695 = arith.constant 1 : i32
        %dma_start3A_696 = arith.constant 0 : i32
        %dma_start3A_697 = tpu.memref_slice %arg12[%dma_start3A_695, %dma_start3A_696] : memref<2x128xi32, #tpu.memory_space<vmem>> -> memref<1x128xi32, #tpu.memory_space<vmem>>
        %dma_start3A_698 = tpu.memref_squeeze %dma_start3A_697 : memref<1x128xi32, #tpu.memory_space<vmem>> -> memref<128xi32, #tpu.memory_space<vmem>>
        %dma_start3A_699 = tpu.memref_slice %arg3[%dma_start3A_694, %add3A_672] : memref<2x320000xi32, #tpu.memory_space<hbm>> -> memref<1x128xi32, #tpu.memory_space<hbm>>
        %dma_start3A_700 = tpu.memref_squeeze %dma_start3A_699 : memref<1x128xi32, #tpu.memory_space<hbm>> -> memref<128xi32, #tpu.memory_space<hbm>>
        %dma_start3A_701 = arith.constant 0 : i32
        %dma_start3A_702 = tpu.memref_slice %arg12[%dma_start3A_695, %dma_start3A_701] : memref<2x128xi32, #tpu.memory_space<vmem>> -> memref<1x128xi32, #tpu.memory_space<vmem>>
        %dma_start3A_703 = tpu.memref_squeeze %dma_start3A_702 : memref<1x128xi32, #tpu.memory_space<vmem>> -> memref<128xi32, #tpu.memory_space<vmem>>
        %dma_start3A_704 = tpu.memref_slice %arg3[%dma_start3A_694, %add3A_672] : memref<2x320000xi32, #tpu.memory_space<hbm>> -> memref<1x128xi32, #tpu.memory_space<hbm>>
        %dma_start3A_705 = tpu.memref_squeeze %dma_start3A_704 : memref<1x128xi32, #tpu.memory_space<hbm>> -> memref<128xi32, #tpu.memory_space<hbm>>
        tpu.enqueue_dma source(%dma_start3A_705 : memref<128xi32, #tpu.memory_space<hbm>>) target(%dma_start3A_703 : memref<128xi32, #tpu.memory_space<vmem>>) target_semaphore(%arg19 : memref<!tpu.dma_semaphore, #tpu.memory_space<semaphore_mem>>)
      } else {
      }
      %add3A_614 = arith.constant 2 : i32
      %add3A_615 = arith.addi %add3A_599, %add3A_614 : i32
      %lt3A_616 = arith.cmpi slt, %add3A_615, %select_n3A : i32
      %convert_element_type3A_617 = arith.extui %lt3A_616 : i1 to i32
      %cond3A_618 = arith.constant 0 : i32
      %cond3A_619 = arith.cmpi ne, %convert_element_type3A_617, %cond3A_618 : i32
      scf.if %cond3A_619 {
        %add3A_668 = arith.constant 2 : i32
        %add3A_669 = arith.addi %add3A_599, %add3A_668 : i32
        %mul3A_670 = arith.constant 128 : i32
        %mul3A_671 = arith.muli %add3A_669, %mul3A_670 : i32
        %add3A_672 = arith.addi %mul3A_2, %mul3A_671 : i32
        %dma_wait3A_673 = arith.constant 0 : i32
        %dma_wait3A_674 = arith.constant 0 : i32
        %dma_wait3A_675 = arith.constant 0 : i32
        %dma_wait3A_676 = tpu.memref_slice %arg10[%dma_wait3A_674, %dma_wait3A_675] : memref<2x128xi32, #tpu.memory_space<vmem>> -> memref<1x128xi32, #tpu.memory_space<vmem>>
        %dma_wait3A_677 = tpu.memref_squeeze %dma_wait3A_676 : memref<1x128xi32, #tpu.memory_space<vmem>> -> memref<128xi32, #tpu.memory_space<vmem>>
        %dma_wait3A_678 = tpu.memref_slice %arg3[%dma_wait3A_673, %add3A_672] : memref<2x320000xi32, #tpu.memory_space<hbm>> -> memref<1x128xi32, #tpu.memory_space<hbm>>
        %dma_wait3A_679 = tpu.memref_squeeze %dma_wait3A_678 : memref<1x128xi32, #tpu.memory_space<hbm>> -> memref<128xi32, #tpu.memory_space<hbm>>
        %dma_wait3A_680 = arith.constant 0 : i32
        %dma_wait3A_681 = tpu.memref_slice %arg10[%dma_wait3A_674, %dma_wait3A_680] : memref<2x128xi32, #tpu.memory_space<vmem>> -> memref<1x128xi32, #tpu.memory_space<vmem>>
        %dma_wait3A_682 = tpu.memref_squeeze %dma_wait3A_681 : memref<1x128xi32, #tpu.memory_space<vmem>> -> memref<128xi32, #tpu.memory_space<vmem>>
        %dma_wait3A_683 = tpu.memref_slice %arg3[%dma_wait3A_673, %add3A_672] : memref<2x320000xi32, #tpu.memory_space<hbm>> -> memref<1x128xi32, #tpu.memory_space<hbm>>
        %dma_wait3A_684 = tpu.memref_squeeze %dma_wait3A_683 : memref<1x128xi32, #tpu.memory_space<hbm>> -> memref<128xi32, #tpu.memory_space<hbm>>
        tpu.wait_dma2 semaphore(%arg21 : memref<!tpu.dma_semaphore, #tpu.memory_space<semaphore_mem>>) src(%dma_wait3A_684 : memref<128xi32, #tpu.memory_space<hbm>>) dst(%dma_wait3A_682 : memref<128xi32, #tpu.memory_space<vmem>>)
        %dma_wait3A_685 = arith.constant 1 : i32
        %dma_wait3A_686 = arith.constant 0 : i32
        %dma_wait3A_687 = tpu.memref_slice %arg10[%dma_wait3A_685, %dma_wait3A_686] : memref<2x128xi32, #tpu.memory_space<vmem>> -> memref<1x128xi32, #tpu.memory_space<vmem>>
        %dma_wait3A_688 = tpu.memref_squeeze %dma_wait3A_687 : memref<1x128xi32, #tpu.memory_space<vmem>> -> memref<128xi32, #tpu.memory_space<vmem>>
        %dma_wait3A_689 = tpu.memref_slice %arg4[%add3A_672] : memref<320000xi32, #tpu.memory_space<hbm>> -> memref<128xi32, #tpu.memory_space<hbm>>
        %dma_wait3A_690 = arith.constant 0 : i32
        %dma_wait3A_691 = tpu.memref_slice %arg10[%dma_wait3A_685, %dma_wait3A_690] : memref<2x128xi32, #tpu.memory_space<vmem>> -> memref<1x128xi32, #tpu.memory_space<vmem>>
        %dma_wait3A_692 = tpu.memref_squeeze %dma_wait3A_691 : memref<1x128xi32, #tpu.memory_space<vmem>> -> memref<128xi32, #tpu.memory_space<vmem>>
        %dma_wait3A_693 = tpu.memref_slice %arg4[%add3A_672] : memref<320000xi32, #tpu.memory_space<hbm>> -> memref<128xi32, #tpu.memory_space<hbm>>
        tpu.wait_dma2 semaphore(%arg21 : memref<!tpu.dma_semaphore, #tpu.memory_space<semaphore_mem>>) src(%dma_wait3A_693 : memref<128xi32, #tpu.memory_space<hbm>>) dst(%dma_wait3A_692 : memref<128xi32, #tpu.memory_space<vmem>>)
        %dma_wait3A_694 = arith.constant 1 : i32
        %dma_wait3A_695 = arith.constant 1 : i32
        %dma_wait3A_696 = arith.constant 0 : i32
        %dma_wait3A_697 = tpu.memref_slice %arg14[%dma_wait3A_695, %dma_wait3A_696] : memref<2x128xi32, #tpu.memory_space<vmem>> -> memref<1x128xi32, #tpu.memory_space<vmem>>
        %dma_wait3A_698 = tpu.memref_squeeze %dma_wait3A_697 : memref<1x128xi32, #tpu.memory_space<vmem>> -> memref<128xi32, #tpu.memory_space<vmem>>
        %dma_wait3A_699 = tpu.memref_slice %arg3[%dma_wait3A_694, %add3A_672] : memref<2x320000xi32, #tpu.memory_space<hbm>> -> memref<1x128xi32, #tpu.memory_space<hbm>>
        %dma_wait3A_700 = tpu.memref_squeeze %dma_wait3A_699 : memref<1x128xi32, #tpu.memory_space<hbm>> -> memref<128xi32, #tpu.memory_space<hbm>>
        %dma_wait3A_701 = arith.constant 0 : i32
        %dma_wait3A_702 = tpu.memref_slice %arg14[%dma_wait3A_695, %dma_wait3A_701] : memref<2x128xi32, #tpu.memory_space<vmem>> -> memref<1x128xi32, #tpu.memory_space<vmem>>
        %dma_wait3A_703 = tpu.memref_squeeze %dma_wait3A_702 : memref<1x128xi32, #tpu.memory_space<vmem>> -> memref<128xi32, #tpu.memory_space<vmem>>
        %dma_wait3A_704 = tpu.memref_slice %arg3[%dma_wait3A_694, %add3A_672] : memref<2x320000xi32, #tpu.memory_space<hbm>> -> memref<1x128xi32, #tpu.memory_space<hbm>>
        %dma_wait3A_705 = tpu.memref_squeeze %dma_wait3A_704 : memref<1x128xi32, #tpu.memory_space<hbm>> -> memref<128xi32, #tpu.memory_space<hbm>>
        tpu.wait_dma2 semaphore(%arg21 : memref<!tpu.dma_semaphore, #tpu.memory_space<semaphore_mem>>) src(%dma_wait3A_705 : memref<128xi32, #tpu.memory_space<hbm>>) dst(%dma_wait3A_703 : memref<128xi32, #tpu.memory_space<vmem>>)
        %get3A_706 = arith.constant 1 : i32
        %get3A_707 = arith.index_cast %get3A_706 : i32 to index
        %get3A_708 = arith.constant 0 : index
        %get3A_709 = tpu.vector_load %arg10[%get3A_707, %get3A_708] {strides = array<i32>} : memref<2x128xi32, #tpu.memory_space<vmem>>, vector<1x16xi32>,
        %get3A_710 = vector.shape_cast %get3A_709 : vector<1x16xi32> to vector<16xi32>
        %mul3A_711 = arith.constant 10000 : i32
        %mul3A_712 = vector.broadcast %mul3A_711 : i32 to vector<16xi32>
        %mul3A_713 = arith.muli %get3A_710, %mul3A_712 : vector<16xi32>
        %get3A_714 = arith.constant 0 : i32
        %get3A_715 = arith.index_cast %get3A_714 : i32 to index
        %get3A_716 = arith.constant 0 : index
        %get3A_717 = tpu.vector_load %arg10[%get3A_715, %get3A_716] {strides = array<i32>} : memref<2x128xi32, #tpu.memory_space<vmem>>, vector<1x16xi32>,
        %get3A_718 = vector.shape_cast %get3A_717 : vector<1x16xi32> to vector<16xi32>
        %add3A_719 = arith.addi %mul3A_713, %get3A_718 : vector<16xi32>
        %swap3A_720 = arith.constant 0 : i32
        %swap3A_721 = arith.index_cast %swap3A_720 : i32 to index
        %swap3A_722 = arith.constant 0 : index
        %swap3A_723 = tpu.vector_load %arg14[%swap3A_721, %swap3A_722] {strides = array<i32>} : memref<2x128xi32, #tpu.memory_space<vmem>>, vector<1x16xi32>,
        %swap3A_724 = vector.shape_cast %swap3A_723 : vector<1x16xi32> to vector<16xi32>
        %swap3A_725 = vector.shape_cast %add3A_719 : vector<16xi32> to vector<1x16xi32>
        tpu.vector_store %arg14[%swap3A_721, %swap3A_722], %swap3A_725 {strides = array<i32>} : memref<2x128xi32, #tpu.memory_space<vmem>>, vector<1x16xi32>,
        %get3A_726 = arith.constant 1 : i32
        %get3A_727 = arith.index_cast %get3A_726 : i32 to index
        %get3A_728 = arith.constant 16 : index
        %get3A_729 = tpu.vector_load %arg10[%get3A_727, %get3A_728] {strides = array<i32>} : memref<2x128xi32, #tpu.memory_space<vmem>>, vector<1x16xi32>,
        %get3A_730 = vector.shape_cast %get3A_729 : vector<1x16xi32> to vector<16xi32>
        %mul3A_731 = arith.constant 10000 : i32
        %mul3A_732 = vector.broadcast %mul3A_731 : i32 to vector<16xi32>
        %mul3A_733 = arith.muli %get3A_730, %mul3A_732 : vector<16xi32>
        %get3A_734 = arith.constant 0 : i32
        %get3A_735 = arith.index_cast %get3A_734 : i32 to index
        %get3A_736 = arith.constant 16 : index
        %get3A_737 = tpu.vector_load %arg10[%get3A_735, %get3A_736] {strides = array<i32>} : memref<2x128xi32, #tpu.memory_space<vmem>>, vector<1x16xi32>,
        %get3A_738 = vector.shape_cast %get3A_737 : vector<1x16xi32> to vector<16xi32>
        %add3A_739 = arith.addi %mul3A_733, %get3A_738 : vector<16xi32>
        %swap3A_740 = arith.constant 0 : i32
        %swap3A_741 = arith.index_cast %swap3A_740 : i32 to index
        %swap3A_742 = arith.constant 16 : index
        %swap3A_743 = tpu.vector_load %arg14[%swap3A_741, %swap3A_742] {strides = array<i32>} : memref<2x128xi32, #tpu.memory_space<vmem>>, vector<1x16xi32>,
        %swap3A_744 = vector.shape_cast %swap3A_743 : vector<1x16xi32> to vector<16xi32>
        %swap3A_745 = vector.shape_cast %add3A_739 : vector<16xi32> to vector<1x16xi32>
        tpu.vector_store %arg14[%swap3A_741, %swap3A_742], %swap3A_745 {strides = array<i32>} : memref<2x128xi32, #tpu.memory_space<vmem>>, vector<1x16xi32>,
        %get3A_746 = arith.constant 1 : i32
        %get3A_747 = arith.index_cast %get3A_746 : i32 to index
        %get3A_748 = arith.constant 32 : index
        %get3A_749 = tpu.vector_load %arg10[%get3A_747, %get3A_748] {strides = array<i32>} : memref<2x128xi32, #tpu.memory_space<vmem>>, vector<1x16xi32>,
        %get3A_750 = vector.shape_cast %get3A_749 : vector<1x16xi32> to vector<16xi32>
        %mul3A_751 = arith.constant 10000 : i32
        %mul3A_752 = vector.broadcast %mul3A_751 : i32 to vector<16xi32>
        %mul3A_753 = arith.muli %get3A_750, %mul3A_752 : vector<16xi32>
        %get3A_754 = arith.constant 0 : i32
        %get3A_755 = arith.index_cast %get3A_754 : i32 to index
        %get3A_756 = arith.constant 32 : index
        %get3A_757 = tpu.vector_load %arg10[%get3A_755, %get3A_756] {strides = array<i32>} : memref<2x128xi32, #tpu.memory_space<vmem>>, vector<1x16xi32>,
        %get3A_758 = vector.shape_cast %get3A_757 : vector<1x16xi32> to vector<16xi32>
        %add3A_759 = arith.addi %mul3A_753, %get3A_758 : vector<16xi32>
        %swap3A_760 = arith.constant 0 : i32
        %swap3A_761 = arith.index_cast %swap3A_760 : i32 to index
        %swap3A_762 = arith.constant 32 : index
        %swap3A_763 = tpu.vector_load %arg14[%swap3A_761, %swap3A_762] {strides = array<i32>} : memref<2x128xi32, #tpu.memory_space<vmem>>, vector<1x16xi32>,
        %swap3A_764 = vector.shape_cast %swap3A_763 : vector<1x16xi32> to vector<16xi32>
        %swap3A_765 = vector.shape_cast %add3A_759 : vector<16xi32> to vector<1x16xi32>
        tpu.vector_store %arg14[%swap3A_761, %swap3A_762], %swap3A_765 {strides = array<i32>} : memref<2x128xi32, #tpu.memory_space<vmem>>, vector<1x16xi32>,
        %get3A_766 = arith.constant 1 : i32
        %get3A_767 = arith.index_cast %get3A_766 : i32 to index
        %get3A_768 = arith.constant 48 : index
        %get3A_769 = tpu.vector_load %arg10[%get3A_767, %get3A_768] {strides = array<i32>} : memref<2x128xi32, #tpu.memory_space<vmem>>, vector<1x16xi32>,
        %get3A_770 = vector.shape_cast %get3A_769 : vector<1x16xi32> to vector<16xi32>
        %mul3A_771 = arith.constant 10000 : i32
        %mul3A_772 = vector.broadcast %mul3A_771 : i32 to vector<16xi32>
        %mul3A_773 = arith.muli %get3A_770, %mul3A_772 : vector<16xi32>
        %get3A_774 = arith.constant 0 : i32
        %get3A_775 = arith.index_cast %get3A_774 : i32 to index
        %get3A_776 = arith.constant 48 : index
        %get3A_777 = tpu.vector_load %arg10[%get3A_775, %get3A_776] {strides = array<i32>} : memref<2x128xi32, #tpu.memory_space<vmem>>, vector<1x16xi32>,
        %get3A_778 = vector.shape_cast %get3A_777 : vector<1x16xi32> to vector<16xi32>
        %add3A_779 = arith.addi %mul3A_773, %get3A_778 : vector<16xi32>
        %swap3A_780 = arith.constant 0 : i32
        %swap3A_781 = arith.index_cast %swap3A_780 : i32 to index
        %swap3A_782 = arith.constant 48 : index
        %swap3A_783 = tpu.vector_load %arg14[%swap3A_781, %swap3A_782] {strides = array<i32>} : memref<2x128xi32, #tpu.memory_space<vmem>>, vector<1x16xi32>,
        %swap3A_784 = vector.shape_cast %swap3A_783 : vector<1x16xi32> to vector<16xi32>
        %swap3A_785 = vector.shape_cast %add3A_779 : vector<16xi32> to vector<1x16xi32>
        tpu.vector_store %arg14[%swap3A_781, %swap3A_782], %swap3A_785 {strides = array<i32>} : memref<2x128xi32, #tpu.memory_space<vmem>>, vector<1x16xi32>,
        %get3A_786 = arith.constant 1 : i32
        %get3A_787 = arith.index_cast %get3A_786 : i32 to index
        %get3A_788 = arith.constant 64 : index
        %get3A_789 = tpu.vector_load %arg10[%get3A_787, %get3A_788] {strides = array<i32>} : memref<2x128xi32, #tpu.memory_space<vmem>>, vector<1x16xi32>,
        %get3A_790 = vector.shape_cast %get3A_789 : vector<1x16xi32> to vector<16xi32>
        %mul3A_791 = arith.constant 10000 : i32
        %mul3A_792 = vector.broadcast %mul3A_791 : i32 to vector<16xi32>
        %mul3A_793 = arith.muli %get3A_790, %mul3A_792 : vector<16xi32>
        %get3A_794 = arith.constant 0 : i32
        %get3A_795 = arith.index_cast %get3A_794 : i32 to index
        %get3A_796 = arith.constant 64 : index
        %get3A_797 = tpu.vector_load %arg10[%get3A_795, %get3A_796] {strides = array<i32>} : memref<2x128xi32, #tpu.memory_space<vmem>>, vector<1x16xi32>,
        %get3A_798 = vector.shape_cast %get3A_797 : vector<1x16xi32> to vector<16xi32>
        %add3A_799 = arith.addi %mul3A_793, %get3A_798 : vector<16xi32>
        %swap3A_800 = arith.constant 0 : i32
        %swap3A_801 = arith.index_cast %swap3A_800 : i32 to index
        %swap3A_802 = arith.constant 64 : index
        %swap3A_803 = tpu.vector_load %arg14[%swap3A_801, %swap3A_802] {strides = array<i32>} : memref<2x128xi32, #tpu.memory_space<vmem>>, vector<1x16xi32>,
        %swap3A_804 = vector.shape_cast %swap3A_803 : vector<1x16xi32> to vector<16xi32>
        %swap3A_805 = vector.shape_cast %add3A_799 : vector<16xi32> to vector<1x16xi32>
        tpu.vector_store %arg14[%swap3A_801, %swap3A_802], %swap3A_805 {strides = array<i32>} : memref<2x128xi32, #tpu.memory_space<vmem>>, vector<1x16xi32>,
        %get3A_806 = arith.constant 1 : i32
        %get3A_807 = arith.index_cast %get3A_806 : i32 to index
        %get3A_808 = arith.constant 80 : index
        %get3A_809 = tpu.vector_load %arg10[%get3A_807, %get3A_808] {strides = array<i32>} : memref<2x128xi32, #tpu.memory_space<vmem>>, vector<1x16xi32>,
        %get3A_810 = vector.shape_cast %get3A_809 : vector<1x16xi32> to vector<16xi32>
        %mul3A_811 = arith.constant 10000 : i32
        %mul3A_812 = vector.broadcast %mul3A_811 : i32 to vector<16xi32>
        %mul3A_813 = arith.muli %get3A_810, %mul3A_812 : vector<16xi32>
        %get3A_814 = arith.constant 0 : i32
        %get3A_815 = arith.index_cast %get3A_814 : i32 to index
        %get3A_816 = arith.constant 80 : index
        %get3A_817 = tpu.vector_load %arg10[%get3A_815, %get3A_816] {strides = array<i32>} : memref<2x128xi32, #tpu.memory_space<vmem>>, vector<1x16xi32>,
        %get3A_818 = vector.shape_cast %get3A_817 : vector<1x16xi32> to vector<16xi32>
        %add3A_819 = arith.addi %mul3A_813, %get3A_818 : vector<16xi32>
        %swap3A_820 = arith.constant 0 : i32
        %swap3A_821 = arith.index_cast %swap3A_820 : i32 to index
        %swap3A_822 = arith.constant 80 : index
        %swap3A_823 = tpu.vector_load %arg14[%swap3A_821, %swap3A_822] {strides = array<i32>} : memref<2x128xi32, #tpu.memory_space<vmem>>, vector<1x16xi32>,
        %swap3A_824 = vector.shape_cast %swap3A_823 : vector<1x16xi32> to vector<16xi32>
        %swap3A_825 = vector.shape_cast %add3A_819 : vector<16xi32> to vector<1x16xi32>
        tpu.vector_store %arg14[%swap3A_821, %swap3A_822], %swap3A_825 {strides = array<i32>} : memref<2x128xi32, #tpu.memory_space<vmem>>, vector<1x16xi32>,
        %get3A_826 = arith.constant 1 : i32
        %get3A_827 = arith.index_cast %get3A_826 : i32 to index
        %get3A_828 = arith.constant 96 : index
        %get3A_829 = tpu.vector_load %arg10[%get3A_827, %get3A_828] {strides = array<i32>} : memref<2x128xi32, #tpu.memory_space<vmem>>, vector<1x16xi32>,
        %get3A_830 = vector.shape_cast %get3A_829 : vector<1x16xi32> to vector<16xi32>
        %mul3A_831 = arith.constant 10000 : i32
        %mul3A_832 = vector.broadcast %mul3A_831 : i32 to vector<16xi32>
        %mul3A_833 = arith.muli %get3A_830, %mul3A_832 : vector<16xi32>
        %get3A_834 = arith.constant 0 : i32
        %get3A_835 = arith.index_cast %get3A_834 : i32 to index
        %get3A_836 = arith.constant 96 : index
        %get3A_837 = tpu.vector_load %arg10[%get3A_835, %get3A_836] {strides = array<i32>} : memref<2x128xi32, #tpu.memory_space<vmem>>, vector<1x16xi32>,
        %get3A_838 = vector.shape_cast %get3A_837 : vector<1x16xi32> to vector<16xi32>
        %add3A_839 = arith.addi %mul3A_833, %get3A_838 : vector<16xi32>
        %swap3A_840 = arith.constant 0 : i32
        %swap3A_841 = arith.index_cast %swap3A_840 : i32 to index
        %swap3A_842 = arith.constant 96 : index
        %swap3A_843 = tpu.vector_load %arg14[%swap3A_841, %swap3A_842] {strides = array<i32>} : memref<2x128xi32, #tpu.memory_space<vmem>>, vector<1x16xi32>,
        %swap3A_844 = vector.shape_cast %swap3A_843 : vector<1x16xi32> to vector<16xi32>
        %swap3A_845 = vector.shape_cast %add3A_839 : vector<16xi32> to vector<1x16xi32>
        tpu.vector_store %arg14[%swap3A_841, %swap3A_842], %swap3A_845 {strides = array<i32>} : memref<2x128xi32, #tpu.memory_space<vmem>>, vector<1x16xi32>,
        %get3A_846 = arith.constant 1 : i32
        %get3A_847 = arith.index_cast %get3A_846 : i32 to index
        %get3A_848 = arith.constant 112 : index
        %get3A_849 = tpu.vector_load %arg10[%get3A_847, %get3A_848] {strides = array<i32>} : memref<2x128xi32, #tpu.memory_space<vmem>>, vector<1x16xi32>,
        %get3A_850 = vector.shape_cast %get3A_849 : vector<1x16xi32> to vector<16xi32>
        %mul3A_851 = arith.constant 10000 : i32
        %mul3A_852 = vector.broadcast %mul3A_851 : i32 to vector<16xi32>
        %mul3A_853 = arith.muli %get3A_850, %mul3A_852 : vector<16xi32>
        %get3A_854 = arith.constant 0 : i32
        %get3A_855 = arith.index_cast %get3A_854 : i32 to index
        %get3A_856 = arith.constant 112 : index
        %get3A_857 = tpu.vector_load %arg10[%get3A_855, %get3A_856] {strides = array<i32>} : memref<2x128xi32, #tpu.memory_space<vmem>>, vector<1x16xi32>,
        %get3A_858 = vector.shape_cast %get3A_857 : vector<1x16xi32> to vector<16xi32>
        %add3A_859 = arith.addi %mul3A_853, %get3A_858 : vector<16xi32>
        %swap3A_860 = arith.constant 0 : i32
        %swap3A_861 = arith.index_cast %swap3A_860 : i32 to index
        %swap3A_862 = arith.constant 112 : index
        %swap3A_863 = tpu.vector_load %arg14[%swap3A_861, %swap3A_862] {strides = array<i32>} : memref<2x128xi32, #tpu.memory_space<vmem>>, vector<1x16xi32>,
        %swap3A_864 = vector.shape_cast %swap3A_863 : vector<1x16xi32> to vector<16xi32>
        %swap3A_865 = vector.shape_cast %add3A_859 : vector<16xi32> to vector<1x16xi32>
        tpu.vector_store %arg14[%swap3A_861, %swap3A_862], %swap3A_865 {strides = array<i32>} : memref<2x128xi32, #tpu.memory_space<vmem>>, vector<1x16xi32>,
        %dma_start3A_866 = arith.constant 0 : i32
        %dma_start3A_867 = arith.constant 0 : i32
        %dma_start3A_868 = tpu.memref_slice %arg14[%dma_start3A_866, %dma_start3A_867] : memref<2x128xi32, #tpu.memory_space<vmem>> -> memref<1x128xi32, #tpu.memory_space<vmem>>
        %dma_start3A_869 = tpu.memref_squeeze %dma_start3A_868 : memref<1x128xi32, #tpu.memory_space<vmem>> -> memref<128xi32, #tpu.memory_space<vmem>>
        %dma_start3A_870 = arith.constant 0 : i32
        %dma_start3A_871 = arith.constant 0 : i32
        %dma_start3A_872 = tpu.memref_slice %arg2[%dma_start3A_870, %dma_start3A_871] : memref<320000x128xf32, #tpu.memory_space<hbm>> -> memref<320000x128xf32, #tpu.memory_space<hbm>>
        tpu.enqueue_indirect_dma source(%dma_start3A_872 : memref<320000x128xf32, #tpu.memory_space<hbm>>) target(%arg16 : memref<128x128xf32, #tpu.memory_space<vmem>>) offsets(%dma_start3A_869 : memref<128xi32, #tpu.memory_space<vmem>>) semaphore(%arg23 : memref<!tpu.dma_semaphore, #tpu.memory_space<semaphore_mem>>)
      } else {
      }
      %mul3A_620 = arith.constant 4 : i32
      %mul3A_621 = arith.muli %while3A_575, %mul3A_620 : i32
      %add3A_622 = arith.constant 2 : i32
      %add3A_623 = arith.addi %mul3A_621, %add3A_622 : i32
      %dma_wait3A_624 = arith.constant 0 : i32
      %dma_wait3A_625 = arith.constant 0 : i32
      %dma_wait3A_626 = tpu.memref_slice %arg13[%dma_wait3A_624, %dma_wait3A_625] : memref<2x128xi32, #tpu.memory_space<vmem>> -> memref<1x128xi32, #tpu.memory_space<vmem>>
      %dma_wait3A_627 = tpu.memref_squeeze %dma_wait3A_626 : memref<1x128xi32, #tpu.memory_space<vmem>> -> memref<128xi32, #tpu.memory_space<vmem>>
      %dma_wait3A_628 = arith.constant 0 : i32
      %dma_wait3A_629 = arith.constant 0 : i32
      %dma_wait3A_630 = tpu.memref_slice %arg2[%dma_wait3A_628, %dma_wait3A_629] : memref<320000x128xf32, #tpu.memory_space<hbm>> -> memref<320000x128xf32, #tpu.memory_space<hbm>>
      tpu.wait_indirect_dma semaphore(%arg22 : memref<!tpu.dma_semaphore, #tpu.memory_space<semaphore_mem>>) src(%dma_wait3A_630 : memref<320000x128xf32, #tpu.memory_space<hbm>>) dst(%arg15 : memref<128x128xf32, #tpu.memory_space<vmem>>)
      %run_scoped3A_631 = arith.constant 1 : i32
      "tpu.region"() ({
        %run_scoped3A_668 = tpu.sem_alloc : memref<!tpu.dma_semaphore, #tpu.memory_space<semaphore_mem>>
        %dma_start3A_669 = arith.constant 0 : i32
        %dma_start3A_670 = tpu.memref_slice %arg13[%run_scoped3A_631, %dma_start3A_669] : memref<2x128xi32, #tpu.memory_space<vmem>> -> memref<1x128xi32, #tpu.memory_space<vmem>>
        %dma_start3A_671 = tpu.memref_squeeze %dma_start3A_670 : memref<1x128xi32, #tpu.memory_space<vmem>> -> memref<128xi32, #tpu.memory_space<vmem>>
        %dma_start3A_672 = arith.constant 0 : i32
        %dma_start3A_673 = arith.constant 0 : i32
        %dma_start3A_674 = tpu.memref_slice %arg17[%dma_start3A_672, %dma_start3A_673] : memref<10240x128xf32, #tpu.memory_space<vmem_shared>> -> memref<10240x128xf32, #tpu.memory_space<vmem_shared>>
        tpu.enqueue_indirect_dma source(%arg15 : memref<128x128xf32, #tpu.memory_space<vmem>>) target(%dma_start3A_674 : memref<10240x128xf32, #tpu.memory_space<vmem_shared>>) offsets(%dma_start3A_671 : memref<128xi32, #tpu.memory_space<vmem>>) semaphore(%run_scoped3A_668 : memref<!tpu.dma_semaphore, #tpu.memory_space<semaphore_mem>>) {add = true}
        %dma_wait3A_675 = arith.constant 0 : i32
        %dma_wait3A_676 = tpu.memref_slice %arg13[%run_scoped3A_631, %dma_wait3A_675] : memref<2x128xi32, #tpu.memory_space<vmem>> -> memref<1x128xi32, #tpu.memory_space<vmem>>
        %dma_wait3A_677 = tpu.memref_squeeze %dma_wait3A_676 : memref<1x128xi32, #tpu.memory_space<vmem>> -> memref<128xi32, #tpu.memory_space<vmem>>
        %dma_wait3A_678 = arith.constant 0 : i32
        %dma_wait3A_679 = arith.constant 0 : i32
        %dma_wait3A_680 = tpu.memref_slice %arg17[%dma_wait3A_678, %dma_wait3A_679] : memref<10240x128xf32, #tpu.memory_space<vmem_shared>> -> memref<10240x128xf32, #tpu.memory_space<vmem_shared>>
        tpu.wait_indirect_dma semaphore(%run_scoped3A_668 : memref<!tpu.dma_semaphore, #tpu.memory_space<semaphore_mem>>) src(%arg15 : memref<128x128xf32, #tpu.memory_space<vmem>>) dst(%dma_wait3A_680 : memref<10240x128xf32, #tpu.memory_space<vmem_shared>>)
        tpu.yield
      }) : () -> ()
      %add3A_632 = arith.constant 4 : i32
      %add3A_633 = arith.addi %add3A_623, %add3A_632 : i32
      %lt3A_634 = arith.cmpi slt, %add3A_633, %select_n3A : i32
      %convert_element_type3A_635 = arith.extui %lt3A_634 : i1 to i32
      %cond3A_636 = arith.constant 0 : i32
      %cond3A_637 = arith.cmpi ne, %convert_element_type3A_635, %cond3A_636 : i32
      scf.if %cond3A_637 {
        %add3A_668 = arith.constant 4 : i32
        %add3A_669 = arith.addi %add3A_623, %add3A_668 : i32
        %mul3A_670 = arith.constant 128 : i32
        %mul3A_671 = arith.muli %add3A_669, %mul3A_670 : i32
        %add3A_672 = arith.addi %mul3A_2, %mul3A_671 : i32
        %dma_start3A_673 = arith.constant 0 : i32
        %dma_start3A_674 = arith.constant 0 : i32
        %dma_start3A_675 = arith.constant 0 : i32
        %dma_start3A_676 = tpu.memref_slice %arg9[%dma_start3A_674, %dma_start3A_675] : memref<2x128xi32, #tpu.memory_space<vmem>> -> memref<1x128xi32, #tpu.memory_space<vmem>>
        %dma_start3A_677 = tpu.memref_squeeze %dma_start3A_676 : memref<1x128xi32, #tpu.memory_space<vmem>> -> memref<128xi32, #tpu.memory_space<vmem>>
        %dma_start3A_678 = tpu.memref_slice %arg3[%dma_start3A_673, %add3A_672] : memref<2x320000xi32, #tpu.memory_space<hbm>> -> memref<1x128xi32, #tpu.memory_space<hbm>>
        %dma_start3A_679 = tpu.memref_squeeze %dma_start3A_678 : memref<1x128xi32, #tpu.memory_space<hbm>> -> memref<128xi32, #tpu.memory_space<hbm>>
        %dma_start3A_680 = arith.constant 0 : i32
        %dma_start3A_681 = tpu.memref_slice %arg9[%dma_start3A_674, %dma_start3A_680] : memref<2x128xi32, #tpu.memory_space<vmem>> -> memref<1x128xi32, #tpu.memory_space<vmem>>
        %dma_start3A_682 = tpu.memref_squeeze %dma_start3A_681 : memref<1x128xi32, #tpu.memory_space<vmem>> -> memref<128xi32, #tpu.memory_space<vmem>>
        %dma_start3A_683 = tpu.memref_slice %arg3[%dma_start3A_673, %add3A_672] : memref<2x320000xi32, #tpu.memory_space<hbm>> -> memref<1x128xi32, #tpu.memory_space<hbm>>
        %dma_start3A_684 = tpu.memref_squeeze %dma_start3A_683 : memref<1x128xi32, #tpu.memory_space<hbm>> -> memref<128xi32, #tpu.memory_space<hbm>>
        tpu.enqueue_dma source(%dma_start3A_684 : memref<128xi32, #tpu.memory_space<hbm>>) target(%dma_start3A_682 : memref<128xi32, #tpu.memory_space<vmem>>) target_semaphore(%arg20 : memref<!tpu.dma_semaphore, #tpu.memory_space<semaphore_mem>>)
        %dma_start3A_685 = arith.constant 1 : i32
        %dma_start3A_686 = arith.constant 0 : i32
        %dma_start3A_687 = tpu.memref_slice %arg9[%dma_start3A_685, %dma_start3A_686] : memref<2x128xi32, #tpu.memory_space<vmem>> -> memref<1x128xi32, #tpu.memory_space<vmem>>
        %dma_start3A_688 = tpu.memref_squeeze %dma_start3A_687 : memref<1x128xi32, #tpu.memory_space<vmem>> -> memref<128xi32, #tpu.memory_space<vmem>>
        %dma_start3A_689 = tpu.memref_slice %arg4[%add3A_672] : memref<320000xi32, #tpu.memory_space<hbm>> -> memref<128xi32, #tpu.memory_space<hbm>>
        %dma_start3A_690 = arith.constant 0 : i32
        %dma_start3A_691 = tpu.memref_slice %arg9[%dma_start3A_685, %dma_start3A_690] : memref<2x128xi32, #tpu.memory_space<vmem>> -> memref<1x128xi32, #tpu.memory_space<vmem>>
        %dma_start3A_692 = tpu.memref_squeeze %dma_start3A_691 : memref<1x128xi32, #tpu.memory_space<vmem>> -> memref<128xi32, #tpu.memory_space<vmem>>
        %dma_start3A_693 = tpu.memref_slice %arg4[%add3A_672] : memref<320000xi32, #tpu.memory_space<hbm>> -> memref<128xi32, #tpu.memory_space<hbm>>
        tpu.enqueue_dma source(%dma_start3A_693 : memref<128xi32, #tpu.memory_space<hbm>>) target(%dma_start3A_692 : memref<128xi32, #tpu.memory_space<vmem>>) target_semaphore(%arg20 : memref<!tpu.dma_semaphore, #tpu.memory_space<semaphore_mem>>)
        %dma_start3A_694 = arith.constant 1 : i32
        %dma_start3A_695 = arith.constant 1 : i32
        %dma_start3A_696 = arith.constant 0 : i32
        %dma_start3A_697 = tpu.memref_slice %arg13[%dma_start3A_695, %dma_start3A_696] : memref<2x128xi32, #tpu.memory_space<vmem>> -> memref<1x128xi32, #tpu.memory_space<vmem>>
        %dma_start3A_698 = tpu.memref_squeeze %dma_start3A_697 : memref<1x128xi32, #tpu.memory_space<vmem>> -> memref<128xi32, #tpu.memory_space<vmem>>
        %dma_start3A_699 = tpu.memref_slice %arg3[%dma_start3A_694, %add3A_672] : memref<2x320000xi32, #tpu.memory_space<hbm>> -> memref<1x128xi32, #tpu.memory_space<hbm>>
        %dma_start3A_700 = tpu.memref_squeeze %dma_start3A_699 : memref<1x128xi32, #tpu.memory_space<hbm>> -> memref<128xi32, #tpu.memory_space<hbm>>
        %dma_start3A_701 = arith.constant 0 : i32
        %dma_start3A_702 = tpu.memref_slice %arg13[%dma_start3A_695, %dma_start3A_701] : memref<2x128xi32, #tpu.memory_space<vmem>> -> memref<1x128xi32, #tpu.memory_space<vmem>>
        %dma_start3A_703 = tpu.memref_squeeze %dma_start3A_702 : memref<1x128xi32, #tpu.memory_space<vmem>> -> memref<128xi32, #tpu.memory_space<vmem>>
        %dma_start3A_704 = tpu.memref_slice %arg3[%dma_start3A_694, %add3A_672] : memref<2x320000xi32, #tpu.memory_space<hbm>> -> memref<1x128xi32, #tpu.memory_space<hbm>>
        %dma_start3A_705 = tpu.memref_squeeze %dma_start3A_704 : memref<1x128xi32, #tpu.memory_space<hbm>> -> memref<128xi32, #tpu.memory_space<hbm>>
        tpu.enqueue_dma source(%dma_start3A_705 : memref<128xi32, #tpu.memory_space<hbm>>) target(%dma_start3A_703 : memref<128xi32, #tpu.memory_space<vmem>>) target_semaphore(%arg20 : memref<!tpu.dma_semaphore, #tpu.memory_space<semaphore_mem>>)
      } else {
      }
      %add3A_638 = arith.constant 2 : i32
      %add3A_639 = arith.addi %add3A_623, %add3A_638 : i32
      %lt3A_640 = arith.cmpi slt, %add3A_639, %select_n3A : i32
      %convert_element_type3A_641 = arith.extui %lt3A_640 : i1 to i32
      %cond3A_642 = arith.constant 0 : i32
      %cond3A_643 = arith.cmpi ne, %convert_element_type3A_641, %cond3A_642 : i32
      scf.if %cond3A_643 {
        %add3A_668 = arith.constant 2 : i32
        %add3A_669 = arith.addi %add3A_623, %add3A_668 : i32
        %mul3A_670 = arith.constant 128 : i32
        %mul3A_671 = arith.muli %add3A_669, %mul3A_670 : i32
        %add3A_672 = arith.addi %mul3A_2, %mul3A_671 : i32
        %dma_wait3A_673 = arith.constant 0 : i32
        %dma_wait3A_674 = arith.constant 0 : i32
        %dma_wait3A_675 = arith.constant 0 : i32
        %dma_wait3A_676 = tpu.memref_slice %arg7[%dma_wait3A_674, %dma_wait3A_675] : memref<2x128xi32, #tpu.memory_space<vmem>> -> memref<1x128xi32, #tpu.memory_space<vmem>>
        %dma_wait3A_677 = tpu.memref_squeeze %dma_wait3A_676 : memref<1x128xi32, #tpu.memory_space<vmem>> -> memref<128xi32, #tpu.memory_space<vmem>>
        %dma_wait3A_678 = tpu.memref_slice %arg3[%dma_wait3A_673, %add3A_672] : memref<2x320000xi32, #tpu.memory_space<hbm>> -> memref<1x128xi32, #tpu.memory_space<hbm>>
        %dma_wait3A_679 = tpu.memref_squeeze %dma_wait3A_678 : memref<1x128xi32, #tpu.memory_space<hbm>> -> memref<128xi32, #tpu.memory_space<hbm>>
        %dma_wait3A_680 = arith.constant 0 : i32
        %dma_wait3A_681 = tpu.memref_slice %arg7[%dma_wait3A_674, %dma_wait3A_680] : memref<2x128xi32, #tpu.memory_space<vmem>> -> memref<1x128xi32, #tpu.memory_space<vmem>>
        %dma_wait3A_682 = tpu.memref_squeeze %dma_wait3A_681 : memref<1x128xi32, #tpu.memory_space<vmem>> -> memref<128xi32, #tpu.memory_space<vmem>>
        %dma_wait3A_683 = tpu.memref_slice %arg3[%dma_wait3A_673, %add3A_672] : memref<2x320000xi32, #tpu.memory_space<hbm>> -> memref<1x128xi32, #tpu.memory_space<hbm>>
        %dma_wait3A_684 = tpu.memref_squeeze %dma_wait3A_683 : memref<1x128xi32, #tpu.memory_space<hbm>> -> memref<128xi32, #tpu.memory_space<hbm>>
        tpu.wait_dma2 semaphore(%arg18 : memref<!tpu.dma_semaphore, #tpu.memory_space<semaphore_mem>>) src(%dma_wait3A_684 : memref<128xi32, #tpu.memory_space<hbm>>) dst(%dma_wait3A_682 : memref<128xi32, #tpu.memory_space<vmem>>)
        %dma_wait3A_685 = arith.constant 1 : i32
        %dma_wait3A_686 = arith.constant 0 : i32
        %dma_wait3A_687 = tpu.memref_slice %arg7[%dma_wait3A_685, %dma_wait3A_686] : memref<2x128xi32, #tpu.memory_space<vmem>> -> memref<1x128xi32, #tpu.memory_space<vmem>>
        %dma_wait3A_688 = tpu.memref_squeeze %dma_wait3A_687 : memref<1x128xi32, #tpu.memory_space<vmem>> -> memref<128xi32, #tpu.memory_space<vmem>>
        %dma_wait3A_689 = tpu.memref_slice %arg4[%add3A_672] : memref<320000xi32, #tpu.memory_space<hbm>> -> memref<128xi32, #tpu.memory_space<hbm>>
        %dma_wait3A_690 = arith.constant 0 : i32
        %dma_wait3A_691 = tpu.memref_slice %arg7[%dma_wait3A_685, %dma_wait3A_690] : memref<2x128xi32, #tpu.memory_space<vmem>> -> memref<1x128xi32, #tpu.memory_space<vmem>>
        %dma_wait3A_692 = tpu.memref_squeeze %dma_wait3A_691 : memref<1x128xi32, #tpu.memory_space<vmem>> -> memref<128xi32, #tpu.memory_space<vmem>>
        %dma_wait3A_693 = tpu.memref_slice %arg4[%add3A_672] : memref<320000xi32, #tpu.memory_space<hbm>> -> memref<128xi32, #tpu.memory_space<hbm>>
        tpu.wait_dma2 semaphore(%arg18 : memref<!tpu.dma_semaphore, #tpu.memory_space<semaphore_mem>>) src(%dma_wait3A_693 : memref<128xi32, #tpu.memory_space<hbm>>) dst(%dma_wait3A_692 : memref<128xi32, #tpu.memory_space<vmem>>)
        %dma_wait3A_694 = arith.constant 1 : i32
        %dma_wait3A_695 = arith.constant 1 : i32
        %dma_wait3A_696 = arith.constant 0 : i32
        %dma_wait3A_697 = tpu.memref_slice %arg11[%dma_wait3A_695, %dma_wait3A_696] : memref<2x128xi32, #tpu.memory_space<vmem>> -> memref<1x128xi32, #tpu.memory_space<vmem>>
        %dma_wait3A_698 = tpu.memref_squeeze %dma_wait3A_697 : memref<1x128xi32, #tpu.memory_space<vmem>> -> memref<128xi32, #tpu.memory_space<vmem>>
        %dma_wait3A_699 = tpu.memref_slice %arg3[%dma_wait3A_694, %add3A_672] : memref<2x320000xi32, #tpu.memory_space<hbm>> -> memref<1x128xi32, #tpu.memory_space<hbm>>
        %dma_wait3A_700 = tpu.memref_squeeze %dma_wait3A_699 : memref<1x128xi32, #tpu.memory_space<hbm>> -> memref<128xi32, #tpu.memory_space<hbm>>
        %dma_wait3A_701 = arith.constant 0 : i32
        %dma_wait3A_702 = tpu.memref_slice %arg11[%dma_wait3A_695, %dma_wait3A_701] : memref<2x128xi32, #tpu.memory_space<vmem>> -> memref<1x128xi32, #tpu.memory_space<vmem>>
        %dma_wait3A_703 = tpu.memref_squeeze %dma_wait3A_702 : memref<1x128xi32, #tpu.memory_space<vmem>> -> memref<128xi32, #tpu.memory_space<vmem>>
        %dma_wait3A_704 = tpu.memref_slice %arg3[%dma_wait3A_694, %add3A_672] : memref<2x320000xi32, #tpu.memory_space<hbm>> -> memref<1x128xi32, #tpu.memory_space<hbm>>
        %dma_wait3A_705 = tpu.memref_squeeze %dma_wait3A_704 : memref<1x128xi32, #tpu.memory_space<hbm>> -> memref<128xi32, #tpu.memory_space<hbm>>
        tpu.wait_dma2 semaphore(%arg18 : memref<!tpu.dma_semaphore, #tpu.memory_space<semaphore_mem>>) src(%dma_wait3A_705 : memref<128xi32, #tpu.memory_space<hbm>>) dst(%dma_wait3A_703 : memref<128xi32, #tpu.memory_space<vmem>>)
        %get3A_706 = arith.constant 1 : i32
        %get3A_707 = arith.index_cast %get3A_706 : i32 to index
        %get3A_708 = arith.constant 0 : index
        %get3A_709 = tpu.vector_load %arg7[%get3A_707, %get3A_708] {strides = array<i32>} : memref<2x128xi32, #tpu.memory_space<vmem>>, vector<1x16xi32>,
        %get3A_710 = vector.shape_cast %get3A_709 : vector<1x16xi32> to vector<16xi32>
        %mul3A_711 = arith.constant 10000 : i32
        %mul3A_712 = vector.broadcast %mul3A_711 : i32 to vector<16xi32>
        %mul3A_713 = arith.muli %get3A_710, %mul3A_712 : vector<16xi32>
        %get3A_714 = arith.constant 0 : i32
        %get3A_715 = arith.index_cast %get3A_714 : i32 to index
        %get3A_716 = arith.constant 0 : index
        %get3A_717 = tpu.vector_load %arg7[%get3A_715, %get3A_716] {strides = array<i32>} : memref<2x128xi32, #tpu.memory_space<vmem>>, vector<1x16xi32>,
        %get3A_718 = vector.shape_cast %get3A_717 : vector<1x16xi32> to vector<16xi32>
        %add3A_719 = arith.addi %mul3A_713, %get3A_718 : vector<16xi32>
        %swap3A_720 = arith.constant 0 : i32
        %swap3A_721 = arith.index_cast %swap3A_720 : i32 to index
        %swap3A_722 = arith.constant 0 : index
        %swap3A_723 = tpu.vector_load %arg11[%swap3A_721, %swap3A_722] {strides = array<i32>} : memref<2x128xi32, #tpu.memory_space<vmem>>, vector<1x16xi32>,
        %swap3A_724 = vector.shape_cast %swap3A_723 : vector<1x16xi32> to vector<16xi32>
        %swap3A_725 = vector.shape_cast %add3A_719 : vector<16xi32> to vector<1x16xi32>
        tpu.vector_store %arg11[%swap3A_721, %swap3A_722], %swap3A_725 {strides = array<i32>} : memref<2x128xi32, #tpu.memory_space<vmem>>, vector<1x16xi32>,
        %get3A_726 = arith.constant 1 : i32
        %get3A_727 = arith.index_cast %get3A_726 : i32 to index
        %get3A_728 = arith.constant 16 : index
        %get3A_729 = tpu.vector_load %arg7[%get3A_727, %get3A_728] {strides = array<i32>} : memref<2x128xi32, #tpu.memory_space<vmem>>, vector<1x16xi32>,
        %get3A_730 = vector.shape_cast %get3A_729 : vector<1x16xi32> to vector<16xi32>
        %mul3A_731 = arith.constant 10000 : i32
        %mul3A_732 = vector.broadcast %mul3A_731 : i32 to vector<16xi32>
        %mul3A_733 = arith.muli %get3A_730, %mul3A_732 : vector<16xi32>
        %get3A_734 = arith.constant 0 : i32
        %get3A_735 = arith.index_cast %get3A_734 : i32 to index
        %get3A_736 = arith.constant 16 : index
        %get3A_737 = tpu.vector_load %arg7[%get3A_735, %get3A_736] {strides = array<i32>} : memref<2x128xi32, #tpu.memory_space<vmem>>, vector<1x16xi32>,
        %get3A_738 = vector.shape_cast %get3A_737 : vector<1x16xi32> to vector<16xi32>
        %add3A_739 = arith.addi %mul3A_733, %get3A_738 : vector<16xi32>
        %swap3A_740 = arith.constant 0 : i32
        %swap3A_741 = arith.index_cast %swap3A_740 : i32 to index
        %swap3A_742 = arith.constant 16 : index
        %swap3A_743 = tpu.vector_load %arg11[%swap3A_741, %swap3A_742] {strides = array<i32>} : memref<2x128xi32, #tpu.memory_space<vmem>>, vector<1x16xi32>,
        %swap3A_744 = vector.shape_cast %swap3A_743 : vector<1x16xi32> to vector<16xi32>
        %swap3A_745 = vector.shape_cast %add3A_739 : vector<16xi32> to vector<1x16xi32>
        tpu.vector_store %arg11[%swap3A_741, %swap3A_742], %swap3A_745 {strides = array<i32>} : memref<2x128xi32, #tpu.memory_space<vmem>>, vector<1x16xi32>,
        %get3A_746 = arith.constant 1 : i32
        %get3A_747 = arith.index_cast %get3A_746 : i32 to index
        %get3A_748 = arith.constant 32 : index
        %get3A_749 = tpu.vector_load %arg7[%get3A_747, %get3A_748] {strides = array<i32>} : memref<2x128xi32, #tpu.memory_space<vmem>>, vector<1x16xi32>,
        %get3A_750 = vector.shape_cast %get3A_749 : vector<1x16xi32> to vector<16xi32>
        %mul3A_751 = arith.constant 10000 : i32
        %mul3A_752 = vector.broadcast %mul3A_751 : i32 to vector<16xi32>
        %mul3A_753 = arith.muli %get3A_750, %mul3A_752 : vector<16xi32>
        %get3A_754 = arith.constant 0 : i32
        %get3A_755 = arith.index_cast %get3A_754 : i32 to index
        %get3A_756 = arith.constant 32 : index
        %get3A_757 = tpu.vector_load %arg7[%get3A_755, %get3A_756] {strides = array<i32>} : memref<2x128xi32, #tpu.memory_space<vmem>>, vector<1x16xi32>,
        %get3A_758 = vector.shape_cast %get3A_757 : vector<1x16xi32> to vector<16xi32>
        %add3A_759 = arith.addi %mul3A_753, %get3A_758 : vector<16xi32>
        %swap3A_760 = arith.constant 0 : i32
        %swap3A_761 = arith.index_cast %swap3A_760 : i32 to index
        %swap3A_762 = arith.constant 32 : index
        %swap3A_763 = tpu.vector_load %arg11[%swap3A_761, %swap3A_762] {strides = array<i32>} : memref<2x128xi32, #tpu.memory_space<vmem>>, vector<1x16xi32>,
        %swap3A_764 = vector.shape_cast %swap3A_763 : vector<1x16xi32> to vector<16xi32>
        %swap3A_765 = vector.shape_cast %add3A_759 : vector<16xi32> to vector<1x16xi32>
        tpu.vector_store %arg11[%swap3A_761, %swap3A_762], %swap3A_765 {strides = array<i32>} : memref<2x128xi32, #tpu.memory_space<vmem>>, vector<1x16xi32>,
        %get3A_766 = arith.constant 1 : i32
        %get3A_767 = arith.index_cast %get3A_766 : i32 to index
        %get3A_768 = arith.constant 48 : index
        %get3A_769 = tpu.vector_load %arg7[%get3A_767, %get3A_768] {strides = array<i32>} : memref<2x128xi32, #tpu.memory_space<vmem>>, vector<1x16xi32>,
        %get3A_770 = vector.shape_cast %get3A_769 : vector<1x16xi32> to vector<16xi32>
        %mul3A_771 = arith.constant 10000 : i32
        %mul3A_772 = vector.broadcast %mul3A_771 : i32 to vector<16xi32>
        %mul3A_773 = arith.muli %get3A_770, %mul3A_772 : vector<16xi32>
        %get3A_774 = arith.constant 0 : i32
        %get3A_775 = arith.index_cast %get3A_774 : i32 to index
        %get3A_776 = arith.constant 48 : index
        %get3A_777 = tpu.vector_load %arg7[%get3A_775, %get3A_776] {strides = array<i32>} : memref<2x128xi32, #tpu.memory_space<vmem>>, vector<1x16xi32>,
        %get3A_778 = vector.shape_cast %get3A_777 : vector<1x16xi32> to vector<16xi32>
        %add3A_779 = arith.addi %mul3A_773, %get3A_778 : vector<16xi32>
        %swap3A_780 = arith.constant 0 : i32
        %swap3A_781 = arith.index_cast %swap3A_780 : i32 to index
        %swap3A_782 = arith.constant 48 : index
        %swap3A_783 = tpu.vector_load %arg11[%swap3A_781, %swap3A_782] {strides = array<i32>} : memref<2x128xi32, #tpu.memory_space<vmem>>, vector<1x16xi32>,
        %swap3A_784 = vector.shape_cast %swap3A_783 : vector<1x16xi32> to vector<16xi32>
        %swap3A_785 = vector.shape_cast %add3A_779 : vector<16xi32> to vector<1x16xi32>
        tpu.vector_store %arg11[%swap3A_781, %swap3A_782], %swap3A_785 {strides = array<i32>} : memref<2x128xi32, #tpu.memory_space<vmem>>, vector<1x16xi32>,
        %get3A_786 = arith.constant 1 : i32
        %get3A_787 = arith.index_cast %get3A_786 : i32 to index
        %get3A_788 = arith.constant 64 : index
        %get3A_789 = tpu.vector_load %arg7[%get3A_787, %get3A_788] {strides = array<i32>} : memref<2x128xi32, #tpu.memory_space<vmem>>, vector<1x16xi32>,
        %get3A_790 = vector.shape_cast %get3A_789 : vector<1x16xi32> to vector<16xi32>
        %mul3A_791 = arith.constant 10000 : i32
        %mul3A_792 = vector.broadcast %mul3A_791 : i32 to vector<16xi32>
        %mul3A_793 = arith.muli %get3A_790, %mul3A_792 : vector<16xi32>
        %get3A_794 = arith.constant 0 : i32
        %get3A_795 = arith.index_cast %get3A_794 : i32 to index
        %get3A_796 = arith.constant 64 : index
        %get3A_797 = tpu.vector_load %arg7[%get3A_795, %get3A_796] {strides = array<i32>} : memref<2x128xi32, #tpu.memory_space<vmem>>, vector<1x16xi32>,
        %get3A_798 = vector.shape_cast %get3A_797 : vector<1x16xi32> to vector<16xi32>
        %add3A_799 = arith.addi %mul3A_793, %get3A_798 : vector<16xi32>
        %swap3A_800 = arith.constant 0 : i32
        %swap3A_801 = arith.index_cast %swap3A_800 : i32 to index
        %swap3A_802 = arith.constant 64 : index
        %swap3A_803 = tpu.vector_load %arg11[%swap3A_801, %swap3A_802] {strides = array<i32>} : memref<2x128xi32, #tpu.memory_space<vmem>>, vector<1x16xi32>,
        %swap3A_804 = vector.shape_cast %swap3A_803 : vector<1x16xi32> to vector<16xi32>
        %swap3A_805 = vector.shape_cast %add3A_799 : vector<16xi32> to vector<1x16xi32>
        tpu.vector_store %arg11[%swap3A_801, %swap3A_802], %swap3A_805 {strides = array<i32>} : memref<2x128xi32, #tpu.memory_space<vmem>>, vector<1x16xi32>,
        %get3A_806 = arith.constant 1 : i32
        %get3A_807 = arith.index_cast %get3A_806 : i32 to index
        %get3A_808 = arith.constant 80 : index
        %get3A_809 = tpu.vector_load %arg7[%get3A_807, %get3A_808] {strides = array<i32>} : memref<2x128xi32, #tpu.memory_space<vmem>>, vector<1x16xi32>,
        %get3A_810 = vector.shape_cast %get3A_809 : vector<1x16xi32> to vector<16xi32>
        %mul3A_811 = arith.constant 10000 : i32
        %mul3A_812 = vector.broadcast %mul3A_811 : i32 to vector<16xi32>
        %mul3A_813 = arith.muli %get3A_810, %mul3A_812 : vector<16xi32>
        %get3A_814 = arith.constant 0 : i32
        %get3A_815 = arith.index_cast %get3A_814 : i32 to index
        %get3A_816 = arith.constant 80 : index
        %get3A_817 = tpu.vector_load %arg7[%get3A_815, %get3A_816] {strides = array<i32>} : memref<2x128xi32, #tpu.memory_space<vmem>>, vector<1x16xi32>,
        %get3A_818 = vector.shape_cast %get3A_817 : vector<1x16xi32> to vector<16xi32>
        %add3A_819 = arith.addi %mul3A_813, %get3A_818 : vector<16xi32>
        %swap3A_820 = arith.constant 0 : i32
        %swap3A_821 = arith.index_cast %swap3A_820 : i32 to index
        %swap3A_822 = arith.constant 80 : index
        %swap3A_823 = tpu.vector_load %arg11[%swap3A_821, %swap3A_822] {strides = array<i32>} : memref<2x128xi32, #tpu.memory_space<vmem>>, vector<1x16xi32>,
        %swap3A_824 = vector.shape_cast %swap3A_823 : vector<1x16xi32> to vector<16xi32>
        %swap3A_825 = vector.shape_cast %add3A_819 : vector<16xi32> to vector<1x16xi32>
        tpu.vector_store %arg11[%swap3A_821, %swap3A_822], %swap3A_825 {strides = array<i32>} : memref<2x128xi32, #tpu.memory_space<vmem>>, vector<1x16xi32>,
        %get3A_826 = arith.constant 1 : i32
        %get3A_827 = arith.index_cast %get3A_826 : i32 to index
        %get3A_828 = arith.constant 96 : index
        %get3A_829 = tpu.vector_load %arg7[%get3A_827, %get3A_828] {strides = array<i32>} : memref<2x128xi32, #tpu.memory_space<vmem>>, vector<1x16xi32>,
        %get3A_830 = vector.shape_cast %get3A_829 : vector<1x16xi32> to vector<16xi32>
        %mul3A_831 = arith.constant 10000 : i32
        %mul3A_832 = vector.broadcast %mul3A_831 : i32 to vector<16xi32>
        %mul3A_833 = arith.muli %get3A_830, %mul3A_832 : vector<16xi32>
        %get3A_834 = arith.constant 0 : i32
        %get3A_835 = arith.index_cast %get3A_834 : i32 to index
        %get3A_836 = arith.constant 96 : index
        %get3A_837 = tpu.vector_load %arg7[%get3A_835, %get3A_836] {strides = array<i32>} : memref<2x128xi32, #tpu.memory_space<vmem>>, vector<1x16xi32>,
        %get3A_838 = vector.shape_cast %get3A_837 : vector<1x16xi32> to vector<16xi32>
        %add3A_839 = arith.addi %mul3A_833, %get3A_838 : vector<16xi32>
        %swap3A_840 = arith.constant 0 : i32
        %swap3A_841 = arith.index_cast %swap3A_840 : i32 to index
        %swap3A_842 = arith.constant 96 : index
        %swap3A_843 = tpu.vector_load %arg11[%swap3A_841, %swap3A_842] {strides = array<i32>} : memref<2x128xi32, #tpu.memory_space<vmem>>, vector<1x16xi32>,
        %swap3A_844 = vector.shape_cast %swap3A_843 : vector<1x16xi32> to vector<16xi32>
        %swap3A_845 = vector.shape_cast %add3A_839 : vector<16xi32> to vector<1x16xi32>
        tpu.vector_store %arg11[%swap3A_841, %swap3A_842], %swap3A_845 {strides = array<i32>} : memref<2x128xi32, #tpu.memory_space<vmem>>, vector<1x16xi32>,
        %get3A_846 = arith.constant 1 : i32
        %get3A_847 = arith.index_cast %get3A_846 : i32 to index
        %get3A_848 = arith.constant 112 : index
        %get3A_849 = tpu.vector_load %arg7[%get3A_847, %get3A_848] {strides = array<i32>} : memref<2x128xi32, #tpu.memory_space<vmem>>, vector<1x16xi32>,
        %get3A_850 = vector.shape_cast %get3A_849 : vector<1x16xi32> to vector<16xi32>
        %mul3A_851 = arith.constant 10000 : i32
        %mul3A_852 = vector.broadcast %mul3A_851 : i32 to vector<16xi32>
        %mul3A_853 = arith.muli %get3A_850, %mul3A_852 : vector<16xi32>
        %get3A_854 = arith.constant 0 : i32
        %get3A_855 = arith.index_cast %get3A_854 : i32 to index
        %get3A_856 = arith.constant 112 : index
        %get3A_857 = tpu.vector_load %arg7[%get3A_855, %get3A_856] {strides = array<i32>} : memref<2x128xi32, #tpu.memory_space<vmem>>, vector<1x16xi32>,
        %get3A_858 = vector.shape_cast %get3A_857 : vector<1x16xi32> to vector<16xi32>
        %add3A_859 = arith.addi %mul3A_853, %get3A_858 : vector<16xi32>
        %swap3A_860 = arith.constant 0 : i32
        %swap3A_861 = arith.index_cast %swap3A_860 : i32 to index
        %swap3A_862 = arith.constant 112 : index
        %swap3A_863 = tpu.vector_load %arg11[%swap3A_861, %swap3A_862] {strides = array<i32>} : memref<2x128xi32, #tpu.memory_space<vmem>>, vector<1x16xi32>,
        %swap3A_864 = vector.shape_cast %swap3A_863 : vector<1x16xi32> to vector<16xi32>
        %swap3A_865 = vector.shape_cast %add3A_859 : vector<16xi32> to vector<1x16xi32>
        tpu.vector_store %arg11[%swap3A_861, %swap3A_862], %swap3A_865 {strides = array<i32>} : memref<2x128xi32, #tpu.memory_space<vmem>>, vector<1x16xi32>,
        %dma_start3A_866 = arith.constant 0 : i32
        %dma_start3A_867 = arith.constant 0 : i32
        %dma_start3A_868 = tpu.memref_slice %arg11[%dma_start3A_866, %dma_start3A_867] : memref<2x128xi32, #tpu.memory_space<vmem>> -> memref<1x128xi32, #tpu.memory_space<vmem>>
        %dma_start3A_869 = tpu.memref_squeeze %dma_start3A_868 : memref<1x128xi32, #tpu.memory_space<vmem>> -> memref<128xi32, #tpu.memory_space<vmem>>
        %dma_start3A_870 = arith.constant 0 : i32
        %dma_start3A_871 = arith.constant 0 : i32
        %dma_start3A_872 = tpu.memref_slice %arg2[%dma_start3A_870, %dma_start3A_871] : memref<320000x128xf32, #tpu.memory_space<hbm>> -> memref<320000x128xf32, #tpu.memory_space<hbm>>
        tpu.enqueue_indirect_dma source(%dma_start3A_872 : memref<320000x128xf32, #tpu.memory_space<hbm>>) target(%arg15 : memref<128x128xf32, #tpu.memory_space<vmem>>) offsets(%dma_start3A_869 : memref<128xi32, #tpu.memory_space<vmem>>) semaphore(%arg22 : memref<!tpu.dma_semaphore, #tpu.memory_space<semaphore_mem>>)
      } else {
      }
      %mul3A_644 = arith.constant 4 : i32
      %mul3A_645 = arith.muli %while3A_575, %mul3A_644 : i32
      %add3A_646 = arith.constant 3 : i32
      %add3A_647 = arith.addi %mul3A_645, %add3A_646 : i32
      %dma_wait3A_648 = arith.constant 0 : i32
      %dma_wait3A_649 = arith.constant 0 : i32
      %dma_wait3A_650 = tpu.memref_slice %arg14[%dma_wait3A_648, %dma_wait3A_649] : memref<2x128xi32, #tpu.memory_space<vmem>> -> memref<1x128xi32, #tpu.memory_space<vmem>>
      %dma_wait3A_651 = tpu.memref_squeeze %dma_wait3A_650 : memref<1x128xi32, #tpu.memory_space<vmem>> -> memref<128xi32, #tpu.memory_space<vmem>>
      %dma_wait3A_652 = arith.constant 0 : i32
      %dma_wait3A_653 = arith.constant 0 : i32
      %dma_wait3A_654 = tpu.memref_slice %arg2[%dma_wait3A_652, %dma_wait3A_653] : memref<320000x128xf32, #tpu.memory_space<hbm>> -> memref<320000x128xf32, #tpu.memory_space<hbm>>
      tpu.wait_indirect_dma semaphore(%arg23 : memref<!tpu.dma_semaphore, #tpu.memory_space<semaphore_mem>>) src(%dma_wait3A_654 : memref<320000x128xf32, #tpu.memory_space<hbm>>) dst(%arg16 : memref<128x128xf32, #tpu.memory_space<vmem>>)
      %run_scoped3A_655 = arith.constant 1 : i32
      "tpu.region"() ({
        %run_scoped3A_668 = tpu.sem_alloc : memref<!tpu.dma_semaphore, #tpu.memory_space<semaphore_mem>>
        %dma_start3A_669 = arith.constant 0 : i32
        %dma_start3A_670 = tpu.memref_slice %arg14[%run_scoped3A_655, %dma_start3A_669] : memref<2x128xi32, #tpu.memory_space<vmem>> -> memref<1x128xi32, #tpu.memory_space<vmem>>
        %dma_start3A_671 = tpu.memref_squeeze %dma_start3A_670 : memref<1x128xi32, #tpu.memory_space<vmem>> -> memref<128xi32, #tpu.memory_space<vmem>>
        %dma_start3A_672 = arith.constant 0 : i32
        %dma_start3A_673 = arith.constant 0 : i32
        %dma_start3A_674 = tpu.memref_slice %arg17[%dma_start3A_672, %dma_start3A_673] : memref<10240x128xf32, #tpu.memory_space<vmem_shared>> -> memref<10240x128xf32, #tpu.memory_space<vmem_shared>>
        tpu.enqueue_indirect_dma source(%arg16 : memref<128x128xf32, #tpu.memory_space<vmem>>) target(%dma_start3A_674 : memref<10240x128xf32, #tpu.memory_space<vmem_shared>>) offsets(%dma_start3A_671 : memref<128xi32, #tpu.memory_space<vmem>>) semaphore(%run_scoped3A_668 : memref<!tpu.dma_semaphore, #tpu.memory_space<semaphore_mem>>) {add = true}
        %dma_wait3A_675 = arith.constant 0 : i32
        %dma_wait3A_676 = tpu.memref_slice %arg14[%run_scoped3A_655, %dma_wait3A_675] : memref<2x128xi32, #tpu.memory_space<vmem>> -> memref<1x128xi32, #tpu.memory_space<vmem>>
        %dma_wait3A_677 = tpu.memref_squeeze %dma_wait3A_676 : memref<1x128xi32, #tpu.memory_space<vmem>> -> memref<128xi32, #tpu.memory_space<vmem>>
        %dma_wait3A_678 = arith.constant 0 : i32
        %dma_wait3A_679 = arith.constant 0 : i32
        %dma_wait3A_680 = tpu.memref_slice %arg17[%dma_wait3A_678, %dma_wait3A_679] : memref<10240x128xf32, #tpu.memory_space<vmem_shared>> -> memref<10240x128xf32, #tpu.memory_space<vmem_shared>>
        tpu.wait_indirect_dma semaphore(%run_scoped3A_668 : memref<!tpu.dma_semaphore, #tpu.memory_space<semaphore_mem>>) src(%arg16 : memref<128x128xf32, #tpu.memory_space<vmem>>) dst(%dma_wait3A_680 : memref<10240x128xf32, #tpu.memory_space<vmem_shared>>)
        tpu.yield
      }) : () -> ()
      %add3A_656 = arith.constant 4 : i32
      %add3A_657 = arith.addi %add3A_647, %add3A_656 : i32
      %lt3A_658 = arith.cmpi slt, %add3A_657, %select_n3A : i32
      %convert_element_type3A_659 = arith.extui %lt3A_658 : i1 to i32
      %cond3A_660 = arith.constant 0 : i32
      %cond3A_661 = arith.cmpi ne, %convert_element_type3A_659, %cond3A_660 : i32
      scf.if %cond3A_661 {
        %add3A_668 = arith.constant 4 : i32
        %add3A_669 = arith.addi %add3A_647, %add3A_668 : i32
        %mul3A_670 = arith.constant 128 : i32
        %mul3A_671 = arith.muli %add3A_669, %mul3A_670 : i32
        %add3A_672 = arith.addi %mul3A_2, %mul3A_671 : i32
        %dma_start3A_673 = arith.constant 0 : i32
        %dma_start3A_674 = arith.constant 0 : i32
        %dma_start3A_675 = arith.constant 0 : i32
        %dma_start3A_676 = tpu.memref_slice %arg10[%dma_start3A_674, %dma_start3A_675] : memref<2x128xi32, #tpu.memory_space<vmem>> -> memref<1x128xi32, #tpu.memory_space<vmem>>
        %dma_start3A_677 = tpu.memref_squeeze %dma_start3A_676 : memref<1x128xi32, #tpu.memory_space<vmem>> -> memref<128xi32, #tpu.memory_space<vmem>>
        %dma_start3A_678 = tpu.memref_slice %arg3[%dma_start3A_673, %add3A_672] : memref<2x320000xi32, #tpu.memory_space<hbm>> -> memref<1x128xi32, #tpu.memory_space<hbm>>
        %dma_start3A_679 = tpu.memref_squeeze %dma_start3A_678 : memref<1x128xi32, #tpu.memory_space<hbm>> -> memref<128xi32, #tpu.memory_space<hbm>>
        %dma_start3A_680 = arith.constant 0 : i32
        %dma_start3A_681 = tpu.memref_slice %arg10[%dma_start3A_674, %dma_start3A_680] : memref<2x128xi32, #tpu.memory_space<vmem>> -> memref<1x128xi32, #tpu.memory_space<vmem>>
        %dma_start3A_682 = tpu.memref_squeeze %dma_start3A_681 : memref<1x128xi32, #tpu.memory_space<vmem>> -> memref<128xi32, #tpu.memory_space<vmem>>
        %dma_start3A_683 = tpu.memref_slice %arg3[%dma_start3A_673, %add3A_672] : memref<2x320000xi32, #tpu.memory_space<hbm>> -> memref<1x128xi32, #tpu.memory_space<hbm>>
        %dma_start3A_684 = tpu.memref_squeeze %dma_start3A_683 : memref<1x128xi32, #tpu.memory_space<hbm>> -> memref<128xi32, #tpu.memory_space<hbm>>
        tpu.enqueue_dma source(%dma_start3A_684 : memref<128xi32, #tpu.memory_space<hbm>>) target(%dma_start3A_682 : memref<128xi32, #tpu.memory_space<vmem>>) target_semaphore(%arg21 : memref<!tpu.dma_semaphore, #tpu.memory_space<semaphore_mem>>)
        %dma_start3A_685 = arith.constant 1 : i32
        %dma_start3A_686 = arith.constant 0 : i32
        %dma_start3A_687 = tpu.memref_slice %arg10[%dma_start3A_685, %dma_start3A_686] : memref<2x128xi32, #tpu.memory_space<vmem>> -> memref<1x128xi32, #tpu.memory_space<vmem>>
        %dma_start3A_688 = tpu.memref_squeeze %dma_start3A_687 : memref<1x128xi32, #tpu.memory_space<vmem>> -> memref<128xi32, #tpu.memory_space<vmem>>
        %dma_start3A_689 = tpu.memref_slice %arg4[%add3A_672] : memref<320000xi32, #tpu.memory_space<hbm>> -> memref<128xi32, #tpu.memory_space<hbm>>
        %dma_start3A_690 = arith.constant 0 : i32
        %dma_start3A_691 = tpu.memref_slice %arg10[%dma_start3A_685, %dma_start3A_690] : memref<2x128xi32, #tpu.memory_space<vmem>> -> memref<1x128xi32, #tpu.memory_space<vmem>>
        %dma_start3A_692 = tpu.memref_squeeze %dma_start3A_691 : memref<1x128xi32, #tpu.memory_space<vmem>> -> memref<128xi32, #tpu.memory_space<vmem>>
        %dma_start3A_693 = tpu.memref_slice %arg4[%add3A_672] : memref<320000xi32, #tpu.memory_space<hbm>> -> memref<128xi32, #tpu.memory_space<hbm>>
        tpu.enqueue_dma source(%dma_start3A_693 : memref<128xi32, #tpu.memory_space<hbm>>) target(%dma_start3A_692 : memref<128xi32, #tpu.memory_space<vmem>>) target_semaphore(%arg21 : memref<!tpu.dma_semaphore, #tpu.memory_space<semaphore_mem>>)
        %dma_start3A_694 = arith.constant 1 : i32
        %dma_start3A_695 = arith.constant 1 : i32
        %dma_start3A_696 = arith.constant 0 : i32
        %dma_start3A_697 = tpu.memref_slice %arg14[%dma_start3A_695, %dma_start3A_696] : memref<2x128xi32, #tpu.memory_space<vmem>> -> memref<1x128xi32, #tpu.memory_space<vmem>>
        %dma_start3A_698 = tpu.memref_squeeze %dma_start3A_697 : memref<1x128xi32, #tpu.memory_space<vmem>> -> memref<128xi32, #tpu.memory_space<vmem>>
        %dma_start3A_699 = tpu.memref_slice %arg3[%dma_start3A_694, %add3A_672] : memref<2x320000xi32, #tpu.memory_space<hbm>> -> memref<1x128xi32, #tpu.memory_space<hbm>>
        %dma_start3A_700 = tpu.memref_squeeze %dma_start3A_699 : memref<1x128xi32, #tpu.memory_space<hbm>> -> memref<128xi32, #tpu.memory_space<hbm>>
        %dma_start3A_701 = arith.constant 0 : i32
        %dma_start3A_702 = tpu.memref_slice %arg14[%dma_start3A_695, %dma_start3A_701] : memref<2x128xi32, #tpu.memory_space<vmem>> -> memref<1x128xi32, #tpu.memory_space<vmem>>
        %dma_start3A_703 = tpu.memref_squeeze %dma_start3A_702 : memref<1x128xi32, #tpu.memory_space<vmem>> -> memref<128xi32, #tpu.memory_space<vmem>>
        %dma_start3A_704 = tpu.memref_slice %arg3[%dma_start3A_694, %add3A_672] : memref<2x320000xi32, #tpu.memory_space<hbm>> -> memref<1x128xi32, #tpu.memory_space<hbm>>
        %dma_start3A_705 = tpu.memref_squeeze %dma_start3A_704 : memref<1x128xi32, #tpu.memory_space<hbm>> -> memref<128xi32, #tpu.memory_space<hbm>>
        tpu.enqueue_dma source(%dma_start3A_705 : memref<128xi32, #tpu.memory_space<hbm>>) target(%dma_start3A_703 : memref<128xi32, #tpu.memory_space<vmem>>) target_semaphore(%arg21 : memref<!tpu.dma_semaphore, #tpu.memory_space<semaphore_mem>>)
      } else {
      }
      %add3A_662 = arith.constant 2 : i32
      %add3A_663 = arith.addi %add3A_647, %add3A_662 : i32
      %lt3A_664 = arith.cmpi slt, %add3A_663, %select_n3A : i32
      %convert_element_type3A_665 = arith.extui %lt3A_664 : i1 to i32
      %cond3A_666 = arith.constant 0 : i32
      %cond3A_667 = arith.cmpi ne, %convert_element_type3A_665, %cond3A_666 : i32
      scf.if %cond3A_667 {
        %add3A_668 = arith.constant 2 : i32
        %add3A_669 = arith.addi %add3A_647, %add3A_668 : i32
        %mul3A_670 = arith.constant 128 : i32
        %mul3A_671 = arith.muli %add3A_669, %mul3A_670 : i32
        %add3A_672 = arith.addi %mul3A_2, %mul3A_671 : i32
        %dma_wait3A_673 = arith.constant 0 : i32
        %dma_wait3A_674 = arith.constant 0 : i32
        %dma_wait3A_675 = arith.constant 0 : i32
        %dma_wait3A_676 = tpu.memref_slice %arg8[%dma_wait3A_674, %dma_wait3A_675] : memref<2x128xi32, #tpu.memory_space<vmem>> -> memref<1x128xi32, #tpu.memory_space<vmem>>
        %dma_wait3A_677 = tpu.memref_squeeze %dma_wait3A_676 : memref<1x128xi32, #tpu.memory_space<vmem>> -> memref<128xi32, #tpu.memory_space<vmem>>
        %dma_wait3A_678 = tpu.memref_slice %arg3[%dma_wait3A_673, %add3A_672] : memref<2x320000xi32, #tpu.memory_space<hbm>> -> memref<1x128xi32, #tpu.memory_space<hbm>>
        %dma_wait3A_679 = tpu.memref_squeeze %dma_wait3A_678 : memref<1x128xi32, #tpu.memory_space<hbm>> -> memref<128xi32, #tpu.memory_space<hbm>>
        %dma_wait3A_680 = arith.constant 0 : i32
        %dma_wait3A_681 = tpu.memref_slice %arg8[%dma_wait3A_674, %dma_wait3A_680] : memref<2x128xi32, #tpu.memory_space<vmem>> -> memref<1x128xi32, #tpu.memory_space<vmem>>
        %dma_wait3A_682 = tpu.memref_squeeze %dma_wait3A_681 : memref<1x128xi32, #tpu.memory_space<vmem>> -> memref<128xi32, #tpu.memory_space<vmem>>
        %dma_wait3A_683 = tpu.memref_slice %arg3[%dma_wait3A_673, %add3A_672] : memref<2x320000xi32, #tpu.memory_space<hbm>> -> memref<1x128xi32, #tpu.memory_space<hbm>>
        %dma_wait3A_684 = tpu.memref_squeeze %dma_wait3A_683 : memref<1x128xi32, #tpu.memory_space<hbm>> -> memref<128xi32, #tpu.memory_space<hbm>>
        tpu.wait_dma2 semaphore(%arg19 : memref<!tpu.dma_semaphore, #tpu.memory_space<semaphore_mem>>) src(%dma_wait3A_684 : memref<128xi32, #tpu.memory_space<hbm>>) dst(%dma_wait3A_682 : memref<128xi32, #tpu.memory_space<vmem>>)
        %dma_wait3A_685 = arith.constant 1 : i32
        %dma_wait3A_686 = arith.constant 0 : i32
        %dma_wait3A_687 = tpu.memref_slice %arg8[%dma_wait3A_685, %dma_wait3A_686] : memref<2x128xi32, #tpu.memory_space<vmem>> -> memref<1x128xi32, #tpu.memory_space<vmem>>
        %dma_wait3A_688 = tpu.memref_squeeze %dma_wait3A_687 : memref<1x128xi32, #tpu.memory_space<vmem>> -> memref<128xi32, #tpu.memory_space<vmem>>
        %dma_wait3A_689 = tpu.memref_slice %arg4[%add3A_672] : memref<320000xi32, #tpu.memory_space<hbm>> -> memref<128xi32, #tpu.memory_space<hbm>>
        %dma_wait3A_690 = arith.constant 0 : i32
        %dma_wait3A_691 = tpu.memref_slice %arg8[%dma_wait3A_685, %dma_wait3A_690] : memref<2x128xi32, #tpu.memory_space<vmem>> -> memref<1x128xi32, #tpu.memory_space<vmem>>
        %dma_wait3A_692 = tpu.memref_squeeze %dma_wait3A_691 : memref<1x128xi32, #tpu.memory_space<vmem>> -> memref<128xi32, #tpu.memory_space<vmem>>
        %dma_wait3A_693 = tpu.memref_slice %arg4[%add3A_672] : memref<320000xi32, #tpu.memory_space<hbm>> -> memref<128xi32, #tpu.memory_space<hbm>>
        tpu.wait_dma2 semaphore(%arg19 : memref<!tpu.dma_semaphore, #tpu.memory_space<semaphore_mem>>) src(%dma_wait3A_693 : memref<128xi32, #tpu.memory_space<hbm>>) dst(%dma_wait3A_692 : memref<128xi32, #tpu.memory_space<vmem>>)
        %dma_wait3A_694 = arith.constant 1 : i32
        %dma_wait3A_695 = arith.constant 1 : i32
        %dma_wait3A_696 = arith.constant 0 : i32
        %dma_wait3A_697 = tpu.memref_slice %arg12[%dma_wait3A_695, %dma_wait3A_696] : memref<2x128xi32, #tpu.memory_space<vmem>> -> memref<1x128xi32, #tpu.memory_space<vmem>>
        %dma_wait3A_698 = tpu.memref_squeeze %dma_wait3A_697 : memref<1x128xi32, #tpu.memory_space<vmem>> -> memref<128xi32, #tpu.memory_space<vmem>>
        %dma_wait3A_699 = tpu.memref_slice %arg3[%dma_wait3A_694, %add3A_672] : memref<2x320000xi32, #tpu.memory_space<hbm>> -> memref<1x128xi32, #tpu.memory_space<hbm>>
        %dma_wait3A_700 = tpu.memref_squeeze %dma_wait3A_699 : memref<1x128xi32, #tpu.memory_space<hbm>> -> memref<128xi32, #tpu.memory_space<hbm>>
        %dma_wait3A_701 = arith.constant 0 : i32
        %dma_wait3A_702 = tpu.memref_slice %arg12[%dma_wait3A_695, %dma_wait3A_701] : memref<2x128xi32, #tpu.memory_space<vmem>> -> memref<1x128xi32, #tpu.memory_space<vmem>>
        %dma_wait3A_703 = tpu.memref_squeeze %dma_wait3A_702 : memref<1x128xi32, #tpu.memory_space<vmem>> -> memref<128xi32, #tpu.memory_space<vmem>>
        %dma_wait3A_704 = tpu.memref_slice %arg3[%dma_wait3A_694, %add3A_672] : memref<2x320000xi32, #tpu.memory_space<hbm>> -> memref<1x128xi32, #tpu.memory_space<hbm>>
        %dma_wait3A_705 = tpu.memref_squeeze %dma_wait3A_704 : memref<1x128xi32, #tpu.memory_space<hbm>> -> memref<128xi32, #tpu.memory_space<hbm>>
        tpu.wait_dma2 semaphore(%arg19 : memref<!tpu.dma_semaphore, #tpu.memory_space<semaphore_mem>>) src(%dma_wait3A_705 : memref<128xi32, #tpu.memory_space<hbm>>) dst(%dma_wait3A_703 : memref<128xi32, #tpu.memory_space<vmem>>)
        %get3A_706 = arith.constant 1 : i32
        %get3A_707 = arith.index_cast %get3A_706 : i32 to index
        %get3A_708 = arith.constant 0 : index
        %get3A_709 = tpu.vector_load %arg8[%get3A_707, %get3A_708] {strides = array<i32>} : memref<2x128xi32, #tpu.memory_space<vmem>>, vector<1x16xi32>,
        %get3A_710 = vector.shape_cast %get3A_709 : vector<1x16xi32> to vector<16xi32>
        %mul3A_711 = arith.constant 10000 : i32
        %mul3A_712 = vector.broadcast %mul3A_711 : i32 to vector<16xi32>
        %mul3A_713 = arith.muli %get3A_710, %mul3A_712 : vector<16xi32>
        %get3A_714 = arith.constant 0 : i32
        %get3A_715 = arith.index_cast %get3A_714 : i32 to index
        %get3A_716 = arith.constant 0 : index
        %get3A_717 = tpu.vector_load %arg8[%get3A_715, %get3A_716] {strides = array<i32>} : memref<2x128xi32, #tpu.memory_space<vmem>>, vector<1x16xi32>,
        %get3A_718 = vector.shape_cast %get3A_717 : vector<1x16xi32> to vector<16xi32>
        %add3A_719 = arith.addi %mul3A_713, %get3A_718 : vector<16xi32>
        %swap3A_720 = arith.constant 0 : i32
        %swap3A_721 = arith.index_cast %swap3A_720 : i32 to index
        %swap3A_722 = arith.constant 0 : index
        %swap3A_723 = tpu.vector_load %arg12[%swap3A_721, %swap3A_722] {strides = array<i32>} : memref<2x128xi32, #tpu.memory_space<vmem>>, vector<1x16xi32>,
        %swap3A_724 = vector.shape_cast %swap3A_723 : vector<1x16xi32> to vector<16xi32>
        %swap3A_725 = vector.shape_cast %add3A_719 : vector<16xi32> to vector<1x16xi32>
        tpu.vector_store %arg12[%swap3A_721, %swap3A_722], %swap3A_725 {strides = array<i32>} : memref<2x128xi32, #tpu.memory_space<vmem>>, vector<1x16xi32>,
        %get3A_726 = arith.constant 1 : i32
        %get3A_727 = arith.index_cast %get3A_726 : i32 to index
        %get3A_728 = arith.constant 16 : index
        %get3A_729 = tpu.vector_load %arg8[%get3A_727, %get3A_728] {strides = array<i32>} : memref<2x128xi32, #tpu.memory_space<vmem>>, vector<1x16xi32>,
        %get3A_730 = vector.shape_cast %get3A_729 : vector<1x16xi32> to vector<16xi32>
        %mul3A_731 = arith.constant 10000 : i32
        %mul3A_732 = vector.broadcast %mul3A_731 : i32 to vector<16xi32>
        %mul3A_733 = arith.muli %get3A_730, %mul3A_732 : vector<16xi32>
        %get3A_734 = arith.constant 0 : i32
        %get3A_735 = arith.index_cast %get3A_734 : i32 to index
        %get3A_736 = arith.constant 16 : index
        %get3A_737 = tpu.vector_load %arg8[%get3A_735, %get3A_736] {strides = array<i32>} : memref<2x128xi32, #tpu.memory_space<vmem>>, vector<1x16xi32>,
        %get3A_738 = vector.shape_cast %get3A_737 : vector<1x16xi32> to vector<16xi32>
        %add3A_739 = arith.addi %mul3A_733, %get3A_738 : vector<16xi32>
        %swap3A_740 = arith.constant 0 : i32
        %swap3A_741 = arith.index_cast %swap3A_740 : i32 to index
        %swap3A_742 = arith.constant 16 : index
        %swap3A_743 = tpu.vector_load %arg12[%swap3A_741, %swap3A_742] {strides = array<i32>} : memref<2x128xi32, #tpu.memory_space<vmem>>, vector<1x16xi32>,
        %swap3A_744 = vector.shape_cast %swap3A_743 : vector<1x16xi32> to vector<16xi32>
        %swap3A_745 = vector.shape_cast %add3A_739 : vector<16xi32> to vector<1x16xi32>
        tpu.vector_store %arg12[%swap3A_741, %swap3A_742], %swap3A_745 {strides = array<i32>} : memref<2x128xi32, #tpu.memory_space<vmem>>, vector<1x16xi32>,
        %get3A_746 = arith.constant 1 : i32
        %get3A_747 = arith.index_cast %get3A_746 : i32 to index
        %get3A_748 = arith.constant 32 : index
        %get3A_749 = tpu.vector_load %arg8[%get3A_747, %get3A_748] {strides = array<i32>} : memref<2x128xi32, #tpu.memory_space<vmem>>, vector<1x16xi32>,
        %get3A_750 = vector.shape_cast %get3A_749 : vector<1x16xi32> to vector<16xi32>
        %mul3A_751 = arith.constant 10000 : i32
        %mul3A_752 = vector.broadcast %mul3A_751 : i32 to vector<16xi32>
        %mul3A_753 = arith.muli %get3A_750, %mul3A_752 : vector<16xi32>
        %get3A_754 = arith.constant 0 : i32
        %get3A_755 = arith.index_cast %get3A_754 : i32 to index
        %get3A_756 = arith.constant 32 : index
        %get3A_757 = tpu.vector_load %arg8[%get3A_755, %get3A_756] {strides = array<i32>} : memref<2x128xi32, #tpu.memory_space<vmem>>, vector<1x16xi32>,
        %get3A_758 = vector.shape_cast %get3A_757 : vector<1x16xi32> to vector<16xi32>
        %add3A_759 = arith.addi %mul3A_753, %get3A_758 : vector<16xi32>
        %swap3A_760 = arith.constant 0 : i32
        %swap3A_761 = arith.index_cast %swap3A_760 : i32 to index
        %swap3A_762 = arith.constant 32 : index
        %swap3A_763 = tpu.vector_load %arg12[%swap3A_761, %swap3A_762] {strides = array<i32>} : memref<2x128xi32, #tpu.memory_space<vmem>>, vector<1x16xi32>,
        %swap3A_764 = vector.shape_cast %swap3A_763 : vector<1x16xi32> to vector<16xi32>
        %swap3A_765 = vector.shape_cast %add3A_759 : vector<16xi32> to vector<1x16xi32>
        tpu.vector_store %arg12[%swap3A_761, %swap3A_762], %swap3A_765 {strides = array<i32>} : memref<2x128xi32, #tpu.memory_space<vmem>>, vector<1x16xi32>,
        %get3A_766 = arith.constant 1 : i32
        %get3A_767 = arith.index_cast %get3A_766 : i32 to index
        %get3A_768 = arith.constant 48 : index
        %get3A_769 = tpu.vector_load %arg8[%get3A_767, %get3A_768] {strides = array<i32>} : memref<2x128xi32, #tpu.memory_space<vmem>>, vector<1x16xi32>,
        %get3A_770 = vector.shape_cast %get3A_769 : vector<1x16xi32> to vector<16xi32>
        %mul3A_771 = arith.constant 10000 : i32
        %mul3A_772 = vector.broadcast %mul3A_771 : i32 to vector<16xi32>
        %mul3A_773 = arith.muli %get3A_770, %mul3A_772 : vector<16xi32>
        %get3A_774 = arith.constant 0 : i32
        %get3A_775 = arith.index_cast %get3A_774 : i32 to index
        %get3A_776 = arith.constant 48 : index
        %get3A_777 = tpu.vector_load %arg8[%get3A_775, %get3A_776] {strides = array<i32>} : memref<2x128xi32, #tpu.memory_space<vmem>>, vector<1x16xi32>,
        %get3A_778 = vector.shape_cast %get3A_777 : vector<1x16xi32> to vector<16xi32>
        %add3A_779 = arith.addi %mul3A_773, %get3A_778 : vector<16xi32>
        %swap3A_780 = arith.constant 0 : i32
        %swap3A_781 = arith.index_cast %swap3A_780 : i32 to index
        %swap3A_782 = arith.constant 48 : index
        %swap3A_783 = tpu.vector_load %arg12[%swap3A_781, %swap3A_782] {strides = array<i32>} : memref<2x128xi32, #tpu.memory_space<vmem>>, vector<1x16xi32>,
        %swap3A_784 = vector.shape_cast %swap3A_783 : vector<1x16xi32> to vector<16xi32>
        %swap3A_785 = vector.shape_cast %add3A_779 : vector<16xi32> to vector<1x16xi32>
        tpu.vector_store %arg12[%swap3A_781, %swap3A_782], %swap3A_785 {strides = array<i32>} : memref<2x128xi32, #tpu.memory_space<vmem>>, vector<1x16xi32>,
        %get3A_786 = arith.constant 1 : i32
        %get3A_787 = arith.index_cast %get3A_786 : i32 to index
        %get3A_788 = arith.constant 64 : index
        %get3A_789 = tpu.vector_load %arg8[%get3A_787, %get3A_788] {strides = array<i32>} : memref<2x128xi32, #tpu.memory_space<vmem>>, vector<1x16xi32>,
        %get3A_790 = vector.shape_cast %get3A_789 : vector<1x16xi32> to vector<16xi32>
        %mul3A_791 = arith.constant 10000 : i32
        %mul3A_792 = vector.broadcast %mul3A_791 : i32 to vector<16xi32>
        %mul3A_793 = arith.muli %get3A_790, %mul3A_792 : vector<16xi32>
        %get3A_794 = arith.constant 0 : i32
        %get3A_795 = arith.index_cast %get3A_794 : i32 to index
        %get3A_796 = arith.constant 64 : index
        %get3A_797 = tpu.vector_load %arg8[%get3A_795, %get3A_796] {strides = array<i32>} : memref<2x128xi32, #tpu.memory_space<vmem>>, vector<1x16xi32>,
        %get3A_798 = vector.shape_cast %get3A_797 : vector<1x16xi32> to vector<16xi32>
        %add3A_799 = arith.addi %mul3A_793, %get3A_798 : vector<16xi32>
        %swap3A_800 = arith.constant 0 : i32
        %swap3A_801 = arith.index_cast %swap3A_800 : i32 to index
        %swap3A_802 = arith.constant 64 : index
        %swap3A_803 = tpu.vector_load %arg12[%swap3A_801, %swap3A_802] {strides = array<i32>} : memref<2x128xi32, #tpu.memory_space<vmem>>, vector<1x16xi32>,
        %swap3A_804 = vector.shape_cast %swap3A_803 : vector<1x16xi32> to vector<16xi32>
        %swap3A_805 = vector.shape_cast %add3A_799 : vector<16xi32> to vector<1x16xi32>
        tpu.vector_store %arg12[%swap3A_801, %swap3A_802], %swap3A_805 {strides = array<i32>} : memref<2x128xi32, #tpu.memory_space<vmem>>, vector<1x16xi32>,
        %get3A_806 = arith.constant 1 : i32
        %get3A_807 = arith.index_cast %get3A_806 : i32 to index
        %get3A_808 = arith.constant 80 : index
        %get3A_809 = tpu.vector_load %arg8[%get3A_807, %get3A_808] {strides = array<i32>} : memref<2x128xi32, #tpu.memory_space<vmem>>, vector<1x16xi32>,
        %get3A_810 = vector.shape_cast %get3A_809 : vector<1x16xi32> to vector<16xi32>
        %mul3A_811 = arith.constant 10000 : i32
        %mul3A_812 = vector.broadcast %mul3A_811 : i32 to vector<16xi32>
        %mul3A_813 = arith.muli %get3A_810, %mul3A_812 : vector<16xi32>
        %get3A_814 = arith.constant 0 : i32
        %get3A_815 = arith.index_cast %get3A_814 : i32 to index
        %get3A_816 = arith.constant 80 : index
        %get3A_817 = tpu.vector_load %arg8[%get3A_815, %get3A_816] {strides = array<i32>} : memref<2x128xi32, #tpu.memory_space<vmem>>, vector<1x16xi32>,
        %get3A_818 = vector.shape_cast %get3A_817 : vector<1x16xi32> to vector<16xi32>
        %add3A_819 = arith.addi %mul3A_813, %get3A_818 : vector<16xi32>
        %swap3A_820 = arith.constant 0 : i32
        %swap3A_821 = arith.index_cast %swap3A_820 : i32 to index
        %swap3A_822 = arith.constant 80 : index
        %swap3A_823 = tpu.vector_load %arg12[%swap3A_821, %swap3A_822] {strides = array<i32>} : memref<2x128xi32, #tpu.memory_space<vmem>>, vector<1x16xi32>,
        %swap3A_824 = vector.shape_cast %swap3A_823 : vector<1x16xi32> to vector<16xi32>
        %swap3A_825 = vector.shape_cast %add3A_819 : vector<16xi32> to vector<1x16xi32>
        tpu.vector_store %arg12[%swap3A_821, %swap3A_822], %swap3A_825 {strides = array<i32>} : memref<2x128xi32, #tpu.memory_space<vmem>>, vector<1x16xi32>,
        %get3A_826 = arith.constant 1 : i32
        %get3A_827 = arith.index_cast %get3A_826 : i32 to index
        %get3A_828 = arith.constant 96 : index
        %get3A_829 = tpu.vector_load %arg8[%get3A_827, %get3A_828] {strides = array<i32>} : memref<2x128xi32, #tpu.memory_space<vmem>>, vector<1x16xi32>,
        %get3A_830 = vector.shape_cast %get3A_829 : vector<1x16xi32> to vector<16xi32>
        %mul3A_831 = arith.constant 10000 : i32
        %mul3A_832 = vector.broadcast %mul3A_831 : i32 to vector<16xi32>
        %mul3A_833 = arith.muli %get3A_830, %mul3A_832 : vector<16xi32>
        %get3A_834 = arith.constant 0 : i32
        %get3A_835 = arith.index_cast %get3A_834 : i32 to index
        %get3A_836 = arith.constant 96 : index
        %get3A_837 = tpu.vector_load %arg8[%get3A_835, %get3A_836] {strides = array<i32>} : memref<2x128xi32, #tpu.memory_space<vmem>>, vector<1x16xi32>,
        %get3A_838 = vector.shape_cast %get3A_837 : vector<1x16xi32> to vector<16xi32>
        %add3A_839 = arith.addi %mul3A_833, %get3A_838 : vector<16xi32>
        %swap3A_840 = arith.constant 0 : i32
        %swap3A_841 = arith.index_cast %swap3A_840 : i32 to index
        %swap3A_842 = arith.constant 96 : index
        %swap3A_843 = tpu.vector_load %arg12[%swap3A_841, %swap3A_842] {strides = array<i32>} : memref<2x128xi32, #tpu.memory_space<vmem>>, vector<1x16xi32>,
        %swap3A_844 = vector.shape_cast %swap3A_843 : vector<1x16xi32> to vector<16xi32>
        %swap3A_845 = vector.shape_cast %add3A_839 : vector<16xi32> to vector<1x16xi32>
        tpu.vector_store %arg12[%swap3A_841, %swap3A_842], %swap3A_845 {strides = array<i32>} : memref<2x128xi32, #tpu.memory_space<vmem>>, vector<1x16xi32>,
        %get3A_846 = arith.constant 1 : i32
        %get3A_847 = arith.index_cast %get3A_846 : i32 to index
        %get3A_848 = arith.constant 112 : index
        %get3A_849 = tpu.vector_load %arg8[%get3A_847, %get3A_848] {strides = array<i32>} : memref<2x128xi32, #tpu.memory_space<vmem>>, vector<1x16xi32>,
        %get3A_850 = vector.shape_cast %get3A_849 : vector<1x16xi32> to vector<16xi32>
        %mul3A_851 = arith.constant 10000 : i32
        %mul3A_852 = vector.broadcast %mul3A_851 : i32 to vector<16xi32>
        %mul3A_853 = arith.muli %get3A_850, %mul3A_852 : vector<16xi32>
        %get3A_854 = arith.constant 0 : i32
        %get3A_855 = arith.index_cast %get3A_854 : i32 to index
        %get3A_856 = arith.constant 112 : index
        %get3A_857 = tpu.vector_load %arg8[%get3A_855, %get3A_856] {strides = array<i32>} : memref<2x128xi32, #tpu.memory_space<vmem>>, vector<1x16xi32>,
        %get3A_858 = vector.shape_cast %get3A_857 : vector<1x16xi32> to vector<16xi32>
        %add3A_859 = arith.addi %mul3A_853, %get3A_858 : vector<16xi32>
        %swap3A_860 = arith.constant 0 : i32
        %swap3A_861 = arith.index_cast %swap3A_860 : i32 to index
        %swap3A_862 = arith.constant 112 : index
        %swap3A_863 = tpu.vector_load %arg12[%swap3A_861, %swap3A_862] {strides = array<i32>} : memref<2x128xi32, #tpu.memory_space<vmem>>, vector<1x16xi32>,
        %swap3A_864 = vector.shape_cast %swap3A_863 : vector<1x16xi32> to vector<16xi32>
        %swap3A_865 = vector.shape_cast %add3A_859 : vector<16xi32> to vector<1x16xi32>
        tpu.vector_store %arg12[%swap3A_861, %swap3A_862], %swap3A_865 {strides = array<i32>} : memref<2x128xi32, #tpu.memory_space<vmem>>, vector<1x16xi32>,
        %dma_start3A_866 = arith.constant 0 : i32
        %dma_start3A_867 = arith.constant 0 : i32
        %dma_start3A_868 = tpu.memref_slice %arg12[%dma_start3A_866, %dma_start3A_867] : memref<2x128xi32, #tpu.memory_space<vmem>> -> memref<1x128xi32, #tpu.memory_space<vmem>>
        %dma_start3A_869 = tpu.memref_squeeze %dma_start3A_868 : memref<1x128xi32, #tpu.memory_space<vmem>> -> memref<128xi32, #tpu.memory_space<vmem>>
        %dma_start3A_870 = arith.constant 0 : i32
        %dma_start3A_871 = arith.constant 0 : i32
        %dma_start3A_872 = tpu.memref_slice %arg2[%dma_start3A_870, %dma_start3A_871] : memref<320000x128xf32, #tpu.memory_space<hbm>> -> memref<320000x128xf32, #tpu.memory_space<hbm>>
        tpu.enqueue_indirect_dma source(%dma_start3A_872 : memref<320000x128xf32, #tpu.memory_space<hbm>>) target(%arg16 : memref<128x128xf32, #tpu.memory_space<vmem>>) offsets(%dma_start3A_869 : memref<128xi32, #tpu.memory_space<vmem>>) semaphore(%arg23 : memref<!tpu.dma_semaphore, #tpu.memory_space<semaphore_mem>>)
      } else {
      }
    }
    %barrier3A_574 = arith.constant 0 : index
    tpu.barrier barrier_id(%barrier3A_574)
    "tpu.region"() ({
      %run_scoped3A = tpu.sem_alloc : memref<!tpu.dma_semaphore, #tpu.memory_space<semaphore_mem>>
      %dma_start3A_575 = arith.constant 0 : i32
      %dma_start3A_576 = tpu.memref_slice %arg6[%arg0, %mul3A_6, %dma_start3A_575] : memref<2x10240x128xf32, #tpu.memory_space<hbm>> -> memref<1x640x128xf32, #tpu.memory_space<hbm>>
      %dma_start3A_577 = tpu.memref_squeeze %dma_start3A_576 : memref<1x640x128xf32, #tpu.memory_space<hbm>> -> memref<640x128xf32, #tpu.memory_space<hbm>>
      %dma_start3A_578 = arith.constant 0 : i32
      %dma_start3A_579 = tpu.memref_slice %arg17[%mul3A_6, %dma_start3A_578] : memref<10240x128xf32, #tpu.memory_space<vmem_shared>> -> memref<640x128xf32, #tpu.memory_space<vmem_shared>>
      tpu.enqueue_dma source(%dma_start3A_579 : memref<640x128xf32, #tpu.memory_space<vmem_shared>>) target(%dma_start3A_577 : memref<640x128xf32, #tpu.memory_space<hbm>>) target_semaphore(%run_scoped3A : memref<!tpu.dma_semaphore, #tpu.memory_space<semaphore_mem>>)
      %dma_wait3A_580 = arith.constant 0 : i32
      %dma_wait3A_581 = tpu.memref_slice %arg6[%arg0, %mul3A_6, %dma_wait3A_580] : memref<2x10240x128xf32, #tpu.memory_space<hbm>> -> memref<1x640x128xf32, #tpu.memory_space<hbm>>
      %dma_wait3A_582 = tpu.memref_squeeze %dma_wait3A_581 : memref<1x640x128xf32, #tpu.memory_space<hbm>> -> memref<640x128xf32, #tpu.memory_space<hbm>>
      %dma_wait3A_583 = arith.constant 0 : i32
      %dma_wait3A_584 = tpu.memref_slice %arg17[%mul3A_6, %dma_wait3A_583] : memref<10240x128xf32, #tpu.memory_space<vmem_shared>> -> memref<640x128xf32, #tpu.memory_space<vmem_shared>>
      tpu.wait_dma2 semaphore(%run_scoped3A : memref<!tpu.dma_semaphore, #tpu.memory_space<semaphore_mem>>) src(%dma_wait3A_584 : memref<640x128xf32, #tpu.memory_space<vmem_shared>>) dst(%dma_wait3A_582 : memref<640x128xf32, #tpu.memory_space<hbm>>)
      tpu.yield
    }) : () -> ()
    return
  }
}

module attributes {stable_mosaic.version = 14 : i64} {
  func.func @_xw_body(%arg0: i32, %arg1: memref<32x8xf32, #tpu.memory_space<smem>>, %arg2: memref<8x128x128xf32, #tpu.memory_space<vmem>>, %arg3: memref<10000x128xf32, #tpu.memory_space<vmem>>, %arg4: memref<1x10000x128xf32, #tpu.memory_space<vmem>>) attributes {dimension_semantics = [#tpu.dimension_semantics<arbitrary>], iteration_bounds = array<i64: 32>, scalar_prefetch = 0 : i64, scratch_operands = 0 : i64, tpu.core_type = #tpu.core_type<tc>, window_params = [{transform_indices = @transform_0, window_bounds = array<i64: 32, 8>}, {pipeline_mode = #tpu.pipeline_mode<synchronous>, transform_indices = @transform_1, window_bounds = array<i64: 8, 128, 128>}, {pipeline_mode = #tpu.pipeline_mode<synchronous>, transform_indices = @transform_2, window_bounds = array<i64: 10000, 128>}, {transform_indices = @transform_3, window_bounds = array<i64: 1, 10000, 128>}]} {
    %get3A = arith.index_cast %arg0 : i32 to index
    %get3A_0 = arith.constant 0 : index
    %get3A_1 = memref.load %arg1[%get3A, %get3A_0] : memref<32x8xf32, #tpu.memory_space<smem>>
    %get3A_2 = arith.constant 0 : index
    %get3A_3 = arith.constant 0 : index
    %get3A_4 = arith.constant 0 : index
    %get3A_5 = vector.load %arg2[%get3A_2, %get3A_3, %get3A_4] : memref<8x128x128xf32, #tpu.memory_space<vmem>>, vector<1x128x128xf32>
    %get3A_6 = vector.shape_cast %get3A_5 : vector<1x128x128xf32> to vector<128x128xf32>
    %mul3A = vector.broadcast %get3A_1 : f32 to vector<128x128xf32>
    %mul3A_7 = arith.mulf %mul3A, %get3A_6 : vector<128x128xf32>
    %get3A_8 = arith.index_cast %arg0 : i32 to index
    %get3A_9 = arith.constant 1 : index
    %get3A_10 = memref.load %arg1[%get3A_8, %get3A_9] : memref<32x8xf32, #tpu.memory_space<smem>>
    %get3A_11 = arith.constant 1 : index
    %get3A_12 = arith.constant 0 : index
    %get3A_13 = arith.constant 0 : index
    %get3A_14 = vector.load %arg2[%get3A_11, %get3A_12, %get3A_13] : memref<8x128x128xf32, #tpu.memory_space<vmem>>, vector<1x128x128xf32>
    %get3A_15 = vector.shape_cast %get3A_14 : vector<1x128x128xf32> to vector<128x128xf32>
    %mul3A_16 = vector.broadcast %get3A_10 : f32 to vector<128x128xf32>
    %mul3A_17 = arith.mulf %mul3A_16, %get3A_15 : vector<128x128xf32>
    %add3A = arith.addf %mul3A_7, %mul3A_17 : vector<128x128xf32>
    %get3A_18 = arith.index_cast %arg0 : i32 to index
    %get3A_19 = arith.constant 2 : index
    %get3A_20 = memref.load %arg1[%get3A_18, %get3A_19] : memref<32x8xf32, #tpu.memory_space<smem>>
    %get3A_21 = arith.constant 2 : index
    %get3A_22 = arith.constant 0 : index
    %get3A_23 = arith.constant 0 : index
    %get3A_24 = vector.load %arg2[%get3A_21, %get3A_22, %get3A_23] : memref<8x128x128xf32, #tpu.memory_space<vmem>>, vector<1x128x128xf32>
    %get3A_25 = vector.shape_cast %get3A_24 : vector<1x128x128xf32> to vector<128x128xf32>
    %mul3A_26 = vector.broadcast %get3A_20 : f32 to vector<128x128xf32>
    %mul3A_27 = arith.mulf %mul3A_26, %get3A_25 : vector<128x128xf32>
    %add3A_28 = arith.addf %add3A, %mul3A_27 : vector<128x128xf32>
    %get3A_29 = arith.index_cast %arg0 : i32 to index
    %get3A_30 = arith.constant 3 : index
    %get3A_31 = memref.load %arg1[%get3A_29, %get3A_30] : memref<32x8xf32, #tpu.memory_space<smem>>
    %get3A_32 = arith.constant 3 : index
    %get3A_33 = arith.constant 0 : index
    %get3A_34 = arith.constant 0 : index
    %get3A_35 = vector.load %arg2[%get3A_32, %get3A_33, %get3A_34] : memref<8x128x128xf32, #tpu.memory_space<vmem>>, vector<1x128x128xf32>
    %get3A_36 = vector.shape_cast %get3A_35 : vector<1x128x128xf32> to vector<128x128xf32>
    %mul3A_37 = vector.broadcast %get3A_31 : f32 to vector<128x128xf32>
    %mul3A_38 = arith.mulf %mul3A_37, %get3A_36 : vector<128x128xf32>
    %add3A_39 = arith.addf %add3A_28, %mul3A_38 : vector<128x128xf32>
    %get3A_40 = arith.index_cast %arg0 : i32 to index
    %get3A_41 = arith.constant 4 : index
    %get3A_42 = memref.load %arg1[%get3A_40, %get3A_41] : memref<32x8xf32, #tpu.memory_space<smem>>
    %get3A_43 = arith.constant 4 : index
    %get3A_44 = arith.constant 0 : index
    %get3A_45 = arith.constant 0 : index
    %get3A_46 = vector.load %arg2[%get3A_43, %get3A_44, %get3A_45] : memref<8x128x128xf32, #tpu.memory_space<vmem>>, vector<1x128x128xf32>
    %get3A_47 = vector.shape_cast %get3A_46 : vector<1x128x128xf32> to vector<128x128xf32>
    %mul3A_48 = vector.broadcast %get3A_42 : f32 to vector<128x128xf32>
    %mul3A_49 = arith.mulf %mul3A_48, %get3A_47 : vector<128x128xf32>
    %add3A_50 = arith.addf %add3A_39, %mul3A_49 : vector<128x128xf32>
    %get3A_51 = arith.index_cast %arg0 : i32 to index
    %get3A_52 = arith.constant 5 : index
    %get3A_53 = memref.load %arg1[%get3A_51, %get3A_52] : memref<32x8xf32, #tpu.memory_space<smem>>
    %get3A_54 = arith.constant 5 : index
    %get3A_55 = arith.constant 0 : index
    %get3A_56 = arith.constant 0 : index
    %get3A_57 = vector.load %arg2[%get3A_54, %get3A_55, %get3A_56] : memref<8x128x128xf32, #tpu.memory_space<vmem>>, vector<1x128x128xf32>
    %get3A_58 = vector.shape_cast %get3A_57 : vector<1x128x128xf32> to vector<128x128xf32>
    %mul3A_59 = vector.broadcast %get3A_53 : f32 to vector<128x128xf32>
    %mul3A_60 = arith.mulf %mul3A_59, %get3A_58 : vector<128x128xf32>
    %add3A_61 = arith.addf %add3A_50, %mul3A_60 : vector<128x128xf32>
    %get3A_62 = arith.index_cast %arg0 : i32 to index
    %get3A_63 = arith.constant 6 : index
    %get3A_64 = memref.load %arg1[%get3A_62, %get3A_63] : memref<32x8xf32, #tpu.memory_space<smem>>
    %get3A_65 = arith.constant 6 : index
    %get3A_66 = arith.constant 0 : index
    %get3A_67 = arith.constant 0 : index
    %get3A_68 = vector.load %arg2[%get3A_65, %get3A_66, %get3A_67] : memref<8x128x128xf32, #tpu.memory_space<vmem>>, vector<1x128x128xf32>
    %get3A_69 = vector.shape_cast %get3A_68 : vector<1x128x128xf32> to vector<128x128xf32>
    %mul3A_70 = vector.broadcast %get3A_64 : f32 to vector<128x128xf32>
    %mul3A_71 = arith.mulf %mul3A_70, %get3A_69 : vector<128x128xf32>
    %add3A_72 = arith.addf %add3A_61, %mul3A_71 : vector<128x128xf32>
    %get3A_73 = arith.index_cast %arg0 : i32 to index
    %get3A_74 = arith.constant 7 : index
    %get3A_75 = memref.load %arg1[%get3A_73, %get3A_74] : memref<32x8xf32, #tpu.memory_space<smem>>
    %get3A_76 = arith.constant 7 : index
    %get3A_77 = arith.constant 0 : index
    %get3A_78 = arith.constant 0 : index
    %get3A_79 = vector.load %arg2[%get3A_76, %get3A_77, %get3A_78] : memref<8x128x128xf32, #tpu.memory_space<vmem>>, vector<1x128x128xf32>
    %get3A_80 = vector.shape_cast %get3A_79 : vector<1x128x128xf32> to vector<128x128xf32>
    %mul3A_81 = vector.broadcast %get3A_75 : f32 to vector<128x128xf32>
    %mul3A_82 = arith.mulf %mul3A_81, %get3A_80 : vector<128x128xf32>
    %add3A_83 = arith.addf %add3A_72, %mul3A_82 : vector<128x128xf32>
    %get3A_84 = arith.constant 0 : index
    %get3A_85 = arith.constant 0 : index
    %get3A_86 = vector.load %arg3[%get3A_84, %get3A_85] : memref<10000x128xf32, #tpu.memory_space<vmem>>, vector<10000x128xf32>
    %dot_general3A = arith.constant dense<0.000000e+00> : vector<10000x128xf32>
    %dot_general3A_87 = tpu.matmul %get3A_86, %add3A_83, %dot_general3A {dimension_numbers = #tpu.dot_dimension_numbers<[1], [0], [0], [1], [0, 0, 1, 1], [], []>, transpose_lhs_hint = false} : vector<10000x128xf32>, vector<128x128xf32>, vector<10000x128xf32> -> vector<10000x128xf32>
    %swap3A = arith.constant 0 : index
    %swap3A_88 = arith.constant 0 : index
    %swap3A_89 = arith.constant 0 : index
    %swap3A_90 = vector.load %arg4[%swap3A, %swap3A_88, %swap3A_89] : memref<1x10000x128xf32, #tpu.memory_space<vmem>>, vector<1x10000x128xf32>
    %swap3A_91 = vector.shape_cast %swap3A_90 : vector<1x10000x128xf32> to vector<10000x128xf32>
    %swap3A_92 = vector.shape_cast %dot_general3A_87 : vector<10000x128xf32> to vector<1x10000x128xf32>
    tpu.vector_store %arg4[%swap3A, %swap3A_88, %swap3A_89], %swap3A_92 {strides = array<i32>} : memref<1x10000x128xf32, #tpu.memory_space<vmem>>, vector<1x10000x128xf32>,
    return
  }
  func.func @transform_0(%arg0: i32) -> (i32, i32) {
    %c0_i32 = arith.constant 0 : i32
    %c0_i32_0 = arith.constant 0 : i32
    %c0_i32_1 = arith.constant 0 : i32
    return %c0_i32, %c0_i32_0 : i32, i32
  }
  func.func @transform_1(%arg0: i32) -> (i32, i32, i32) {
    %c0_i32 = arith.constant 0 : i32
    %c0_i32_0 = arith.constant 0 : i32
    %c0_i32_1 = arith.constant 0 : i32
    %c0_i32_2 = arith.constant 0 : i32
    return %c0_i32, %c0_i32_0, %c0_i32_1 : i32, i32, i32
  }
  func.func @transform_2(%arg0: i32) -> (i32, i32) {
    %c0_i32 = arith.constant 0 : i32
    %c0_i32_0 = arith.constant 0 : i32
    %c0_i32_1 = arith.constant 0 : i32
    return %c0_i32, %c0_i32_0 : i32, i32
  }
  func.func @transform_3(%arg0: i32) -> (i32, i32, i32) {
    %c0_i32 = arith.constant 0 : i32
    %c0_i32_0 = arith.constant 0 : i32
    %c0_i32_1 = arith.constant 0 : i32
    return %arg0, %c0_i32, %c0_i32_0 : i32, i32, i32
  }
}

module attributes {stable_mosaic.version = 14 : i64} {
  func.func @_selfloop_body(%arg0: i32, %arg1: memref<1000x128xf32, #tpu.memory_space<vmem>>, %arg2: memref<128x128xf32, #tpu.memory_space<vmem>>, %arg3: memref<1x128xf32, #tpu.memory_space<vmem>>, %arg4: memref<1000x128xf32, #tpu.memory_space<vmem>>) attributes {dimension_semantics = [#tpu.dimension_semantics<arbitrary>], iteration_bounds = array<i64: 10>, scalar_prefetch = 0 : i64, scratch_operands = 0 : i64, tpu.core_type = #tpu.core_type<tc>, window_params = [{transform_indices = @transform_0, window_bounds = array<i64: 1000, 128>}, {pipeline_mode = #tpu.pipeline_mode<synchronous>, transform_indices = @transform_1, window_bounds = array<i64: 128, 128>}, {pipeline_mode = #tpu.pipeline_mode<synchronous>, transform_indices = @transform_2, window_bounds = array<i64: 1, 128>}, {transform_indices = @transform_3, window_bounds = array<i64: 1000, 128>}]} {
    %get3A = arith.constant 0 : index
    %get3A_0 = arith.constant 0 : index
    %get3A_1 = vector.load %arg1[%get3A, %get3A_0] : memref<1000x128xf32, #tpu.memory_space<vmem>>, vector<1000x128xf32>
    %get3A_2 = arith.constant 0 : index
    %get3A_3 = arith.constant 0 : index
    %get3A_4 = vector.load %arg2[%get3A_2, %get3A_3] : memref<128x128xf32, #tpu.memory_space<vmem>>, vector<128x128xf32>
    %dot_general3A = arith.constant dense<0.000000e+00> : vector<1000x128xf32>
    %dot_general3A_5 = tpu.matmul %get3A_1, %get3A_4, %dot_general3A {dimension_numbers = #tpu.dot_dimension_numbers<[1], [1], [0], [0], [0, 0, 1, 0], [], []>, transpose_lhs_hint = false} : vector<1000x128xf32>, vector<128x128xf32>, vector<1000x128xf32> -> vector<1000x128xf32>
    %get3A_6 = arith.constant 0 : index
    %get3A_7 = arith.constant 0 : index
    %get3A_8 = vector.load %arg3[%get3A_6, %get3A_7] : memref<1x128xf32, #tpu.memory_space<vmem>>, vector<1x128xf32>
    %get3A_9 = vector.shape_cast %get3A_8 : vector<1x128xf32> to vector<128xf32>
    %broadcast_in_dim3A = vector.shape_cast %get3A_9 : vector<128xf32> to vector<1x128xf32>
    %add3A = vector.broadcast %broadcast_in_dim3A : vector<1x128xf32> to vector<1000x128xf32>
    %add3A_10 = arith.addf %dot_general3A_5, %add3A : vector<1000x128xf32>
    %swap3A = arith.constant 0 : index
    %swap3A_11 = arith.constant 0 : index
    %swap3A_12 = vector.load %arg4[%swap3A, %swap3A_11] : memref<1000x128xf32, #tpu.memory_space<vmem>>, vector<1000x128xf32>
    tpu.vector_store %arg4[%swap3A, %swap3A_11], %add3A_10 {strides = array<i32>} : memref<1000x128xf32, #tpu.memory_space<vmem>>, vector<1000x128xf32>,
    return
  }
  func.func @transform_0(%arg0: i32) -> (i32, i32) {
    %c0_i32 = arith.constant 0 : i32
    %c0_i32_0 = arith.constant 0 : i32
    return %arg0, %c0_i32 : i32, i32
  }
  func.func @transform_1(%arg0: i32) -> (i32, i32) {
    %c0_i32 = arith.constant 0 : i32
    %c0_i32_0 = arith.constant 0 : i32
    %c0_i32_1 = arith.constant 0 : i32
    return %c0_i32, %c0_i32_0 : i32, i32
  }
  func.func @transform_2(%arg0: i32) -> (i32, i32) {
    %c0_i32 = arith.constant 0 : i32
    %c0_i32_0 = arith.constant 0 : i32
    %c0_i32_1 = arith.constant 0 : i32
    return %c0_i32, %c0_i32_0 : i32, i32
  }
  func.func @transform_3(%arg0: i32) -> (i32, i32) {
    %c0_i32 = arith.constant 0 : i32
    %c0_i32_0 = arith.constant 0 : i32
    return %arg0, %c0_i32 : i32, i32
  }
}

module attributes {stable_mosaic.version = 14 : i64} {
  func.func @_combine_body(%arg0: i32, %arg1: memref<1000x128xf32, #tpu.memory_space<vmem>>, %arg2: memref<2x1000x128xf32, #tpu.memory_space<vmem>>, %arg3: memref<1000x128xf32, #tpu.memory_space<vmem>>) attributes {dimension_semantics = [#tpu.dimension_semantics<arbitrary>], iteration_bounds = array<i64: 10>, scalar_prefetch = 0 : i64, scratch_operands = 0 : i64, tpu.core_type = #tpu.core_type<tc>, window_params = [{transform_indices = @transform_0, window_bounds = array<i64: 1000, 128>}, {transform_indices = @transform_1, window_bounds = array<i64: 2, 1000, 128>}, {transform_indices = @transform_2, window_bounds = array<i64: 1000, 128>}]} {
    %get3A = arith.constant 0 : index
    %get3A_0 = arith.constant 0 : index
    %get3A_1 = arith.constant 0 : index
    %get3A_2 = vector.load %arg2[%get3A, %get3A_0, %get3A_1] : memref<2x1000x128xf32, #tpu.memory_space<vmem>>, vector<1x1000x128xf32>
    %get3A_3 = vector.shape_cast %get3A_2 : vector<1x1000x128xf32> to vector<1000x128xf32>
    %get3A_4 = arith.constant 1 : index
    %get3A_5 = arith.constant 0 : index
    %get3A_6 = arith.constant 0 : index
    %get3A_7 = vector.load %arg2[%get3A_4, %get3A_5, %get3A_6] : memref<2x1000x128xf32, #tpu.memory_space<vmem>>, vector<1x1000x128xf32>
    %get3A_8 = vector.shape_cast %get3A_7 : vector<1x1000x128xf32> to vector<1000x128xf32>
    %add3A = arith.addf %get3A_3, %get3A_8 : vector<1000x128xf32>
    %get3A_9 = arith.constant 0 : index
    %get3A_10 = arith.constant 0 : index
    %get3A_11 = vector.load %arg1[%get3A_9, %get3A_10] : memref<1000x128xf32, #tpu.memory_space<vmem>>, vector<1000x128xf32>
    %add3A_12 = arith.addf %add3A, %get3A_11 : vector<1000x128xf32>
    %swap3A = arith.constant 0 : index
    %swap3A_13 = arith.constant 0 : index
    %swap3A_14 = vector.load %arg3[%swap3A, %swap3A_13] : memref<1000x128xf32, #tpu.memory_space<vmem>>, vector<1000x128xf32>
    tpu.vector_store %arg3[%swap3A, %swap3A_13], %add3A_12 {strides = array<i32>} : memref<1000x128xf32, #tpu.memory_space<vmem>>, vector<1000x128xf32>,
    return
  }
  func.func @transform_0(%arg0: i32) -> (i32, i32) {
    %c0_i32 = arith.constant 0 : i32
    %c0_i32_0 = arith.constant 0 : i32
    return %arg0, %c0_i32 : i32, i32
  }
  func.func @transform_1(%arg0: i32) -> (i32, i32, i32) {
    %c0_i32 = arith.constant 0 : i32
    %c0_i32_0 = arith.constant 0 : i32
    %c0_i32_1 = arith.constant 0 : i32
    return %c0_i32, %arg0, %c0_i32_0 : i32, i32, i32
  }
  func.func @transform_2(%arg0: i32) -> (i32, i32) {
    %c0_i32 = arith.constant 0 : i32
    %c0_i32_0 = arith.constant 0 : i32
    return %arg0, %c0_i32 : i32, i32
  }
}

</mosaic_0001>

<sc_bundles>
// kernel: kernel.6.cloned.1.call-start
scs
__scs_entry_jumppad:
0x0: {  	(pc) =	sbr.rel $0x88, $3  }
0x1: {  	(tag) =	ssettag $0x0;
	lr =	simm.s32 $0x1  }
0x2: {  	[smem:$0x3F9A] =	sst lr;
	_ =	strace $0xD0000000  }
0x3: {  	_ = 	snop  }
0x4: {  	_ = 	snop  }
0x5: {  	_ = 	snop  }
0x6: {  	_ = 	snop  }
0x7: {  	_ = 	snop  }
__scs_overlays_trampoline_lowered:
0x8: {  	[smem:$0x3FA9] =	sst s0  }
0x9: {  	[smem:$0x3FAA] =	sst s1  }
0xa: {  	[smem:$0x3FAB] =	sst s2  }
0xb: {  	[smem:$0x3FAC] =	sst s3  }
0xc: {  	[smem:$0x3FAD] =	sst s4  }
0xd: {  	[smem:$0x3FAE] =	sst s5  }
0xe: {  	[smem:$0x3FAF] =	sst s6  }
0xf: {  	[smem:$0x3FB0] =	sst s7  }
0x10: {  	[smem:$0x3FB1] =	sst s8  }
0x11: {  	[smem:$0x3FB2] =	sst s9;
	s0 =	simm.s32 @!p0 $0x0  }
0x12: {  	s1 =	sld [smem:$0x3F98];
	s0 =	simm.s32 @p0 $0x1  }
0x13: {  	[smem:$0x3FB3] =	sst s0;
	s0 =	simm.s32 @!p1 $0x0  }
0x14: {  	s2 =	sld [smem:$0x3F97];
	s0 =	simm.s32 @p1 $0x1  }
0x15: {  	[smem:$0x3FB4] =	sst s0;
	s0 =	simm.s32 @!p2 $0x0  }
0x16: {  	s3 =	sld [smem:$0x3FDB];
	s0 =	simm.s32 @p2 $0x1  }
0x17: {  	s4 =	simm.s32 $0x1BF5;
	[smem:$0x3FB6] =	sst s0  }
0x18: {  	s0 =	sld [smem:$0x3F99];
	_ =	swait.ge [sflag:s4], $0x0  }
0x19: {  	s7 =	sld [smem:$0x3F9A]  }
0x1a: {  	s8 =	sadd.s32 $0xFFFFE003, lr  }
0x1b: {  	s9 =	sadd.s32 $0xFFFFFEF7, lr;
	s5 =	simm.s32 $0xFFFFFFFF;
	p2 =	slt.u32 s8, $0xFFFFF086  }
0x1c: {  	p1 =	slt.u32 s9, $0xF7A;
	s5 =	simm.s32 @!p2 $0x0  }
0x1d: {  	s5 =	simm.s32 @p1 $0x1;
	p0 =	seq.s32 s7, s2  }
0x1e: {  	s7 =	smul.u32 @!p0 $0xF7A, s2;
	p2 =	seq.s32 @!p0 s5, $0x0  }
0x1f: {  	s9 =	smul.u32 $0xF7A, s1;
	s8 =	simm.s32 @!p0 $0x1BF5;
	p2 =	por !p2, p0  }
0x20: {  	[sflag:s8] =	ssyncset.s32 @!p0 $0xFFFFF086;
	s6 =	sadd.s32 @!p0 s3, s7;
	s7 =	simm.s32 @!p0 $0x108  }
0x21: {  	s3 =	sadd.s32 s3, s9;
	s6 =	sadd.s32 @!p0 $0x88, s6;
	s7 =	simm.s32 @p2 $0x1082  }
0x22: {  	[simem:s7], [sflag:s8] =	dma.local @!p0 [hbm:s6], $0xF7A  }
0x23: {  	s9 =	sor.u32 $0xD0000000, s2;
	s6 =	simm.s32 $0x108;
	_ =	swait.ge @!p0 [sflag:s8], $0x0  }
0x24: {  	s3 =	sadd.s32 $0x88, s3;
	s6 =	simm.s32 @!p1 $0x1082;
	[sflag:s4] =	ssyncset.s32 $0xFFFFF086  }
0x25: {  	[simem:s6], [sflag:s4] =	dma.local [hbm:s3], $0xF7A  }
0x26: {  	[smem:$0x3F9A] =	sst s1;
	(tag) =	ssettag s2;
	_ =	strace s9  }
0x27: {  	s1 =	sld [smem:$0x3FAA]  }
0x28: {  	s2 =	sld [smem:$0x3FAB]  }
0x29: {  	s4 =	sld [smem:$0x3FAD]  }
0x2a: {  	p0 =	seq.s32 s5, $0x0;
	s5 =	sld [smem:$0x3FAE]  }
0x2b: {  	s6 =	sld [smem:$0x3FAF]  }
0x2c: {  	s7 =	sld [smem:$0x3FB0]  }
0x2d: {  	s3 =	simm.s32 $0x108;
	s8 =	sld [smem:$0x3FB1]  }
0x2e: {  	s3 =	simm.s32 @!p0 $0x1082;
	s9 =	sld [smem:$0x3FB2]  }
0x2f: {  	lr =	sadd.s32 s0, s3;
	s0 =	sld [smem:$0x3FA9]  }
0x30: {  	s3 =	sld [smem:$0x3FAC]  }
0x31: {  	[smem:$0x3FB5] =	sst s10  }
0x32: {  	s10 =	sld [smem:$0x3FB3];
	_ =	sdelay $0x3  }
0x33: {  	p0 =	seq.s32 s10, $0x1;
	s10 =	sld [smem:$0x3FB5];
	_ =	sdelay $0x3  }
0x34: {  	[smem:$0x3FB5] =	sst s10  }
0x35: {  	s10 =	sld [smem:$0x3FB4];
	_ =	sdelay $0x3  }
0x36: {  	p1 =	seq.s32 s10, $0x1;
	s10 =	sld [smem:$0x3FB5];
	_ =	sdelay $0x3  }
0x37: {  	[smem:$0x3FB5] =	sst s10  }
0x38: {  	s10 =	sld [smem:$0x3FB6]  }
0x39: {  	_ = 	snop;
	(pc) =	sbr.ind lr, $3  }
0x3a: {  	_ = 	snop  }
0x3b: {  	_ = 	snop  }
0x3c: {  	p2 =	seq.s32 s10, $0x1;
	s10 =	sld [smem:$0x3FB5]  }
0x3d: {  	_ =	shalt  }
0x3e: {  	_ =	shalt  }
0x3f: {  	_ =	shalt  }
0x40: {  	_ =	shalt  }
0x41: {  	_ =	shalt  }
0x42: {  	_ =	shalt  }
0x43: {  	_ =	shalt  }
0x44: {  	_ =	shalt  }
0x45: {  	_ =	shalt  }
0x46: {  	_ =	shalt  }
0x47: {  	_ =	shalt  }
0x48: {  	_ =	shalt  }
0x49: {  	_ =	shalt  }
0x4a: {  	_ =	shalt  }
0x4b: {  	_ =	shalt  }
0x4c: {  	_ =	shalt  }
0x4d: {  	_ =	shalt  }
0x4e: {  	_ =	shalt  }
0x4f: {  	_ =	shalt  }
0x50: {  	_ =	shalt  }
0x51: {  	_ =	shalt  }
0x52: {  	_ =	shalt  }
0x53: {  	_ =	shalt  }
0x54: {  	_ =	shalt  }
0x55: {  	_ =	shalt  }
0x56: {  	_ =	shalt  }
0x57: {  	_ =	shalt  }
0x58: {  	_ =	shalt  }
0x59: {  	_ =	shalt  }
0x5a: {  	_ =	shalt  }
0x5b: {  	_ =	shalt  }
0x5c: {  	_ =	shalt  }
0x5d: {  	_ =	shalt  }
0x5e: {  	_ =	shalt  }
0x5f: {  	_ =	shalt  }
0x60: {  	_ =	shalt  }
0x61: {  	_ =	shalt  }
0x62: {  	_ =	shalt  }
0x63: {  	_ =	shalt  }
0x64: {  	_ =	shalt  }
0x65: {  	_ =	shalt  }
0x66: {  	_ =	shalt  }
0x67: {  	_ =	shalt  }
0x68: {  	_ =	shalt  }
0x69: {  	_ =	shalt  }
0x6a: {  	_ =	shalt  }
0x6b: {  	_ =	shalt  }
0x6c: {  	_ =	shalt  }
0x6d: {  	_ =	shalt  }
0x6e: {  	_ =	shalt  }
0x6f: {  	_ =	shalt  }
0x70: {  	_ =	shalt  }
0x71: {  	_ =	shalt  }
0x72: {  	_ =	shalt  }
0x73: {  	_ =	shalt  }
0x74: {  	_ =	shalt  }
0x75: {  	_ =	shalt  }
0x76: {  	_ =	shalt  }
0x77: {  	_ =	shalt  }
0x78: {  	_ =	shalt  }
0x79: {  	_ =	shalt  }
0x7a: {  	_ =	shalt  }
0x7b: {  	_ =	shalt  }
0x7c: {  	_ =	shalt  }
0x7d: {  	_ =	shalt  }
0x7e: {  	_ =	shalt  }
0x7f: {  	_ =	shalt  }
0x80: {  	_ =	shalt  }
0x81: {  	_ =	shalt  }
0x82: {  	_ =	shalt  }
0x83: {  	_ =	shalt  }
0x84: {  	_ =	shalt  }
0x85: {  	_ =	shalt  }
0x86: {  	_ =	shalt  }
0x87: {  	_ =	shalt  }
.Lfunc_end0:
.L_simem_size_0:
called_computation_lowered:
.L_overlay_start_0:
0x88: {  	s2 =	sld [smem:$0x3FD9]  }
0x89: {  	s3 =	sld [smem:$0x3FFE];
	_ =	sdelay $0x1  }
0x8a: {  	s1 =	srdreg.scid  }
0x8b: {  	s0 =	sand.u32 $0x1, s1  }
0x8c: {  	s17 =	sshll.u32 s0, $0xA;
	s2 =	sadd.s32 s3, s2  }
0x8d: {  	s2 =	sadd.s32 s2, s17  }
0x8e: {  	[smem:$0x3FC1] =	sst s2  }
0x8f: {  	_ = 	snop  }
0x90: {  	s2 =	sld [smem:$0x3FC8]  }
0x91: {  	s18 =	sld [smem:$0x3FC7]  }
0x92: {  	s4 =	sld [smem:$0x3FD0];
	(tm) =	ssettm $0x1  }
0x93: {  	s5 =	sld [smem:$0x3FFB];
	_ =	sdelay $0x3  }
0x94: {  	_ =	strace s5  }
0x95: {  	s5 =	sld [smem:$0x3FFC];
	_ =	sdelay $0x3  }
0x96: {  	_ =	strace s5  }
0x97: {  	s5 =	sld [smem:$0x3FFD];
	_ =	sdelay $0x3  }
0x98: {  	_ =	strace s5  }
0x99: {  	_ =	strace $0x8FFFFFFF  }
0x9a: {  	s19 =	sld [smem:$0x3FDB];
	_ =	sdelay $0x1  }
0x9b: {  	s6 =	simm.s32 $_scs_section_size  }
0x9c: {  	s7 =	simm.s32 $_size__tile_overlayer_lowered;
	s8 =	simm.s32 $_tile_overlayer_lowered  }
0x9d: {  	s22 =	simm.s32 $0x1BFF;
	s21 =	sshll.u32 s8, $0x1;
	s5 =	sadd.s32 s6, s19  }
0x9e: {  	s9 =	simm.s32 $0x0;
	s20 =	sshll.u32 s7, $0x1;
	s7 =	sadd.s32 s21, s5  }
0x9f: {  	[timem:s9], [sflag:s22] =	dma.local [hbm:s7], s20  }
0xa0: {  	_ =	swait.ge [sflag:s22], s20  }
0xa1: {  	s6 =	ssub.s32 $0x0, s20;
	[sflag:s22] =	ssyncset.done $0x0  }
0xa2: {  	[sflag:s22] =	ssyncadd.s32 s6;
	_ =	sdelay $0x1  }
0xa3: {  	s23 =	simm.s32 $0x1B8B  }
0xa4: {  	_ =	swait.ge [sflag:s23], $0x1  }
0xa5: {  	[sflag:s23] =	ssyncset.done $0x0  }
0xa6: {  	s25 =	simm.s32 $0x1B8E;
	s24 =	sld [smem:$0x3FFE];
	[sflag:s23] =	ssyncadd.s32 $0xFFFFFFFF  }
0xa7: {  	s26 =	simm.s32 $execute0_lowered;
	[smem:$0x3FD2] =	sst s25  }
0xa8: {  	s7 =	sshll.u32 s26, $0x1;
	_ =	strace $0x80000046;
	[dreg:$0x1] =	wrdreg $0xFFFFFFFF  }
0xa9: {  	s28 =	simm.s32 $_size_execute0_lowered;
	s5 =	sadd.s32 s5, s7;
	[dreg:$0x0] =	wrdreg $0x0  }
0xaa: {  	s7 =	sshll.u32 s28, $0x1;
	[dreg:$0x2] =	wrdreg s5  }
0xab: {  	[dreg:$0x3] =	wrdreg s7  }
0xac: {  	[dreg:$0x4] =	wrdreg $0xC0  }
0xad: {  	_ =	task [dreg:s9], $0x5FFFF  }
0xae: {  	[dreg:$0x1] =	wrdreg $0xFFFFFFFF  }
0xaf: {  	[dreg:$0x0] =	wrdreg $0x60  }
0xb0: {  	[dreg:$0x2] =	wrdreg s24  }
0xb1: {  	[dreg:$0x3] =	wrdreg s2  }
0xb2: {  	[dreg:$0x4] =	wrdreg s18  }
0xb3: {  	[dreg:$0x5] =	wrdreg s4  }
0xb4: {  	[dreg:$0x6] =	wrdreg $0x88000  }
0xb5: {  	[dreg:$0x7] =	wrdreg $0x9  }
0xb6: {  	_ =	task.clear_ibuf [dreg:s9], $0x8FFFF;
	_ =	strace $0x90000046  }
0xb7: {  	s29 =	simm.s32 $0x9;
	_ =	strace $0x80000048  }
0xb8: {  	_ =	swait.ge [sflag:s29], $0x1  }
0xb9: {  	[sflag:s29] =	ssyncadd.s32 $0xFFFFFFFF  }
0xba: {  	_ =	strace $0x90000048  }
0xbb: {  	_ =	sfence  }
0xbc: {  	s30 =	sld [smem:$0x0];
	_ =	sdelay $0x2  }
0xbd: {  	s31 =	sshll.u32 s1, $0xD;
	s1 =	sshrl.u32 s1, $0x2  }
0xbe: {  	s3 =	sand.u32 $0x4000, s31;
	s1 =	sadd.s32 s1, s30  }
0xbf: {  	s0 =	sor.u32 s3, s0;
	s1 =	sshll.u32 s1, $0x11  }
0xc0: {  	s0 =	sor.u32 s1, s0  }
0xc1: {  	s0 =	sadd.s32 $0x8F2B, s0  }
0xc2: {  	[sflag:s0] =	ssyncadd.remote.s32 $0x1  }
0xc3: {  	_ =	sfence.sel $0xFFFF  }
0xc4: {  	[dreg:$0x0] =	wrdreg $0xFFFFFFFF;
	(pc) =	sbr.abs _section_cstart, $3  }
0xc5: {  	[dreg:$0x1] =	wrdreg $0xFFFFFFFF  }
0xc6: {  	_ =	task.clear_ibuf [dreg:s9], $0x2FFFF;
	_ =	strace $0x9FFFFFFF  }
0xc7: {  	(tm) =	ssettm $0x7FFFFFFF  }
tec
execute0_lowered:
.L_overlay_start_1:
0x0: {  	(tag) =	ssettag $0x1  }
0x1: {  	s1 =	rddreg [dreg:$0x0]  }
0x2: {  	s3 =	rddreg [dreg:$0x1]  }
0x3: {  	s0 =	rddreg [dreg:$0x2]  }
0x4: {  	s2 =	rddreg [dreg:$0x4]  }
0x5: {  	s4 =	srdreg.scid;
	s18 =	stileid.u32  }
0x6: {  	s28 =	simm.s32 $0x7;
	s29 =	simm.s32 $0x80;
	s7 =	smul.u32 $0x14000, s18  }
0x7: {  	s30 =	simm.s32 $0x480;
	s31 =	simm.s32 $0x1;
	s12 =	smul.u32 $0x50000, s18  }
0x8: {  	s6 =	sand.u32 $0x1, s4;
	s4 =	simm.s32 $0x0;
	s16 =	smul.u32 $0x5000, s18  }
0x9: {  	s8 =	sshll.u32 s18, $0x1;
	s24 =	sadd.s32 $0x10, s3;
	s5 =	smul.u32 $0x140000, s6  }
0xa: {  	s22 =	ssub.s32 $0x2, s6;
	s8 =	sor.u32 s6, s8;
	s6 =	smul.u32 $0x2800, s6  }
0xb: {  	[smem:$0x7FF] =	sst s4;
	s9 =	sshrl.u32 s22, $0x1;
	s10 =	smul.u32 $0x2800, s8  }
0xc: {  	p0 =	seq.s32 s8, $0x1F;
	s8 =	smul.u32 $0xA00, s8;
	s5 =	sadd.s32 s7, s5  }
0xd: {  	_ =	strace $0x80000047;
	s7 =	ssub.s32 s22, s9;
	s5 =	sshrl.u32 s5, $0x3  }
0xe: {  	s23 =	sshrl.u32 s10, $0x7;
	s14 =	sadd.s32 s3, s8;
	s8 =	sadd.s32 s8, s24  }
0xf: {  	s10 =	sshrl.u32 s10, $0x3;
	s11 =	sadd.s32 s5, s1;
	[dreg:$0xd] =	wrdreg s14  }
0x10: {  	s5 =	simm.s32 $0x14;
	s13 =	sor.u32 $0x1, s23;
	[dreg:$0xe] =	wrdreg s8  }
0x11: {  	s8 =	sor.u32 $0x2, s23;
	s10 =	sadd.s32 s0, s10;
	s15 =	sshll.u32 s13, $0x5  }
0x12: {  	s9 =	sor.u32 $0x3, s23;
	[dreg:$0x16] =	wrdreg s10;
	s25 =	sadd.s32 s3, s15  }
0x13: {  	s26 =	sshll.u32 s8, $0x5;
	s15 =	sadd.s32 s15, s24;
	[dreg:$0xf] =	wrdreg s25  }
0x14: {  	s5 =	simm.s32 @!p0 $0x50;
	s17 =	sadd.s32 s3, s26;
	[dreg:$0x10] =	wrdreg s15  }
0x15: {  	s20 =	sshll.u32 s9, $0x5;
	s19 =	sadd.s32 $0xFFFFFFFE, s5;
	[dreg:$0x11] =	wrdreg s17  }
0x16: {  	s12 =	sshrl.u32 s12, $0x2;
	s14 =	sadd.s32 s20, s24;
	[dreg:$0x6] =	wrdreg s19  }
0x17: {  	s6 =	sadd.s32 s6, s16;
	s21 =	sadd.s32 $0xFFFFFFFD, s5;
	[dreg:$0x13] =	wrdreg s14  }
0x18: {  	s8 =	sshll.u32 s8, $0x4;
	s23 =	sshll.u32 s5, $0x5;
	[dreg:$0x7] =	wrdreg s21  }
0x19: {  	s22 =	sshrl.u32 s6, $0x2;
	s8 =	sadd.s32 s0, s8;
	[dreg:$0x8] =	wrdreg s23  }
0x1a: {  	s6 =	sshrl.u32 s6, $0x3;
	s15 =	sadd.s32 s26, s24;
	[dreg:$0x18] =	wrdreg s8  }
0x1b: {  	s10 =	simm.s32 $0x6;
	s25 =	sadd.s32 s12, s2;
	[dreg:$0x12] =	wrdreg s15  }
0x1c: {  	s14 =	sadd.s32 $0x1000, s1;
	s21 =	sadd.s32 $0x4E3000, s11;
	[dreg:$0x15] =	wrdreg s25  }
0x1d: {  	s26 =	sshll.u32 s18, $0x6;
	s23 =	smax.u32 s7, $0x1;
	[dreg:$0x1a] =	wrdreg s21  }
0x1e: {  	s17 =	sshll.u32 s9, $0x4;
	s15 =	sadd.s32 s3, s20;
	[dreg:$0x1b] =	wrdreg s23  }
0x1f: {  	s3 =	sadd.s32 s3, s22;
	s8 =	sadd.s32 s0, s17;
	[dreg:$0x14] =	wrdreg s15  }
0x20: {  	s1 =	simm.s32 $0x780;
	s24 =	sadd.s32 $0x80, s3;
	[dreg:$0x19] =	wrdreg s8  }
0x21: {  	s7 =	simm.s32 $0x2;
	s18 =	sadd.s32 $0xA0, s3;
	[dreg:$0x9] =	wrdreg s24  }
0x22: {  	s9 =	simm.s32 $0x5;
	s19 =	sadd.s32 $0xC0, s3;
	[dreg:$0xa] =	wrdreg s18  }
0x23: {  	s15 =	sshll.u32 s13, $0x4;
	s22 =	sadd.s32 $0xE0, s3;
	[dreg:$0xb] =	wrdreg s19  }
0x24: {  	s16 =	sadd.s32 s0, s15;
	s0 =	sadd.s32 s0, s6;
	[dreg:$0xc] =	wrdreg s22  }
0x25: {  	s11 =	simm.s32 $0x0;
	[dreg:$0x17] =	wrdreg s16;
	s24 =	sadd.s32 $0x40, s0  }
0x26: {  	s20 =	sor.u32 $0x1C07, s26;
	s25 =	sadd.s32 $0x50, s0;
	[dreg:$0x1c] =	wrdreg s24  }
0x27: {  	s3 =	simm.s32 $0x580;
	s26 =	sadd.s32 $0x60, s0;
	[dreg:$0x1d] =	wrdreg s25  }
0x28: {  	s8 =	simm.s32 $0x4800;
	s0 =	sadd.s32 $0x70, s0;
	[dreg:$0x1e] =	wrdreg s26  }
0x29: {  	s6 =	simm.s32 $0x800;
	[dreg:$0x1f] =	wrdreg s0;
	s0 =	simm.s32 $0x680  }
.LBB2_1:
0x2a: {  	s12 =	rddreg [dreg:$0x15]  }
0x2b: {  	s13 =	rddreg [dreg:$0x3];
	s12 =	sshrl.u32 s12, $0x3  }
0x2c: {  	[spmem:s12], [sflag:s20] =	dma.local [hbm:s13], $0x2800  }
0x2d: {  	_ =	swait.ge [sflag:s28], $0x2800  }
0x2e: {  	[sflag:s28] =	ssyncset.done $0x0  }
0x2f: {  	[sflag:s28] =	ssyncadd.s32 $0xFFFFD800  }
0x30: {  	[bflag:$0x0] =	sbarrier.arrive $0xFFFF  }
0x31: {  	s17 =	rddreg [dreg:$0xd]  }
0x32: {  	[tilespmem:s4], [sflag:$0x1] =	stream.linear.gather [hbm4b:s17+s4], $0x80, $0x38;
	[tilespmem:$0x1C800] =	vst v63  }
0x33: {  	s18 =	rddreg [dreg:$0x16]  }
0x34: {  	[tilespmem:s29], [sflag:$0x1] =	stream.linear.gather [hbm4b:s18+s4], $0x80, $0x38;
	[tilespmem:$0x1C800] =	vst v63  }
0x35: {  	s19 =	rddreg [dreg:$0xe]  }
0x36: {  	[tilespmem:s30], [sflag:$0x1] =	stream.linear.gather [hbm4b:s19+s4], $0x80, $0x38;
	[tilespmem:$0x1C800] =	vst v63  }
0x37: {  	s15 =	simm.s32 $0x100;
	s21 =	rddreg [dreg:$0xf]  }
0x38: {  	[tilespmem:s15], [sflag:$0x2] =	stream.linear.gather [hbm4b:s21+s4], $0x80, $0x38;
	[tilespmem:$0x1C800] =	vst v63  }
0x39: {  	s23 =	simm.s32 $0x180;
	s22 =	rddreg [dreg:$0x17]  }
0x3a: {  	[tilespmem:s23], [sflag:$0x2] =	stream.linear.gather [hbm4b:s22+s4], $0x80, $0x38;
	[tilespmem:$0x1C800] =	vst v63  }
0x3b: {  	s24 =	rddreg [dreg:$0x10]  }
0x3c: {  	[tilespmem:s3], [sflag:$0x2] =	stream.linear.gather [hbm4b:s24+s4], $0x80, $0x38;
	[tilespmem:$0x1C800] =	vst v63  }
0x3d: {  	s26 =	simm.s32 $0x200;
	s25 =	rddreg [dreg:$0x11]  }
0x3e: {  	[tilespmem:s26], [sflag:$0x3] =	stream.linear.gather [hbm4b:s25+s4], $0x80, $0x38;
	[tilespmem:$0x1C800] =	vst v63  }
0x3f: {  	s16 =	rddreg [dreg:$0x18];
	s17 =	simm.s32 $0x280  }
0x40: {  	[tilespmem:s17], [sflag:$0x3] =	stream.linear.gather [hbm4b:s16+s4], $0x80, $0x38;
	[tilespmem:$0x1C800] =	vst v63  }
0x41: {  	s18 =	rddreg [dreg:$0x12]  }
0x42: {  	[tilespmem:s0], [sflag:$0x3] =	stream.linear.gather [hbm4b:s18+s4], $0x80, $0x38;
	[tilespmem:$0x1C800] =	vst v63  }
0x43: {  	s19 =	rddreg [dreg:$0x14];
	s21 =	simm.s32 $0x300  }
0x44: {  	[tilespmem:s21], [sflag:$0x4] =	stream.linear.gather [hbm4b:s19+s4], $0x80, $0x38;
	[tilespmem:$0x1C800] =	vst v63  }
0x45: {  	s22 =	rddreg [dreg:$0x19];
	s23 =	simm.s32 $0x380  }
0x46: {  	[tilespmem:s23], [sflag:$0x4] =	stream.linear.gather [hbm4b:s22+s4], $0x80, $0x38;
	[tilespmem:$0x1C800] =	vst v63  }
0x47: {  	s24 =	rddreg [dreg:$0x13]  }
0x48: {  	[tilespmem:s1], [sflag:$0x4] =	stream.linear.gather [hbm4b:s24+s4], $0x80, $0x38;
	[tilespmem:$0x1C800] =	vst v63  }
0x49: {  	_ =	swait.ge [sflag:s31], $0x80  }
0x4a: {  	[sflag:s31] =	ssyncset.done $0x0  }
0x4b: {  	[sflag:s31] =	ssyncadd.s32 $0xFFFFFF80  }
0x4c: {  	_ =	swait.ge [sflag:s31], $0x80  }
0x4d: {  	[sflag:s31] =	ssyncset.done $0x0  }
0x4e: {  	[sflag:s31] =	ssyncadd.s32 $0xFFFFFF80  }
0x4f: {  	_ =	swait.ge [sflag:s31], $0x80  }
0x50: {  	[sflag:s31] =	ssyncset.done $0x0  }
0x51: {  	[sflag:s31] =	ssyncadd.s32 $0xFFFFFF80  }
0x52: {  	v0 =	vld [tilespmem:$0x80]  }
0x53: {  	v1 =	vld [tilespmem:$0x0]  }
0x54: {  	v2 =	vld [tilespmem:$0x90]  }
0x55: {  	v3 =	vld [tilespmem:$0x10]  }
0x56: {  	v4 =	vld [tilespmem:$0xA0]  }
0x57: {  	v5 =	vld [tilespmem:$0x20]  }
0x58: {  	v6 =	vld [tilespmem:$0xB0]  }
0x59: {  	v7 =	vld [tilespmem:$0x30]  }
0x5a: {  	v8 =	vld [tilespmem:$0xC0]  }
0x5b: {  	v9 =	vld [tilespmem:$0x40]  }
0x5c: {  	v10 =	vld [tilespmem:$0xD0]  }
0x5d: {  	v11 =	vld [tilespmem:$0x50];
	v0 =	vmul.u32 $0x2710, v0  }
0x5e: {  	v12 =	vld [tilespmem:$0xE0];
	v2 =	vmul.u32 $0x2710, v2  }
0x5f: {  	v20 =	vld [tilespmem:$0xF0];
	v19 =	vmul.u32 $0x2710, v4;
	v0 =	vadd.s32 v1, v0  }
0x60: {  	v23 =	vld [tilespmem:$0x60];
	v22 =	vmul.u32 $0x2710, v6;
	v21 =	vadd.s32 v3, v2;
	[tilespmem:$0x400] =	vst v0  }
0x61: {  	v26 =	vld [tilespmem:$0x70];
	v25 =	vmul.u32 $0x2710, v8;
	v24 =	vadd.s32 v5, v19;
	[tilespmem:$0x410] =	vst v21  }
0x62: {  	v28 =	vmul.u32 $0x2710, v10;
	v27 =	vadd.s32 v7, v22;
	[tilespmem:$0x420] =	vst v24  }
0x63: {  	v30 =	vmul.u32 $0x2710, v12;
	v29 =	vadd.s32 v9, v25;
	[tilespmem:$0x430] =	vst v27  }
0x64: {  	v32 =	vmul.u32 $0x2710, v20;
	v31 =	vadd.s32 v11, v28;
	[tilespmem:$0x440] =	vst v29  }
0x65: {  	v33 =	vadd.s32 v23, v30;
	[tilespmem:$0x450] =	vst v31  }
0x66: {  	v34 =	vadd.s32 v26, v32;
	[tilespmem:$0x460] =	vst v33  }
0x67: {  	s25 =	simm.s32 $0x400;
	[tilespmem:$0x470] =	vst v34  }
0x68: {  	[tilespmem:s6], [sflag:$0x5] =	stream.indirect.gather [hbm4b:s14+s29], $0x80, s25, s29, $0xb8;
	[tilespmem:$0x1C800] =	vst v63  }
0x69: {  	_ =	swait.ge [sflag:s7], $0x80  }
0x6a: {  	[sflag:s7] =	ssyncset.done $0x0  }
0x6b: {  	[sflag:s7] =	ssyncadd.s32 $0xFFFFFF80  }
0x6c: {  	_ =	swait.ge [sflag:s7], $0x80  }
0x6d: {  	[sflag:s7] =	ssyncset.done $0x0  }
0x6e: {  	[sflag:s7] =	ssyncadd.s32 $0xFFFFFF80  }
0x6f: {  	_ =	swait.ge [sflag:s7], $0x80  }
0x70: {  	[sflag:s7] =	ssyncset.done $0x0  }
0x71: {  	[sflag:s7] =	ssyncadd.s32 $0xFFFFFF80  }
0x72: {  	v35 =	vld [tilespmem:$0x180]  }
0x73: {  	v36 =	vld [tilespmem:$0x100]  }
0x74: {  	v37 =	vld [tilespmem:$0x190]  }
0x75: {  	v38 =	vld [tilespmem:$0x110]  }
0x76: {  	v39 =	vld [tilespmem:$0x1A0]  }
0x77: {  	v40 =	vld [tilespmem:$0x120]  }
0x78: {  	v41 =	vld [tilespmem:$0x1B0]  }
0x79: {  	v42 =	vld [tilespmem:$0x130]  }
0x7a: {  	v43 =	vld [tilespmem:$0x1C0]  }
0x7b: {  	v44 =	vld [tilespmem:$0x140]  }
0x7c: {  	v45 =	vld [tilespmem:$0x1D0]  }
0x7d: {  	v46 =	vld [tilespmem:$0x150];
	v0 =	vmul.u32 $0x2710, v35  }
0x7e: {  	v47 =	vld [tilespmem:$0x1E0];
	v2 =	vmul.u32 $0x2710, v37  }
0x7f: {  	v49 =	vld [tilespmem:$0x1F0];
	v48 =	vmul.u32 $0x2710, v39;
	v0 =	vadd.s32 v36, v0  }
0x80: {  	v52 =	vld [tilespmem:$0x160];
	v51 =	vmul.u32 $0x2710, v41;
	v50 =	vadd.s32 v38, v2;
	[tilespmem:$0x500] =	vst v0  }
0x81: {  	v55 =	vld [tilespmem:$0x170];
	v54 =	vmul.u32 $0x2710, v43;
	v53 =	vadd.s32 v40, v48;
	[tilespmem:$0x510] =	vst v50  }
0x82: {  	v57 =	vmul.u32 $0x2710, v45;
	v56 =	vadd.s32 v42, v51;
	[tilespmem:$0x520] =	vst v53  }
0x83: {  	v59 =	vmul.u32 $0x2710, v47;
	v58 =	vadd.s32 v44, v54;
	[tilespmem:$0x530] =	vst v56  }
0x84: {  	v61 =	vmul.u32 $0x2710, v49;
	v60 =	vadd.s32 v46, v57;
	[tilespmem:$0x540] =	vst v58  }
0x85: {  	s25 =	rddreg [dreg:$0x1e];
	v62 =	vadd.s32 v52, v59;
	[tilespmem:$0x550] =	vst v60  }
0x86: {  	s24 =	rddreg [dreg:$0x1d];
	v63 =	vadd.s32 v55, v61;
	[tilespmem:$0x560] =	vst v62  }
0x87: {  	s26 =	simm.s32 $0x500;
	s23 =	rddreg [dreg:$0x1c];
	[tilespmem:$0x570] =	vst v63  }
0x88: {  	[tilespmem:s8], [sflag:$0x6] =	stream.indirect.gather [hbm4b:s14+s29], $0x80, s26, s29, $0xb8;
	[tilespmem:$0x1C800] =	vst v63  }
0x89: {  	s18 =	simm.s32 $0x0;
	s19 =	simm.s32 $0x0;
	s26 =	rddreg [dreg:$0x1f]  }
.LBB2_2:
0x8a: {  	_ =	swait.ge [sflag:s9], $0x4000  }
0x8b: {  	[sflag:s9] =	ssyncset.done $0x0  }
0x8c: {  	[sflag:s9] =	ssyncadd.s32 $0xFFFFC000  }
0x8d: {  	[spmem:s2] =	stream.indirect.scatter.add.f32 [tilespmem:s6], [sflag:$0x7], $0x80, s30, s29, $0xb8;
	[tilespmem:$0x1C800] =	vst v63  }
0x8e: {  	s21 =	sadd.s32 $0x4, s19;
	_ =	swait.ge [sflag:s28], $0x4000  }
0x8f: {  	p0 =	sge.u32 s21, s5;
	s22 =	rddreg [dreg:$0x9];
	[sflag:s28] =	ssyncset.done $0x0  }
0x90: {  	s16 =	simm.s32 @!p0 $0x0;
	[sflag:s28] =	ssyncadd.s32 $0xFFFFC000;
	s17 =	sadd.s32 @!p0 s18, s22  }
0x91: {  	[tilespmem:s16], [sflag:$0x1] =	stream.linear.gather @!p0 [hbm4b:s17+s16], $0x80, $0x38;
	[tilespmem:$0x1C800] =	vst v63  }
0x92: {  	s15 =	rddreg [dreg:$0x6];
	s22 =	simm.s32 @!p0 $0x80  }
0x93: {  	[tilespmem:s22], [sflag:$0x1] =	stream.linear.gather @!p0 [hbm4b:s23+s16], $0x80, $0x38;
	[tilespmem:$0x1C800] =	vst v63  }
0x94: {  	s13 =	simm.s32 @!p0 $0x480;
	p1 =	sge.u32 s19, s15;
	s17 =	sadd.s32 @!p0 $0x10, s17  }
0x95: {  	[tilespmem:s13], [sflag:$0x1] =	stream.linear.gather @!p0 [hbm4b:s17+s16], $0x80, $0x38;
	[tilespmem:$0x1C800] =	vst v63  }
0x96: {  	s13 =	simm.s32 @!p1 $0x3  }
0x97: {  	_ =	swait.ge @!p1 [sflag:s13], $0x80  }
0x98: {  	[sflag:s13] =	ssyncset.done @!p1 $0x0  }
0x99: {  	[sflag:s13] =	ssyncadd.s32 @!p1 $0xFFFFFF80  }
0x9a: {  	_ =	swait.ge @!p1 [sflag:s13], $0x80  }
0x9b: {  	[sflag:s13] =	ssyncset.done @!p1 $0x0  }
0x9c: {  	[sflag:s13] =	ssyncadd.s32 @!p1 $0xFFFFFF80  }
0x9d: {  	_ =	swait.ge @!p1 [sflag:s13], $0x80  }
0x9e: {  	[sflag:s13] =	ssyncset.done @!p1 $0x0  }
0x9f: {  	[sflag:s13] =	ssyncadd.s32 @!p1 $0xFFFFFF80  }
0xa0: {  	v0 =	vld @!p1 [tilespmem:$0x280]  }
0xa1: {  	v1 =	vld @!p1 [tilespmem:$0x200]  }
0xa2: {  	v2 =	vld @!p1 [tilespmem:$0x290]  }
0xa3: {  	v3 =	vld @!p1 [tilespmem:$0x210]  }
0xa4: {  	v4 =	vld @!p1 [tilespmem:$0x2A0]  }
0xa5: {  	v5 =	vld @!p1 [tilespmem:$0x220]  }
0xa6: {  	v6 =	vld @!p1 [tilespmem:$0x2B0]  }
0xa7: {  	v7 =	vld @!p1 [tilespmem:$0x230]  }
0xa8: {  	v8 =	vld @!p1 [tilespmem:$0x2C0]  }
0xa9: {  	v9 =	vld @!p1 [tilespmem:$0x240]  }
0xaa: {  	v10 =	vld @!p1 [tilespmem:$0x2D0]  }
0xab: {  	v11 =	vld @!p1 [tilespmem:$0x250];
	v0 =	vmul.u32 @!p1 $0x2710, v0  }
0xac: {  	v12 =	vld @!p1 [tilespmem:$0x2E0];
	v2 =	vmul.u32 @!p1 $0x2710, v2  }
0xad: {  	v0 =	vadd.s32 @!p1 v1, v0;
	v1 =	vmul.u32 @!p1 $0x2710, v4;
	v4 =	vld @!p1 [tilespmem:$0x2F0]  }
0xae: {  	[tilespmem:$0x600] =	vst @!p1 v0;
	v0 =	vadd.s32 @!p1 v3, v2;
	v2 =	vmul.u32 @!p1 $0x2710, v6;
	v3 =	vld @!p1 [tilespmem:$0x260]  }
0xaf: {  	[tilespmem:$0x610] =	vst @!p1 v0;
	v0 =	vadd.s32 @!p1 v5, v1;
	v1 =	vmul.u32 @!p1 $0x2710, v8;
	v5 =	vld @!p1 [tilespmem:$0x270]  }
0xb0: {  	[tilespmem:$0x620] =	vst @!p1 v0;
	v0 =	vadd.s32 @!p1 v7, v2;
	v2 =	vmul.u32 @!p1 $0x2710, v10  }
0xb1: {  	[tilespmem:$0x630] =	vst @!p1 v0;
	v0 =	vadd.s32 @!p1 v9, v1;
	v1 =	vmul.u32 @!p1 $0x2710, v12  }
0xb2: {  	[tilespmem:$0x640] =	vst @!p1 v0;
	v0 =	vadd.s32 @!p1 v11, v2;
	v2 =	vmul.u32 @!p1 $0x2710, v4  }
0xb3: {  	[tilespmem:$0x650] =	vst @!p1 v0;
	v0 =	vadd.s32 @!p1 v3, v1  }
0xb4: {  	[tilespmem:$0x660] =	vst @!p1 v0;
	v0 =	vadd.s32 @!p1 v5, v2  }
0xb5: {  	s15 =	simm.s32 @!p1 $0x600;
	s16 =	simm.s32 @!p1 $0x800;
	s13 =	simm.s32 @!p1 $0x80;
	[tilespmem:$0x670] =	vst @!p1 v0  }
0xb6: {  	[tilespmem:s16], [sflag:$0x5] =	stream.indirect.gather @!p1 [hbm4b:s14+s13], $0x80, s15, s13, $0xb8;
	[tilespmem:$0x1C800] =	vst v63  }
0xb7: {  	_ =	swait.ge [sflag:s10], $0x4000  }
0xb8: {  	[sflag:s10] =	ssyncset.done $0x0  }
0xb9: {  	s16 =	sadd.s32 $0x5, s19;
	[sflag:s10] =	ssyncadd.s32 $0xFFFFC000  }
0xba: {  	[spmem:s2] =	stream.indirect.scatter.add.f32 [tilespmem:s8], [sflag:$0x7], $0x80, s3, s29, $0xb8;
	[tilespmem:$0x1C800] =	vst v63  }
0xbb: {  	p1 =	sge.u32 s16, s5;
	_ =	swait.ge [sflag:s28], $0x4000  }
0xbc: {  	s15 =	simm.s32 @!p1 $0x0;
	s13 =	rddreg [dreg:$0xa];
	[sflag:s28] =	ssyncset.done $0x0  }
0xbd: {  	s16 =	simm.s32 @!p1 $0x100;
	[sflag:s28] =	ssyncadd.s32 $0xFFFFC000;
	s13 =	sadd.s32 @!p1 s18, s13  }
0xbe: {  	[tilespmem:s16], [sflag:$0x2] =	stream.linear.gather @!p1 [hbm4b:s13+s15], $0x80, $0x38;
	[tilespmem:$0x1C800] =	vst v63  }
0xbf: {  	s16 =	simm.s32 @!p1 $0x180  }
0xc0: {  	[tilespmem:s16], [sflag:$0x2] =	stream.linear.gather @!p1 [hbm4b:s24+s15], $0x80, $0x38;
	[tilespmem:$0x1C800] =	vst v63  }
0xc1: {  	s16 =	rddreg [dreg:$0x7]  }
0xc2: {  	s17 =	simm.s32 @!p1 $0x580;
	s13 =	sadd.s32 @!p1 $0x10, s13;
	p2 =	sge.u32 s19, s16  }
0xc3: {  	[tilespmem:s17], [sflag:$0x2] =	stream.linear.gather @!p1 [hbm4b:s13+s15], $0x80, $0x38;
	[tilespmem:$0x1C800] =	vst v63  }
0xc4: {  	s13 =	simm.s32 @!p2 $0x4  }
0xc5: {  	_ =	swait.ge @!p2 [sflag:s13], $0x80  }
0xc6: {  	[sflag:s13] =	ssyncset.done @!p2 $0x0  }
0xc7: {  	[sflag:s13] =	ssyncadd.s32 @!p2 $0xFFFFFF80  }
0xc8: {  	_ =	swait.ge @!p2 [sflag:s13], $0x80  }
0xc9: {  	[sflag:s13] =	ssyncset.done @!p2 $0x0  }
0xca: {  	[sflag:s13] =	ssyncadd.s32 @!p2 $0xFFFFFF80  }
0xcb: {  	_ =	swait.ge @!p2 [sflag:s13], $0x80  }
0xcc: {  	[sflag:s13] =	ssyncset.done @!p2 $0x0  }
0xcd: {  	[sflag:s13] =	ssyncadd.s32 @!p2 $0xFFFFFF80  }
0xce: {  	v0 =	vld @!p2 [tilespmem:$0x380]  }
0xcf: {  	v1 =	vld @!p2 [tilespmem:$0x300]  }
0xd0: {  	v2 =	vld @!p2 [tilespmem:$0x390]  }
0xd1: {  	v3 =	vld @!p2 [tilespmem:$0x310]  }
0xd2: {  	v4 =	vld @!p2 [tilespmem:$0x3A0]  }
0xd3: {  	v5 =	vld @!p2 [tilespmem:$0x320]  }
0xd4: {  	v6 =	vld @!p2 [tilespmem:$0x3B0]  }
0xd5: {  	v7 =	vld @!p2 [tilespmem:$0x330]  }
0xd6: {  	v8 =	vld @!p2 [tilespmem:$0x3C0]  }
0xd7: {  	v9 =	vld @!p2 [tilespmem:$0x340]  }
0xd8: {  	v10 =	vld @!p2 [tilespmem:$0x3D0]  }
0xd9: {  	v11 =	vld @!p2 [tilespmem:$0x350];
	v0 =	vmul.u32 @!p2 $0x2710, v0  }
0xda: {  	v12 =	vld @!p2 [tilespmem:$0x3E0];
	v2 =	vmul.u32 @!p2 $0x2710, v2  }
0xdb: {  	v0 =	vadd.s32 @!p2 v1, v0;
	v1 =	vmul.u32 @!p2 $0x2710, v4;
	v4 =	vld @!p2 [tilespmem:$0x3F0]  }
0xdc: {  	[tilespmem:$0x700] =	vst @!p2 v0;
	v0 =	vadd.s32 @!p2 v3, v2;
	v2 =	vmul.u32 @!p2 $0x2710, v6;
	v3 =	vld @!p2 [tilespmem:$0x360]  }
0xdd: {  	[tilespmem:$0x710] =	vst @!p2 v0;
	v0 =	vadd.s32 @!p2 v5, v1;
	v1 =	vmul.u32 @!p2 $0x2710, v8;
	v5 =	vld @!p2 [tilespmem:$0x370]  }
0xde: {  	[tilespmem:$0x720] =	vst @!p2 v0;
	v0 =	vadd.s32 @!p2 v7, v2;
	v2 =	vmul.u32 @!p2 $0x2710, v10  }
0xdf: {  	[tilespmem:$0x730] =	vst @!p2 v0;
	v0 =	vadd.s32 @!p2 v9, v1;
	v1 =	vmul.u32 @!p2 $0x2710, v12  }
0xe0: {  	[tilespmem:$0x740] =	vst @!p2 v0;
	v0 =	vadd.s32 @!p2 v11, v2;
	v2 =	vmul.u32 @!p2 $0x2710, v4  }
0xe1: {  	[tilespmem:$0x750] =	vst @!p2 v0;
	v0 =	vadd.s32 @!p2 v3, v1  }
0xe2: {  	[tilespmem:$0x760] =	vst @!p2 v0;
	v0 =	vadd.s32 @!p2 v5, v2  }
0xe3: {  	s15 =	simm.s32 @!p2 $0x700;
	s16 =	simm.s32 @!p2 $0x4800;
	s13 =	simm.s32 @!p2 $0x80;
	[tilespmem:$0x770] =	vst @!p2 v0  }
0xe4: {  	[tilespmem:s16], [sflag:$0x6] =	stream.indirect.gather @!p2 [hbm4b:s14+s13], $0x80, s15, s13, $0xb8;
	[tilespmem:$0x1C800] =	vst v63  }
0xe5: {  	_ =	swait.ge [sflag:s9], $0x4000  }
0xe6: {  	[sflag:s9] =	ssyncset.done $0x0  }
0xe7: {  	s17 =	sadd.s32 $0x6, s19;
	[sflag:s9] =	ssyncadd.s32 $0xFFFFC000  }
0xe8: {  	[spmem:s2] =	stream.indirect.scatter.add.f32 [tilespmem:s6], [sflag:$0x7], $0x80, s0, s29, $0xb8;
	[tilespmem:$0x1C800] =	vst v63  }
0xe9: {  	p2 =	sge.u32 s17, s5;
	_ =	swait.ge [sflag:s28], $0x4000  }
0xea: {  	s15 =	simm.s32 @!p2 $0x0;
	s13 =	rddreg [dreg:$0xb];
	[sflag:s28] =	ssyncset.done $0x0  }
0xeb: {  	s16 =	simm.s32 @!p2 $0x200;
	[sflag:s28] =	ssyncadd.s32 $0xFFFFC000;
	s13 =	sadd.s32 @!p2 s18, s13  }
0xec: {  	[tilespmem:s16], [sflag:$0x3] =	stream.linear.gather @!p2 [hbm4b:s13+s15], $0x80, $0x38;
	[tilespmem:$0x1C800] =	vst v63  }
0xed: {  	s16 =	simm.s32 @!p2 $0x280  }
0xee: {  	[tilespmem:s16], [sflag:$0x3] =	stream.linear.gather @!p2 [hbm4b:s25+s15], $0x80, $0x38;
	[tilespmem:$0x1C800] =	vst v63  }
0xef: {  	s13 =	sadd.s32 @!p2 $0x10, s13;
	s16 =	simm.s32 @!p2 $0x680  }
0xf0: {  	[tilespmem:s16], [sflag:$0x3] =	stream.linear.gather @!p2 [hbm4b:s13+s15], $0x80, $0x38;
	[tilespmem:$0x1C800] =	vst v63  }
0xf1: {  	s13 =	simm.s32 @!p0 $0x1  }
0xf2: {  	_ =	swait.ge @!p0 [sflag:s13], $0x80  }
0xf3: {  	[sflag:s13] =	ssyncset.done @!p0 $0x0  }
0xf4: {  	[sflag:s13] =	ssyncadd.s32 @!p0 $0xFFFFFF80  }
0xf5: {  	_ =	swait.ge @!p0 [sflag:s13], $0x80  }
0xf6: {  	[sflag:s13] =	ssyncset.done @!p0 $0x0  }
0xf7: {  	[sflag:s13] =	ssyncadd.s32 @!p0 $0xFFFFFF80  }
0xf8: {  	_ =	swait.ge @!p0 [sflag:s13], $0x80  }
0xf9: {  	[sflag:s13] =	ssyncset.done @!p0 $0x0  }
0xfa: {  	[sflag:s13] =	ssyncadd.s32 @!p0 $0xFFFFFF80  }
0xfb: {  	v0 =	vld @!p0 [tilespmem:$0x80]  }
0xfc: {  	v1 =	vld @!p0 [tilespmem:$0x0]  }
0xfd: {  	v2 =	vld @!p0 [tilespmem:$0x90]  }
0xfe: {  	v3 =	vld @!p0 [tilespmem:$0x10]  }
0xff: {  	v4 =	vld @!p0 [tilespmem:$0xA0]  }
0x100: {  	v5 =	vld @!p0 [tilespmem:$0x20]  }
0x101: {  	v6 =	vld @!p0 [tilespmem:$0xB0]  }
0x102: {  	v7 =	vld @!p0 [tilespmem:$0x30]  }
0x103: {  	v8 =	vld @!p0 [tilespmem:$0xC0]  }
0x104: {  	v9 =	vld @!p0 [tilespmem:$0x40]  }
0x105: {  	v10 =	vld @!p0 [tilespmem:$0xD0]  }
0x106: {  	v11 =	vld @!p0 [tilespmem:$0x50];
	v0 =	vmul.u32 @!p0 $0x2710, v0  }
0x107: {  	v12 =	vld @!p0 [tilespmem:$0xE0];
	v2 =	vmul.u32 @!p0 $0x2710, v2  }
0x108: {  	v0 =	vadd.s32 @!p0 v1, v0;
	v1 =	vmul.u32 @!p0 $0x2710, v4;
	v4 =	vld @!p0 [tilespmem:$0xF0]  }
0x109: {  	[tilespmem:$0x400] =	vst @!p0 v0;
	v0 =	vadd.s32 @!p0 v3, v2;
	v2 =	vmul.u32 @!p0 $0x2710, v6;
	v3 =	vld @!p0 [tilespmem:$0x60]  }
0x10a: {  	[tilespmem:$0x410] =	vst @!p0 v0;
	v0 =	vadd.s32 @!p0 v5, v1;
	v1 =	vmul.u32 @!p0 $0x2710, v8;
	v5 =	vld @!p0 [tilespmem:$0x70]  }
0x10b: {  	[tilespmem:$0x420] =	vst @!p0 v0;
	v0 =	vadd.s32 @!p0 v7, v2;
	v2 =	vmul.u32 @!p0 $0x2710, v10  }
0x10c: {  	[tilespmem:$0x430] =	vst @!p0 v0;
	v0 =	vadd.s32 @!p0 v9, v1;
	v1 =	vmul.u32 @!p0 $0x2710, v12  }
0x10d: {  	[tilespmem:$0x440] =	vst @!p0 v0;
	v0 =	vadd.s32 @!p0 v11, v2;
	v2 =	vmul.u32 @!p0 $0x2710, v4  }
0x10e: {  	[tilespmem:$0x450] =	vst @!p0 v0;
	v0 =	vadd.s32 @!p0 v3, v1  }
0x10f: {  	[tilespmem:$0x460] =	vst @!p0 v0;
	v0 =	vadd.s32 @!p0 v5, v2  }
0x110: {  	s15 =	simm.s32 @!p0 $0x800;
	s13 =	simm.s32 @!p0 $0x400;
	[tilespmem:$0x470] =	vst @!p0 v0  }
0x111: {  	[tilespmem:s15], [sflag:$0x5] =	stream.indirect.gather @!p0 [hbm4b:s14+s22], $0x80, s13, s22, $0xb8;
	[tilespmem:$0x1C800] =	vst v63  }
0x112: {  	_ =	swait.ge [sflag:s10], $0x4000  }
0x113: {  	[sflag:s10] =	ssyncset.done $0x0  }
0x114: {  	s19 =	sadd.s32 $0x7, s19;
	[sflag:s10] =	ssyncadd.s32 $0xFFFFC000  }
0x115: {  	[spmem:s2] =	stream.indirect.scatter.add.f32 [tilespmem:s8], [sflag:$0x7], $0x80, s1, s29, $0xb8;
	[tilespmem:$0x1C800] =	vst v63  }
0x116: {  	p0 =	sge.u32 s19, s5;
	_ =	swait.ge [sflag:s28], $0x4000  }
0x117: {  	s15 =	simm.s32 @!p0 $0x0;
	s13 =	rddreg [dreg:$0xc];
	[sflag:s28] =	ssyncset.done $0x0  }
0x118: {  	s16 =	simm.s32 @!p0 $0x300;
	[sflag:s28] =	ssyncadd.s32 $0xFFFFC000;
	s13 =	sadd.s32 @!p0 s18, s13  }
0x119: {  	[tilespmem:s16], [sflag:$0x4] =	stream.linear.gather @!p0 [hbm4b:s13+s15], $0x80, $0x38;
	[tilespmem:$0x1C800] =	vst v63  }
0x11a: {  	s16 =	simm.s32 @!p0 $0x380  }
0x11b: {  	[tilespmem:s16], [sflag:$0x4] =	stream.linear.gather @!p0 [hbm4b:s26+s15], $0x80, $0x38;
	[tilespmem:$0x1C800] =	vst v63  }
0x11c: {  	s13 =	sadd.s32 @!p0 $0x10, s13;
	s16 =	simm.s32 @!p0 $0x780  }
0x11d: {  	[tilespmem:s16], [sflag:$0x4] =	stream.linear.gather @!p0 [hbm4b:s13+s15], $0x80, $0x38;
	[tilespmem:$0x1C800] =	vst v63  }
0x11e: {  	s13 =	simm.s32 @!p1 $0x2  }
0x11f: {  	_ =	swait.ge @!p1 [sflag:s13], $0x80  }
0x120: {  	[sflag:s13] =	ssyncset.done @!p1 $0x0  }
0x121: {  	[sflag:s13] =	ssyncadd.s32 @!p1 $0xFFFFFF80  }
0x122: {  	_ =	swait.ge @!p1 [sflag:s13], $0x80  }
0x123: {  	[sflag:s13] =	ssyncset.done @!p1 $0x0  }
0x124: {  	[sflag:s13] =	ssyncadd.s32 @!p1 $0xFFFFFF80  }
0x125: {  	_ =	swait.ge @!p1 [sflag:s13], $0x80  }
0x126: {  	[sflag:s13] =	ssyncset.done @!p1 $0x0  }
0x127: {  	[sflag:s13] =	ssyncadd.s32 @!p1 $0xFFFFFF80  }
0x128: {  	v0 =	vld @!p1 [tilespmem:$0x180]  }
0x129: {  	v1 =	vld @!p1 [tilespmem:$0x100]  }
0x12a: {  	v2 =	vld @!p1 [tilespmem:$0x190]  }
0x12b: {  	v3 =	vld @!p1 [tilespmem:$0x110]  }
0x12c: {  	v4 =	vld @!p1 [tilespmem:$0x1A0]  }
0x12d: {  	v5 =	vld @!p1 [tilespmem:$0x120]  }
0x12e: {  	v6 =	vld @!p1 [tilespmem:$0x1B0]  }
0x12f: {  	v7 =	vld @!p1 [tilespmem:$0x130]  }
0x130: {  	v8 =	vld @!p1 [tilespmem:$0x1C0]  }
0x131: {  	v9 =	vld @!p1 [tilespmem:$0x140]  }
0x132: {  	v10 =	vld @!p1 [tilespmem:$0x1D0]  }
0x133: {  	v11 =	vld @!p1 [tilespmem:$0x150];
	v0 =	vmul.u32 @!p1 $0x2710, v0  }
0x134: {  	v12 =	vld @!p1 [tilespmem:$0x1E0];
	v2 =	vmul.u32 @!p1 $0x2710, v2  }
0x135: {  	v0 =	vadd.s32 @!p1 v1, v0;
	v1 =	vmul.u32 @!p1 $0x2710, v4;
	v4 =	vld @!p1 [tilespmem:$0x1F0]  }
0x136: {  	[tilespmem:$0x500] =	vst @!p1 v0;
	v0 =	vadd.s32 @!p1 v3, v2;
	v2 =	vmul.u32 @!p1 $0x2710, v6;
	v3 =	vld @!p1 [tilespmem:$0x160]  }
0x137: {  	[tilespmem:$0x510] =	vst @!p1 v0;
	v0 =	vadd.s32 @!p1 v5, v1;
	v1 =	vmul.u32 @!p1 $0x2710, v8;
	v5 =	vld @!p1 [tilespmem:$0x170]  }
0x138: {  	s18 =	sadd.s32 $0x80, s18;
	s22 =	rddreg [dreg:$0x8];
	[tilespmem:$0x520] =	vst @!p1 v0;
	v0 =	vadd.s32 @!p1 v7, v2;
	v2 =	vmul.u32 @!p1 $0x2710, v10  }
0x139: {  	p0 =	sne.s32 s22, s18;
	[tilespmem:$0x530] =	vst @!p1 v0;
	v0 =	vadd.s32 @!p1 v9, v1;
	v1 =	vmul.u32 @!p1 $0x2710, v12  }
.Ltmp0:
0x13a: {  	[tilespmem:$0x540] =	vst @!p1 v0;
	v0 =	vadd.s32 @!p1 v11, v2;
	v2 =	vmul.u32 @!p1 $0x2710, v4;
	(pc) =	sbr.rel @p0 .LBB2_2-.Ltmp0, $4  }
0x13b: {  	s23 =	sadd.s32 $0x40, s23;
	s24 =	sadd.s32 $0x40, s24;
	[tilespmem:$0x550] =	vst @!p1 v0;
	v0 =	vadd.s32 @!p1 v3, v1  }
0x13c: {  	s25 =	sadd.s32 $0x40, s25;
	s19 =	smov.u32 s21;
	s26 =	sadd.s32 $0x40, s26;
	[tilespmem:$0x560] =	vst @!p1 v0;
	v0 =	vadd.s32 @!p1 v5, v2  }
0x13d: {  	s15 =	simm.s32 @!p1 $0x500;
	s16 =	simm.s32 @!p1 $0x4800;
	s13 =	simm.s32 @!p1 $0x80;
	[tilespmem:$0x570] =	vst @!p1 v0  }
0x13e: {  	[tilespmem:s16], [sflag:$0x6] =	stream.indirect.gather @!p1 [hbm4b:s14+s13], $0x80, s15, s13, $0xb8;
	[tilespmem:$0x1C800] =	vst v63  }
0x13f: {  	[bflag:$0x0] =	sbarrier.arrive $0xFFFF  }
0x140: {  	s13 =	rddreg [dreg:$0x1a]  }
0x141: {  	[hbm:s13], [sflag:s20] =	dma.local [spmem:s12], $0x2800  }
0x142: {  	_ =	swait.ge [sflag:s28], $0x2800  }
0x143: {  	s11 =	sadd.s32 $0x1, s11;
	s26 =	rddreg [dreg:$0x1b]  }
0x144: {  	p0 =	sne.s32 s11, s26  }
.Ltmp1:
0x145: {  	_ = 	snop;
	(pc) =	sbr.rel @p0 .LBB2_1-.Ltmp1, $3  }
0x146: {  	_ =	sdelay $0x1  }
0x147: {  	[sflag:s28] =	ssyncset.done $0x0  }
0x148: {  	[sflag:s28] =	ssyncadd.s32 $0xFFFFD800  }
0x149: {  	_ =	sfence.sel $0x180000  }
0x14a: {  	[bflag:$0x0] =	sbarrier.arrive $0xFFFF  }
0x14b: {  	_ =	strace $0x90000047  }
0x14c: {  	s0 =	stileid.u32;
	[bflag:$0x2] =	sbarrier.arrive $0xFFFF  }
0x14d: {  	p0 =	sne.s32 s0, $0x0;
	s0 =	rddreg [dreg:$0x5]  }
0x14e: {  	s0 =	sadd.s32 @!p0 $0x100000, s0  }
0x14f: {  	[sflag:s0] =	ssyncadd.tile.s32 @!p0 $0x1;
	_ =	shalt  }
.Lfunc_end2:
_tile_overlayer_lowered:
.L_overlay_start_2:
0x150: {  	(tag) =	ssettag $0x2  }
0x151: {  	s0 =	rddreg [dreg:$0x0];
	s2 =	stileid.u32  }
0x152: {  	s1 =	rddreg [dreg:$0x1];
	p0 =	sne.s32 s2, $0x0  }
0x153: {  	s3 =	rddreg [dreg:$0x2];
	[bflag:$0x3] =	sbarrier.arrive $0xFFFF;
	s2 =	simm.s32 @!p0 $0x1C07  }
0x154: {  	[timem:s3], [sflag:s2] =	dma.local @!p0 [hbm:s0], s1  }
0x155: {  	s0 =	simm.s32 @!p0 $0x7  }
0x156: {  	_ =	swait.ge @!p0 [sflag:s0], s1  }
0x157: {  	s1 =	ssub.s32 @!p0 $0x0, s1;
	[sflag:s0] =	ssyncset.done @!p0 $0x0  }
0x158: {  	[sflag:s0] =	ssyncadd.s32 @!p0 s1  }
0x159: {  	[bflag:$0x3] =	sbarrier.arrive $0xFFFF  }
0x15a: {  	_ =	shalt  }

</sc_bundles>
